<compile_context>
chip_gen: v7x
topology: tpu7x:2x2x1
jax: 0.10.2.dev20260603
libtpu: 0.0.44.dev20260713+nightly
codegen_flags: <defaults>
</compile_context>

<pallas_src>
import functools

import jax
import jax.numpy as jnp
from jax import lax
from jax.experimental import pallas as pl
from jax.experimental.pallas import tpu as pltpu
from jax.experimental.pallas import tpu_sc as plsc

N = 10000
E = 320000
D = 128
EPS = 1e-5

NC = 2
NS = 16
NW = NC * NS
CHUNK = 64
NCHUNKS = E // CHUNK
G = 16
NGRP = 10
NCHP = 5120
WCH = NCHP // NW
NBUF = 4
NPAD = 10240
TROWS = NPAD // NS
ZROWS = 128
ZB = 32

BN = 1000
NB = N // BN

_mesh = plsc.VectorSubcoreMesh(core_axis_name="c", subcore_axis_name="s")


def _leaky(x):
    return jnp.where(x >= 0, x, 0.01 * x)



@functools.partial(
    pl.kernel,
    out_type=jax.ShapeDtypeStruct((NC, 2, NPAD), jnp.float32),
    mesh=_mesh,
    scratch_types=[
        pltpu.VMEM((G, CHUNK), jnp.int32),
        pltpu.VMEM((G, CHUNK), jnp.int32),
        pltpu.VMEM((G, CHUNK), jnp.float32),
        pltpu.VMEM((TROWS,), jnp.float32),
        pltpu.VMEM_SHARED((NPAD,), jnp.float32),
        pltpu.VMEM_SHARED((NPAD,), jnp.float32),
    ],
)
def _deg(src_hbm, dst_hbm, out_hbm, sbuf, dbuf, ones_v, zvec, acc_s, acc_d):
    cid = lax.axis_index("c")
    sid = lax.axis_index("s")
    w = sid * NC + cid

    def fill_ones(j, carry):
        for k in range(CHUNK // 16):
            ones_v[j, pl.ds(k * 16, 16)] = jnp.ones((16,), jnp.float32)
        return carry

    lax.fori_loop(0, G, fill_ones, 0)

    def fill_z(q, carry):
        zvec[pl.ds(q * 16, 16)] = jnp.zeros((16,), jnp.float32)
        return carry

    lax.fori_loop(0, TROWS // 16, fill_z, 0)
    pltpu.sync_copy(zvec, acc_s.at[pl.ds(sid * TROWS, TROWS)])
    pltpu.sync_copy(zvec, acc_d.at[pl.ds(sid * TROWS, TROWS)])
    plsc.subcore_barrier()

    cstart = w * WCH

    def grp(g, carry):
        gs = cstart + g * G
        pltpu.sync_copy(src_hbm.at[pl.ds(gs, G)], sbuf)
        pltpu.sync_copy(dst_hbm.at[pl.ds(gs, G)], dbuf)

        def chunk(j, c2):
            pltpu.sync_copy(ones_v.at[0], acc_s.at[sbuf.at[j]], add=True)
            pltpu.sync_copy(ones_v.at[0], acc_d.at[dbuf.at[j]], add=True)
            return c2

        lax.fori_loop(0, G, chunk, 0)
        return carry

    lax.fori_loop(0, NGRP, grp, 0)
    plsc.subcore_barrier()
    pltpu.sync_copy(acc_s.at[pl.ds(sid * TROWS, TROWS)],
                    out_hbm.at[cid, 0, pl.ds(sid * TROWS, TROWS)])
    pltpu.sync_copy(acc_d.at[pl.ds(sid * TROWS, TROWS)],
                    out_hbm.at[cid, 1, pl.ds(sid * TROWS, TROWS)])


@functools.partial(
    pl.kernel,
    out_type=jax.ShapeDtypeStruct((NC, NPAD, D), jnp.float32),
    mesh=_mesh,
    scratch_types=[
        pltpu.VMEM((2, G, CHUNK), jnp.int32),
        pltpu.VMEM((2, G, CHUNK), jnp.int32),
        pltpu.VMEM((CHUNK, D), jnp.float32),
        pltpu.VMEM((CHUNK, D), jnp.float32),
        pltpu.VMEM((CHUNK, D), jnp.float32),
        pltpu.VMEM((CHUNK, D), jnp.float32),
        pltpu.VMEM((ZB, D), jnp.float32),
        pltpu.VMEM_SHARED((NPAD, D), jnp.float32),
        pltpu.SemaphoreType.DMA,
        pltpu.SemaphoreType.DMA,
        pltpu.SemaphoreType.DMA,
        pltpu.SemaphoreType.DMA,
        pltpu.SemaphoreType.DMA,
        pltpu.SemaphoreType.DMA,
        pltpu.SemaphoreType.DMA,
        pltpu.SemaphoreType.DMA,
    ],
)
def _segsum(h_hbm, src_hbm, dst_hbm, out_hbm,
            sbuf, dbuf, rows0, rows1, rows2, rows3, zbuf, acc,
            gs0, gs1, gs2, gs3, ss0, ss1, ss2, ss3):
    rows = (rows0, rows1, rows2, rows3)
    gsem = (gs0, gs1, gs2, gs3)
    ssem = (ss0, ss1, ss2, ss3)
    cid = lax.axis_index("c")
    sid = lax.axis_index("s")
    w = sid * NC + cid

    def zrow(i, carry):
        for k in range(D // 16):
            zbuf[i, pl.ds(k * 16, 16)] = jnp.zeros((16,), jnp.float32)
        return carry

    lax.fori_loop(0, ZB, zrow, 0)
    for b in range(TROWS // ZB):
        pltpu.sync_copy(zbuf, acc.at[pl.ds(sid * TROWS + b * ZB, ZB)])
    plsc.subcore_barrier()

    cstart = w * WCH

    def grp(g, carry):
        p = g % 2
        gs = cstart + g * G
        pltpu.sync_copy(src_hbm.at[pl.ds(gs, G)], sbuf.at[p])
        pltpu.sync_copy(dst_hbm.at[pl.ds(gs, G)], dbuf.at[p])

        def quad(kk, c2):
            for b in range(NBUF):
                j = kk * NBUF + b
                c = g * G + j

                @pl.when(c >= NBUF)
                def _():
                    pltpu.make_async_copy(
                        rows[b], acc.at[dbuf.at[p, j]], ssem[b]).wait()

                pltpu.async_copy(h_hbm.at[sbuf.at[p, j]], rows[b], gsem[b])

            for b in range(NBUF):
                j = kk * NBUF + b
                pltpu.make_async_copy(
                    h_hbm.at[sbuf.at[p, j]], rows[b], gsem[b]).wait()
                pltpu.async_copy(
                    rows[b], acc.at[dbuf.at[p, j]], ssem[b], add=True)

            return c2

        lax.fori_loop(0, G // NBUF, quad, 0)
        return carry

    lax.fori_loop(0, NGRP, grp, 0)
    for b in range(NBUF):
        pltpu.make_async_copy(rows[b], acc.at[dbuf.at[0, 0]], ssem[b]).wait()
    plsc.subcore_barrier()
    for b in range(TROWS // ZROWS):
        r0 = sid * TROWS + b * ZROWS
        pltpu.sync_copy(acc.at[pl.ds(r0, ZROWS)],
                        out_hbm.at[cid, pl.ds(r0, ZROWS)])



def _pre_body(x_ref, dp_ref, h0_ref, ns_ref, nd_ref):
    dp = dp_ref[...]
    ns = lax.rsqrt(jnp.maximum(dp[:, 0:1] + dp[:, 2:3], 1.0))
    nd = lax.rsqrt(jnp.maximum(dp[:, 1:2] + dp[:, 3:4], 1.0))
    ns_ref[...] = ns
    nd_ref[...] = nd
    h0_ref[...] = x_ref[...] * ns


def _pre(x, dp):
    return pl.pallas_call(
        _pre_body,
        grid=(NB,),
        in_specs=[
            pl.BlockSpec((BN, D), lambda i: (i, 0)),
            pl.BlockSpec((BN, 4), lambda i: (i, 0)),
        ],
        out_specs=[
            pl.BlockSpec((BN, D), lambda i: (i, 0)),
            pl.BlockSpec((BN, 1), lambda i: (i, 0)),
            pl.BlockSpec((BN, 1), lambda i: (i, 0)),
        ],
        out_shape=[
            jax.ShapeDtypeStruct((N, D), jnp.float32),
            jax.ShapeDtypeStruct((N, 1), jnp.float32),
            jax.ShapeDtypeStruct((N, 1), jnp.float32),
        ],
    )(x, dp)


def _convA_body(mp_ref, nd_ref, w_ref, x_ref, st_ref):
    i = pl.program_id(0)
    x = (mp_ref[0] + mp_ref[1]) * nd_ref[...]
    x = jnp.dot(x, w_ref[...], preferred_element_type=jnp.float32)
    x_ref[...] = x

    @pl.when(i == 0)
    def _():
        st_ref[...] = jnp.zeros_like(st_ref)

    st_ref[0:1, :] += jnp.sum(x, axis=0, keepdims=True)
    st_ref[1:2, :] += jnp.sum(x * x, axis=0, keepdims=True)


def _convA(mp, nd, w):
    return pl.pallas_call(
        _convA_body,
        grid=(NB,),
        in_specs=[
            pl.BlockSpec((NC, BN, D), lambda i: (0, i, 0)),
            pl.BlockSpec((BN, 1), lambda i: (i, 0)),
            pl.BlockSpec((D, D), lambda i: (0, 0)),
        ],
        out_specs=[
            pl.BlockSpec((BN, D), lambda i: (i, 0)),
            pl.BlockSpec((2, D), lambda i: (0, 0)),
        ],
        out_shape=[
            jax.ShapeDtypeStruct((N, D), jnp.float32),
            jax.ShapeDtypeStruct((2, D), jnp.float32),
        ],
    )(mp, nd, w)


def _convB_body(first, last, x_ref, st_ref, ga_ref, gg_ref, gb_ref,
                w1_ref, b1_ref, pr_ref, ns_ref, *out_refs):
    i = pl.program_id(0)
    a = ga_ref[...]
    mean = st_ref[0:1, :] * (1.0 / N)
    ex2 = st_ref[1:2, :] * (1.0 / N)
    var = ex2 - mean * mean * (2.0 * a - a * a)
    scale = gg_ref[...] * lax.rsqrt(var + EPS)
    uf = _leaky((x_ref[...] - a * mean) * scale + gb_ref[...])
    if first:
        ro_in = uf
        hnext = (uf + pr_ref[...]) * ns_ref[...]
    else:
        ro_in = uf + pr_ref[...]
        hnext = ro_in * ns_ref[...]
    hh = _leaky(jnp.dot(ro_in, w1_ref[...],
                        preferred_element_type=jnp.float32) + b1_ref[...])
    if last:
        s_ref, = out_refs
    else:
        h_ref, p_ref, s_ref = out_refs
        h_ref[...] = hnext
        p_ref[...] = uf

    @pl.when(i == 0)
    def _():
        s_ref[...] = jnp.zeros_like(s_ref)

    s_ref[...] += jnp.sum(hh, axis=0, keepdims=True)


def _convB(first, last, x, st, ga, gg, gb, w1, b1, pr, ns):
    out_specs = [pl.BlockSpec((1, D), lambda i: (0, 0))]
    out_shape = [jax.ShapeDtypeStruct((1, D), jnp.float32)]
    if not last:
        out_specs = [
            pl.BlockSpec((BN, D), lambda i: (i, 0)),
            pl.BlockSpec((BN, D), lambda i: (i, 0)),
        ] + out_specs
        out_shape = [
            jax.ShapeDtypeStruct((N, D), jnp.float32),
            jax.ShapeDtypeStruct((N, D), jnp.float32),
        ] + out_shape
    return pl.pallas_call(
        functools.partial(_convB_body, first, last),
        grid=(NB,),
        in_specs=[
            pl.BlockSpec((BN, D), lambda i: (i, 0)),
            pl.BlockSpec((2, D), lambda i: (0, 0)),
            pl.BlockSpec((1, D), lambda i: (0, 0)),
            pl.BlockSpec((1, D), lambda i: (0, 0)),
            pl.BlockSpec((1, D), lambda i: (0, 0)),
            pl.BlockSpec((D, D), lambda i: (0, 0)),
            pl.BlockSpec((1, D), lambda i: (0, 0)),
            pl.BlockSpec((BN, D), lambda i: (i, 0)),
            pl.BlockSpec((BN, 1), lambda i: (i, 0)),
        ],
        out_specs=out_specs,
        out_shape=out_shape,
    )(x, st, ga, gg, gb, w1, b1, pr, ns)


def _fin_body(s_ref, w2_ref, b2_ref, o_ref):
    for l in range(3):
        o_ref[l:l + 1, :] = _leaky(
            jnp.dot(s_ref[l:l + 1, :], w2_ref[l],
                    preferred_element_type=jnp.float32)
            + b2_ref[l])


def _fin(s, w2, b2):
    return pl.pallas_call(
        _fin_body,
        out_shape=jax.ShapeDtypeStruct((3, D), jnp.float32),
    )(s, w2, b2)



def kernel(node_feats, edge_index, W, gn_alpha, gn_gamma, gn_beta,
           ro_W1, ro_b1, ro_W2, ro_b2):
    npadc = NCHP - NCHUNKS
    junk = (N + jnp.arange(npadc * CHUNK, dtype=jnp.int32) % (NPAD - N)
            ).reshape(npadc, CHUNK)
    zpad = jnp.zeros((npadc, CHUNK), jnp.int32)
    srcj = jnp.concatenate([edge_index[0].reshape(NCHUNKS, CHUNK), junk])
    srcz = jnp.concatenate([edge_index[0].reshape(NCHUNKS, CHUNK), zpad])
    dst2 = jnp.concatenate([edge_index[1].reshape(NCHUNKS, CHUNK), junk])
    deg_parts = _deg(srcj, dst2)
    dp = deg_parts.reshape(NC * 2, NPAD).T
    h, ns, nd = _pre(node_feats, dp)

    ga = gn_alpha.reshape(3, 1, D)
    gg = gn_gamma.reshape(3, 1, D)
    gb = gn_beta.reshape(3, 1, D)
    b1 = ro_b1.reshape(3, 1, D)

    ss = []
    prev_resid = node_feats
    for l in range(3):
        mp = _segsum(h, srcz, dst2)
        x, st = _convA(mp, nd, W[l])
        first, last = l == 0, l == 2
        outs = _convB(first, last, x, st, ga[l], gg[l], gb[l],
                      ro_W1[l], b1[l], prev_resid, ns)
        if last:
            s, = outs
        else:
            h, prev_resid, s = outs
        ss.append(s)

    ro = _fin(jnp.concatenate(ss, axis=0), ro_W2, ro_b2.reshape(3, 1, D))
    return ro.reshape(3 * D)

# --- scband reference (transcript-rebuilt; emitter-appended) ---
"""Pipeline reference for scband-jump-res-gmembedder-15178414424419 (READ-ONLY COPY).

The authoritative reference and input builder live on the scoring server;
editing this copy changes nothing except your own understanding.
"""

import jax, jax.numpy as jnp
import numpy as np

N = 10000
E = 320000
D = 128
L = 3
EPS = 1e-5


def setup_inputs(seed: int = 0) -> dict:
    key = jax.random.key(seed)
    ks = jax.random.split(key, 10)
    node_feats = jax.random.normal(ks[0], (N, D), dtype=jnp.float32)
    edge_index = jax.random.randint(ks[1], (2, E), 0, N, dtype=jnp.int32)
    # GraphConv weights (bias=False), one [D,D] per layer
    W = jax.random.normal(ks[2], (L, D, D), dtype=jnp.float32) * 0.05
    # GraphNorm params per layer
    gn_alpha = jnp.ones((L, D), dtype=jnp.float32)
    gn_gamma = jnp.ones((L, D), dtype=jnp.float32)
    gn_beta = jnp.zeros((L, D), dtype=jnp.float32)
    # UniversalReadout (DeepSets-style: rho(sum(phi(x)))), readout_dim = D
    ro_W1 = jax.random.normal(ks[3], (L, D, D), dtype=jnp.float32) * 0.05
    ro_b1 = jnp.zeros((L, D), dtype=jnp.float32)
    ro_W2 = jax.random.normal(ks[4], (L, D, D), dtype=jnp.float32) * 0.05
    ro_b2 = jnp.zeros((L, D), dtype=jnp.float32)
    return {"node_feats": node_feats, "edge_index": edge_index, "W": W,
            "gn_alpha": gn_alpha, "gn_gamma": gn_gamma, "gn_beta": gn_beta,
            "ro_W1": ro_W1, "ro_b1": ro_b1, "ro_W2": ro_W2, "ro_b2": ro_b2}


def _leaky(x):
    return jnp.where(x >= 0, x, 0.01 * x)


def reference(node_feats, edge_index, W, gn_alpha, gn_gamma, gn_beta, ro_W1, ro_b1, ro_W2, ro_b2):
    src = edge_index[0]
    dst = edge_index[1]
    deg_out = jnp.clip(jax.ops.segment_sum(jnp.ones((E,), jnp.float32), src, num_segments=N), 1.0)
    deg_in = jnp.clip(jax.ops.segment_sum(jnp.ones((E,), jnp.float32), dst, num_segments=N), 1.0)
    norm_src = deg_out ** -0.5
    norm_dst = deg_in ** -0.5

    def conv(x, w):
        # DGL GraphConv, norm='both', bias=False
        h = x * norm_src[:, None]
        m = jax.ops.segment_sum(h[src], dst, num_segments=N)
        m = m * norm_dst[:, None]
        return m @ w

    def gnorm(x, a, g, b):
        # GraphNorm over the (single) graph
        mean = jnp.mean(x, axis=0)
        sub = x - a * mean
        var = jnp.mean(sub ** 2, axis=0)
        return g * sub / jnp.sqrt(var + EPS) + b

    def readout(x, w1, b1, w2, b2):
        # UniversalReadout (DeepSets): dropout is identity at inference
        h = _leaky(x @ w1 + b1)
        s = jnp.sum(h, axis=0)
        return s @ w2 + b2

    uf = conv(node_feats, W[0])
    uf = gnorm(uf, gn_alpha[0], gn_gamma[0], gn_beta[0])
    uf = _leaky(uf)
    ro = readout(uf, ro_W1[0], ro_b1[0], ro_W2[0], ro_b2[0])
    prev0 = uf
    uf = uf + node_feats
    for idx in range(1, L):
        uf = conv(uf, W[idx])
        uf = gnorm(uf, gn_alpha[idx], gn_gamma[idx], gn_beta[idx])
        uf = _leaky(uf)
        prev1 = uf
        uf = uf + prev0
        prev0 = prev1
        ro = jnp.concatenate([ro, readout(uf, ro_W1[idx], ro_b1[idx], ro_W2[idx], ro_b2[idx])], axis=0)
    return _leaky(ro)

if __name__ == "__main__":
    import jax
    _d = setup_inputs()
    print(jax.jit(kernel)(*tuple(_d.values())))

</pallas_src>

<mosaic_0001>
#map = affine_map<(d0, d1) -> (0, 0)>
#map1 = affine_map<(d0, d1) -> (0, 0, 0)>
module attributes {stable_mosaic.version = 14 : i64} {
  func.func @_segsum(%arg0: i32, %arg1: i32, %arg2: memref<10000x128xf32, #tpu.memory_space<hbm>>, %arg3: memref<5120x64xi32, #tpu.memory_space<hbm>>, %arg4: memref<5120x64xi32, #tpu.memory_space<hbm>>, %arg5: memref<2x10240x128xf32, #tpu.memory_space<hbm>>, %arg6: memref<2x16x64xi32, #tpu.memory_space<vmem>>, %arg7: memref<2x16x64xi32, #tpu.memory_space<vmem>>, %arg8: memref<64x128xf32, #tpu.memory_space<vmem>>, %arg9: memref<64x128xf32, #tpu.memory_space<vmem>>, %arg10: memref<64x128xf32, #tpu.memory_space<vmem>>, %arg11: memref<64x128xf32, #tpu.memory_space<vmem>>, %arg12: memref<32x128xf32, #tpu.memory_space<vmem>>, %arg13: memref<10240x128xf32, #tpu.memory_space<vmem_shared>>, %arg14: memref<!tpu.dma_semaphore, #tpu.memory_space<semaphore_mem>>, %arg15: memref<!tpu.dma_semaphore, #tpu.memory_space<semaphore_mem>>, %arg16: memref<!tpu.dma_semaphore, #tpu.memory_space<semaphore_mem>>, %arg17: memref<!tpu.dma_semaphore, #tpu.memory_space<semaphore_mem>>, %arg18: memref<!tpu.dma_semaphore, #tpu.memory_space<semaphore_mem>>, %arg19: memref<!tpu.dma_semaphore, #tpu.memory_space<semaphore_mem>>, %arg20: memref<!tpu.dma_semaphore, #tpu.memory_space<semaphore_mem>>, %arg21: memref<!tpu.dma_semaphore, #tpu.memory_space<semaphore_mem>>) attributes {dimension_semantics = [#tpu.dimension_semantics<core_parallel>, #tpu.dimension_semantics<subcore_parallel>], iteration_bounds = array<i64: 2, 16>, scalar_prefetch = 0 : i64, scratch_operands = 16 : i64, tpu.core_type = #tpu.core_type<sc_vector_subcore>, window_params = [{transform_indices = #map}, {transform_indices = #map}, {transform_indices = #map}, {transform_indices = #map1}]} {
    %mul3A = arith.constant 2 : i32
    %mul3A_0 = arith.muli %arg1, %mul3A : i32
    %add3A = arith.addi %mul3A_0, %arg0 : i32
    %scan3A = arith.constant 0 : i32
    %scan3A_1 = arith.constant 0 : i32
    %scan3A_2 = arith.constant 32 : i32
    %scan3A_3 = arith.addi %scan3A_1, %scan3A_2 : i32
    %scan3A_4 = arith.constant 1 : i32
    scf.for %scan3A_146 = %scan3A_1 to %scan3A_3 step %scan3A_4  : i32 {
      %broadcast_in_dim3A = arith.constant 0.000000e+00 : f32
      %broadcast_in_dim3A_147 = vector.broadcast %broadcast_in_dim3A : f32 to vector<16xf32>
      %swap3A = arith.index_cast %scan3A_146 : i32 to index
      %swap3A_148 = arith.constant 0 : index
      %swap3A_149 = tpu.vector_load %arg12[%swap3A, %swap3A_148] {strides = array<i32>} : memref<32x128xf32, #tpu.memory_space<vmem>>, vector<1x16xf32>,
      %swap3A_150 = vector.shape_cast %swap3A_149 : vector<1x16xf32> to vector<16xf32>
      %swap3A_151 = vector.shape_cast %broadcast_in_dim3A_147 : vector<16xf32> to vector<1x16xf32>
      tpu.vector_store %arg12[%swap3A, %swap3A_148], %swap3A_151 {strides = array<i32>} : memref<32x128xf32, #tpu.memory_space<vmem>>, vector<1x16xf32>,
      %broadcast_in_dim3A_152 = arith.constant 0.000000e+00 : f32
      %broadcast_in_dim3A_153 = vector.broadcast %broadcast_in_dim3A_152 : f32 to vector<16xf32>
      %swap3A_154 = arith.index_cast %scan3A_146 : i32 to index
      %swap3A_155 = arith.constant 16 : index
      %swap3A_156 = tpu.vector_load %arg12[%swap3A_154, %swap3A_155] {strides = array<i32>} : memref<32x128xf32, #tpu.memory_space<vmem>>, vector<1x16xf32>,
      %swap3A_157 = vector.shape_cast %swap3A_156 : vector<1x16xf32> to vector<16xf32>
      %swap3A_158 = vector.shape_cast %broadcast_in_dim3A_153 : vector<16xf32> to vector<1x16xf32>
      tpu.vector_store %arg12[%swap3A_154, %swap3A_155], %swap3A_158 {strides = array<i32>} : memref<32x128xf32, #tpu.memory_space<vmem>>, vector<1x16xf32>,
      %broadcast_in_dim3A_159 = arith.constant 0.000000e+00 : f32
      %broadcast_in_dim3A_160 = vector.broadcast %broadcast_in_dim3A_159 : f32 to vector<16xf32>
      %swap3A_161 = arith.index_cast %scan3A_146 : i32 to index
      %swap3A_162 = arith.constant 32 : index
      %swap3A_163 = tpu.vector_load %arg12[%swap3A_161, %swap3A_162] {strides = array<i32>} : memref<32x128xf32, #tpu.memory_space<vmem>>, vector<1x16xf32>,
      %swap3A_164 = vector.shape_cast %swap3A_163 : vector<1x16xf32> to vector<16xf32>
      %swap3A_165 = vector.shape_cast %broadcast_in_dim3A_160 : vector<16xf32> to vector<1x16xf32>
      tpu.vector_store %arg12[%swap3A_161, %swap3A_162], %swap3A_165 {strides = array<i32>} : memref<32x128xf32, #tpu.memory_space<vmem>>, vector<1x16xf32>,
      %broadcast_in_dim3A_166 = arith.constant 0.000000e+00 : f32
      %broadcast_in_dim3A_167 = vector.broadcast %broadcast_in_dim3A_166 : f32 to vector<16xf32>
      %swap3A_168 = arith.index_cast %scan3A_146 : i32 to index
      %swap3A_169 = arith.constant 48 : index
      %swap3A_170 = tpu.vector_load %arg12[%swap3A_168, %swap3A_169] {strides = array<i32>} : memref<32x128xf32, #tpu.memory_space<vmem>>, vector<1x16xf32>,
      %swap3A_171 = vector.shape_cast %swap3A_170 : vector<1x16xf32> to vector<16xf32>
      %swap3A_172 = vector.shape_cast %broadcast_in_dim3A_167 : vector<16xf32> to vector<1x16xf32>
      tpu.vector_store %arg12[%swap3A_168, %swap3A_169], %swap3A_172 {strides = array<i32>} : memref<32x128xf32, #tpu.memory_space<vmem>>, vector<1x16xf32>,
      %broadcast_in_dim3A_173 = arith.constant 0.000000e+00 : f32
      %broadcast_in_dim3A_174 = vector.broadcast %broadcast_in_dim3A_173 : f32 to vector<16xf32>
      %swap3A_175 = arith.index_cast %scan3A_146 : i32 to index
      %swap3A_176 = arith.constant 64 : index
      %swap3A_177 = tpu.vector_load %arg12[%swap3A_175, %swap3A_176] {strides = array<i32>} : memref<32x128xf32, #tpu.memory_space<vmem>>, vector<1x16xf32>,
      %swap3A_178 = vector.shape_cast %swap3A_177 : vector<1x16xf32> to vector<16xf32>
      %swap3A_179 = vector.shape_cast %broadcast_in_dim3A_174 : vector<16xf32> to vector<1x16xf32>
      tpu.vector_store %arg12[%swap3A_175, %swap3A_176], %swap3A_179 {strides = array<i32>} : memref<32x128xf32, #tpu.memory_space<vmem>>, vector<1x16xf32>,
      %broadcast_in_dim3A_180 = arith.constant 0.000000e+00 : f32
      %broadcast_in_dim3A_181 = vector.broadcast %broadcast_in_dim3A_180 : f32 to vector<16xf32>
      %swap3A_182 = arith.index_cast %scan3A_146 : i32 to index
      %swap3A_183 = arith.constant 80 : index
      %swap3A_184 = tpu.vector_load %arg12[%swap3A_182, %swap3A_183] {strides = array<i32>} : memref<32x128xf32, #tpu.memory_space<vmem>>, vector<1x16xf32>,
      %swap3A_185 = vector.shape_cast %swap3A_184 : vector<1x16xf32> to vector<16xf32>
      %swap3A_186 = vector.shape_cast %broadcast_in_dim3A_181 : vector<16xf32> to vector<1x16xf32>
      tpu.vector_store %arg12[%swap3A_182, %swap3A_183], %swap3A_186 {strides = array<i32>} : memref<32x128xf32, #tpu.memory_space<vmem>>, vector<1x16xf32>,
      %broadcast_in_dim3A_187 = arith.constant 0.000000e+00 : f32
      %broadcast_in_dim3A_188 = vector.broadcast %broadcast_in_dim3A_187 : f32 to vector<16xf32>
      %swap3A_189 = arith.index_cast %scan3A_146 : i32 to index
      %swap3A_190 = arith.constant 96 : index
      %swap3A_191 = tpu.vector_load %arg12[%swap3A_189, %swap3A_190] {strides = array<i32>} : memref<32x128xf32, #tpu.memory_space<vmem>>, vector<1x16xf32>,
      %swap3A_192 = vector.shape_cast %swap3A_191 : vector<1x16xf32> to vector<16xf32>
      %swap3A_193 = vector.shape_cast %broadcast_in_dim3A_188 : vector<16xf32> to vector<1x16xf32>
      tpu.vector_store %arg12[%swap3A_189, %swap3A_190], %swap3A_193 {strides = array<i32>} : memref<32x128xf32, #tpu.memory_space<vmem>>, vector<1x16xf32>,
      %broadcast_in_dim3A_194 = arith.constant 0.000000e+00 : f32
      %broadcast_in_dim3A_195 = vector.broadcast %broadcast_in_dim3A_194 : f32 to vector<16xf32>
      %swap3A_196 = arith.index_cast %scan3A_146 : i32 to index
      %swap3A_197 = arith.constant 112 : index
      %swap3A_198 = tpu.vector_load %arg12[%swap3A_196, %swap3A_197] {strides = array<i32>} : memref<32x128xf32, #tpu.memory_space<vmem>>, vector<1x16xf32>,
      %swap3A_199 = vector.shape_cast %swap3A_198 : vector<1x16xf32> to vector<16xf32>
      %swap3A_200 = vector.shape_cast %broadcast_in_dim3A_195 : vector<16xf32> to vector<1x16xf32>
      tpu.vector_store %arg12[%swap3A_196, %swap3A_197], %swap3A_200 {strides = array<i32>} : memref<32x128xf32, #tpu.memory_space<vmem>>, vector<1x16xf32>,
    }
    %scan3A_5 = arith.constant 32 : i32
    %mul3A_6 = arith.constant 640 : i32
    %mul3A_7 = arith.muli %arg1, %mul3A_6 : i32
    %add3A_8 = arith.constant 0 : i32
    %add3A_9 = arith.addi %mul3A_7, %add3A_8 : i32
    "tpu.region"() ({
      %run_scoped3A = tpu.sem_alloc : memref<!tpu.dma_semaphore, #tpu.memory_space<semaphore_mem>>
      %dma_start3A = arith.constant 0 : i32
      %dma_start3A_146 = tpu.memref_slice %arg13[%add3A_9, %dma_start3A] : memref<10240x128xf32, #tpu.memory_space<vmem_shared>> -> memref<32x128xf32, #tpu.memory_space<vmem_shared>>
      %dma_start3A_147 = arith.constant 0 : i32
      %dma_start3A_148 = tpu.memref_slice %arg13[%add3A_9, %dma_start3A_147] : memref<10240x128xf32, #tpu.memory_space<vmem_shared>> -> memref<32x128xf32, #tpu.memory_space<vmem_shared>>
      tpu.enqueue_dma source(%arg12 : memref<32x128xf32, #tpu.memory_space<vmem>>) target(%dma_start3A_148 : memref<32x128xf32, #tpu.memory_space<vmem_shared>>) target_semaphore(%run_scoped3A : memref<!tpu.dma_semaphore, #tpu.memory_space<semaphore_mem>>)
      %dma_wait3A_149 = arith.constant 0 : i32
      %dma_wait3A_150 = tpu.memref_slice %arg13[%add3A_9, %dma_wait3A_149] : memref<10240x128xf32, #tpu.memory_space<vmem_shared>> -> memref<32x128xf32, #tpu.memory_space<vmem_shared>>
      %dma_wait3A_151 = arith.constant 0 : i32
      %dma_wait3A_152 = tpu.memref_slice %arg13[%add3A_9, %dma_wait3A_151] : memref<10240x128xf32, #tpu.memory_space<vmem_shared>> -> memref<32x128xf32, #tpu.memory_space<vmem_shared>>
      tpu.wait_dma2 semaphore(%run_scoped3A : memref<!tpu.dma_semaphore, #tpu.memory_space<semaphore_mem>>) src(%arg12 : memref<32x128xf32, #tpu.memory_space<vmem>>) dst(%dma_wait3A_152 : memref<32x128xf32, #tpu.memory_space<vmem_shared>>)
      tpu.yield
    }) : () -> ()
    %mul3A_10 = arith.constant 640 : i32
    %mul3A_11 = arith.muli %arg1, %mul3A_10 : i32
    %add3A_12 = arith.constant 32 : i32
    %add3A_13 = arith.addi %mul3A_11, %add3A_12 : i32
    "tpu.region"() ({
      %run_scoped3A = tpu.sem_alloc : memref<!tpu.dma_semaphore, #tpu.memory_space<semaphore_mem>>
      %dma_start3A = arith.constant 0 : i32
      %dma_start3A_146 = tpu.memref_slice %arg13[%add3A_13, %dma_start3A] : memref<10240x128xf32, #tpu.memory_space<vmem_shared>> -> memref<32x128xf32, #tpu.memory_space<vmem_shared>>
      %dma_start3A_147 = arith.constant 0 : i32
      %dma_start3A_148 = tpu.memref_slice %arg13[%add3A_13, %dma_start3A_147] : memref<10240x128xf32, #tpu.memory_space<vmem_shared>> -> memref<32x128xf32, #tpu.memory_space<vmem_shared>>
      tpu.enqueue_dma source(%arg12 : memref<32x128xf32, #tpu.memory_space<vmem>>) target(%dma_start3A_148 : memref<32x128xf32, #tpu.memory_space<vmem_shared>>) target_semaphore(%run_scoped3A : memref<!tpu.dma_semaphore, #tpu.memory_space<semaphore_mem>>)
      %dma_wait3A_149 = arith.constant 0 : i32
      %dma_wait3A_150 = tpu.memref_slice %arg13[%add3A_13, %dma_wait3A_149] : memref<10240x128xf32, #tpu.memory_space<vmem_shared>> -> memref<32x128xf32, #tpu.memory_space<vmem_shared>>
      %dma_wait3A_151 = arith.constant 0 : i32
      %dma_wait3A_152 = tpu.memref_slice %arg13[%add3A_13, %dma_wait3A_151] : memref<10240x128xf32, #tpu.memory_space<vmem_shared>> -> memref<32x128xf32, #tpu.memory_space<vmem_shared>>
      tpu.wait_dma2 semaphore(%run_scoped3A : memref<!tpu.dma_semaphore, #tpu.memory_space<semaphore_mem>>) src(%arg12 : memref<32x128xf32, #tpu.memory_space<vmem>>) dst(%dma_wait3A_152 : memref<32x128xf32, #tpu.memory_space<vmem_shared>>)
      tpu.yield
    }) : () -> ()
    %mul3A_14 = arith.constant 640 : i32
    %mul3A_15 = arith.muli %arg1, %mul3A_14 : i32
    %add3A_16 = arith.constant 64 : i32
    %add3A_17 = arith.addi %mul3A_15, %add3A_16 : i32
    "tpu.region"() ({
      %run_scoped3A = tpu.sem_alloc : memref<!tpu.dma_semaphore, #tpu.memory_space<semaphore_mem>>
      %dma_start3A = arith.constant 0 : i32
      %dma_start3A_146 = tpu.memref_slice %arg13[%add3A_17, %dma_start3A] : memref<10240x128xf32, #tpu.memory_space<vmem_shared>> -> memref<32x128xf32, #tpu.memory_space<vmem_shared>>
      %dma_start3A_147 = arith.constant 0 : i32
      %dma_start3A_148 = tpu.memref_slice %arg13[%add3A_17, %dma_start3A_147] : memref<10240x128xf32, #tpu.memory_space<vmem_shared>> -> memref<32x128xf32, #tpu.memory_space<vmem_shared>>
      tpu.enqueue_dma source(%arg12 : memref<32x128xf32, #tpu.memory_space<vmem>>) target(%dma_start3A_148 : memref<32x128xf32, #tpu.memory_space<vmem_shared>>) target_semaphore(%run_scoped3A : memref<!tpu.dma_semaphore, #tpu.memory_space<semaphore_mem>>)
      %dma_wait3A_149 = arith.constant 0 : i32
      %dma_wait3A_150 = tpu.memref_slice %arg13[%add3A_17, %dma_wait3A_149] : memref<10240x128xf32, #tpu.memory_space<vmem_shared>> -> memref<32x128xf32, #tpu.memory_space<vmem_shared>>
      %dma_wait3A_151 = arith.constant 0 : i32
      %dma_wait3A_152 = tpu.memref_slice %arg13[%add3A_17, %dma_wait3A_151] : memref<10240x128xf32, #tpu.memory_space<vmem_shared>> -> memref<32x128xf32, #tpu.memory_space<vmem_shared>>
      tpu.wait_dma2 semaphore(%run_scoped3A : memref<!tpu.dma_semaphore, #tpu.memory_space<semaphore_mem>>) src(%arg12 : memref<32x128xf32, #tpu.memory_space<vmem>>) dst(%dma_wait3A_152 : memref<32x128xf32, #tpu.memory_space<vmem_shared>>)
      tpu.yield
    }) : () -> ()
    %mul3A_18 = arith.constant 640 : i32
    %mul3A_19 = arith.muli %arg1, %mul3A_18 : i32
    %add3A_20 = arith.constant 96 : i32
    %add3A_21 = arith.addi %mul3A_19, %add3A_20 : i32
    "tpu.region"() ({
      %run_scoped3A = tpu.sem_alloc : memref<!tpu.dma_semaphore, #tpu.memory_space<semaphore_mem>>
      %dma_start3A = arith.constant 0 : i32
      %dma_start3A_146 = tpu.memref_slice %arg13[%add3A_21, %dma_start3A] : memref<10240x128xf32, #tpu.memory_space<vmem_shared>> -> memref<32x128xf32, #tpu.memory_space<vmem_shared>>
      %dma_start3A_147 = arith.constant 0 : i32
      %dma_start3A_148 = tpu.memref_slice %arg13[%add3A_21, %dma_start3A_147] : memref<10240x128xf32, #tpu.memory_space<vmem_shared>> -> memref<32x128xf32, #tpu.memory_space<vmem_shared>>
      tpu.enqueue_dma source(%arg12 : memref<32x128xf32, #tpu.memory_space<vmem>>) target(%dma_start3A_148 : memref<32x128xf32, #tpu.memory_space<vmem_shared>>) target_semaphore(%run_scoped3A : memref<!tpu.dma_semaphore, #tpu.memory_space<semaphore_mem>>)
      %dma_wait3A_149 = arith.constant 0 : i32
      %dma_wait3A_150 = tpu.memref_slice %arg13[%add3A_21, %dma_wait3A_149] : memref<10240x128xf32, #tpu.memory_space<vmem_shared>> -> memref<32x128xf32, #tpu.memory_space<vmem_shared>>
      %dma_wait3A_151 = arith.constant 0 : i32
      %dma_wait3A_152 = tpu.memref_slice %arg13[%add3A_21, %dma_wait3A_151] : memref<10240x128xf32, #tpu.memory_space<vmem_shared>> -> memref<32x128xf32, #tpu.memory_space<vmem_shared>>
      tpu.wait_dma2 semaphore(%run_scoped3A : memref<!tpu.dma_semaphore, #tpu.memory_space<semaphore_mem>>) src(%arg12 : memref<32x128xf32, #tpu.memory_space<vmem>>) dst(%dma_wait3A_152 : memref<32x128xf32, #tpu.memory_space<vmem_shared>>)
      tpu.yield
    }) : () -> ()
    %mul3A_22 = arith.constant 640 : i32
    %mul3A_23 = arith.muli %arg1, %mul3A_22 : i32
    %add3A_24 = arith.constant 128 : i32
    %add3A_25 = arith.addi %mul3A_23, %add3A_24 : i32
    "tpu.region"() ({
      %run_scoped3A = tpu.sem_alloc : memref<!tpu.dma_semaphore, #tpu.memory_space<semaphore_mem>>
      %dma_start3A = arith.constant 0 : i32
      %dma_start3A_146 = tpu.memref_slice %arg13[%add3A_25, %dma_start3A] : memref<10240x128xf32, #tpu.memory_space<vmem_shared>> -> memref<32x128xf32, #tpu.memory_space<vmem_shared>>
      %dma_start3A_147 = arith.constant 0 : i32
      %dma_start3A_148 = tpu.memref_slice %arg13[%add3A_25, %dma_start3A_147] : memref<10240x128xf32, #tpu.memory_space<vmem_shared>> -> memref<32x128xf32, #tpu.memory_space<vmem_shared>>
      tpu.enqueue_dma source(%arg12 : memref<32x128xf32, #tpu.memory_space<vmem>>) target(%dma_start3A_148 : memref<32x128xf32, #tpu.memory_space<vmem_shared>>) target_semaphore(%run_scoped3A : memref<!tpu.dma_semaphore, #tpu.memory_space<semaphore_mem>>)
      %dma_wait3A_149 = arith.constant 0 : i32
      %dma_wait3A_150 = tpu.memref_slice %arg13[%add3A_25, %dma_wait3A_149] : memref<10240x128xf32, #tpu.memory_space<vmem_shared>> -> memref<32x128xf32, #tpu.memory_space<vmem_shared>>
      %dma_wait3A_151 = arith.constant 0 : i32
      %dma_wait3A_152 = tpu.memref_slice %arg13[%add3A_25, %dma_wait3A_151] : memref<10240x128xf32, #tpu.memory_space<vmem_shared>> -> memref<32x128xf32, #tpu.memory_space<vmem_shared>>
      tpu.wait_dma2 semaphore(%run_scoped3A : memref<!tpu.dma_semaphore, #tpu.memory_space<semaphore_mem>>) src(%arg12 : memref<32x128xf32, #tpu.memory_space<vmem>>) dst(%dma_wait3A_152 : memref<32x128xf32, #tpu.memory_space<vmem_shared>>)
      tpu.yield
    }) : () -> ()
    %mul3A_26 = arith.constant 640 : i32
    %mul3A_27 = arith.muli %arg1, %mul3A_26 : i32
    %add3A_28 = arith.constant 160 : i32
    %add3A_29 = arith.addi %mul3A_27, %add3A_28 : i32
    "tpu.region"() ({
      %run_scoped3A = tpu.sem_alloc : memref<!tpu.dma_semaphore, #tpu.memory_space<semaphore_mem>>
      %dma_start3A = arith.constant 0 : i32
      %dma_start3A_146 = tpu.memref_slice %arg13[%add3A_29, %dma_start3A] : memref<10240x128xf32, #tpu.memory_space<vmem_shared>> -> memref<32x128xf32, #tpu.memory_space<vmem_shared>>
      %dma_start3A_147 = arith.constant 0 : i32
      %dma_start3A_148 = tpu.memref_slice %arg13[%add3A_29, %dma_start3A_147] : memref<10240x128xf32, #tpu.memory_space<vmem_shared>> -> memref<32x128xf32, #tpu.memory_space<vmem_shared>>
      tpu.enqueue_dma source(%arg12 : memref<32x128xf32, #tpu.memory_space<vmem>>) target(%dma_start3A_148 : memref<32x128xf32, #tpu.memory_space<vmem_shared>>) target_semaphore(%run_scoped3A : memref<!tpu.dma_semaphore, #tpu.memory_space<semaphore_mem>>)
      %dma_wait3A_149 = arith.constant 0 : i32
      %dma_wait3A_150 = tpu.memref_slice %arg13[%add3A_29, %dma_wait3A_149] : memref<10240x128xf32, #tpu.memory_space<vmem_shared>> -> memref<32x128xf32, #tpu.memory_space<vmem_shared>>
      %dma_wait3A_151 = arith.constant 0 : i32
      %dma_wait3A_152 = tpu.memref_slice %arg13[%add3A_29, %dma_wait3A_151] : memref<10240x128xf32, #tpu.memory_space<vmem_shared>> -> memref<32x128xf32, #tpu.memory_space<vmem_shared>>
      tpu.wait_dma2 semaphore(%run_scoped3A : memref<!tpu.dma_semaphore, #tpu.memory_space<semaphore_mem>>) src(%arg12 : memref<32x128xf32, #tpu.memory_space<vmem>>) dst(%dma_wait3A_152 : memref<32x128xf32, #tpu.memory_space<vmem_shared>>)
      tpu.yield
    }) : () -> ()
    %mul3A_30 = arith.constant 640 : i32
    %mul3A_31 = arith.muli %arg1, %mul3A_30 : i32
    %add3A_32 = arith.constant 192 : i32
    %add3A_33 = arith.addi %mul3A_31, %add3A_32 : i32
    "tpu.region"() ({
      %run_scoped3A = tpu.sem_alloc : memref<!tpu.dma_semaphore, #tpu.memory_space<semaphore_mem>>
      %dma_start3A = arith.constant 0 : i32
      %dma_start3A_146 = tpu.memref_slice %arg13[%add3A_33, %dma_start3A] : memref<10240x128xf32, #tpu.memory_space<vmem_shared>> -> memref<32x128xf32, #tpu.memory_space<vmem_shared>>
      %dma_start3A_147 = arith.constant 0 : i32
      %dma_start3A_148 = tpu.memref_slice %arg13[%add3A_33, %dma_start3A_147] : memref<10240x128xf32, #tpu.memory_space<vmem_shared>> -> memref<32x128xf32, #tpu.memory_space<vmem_shared>>
      tpu.enqueue_dma source(%arg12 : memref<32x128xf32, #tpu.memory_space<vmem>>) target(%dma_start3A_148 : memref<32x128xf32, #tpu.memory_space<vmem_shared>>) target_semaphore(%run_scoped3A : memref<!tpu.dma_semaphore, #tpu.memory_space<semaphore_mem>>)
      %dma_wait3A_149 = arith.constant 0 : i32
      %dma_wait3A_150 = tpu.memref_slice %arg13[%add3A_33, %dma_wait3A_149] : memref<10240x128xf32, #tpu.memory_space<vmem_shared>> -> memref<32x128xf32, #tpu.memory_space<vmem_shared>>
      %dma_wait3A_151 = arith.constant 0 : i32
      %dma_wait3A_152 = tpu.memref_slice %arg13[%add3A_33, %dma_wait3A_151] : memref<10240x128xf32, #tpu.memory_space<vmem_shared>> -> memref<32x128xf32, #tpu.memory_space<vmem_shared>>
      tpu.wait_dma2 semaphore(%run_scoped3A : memref<!tpu.dma_semaphore, #tpu.memory_space<semaphore_mem>>) src(%arg12 : memref<32x128xf32, #tpu.memory_space<vmem>>) dst(%dma_wait3A_152 : memref<32x128xf32, #tpu.memory_space<vmem_shared>>)
      tpu.yield
    }) : () -> ()
    %mul3A_34 = arith.constant 640 : i32
    %mul3A_35 = arith.muli %arg1, %mul3A_34 : i32
    %add3A_36 = arith.constant 224 : i32
    %add3A_37 = arith.addi %mul3A_35, %add3A_36 : i32
    "tpu.region"() ({
      %run_scoped3A = tpu.sem_alloc : memref<!tpu.dma_semaphore, #tpu.memory_space<semaphore_mem>>
      %dma_start3A = arith.constant 0 : i32
      %dma_start3A_146 = tpu.memref_slice %arg13[%add3A_37, %dma_start3A] : memref<10240x128xf32, #tpu.memory_space<vmem_shared>> -> memref<32x128xf32, #tpu.memory_space<vmem_shared>>
      %dma_start3A_147 = arith.constant 0 : i32
      %dma_start3A_148 = tpu.memref_slice %arg13[%add3A_37, %dma_start3A_147] : memref<10240x128xf32, #tpu.memory_space<vmem_shared>> -> memref<32x128xf32, #tpu.memory_space<vmem_shared>>
      tpu.enqueue_dma source(%arg12 : memref<32x128xf32, #tpu.memory_space<vmem>>) target(%dma_start3A_148 : memref<32x128xf32, #tpu.memory_space<vmem_shared>>) target_semaphore(%run_scoped3A : memref<!tpu.dma_semaphore, #tpu.memory_space<semaphore_mem>>)
      %dma_wait3A_149 = arith.constant 0 : i32
      %dma_wait3A_150 = tpu.memref_slice %arg13[%add3A_37, %dma_wait3A_149] : memref<10240x128xf32, #tpu.memory_space<vmem_shared>> -> memref<32x128xf32, #tpu.memory_space<vmem_shared>>
      %dma_wait3A_151 = arith.constant 0 : i32
      %dma_wait3A_152 = tpu.memref_slice %arg13[%add3A_37, %dma_wait3A_151] : memref<10240x128xf32, #tpu.memory_space<vmem_shared>> -> memref<32x128xf32, #tpu.memory_space<vmem_shared>>
      tpu.wait_dma2 semaphore(%run_scoped3A : memref<!tpu.dma_semaphore, #tpu.memory_space<semaphore_mem>>) src(%arg12 : memref<32x128xf32, #tpu.memory_space<vmem>>) dst(%dma_wait3A_152 : memref<32x128xf32, #tpu.memory_space<vmem_shared>>)
      tpu.yield
    }) : () -> ()
    %mul3A_38 = arith.constant 640 : i32
    %mul3A_39 = arith.muli %arg1, %mul3A_38 : i32
    %add3A_40 = arith.constant 256 : i32
    %add3A_41 = arith.addi %mul3A_39, %add3A_40 : i32
    "tpu.region"() ({
      %run_scoped3A = tpu.sem_alloc : memref<!tpu.dma_semaphore, #tpu.memory_space<semaphore_mem>>
      %dma_start3A = arith.constant 0 : i32
      %dma_start3A_146 = tpu.memref_slice %arg13[%add3A_41, %dma_start3A] : memref<10240x128xf32, #tpu.memory_space<vmem_shared>> -> memref<32x128xf32, #tpu.memory_space<vmem_shared>>
      %dma_start3A_147 = arith.constant 0 : i32
      %dma_start3A_148 = tpu.memref_slice %arg13[%add3A_41, %dma_start3A_147] : memref<10240x128xf32, #tpu.memory_space<vmem_shared>> -> memref<32x128xf32, #tpu.memory_space<vmem_shared>>
      tpu.enqueue_dma source(%arg12 : memref<32x128xf32, #tpu.memory_space<vmem>>) target(%dma_start3A_148 : memref<32x128xf32, #tpu.memory_space<vmem_shared>>) target_semaphore(%run_scoped3A : memref<!tpu.dma_semaphore, #tpu.memory_space<semaphore_mem>>)
      %dma_wait3A_149 = arith.constant 0 : i32
      %dma_wait3A_150 = tpu.memref_slice %arg13[%add3A_41, %dma_wait3A_149] : memref<10240x128xf32, #tpu.memory_space<vmem_shared>> -> memref<32x128xf32, #tpu.memory_space<vmem_shared>>
      %dma_wait3A_151 = arith.constant 0 : i32
      %dma_wait3A_152 = tpu.memref_slice %arg13[%add3A_41, %dma_wait3A_151] : memref<10240x128xf32, #tpu.memory_space<vmem_shared>> -> memref<32x128xf32, #tpu.memory_space<vmem_shared>>
      tpu.wait_dma2 semaphore(%run_scoped3A : memref<!tpu.dma_semaphore, #tpu.memory_space<semaphore_mem>>) src(%arg12 : memref<32x128xf32, #tpu.memory_space<vmem>>) dst(%dma_wait3A_152 : memref<32x128xf32, #tpu.memory_space<vmem_shared>>)
      tpu.yield
    }) : () -> ()
    %mul3A_42 = arith.constant 640 : i32
    %mul3A_43 = arith.muli %arg1, %mul3A_42 : i32
    %add3A_44 = arith.constant 288 : i32
    %add3A_45 = arith.addi %mul3A_43, %add3A_44 : i32
    "tpu.region"() ({
      %run_scoped3A = tpu.sem_alloc : memref<!tpu.dma_semaphore, #tpu.memory_space<semaphore_mem>>
      %dma_start3A = arith.constant 0 : i32
      %dma_start3A_146 = tpu.memref_slice %arg13[%add3A_45, %dma_start3A] : memref<10240x128xf32, #tpu.memory_space<vmem_shared>> -> memref<32x128xf32, #tpu.memory_space<vmem_shared>>
      %dma_start3A_147 = arith.constant 0 : i32
      %dma_start3A_148 = tpu.memref_slice %arg13[%add3A_45, %dma_start3A_147] : memref<10240x128xf32, #tpu.memory_space<vmem_shared>> -> memref<32x128xf32, #tpu.memory_space<vmem_shared>>
      tpu.enqueue_dma source(%arg12 : memref<32x128xf32, #tpu.memory_space<vmem>>) target(%dma_start3A_148 : memref<32x128xf32, #tpu.memory_space<vmem_shared>>) target_semaphore(%run_scoped3A : memref<!tpu.dma_semaphore, #tpu.memory_space<semaphore_mem>>)
      %dma_wait3A_149 = arith.constant 0 : i32
      %dma_wait3A_150 = tpu.memref_slice %arg13[%add3A_45, %dma_wait3A_149] : memref<10240x128xf32, #tpu.memory_space<vmem_shared>> -> memref<32x128xf32, #tpu.memory_space<vmem_shared>>
      %dma_wait3A_151 = arith.constant 0 : i32
      %dma_wait3A_152 = tpu.memref_slice %arg13[%add3A_45, %dma_wait3A_151] : memref<10240x128xf32, #tpu.memory_space<vmem_shared>> -> memref<32x128xf32, #tpu.memory_space<vmem_shared>>
      tpu.wait_dma2 semaphore(%run_scoped3A : memref<!tpu.dma_semaphore, #tpu.memory_space<semaphore_mem>>) src(%arg12 : memref<32x128xf32, #tpu.memory_space<vmem>>) dst(%dma_wait3A_152 : memref<32x128xf32, #tpu.memory_space<vmem_shared>>)
      tpu.yield
    }) : () -> ()
    %mul3A_46 = arith.constant 640 : i32
    %mul3A_47 = arith.muli %arg1, %mul3A_46 : i32
    %add3A_48 = arith.constant 320 : i32
    %add3A_49 = arith.addi %mul3A_47, %add3A_48 : i32
    "tpu.region"() ({
      %run_scoped3A = tpu.sem_alloc : memref<!tpu.dma_semaphore, #tpu.memory_space<semaphore_mem>>
      %dma_start3A = arith.constant 0 : i32
      %dma_start3A_146 = tpu.memref_slice %arg13[%add3A_49, %dma_start3A] : memref<10240x128xf32, #tpu.memory_space<vmem_shared>> -> memref<32x128xf32, #tpu.memory_space<vmem_shared>>
      %dma_start3A_147 = arith.constant 0 : i32
      %dma_start3A_148 = tpu.memref_slice %arg13[%add3A_49, %dma_start3A_147] : memref<10240x128xf32, #tpu.memory_space<vmem_shared>> -> memref<32x128xf32, #tpu.memory_space<vmem_shared>>
      tpu.enqueue_dma source(%arg12 : memref<32x128xf32, #tpu.memory_space<vmem>>) target(%dma_start3A_148 : memref<32x128xf32, #tpu.memory_space<vmem_shared>>) target_semaphore(%run_scoped3A : memref<!tpu.dma_semaphore, #tpu.memory_space<semaphore_mem>>)
      %dma_wait3A_149 = arith.constant 0 : i32
      %dma_wait3A_150 = tpu.memref_slice %arg13[%add3A_49, %dma_wait3A_149] : memref<10240x128xf32, #tpu.memory_space<vmem_shared>> -> memref<32x128xf32, #tpu.memory_space<vmem_shared>>
      %dma_wait3A_151 = arith.constant 0 : i32
      %dma_wait3A_152 = tpu.memref_slice %arg13[%add3A_49, %dma_wait3A_151] : memref<10240x128xf32, #tpu.memory_space<vmem_shared>> -> memref<32x128xf32, #tpu.memory_space<vmem_shared>>
      tpu.wait_dma2 semaphore(%run_scoped3A : memref<!tpu.dma_semaphore, #tpu.memory_space<semaphore_mem>>) src(%arg12 : memref<32x128xf32, #tpu.memory_space<vmem>>) dst(%dma_wait3A_152 : memref<32x128xf32, #tpu.memory_space<vmem_shared>>)
      tpu.yield
    }) : () -> ()
    %mul3A_50 = arith.constant 640 : i32
    %mul3A_51 = arith.muli %arg1, %mul3A_50 : i32
    %add3A_52 = arith.constant 352 : i32
    %add3A_53 = arith.addi %mul3A_51, %add3A_52 : i32
    "tpu.region"() ({
      %run_scoped3A = tpu.sem_alloc : memref<!tpu.dma_semaphore, #tpu.memory_space<semaphore_mem>>
      %dma_start3A = arith.constant 0 : i32
      %dma_start3A_146 = tpu.memref_slice %arg13[%add3A_53, %dma_start3A] : memref<10240x128xf32, #tpu.memory_space<vmem_shared>> -> memref<32x128xf32, #tpu.memory_space<vmem_shared>>
      %dma_start3A_147 = arith.constant 0 : i32
      %dma_start3A_148 = tpu.memref_slice %arg13[%add3A_53, %dma_start3A_147] : memref<10240x128xf32, #tpu.memory_space<vmem_shared>> -> memref<32x128xf32, #tpu.memory_space<vmem_shared>>
      tpu.enqueue_dma source(%arg12 : memref<32x128xf32, #tpu.memory_space<vmem>>) target(%dma_start3A_148 : memref<32x128xf32, #tpu.memory_space<vmem_shared>>) target_semaphore(%run_scoped3A : memref<!tpu.dma_semaphore, #tpu.memory_space<semaphore_mem>>)
      %dma_wait3A_149 = arith.constant 0 : i32
      %dma_wait3A_150 = tpu.memref_slice %arg13[%add3A_53, %dma_wait3A_149] : memref<10240x128xf32, #tpu.memory_space<vmem_shared>> -> memref<32x128xf32, #tpu.memory_space<vmem_shared>>
      %dma_wait3A_151 = arith.constant 0 : i32
      %dma_wait3A_152 = tpu.memref_slice %arg13[%add3A_53, %dma_wait3A_151] : memref<10240x128xf32, #tpu.memory_space<vmem_shared>> -> memref<32x128xf32, #tpu.memory_space<vmem_shared>>
      tpu.wait_dma2 semaphore(%run_scoped3A : memref<!tpu.dma_semaphore, #tpu.memory_space<semaphore_mem>>) src(%arg12 : memref<32x128xf32, #tpu.memory_space<vmem>>) dst(%dma_wait3A_152 : memref<32x128xf32, #tpu.memory_space<vmem_shared>>)
      tpu.yield
    }) : () -> ()
    %mul3A_54 = arith.constant 640 : i32
    %mul3A_55 = arith.muli %arg1, %mul3A_54 : i32
    %add3A_56 = arith.constant 384 : i32
    %add3A_57 = arith.addi %mul3A_55, %add3A_56 : i32
    "tpu.region"() ({
      %run_scoped3A = tpu.sem_alloc : memref<!tpu.dma_semaphore, #tpu.memory_space<semaphore_mem>>
      %dma_start3A = arith.constant 0 : i32
      %dma_start3A_146 = tpu.memref_slice %arg13[%add3A_57, %dma_start3A] : memref<10240x128xf32, #tpu.memory_space<vmem_shared>> -> memref<32x128xf32, #tpu.memory_space<vmem_shared>>
      %dma_start3A_147 = arith.constant 0 : i32
      %dma_start3A_148 = tpu.memref_slice %arg13[%add3A_57, %dma_start3A_147] : memref<10240x128xf32, #tpu.memory_space<vmem_shared>> -> memref<32x128xf32, #tpu.memory_space<vmem_shared>>
      tpu.enqueue_dma source(%arg12 : memref<32x128xf32, #tpu.memory_space<vmem>>) target(%dma_start3A_148 : memref<32x128xf32, #tpu.memory_space<vmem_shared>>) target_semaphore(%run_scoped3A : memref<!tpu.dma_semaphore, #tpu.memory_space<semaphore_mem>>)
      %dma_wait3A_149 = arith.constant 0 : i32
      %dma_wait3A_150 = tpu.memref_slice %arg13[%add3A_57, %dma_wait3A_149] : memref<10240x128xf32, #tpu.memory_space<vmem_shared>> -> memref<32x128xf32, #tpu.memory_space<vmem_shared>>
      %dma_wait3A_151 = arith.constant 0 : i32
      %dma_wait3A_152 = tpu.memref_slice %arg13[%add3A_57, %dma_wait3A_151] : memref<10240x128xf32, #tpu.memory_space<vmem_shared>> -> memref<32x128xf32, #tpu.memory_space<vmem_shared>>
      tpu.wait_dma2 semaphore(%run_scoped3A : memref<!tpu.dma_semaphore, #tpu.memory_space<semaphore_mem>>) src(%arg12 : memref<32x128xf32, #tpu.memory_space<vmem>>) dst(%dma_wait3A_152 : memref<32x128xf32, #tpu.memory_space<vmem_shared>>)
      tpu.yield
    }) : () -> ()
    %mul3A_58 = arith.constant 640 : i32
    %mul3A_59 = arith.muli %arg1, %mul3A_58 : i32
    %add3A_60 = arith.constant 416 : i32
    %add3A_61 = arith.addi %mul3A_59, %add3A_60 : i32
    "tpu.region"() ({
      %run_scoped3A = tpu.sem_alloc : memref<!tpu.dma_semaphore, #tpu.memory_space<semaphore_mem>>
      %dma_start3A = arith.constant 0 : i32
      %dma_start3A_146 = tpu.memref_slice %arg13[%add3A_61, %dma_start3A] : memref<10240x128xf32, #tpu.memory_space<vmem_shared>> -> memref<32x128xf32, #tpu.memory_space<vmem_shared>>
      %dma_start3A_147 = arith.constant 0 : i32
      %dma_start3A_148 = tpu.memref_slice %arg13[%add3A_61, %dma_start3A_147] : memref<10240x128xf32, #tpu.memory_space<vmem_shared>> -> memref<32x128xf32, #tpu.memory_space<vmem_shared>>
      tpu.enqueue_dma source(%arg12 : memref<32x128xf32, #tpu.memory_space<vmem>>) target(%dma_start3A_148 : memref<32x128xf32, #tpu.memory_space<vmem_shared>>) target_semaphore(%run_scoped3A : memref<!tpu.dma_semaphore, #tpu.memory_space<semaphore_mem>>)
      %dma_wait3A_149 = arith.constant 0 : i32
      %dma_wait3A_150 = tpu.memref_slice %arg13[%add3A_61, %dma_wait3A_149] : memref<10240x128xf32, #tpu.memory_space<vmem_shared>> -> memref<32x128xf32, #tpu.memory_space<vmem_shared>>
      %dma_wait3A_151 = arith.constant 0 : i32
      %dma_wait3A_152 = tpu.memref_slice %arg13[%add3A_61, %dma_wait3A_151] : memref<10240x128xf32, #tpu.memory_space<vmem_shared>> -> memref<32x128xf32, #tpu.memory_space<vmem_shared>>
      tpu.wait_dma2 semaphore(%run_scoped3A : memref<!tpu.dma_semaphore, #tpu.memory_space<semaphore_mem>>) src(%arg12 : memref<32x128xf32, #tpu.memory_space<vmem>>) dst(%dma_wait3A_152 : memref<32x128xf32, #tpu.memory_space<vmem_shared>>)
      tpu.yield
    }) : () -> ()
    %mul3A_62 = arith.constant 640 : i32
    %mul3A_63 = arith.muli %arg1, %mul3A_62 : i32
    %add3A_64 = arith.constant 448 : i32
    %add3A_65 = arith.addi %mul3A_63, %add3A_64 : i32
    "tpu.region"() ({
      %run_scoped3A = tpu.sem_alloc : memref<!tpu.dma_semaphore, #tpu.memory_space<semaphore_mem>>
      %dma_start3A = arith.constant 0 : i32
      %dma_start3A_146 = tpu.memref_slice %arg13[%add3A_65, %dma_start3A] : memref<10240x128xf32, #tpu.memory_space<vmem_shared>> -> memref<32x128xf32, #tpu.memory_space<vmem_shared>>
      %dma_start3A_147 = arith.constant 0 : i32
      %dma_start3A_148 = tpu.memref_slice %arg13[%add3A_65, %dma_start3A_147] : memref<10240x128xf32, #tpu.memory_space<vmem_shared>> -> memref<32x128xf32, #tpu.memory_space<vmem_shared>>
      tpu.enqueue_dma source(%arg12 : memref<32x128xf32, #tpu.memory_space<vmem>>) target(%dma_start3A_148 : memref<32x128xf32, #tpu.memory_space<vmem_shared>>) target_semaphore(%run_scoped3A : memref<!tpu.dma_semaphore, #tpu.memory_space<semaphore_mem>>)
      %dma_wait3A_149 = arith.constant 0 : i32
      %dma_wait3A_150 = tpu.memref_slice %arg13[%add3A_65, %dma_wait3A_149] : memref<10240x128xf32, #tpu.memory_space<vmem_shared>> -> memref<32x128xf32, #tpu.memory_space<vmem_shared>>
      %dma_wait3A_151 = arith.constant 0 : i32
      %dma_wait3A_152 = tpu.memref_slice %arg13[%add3A_65, %dma_wait3A_151] : memref<10240x128xf32, #tpu.memory_space<vmem_shared>> -> memref<32x128xf32, #tpu.memory_space<vmem_shared>>
      tpu.wait_dma2 semaphore(%run_scoped3A : memref<!tpu.dma_semaphore, #tpu.memory_space<semaphore_mem>>) src(%arg12 : memref<32x128xf32, #tpu.memory_space<vmem>>) dst(%dma_wait3A_152 : memref<32x128xf32, #tpu.memory_space<vmem_shared>>)
      tpu.yield
    }) : () -> ()
    %mul3A_66 = arith.constant 640 : i32
    %mul3A_67 = arith.muli %arg1, %mul3A_66 : i32
    %add3A_68 = arith.constant 480 : i32
    %add3A_69 = arith.addi %mul3A_67, %add3A_68 : i32
    "tpu.region"() ({
      %run_scoped3A = tpu.sem_alloc : memref<!tpu.dma_semaphore, #tpu.memory_space<semaphore_mem>>
      %dma_start3A = arith.constant 0 : i32
      %dma_start3A_146 = tpu.memref_slice %arg13[%add3A_69, %dma_start3A] : memref<10240x128xf32, #tpu.memory_space<vmem_shared>> -> memref<32x128xf32, #tpu.memory_space<vmem_shared>>
      %dma_start3A_147 = arith.constant 0 : i32
      %dma_start3A_148 = tpu.memref_slice %arg13[%add3A_69, %dma_start3A_147] : memref<10240x128xf32, #tpu.memory_space<vmem_shared>> -> memref<32x128xf32, #tpu.memory_space<vmem_shared>>
      tpu.enqueue_dma source(%arg12 : memref<32x128xf32, #tpu.memory_space<vmem>>) target(%dma_start3A_148 : memref<32x128xf32, #tpu.memory_space<vmem_shared>>) target_semaphore(%run_scoped3A : memref<!tpu.dma_semaphore, #tpu.memory_space<semaphore_mem>>)
      %dma_wait3A_149 = arith.constant 0 : i32
      %dma_wait3A_150 = tpu.memref_slice %arg13[%add3A_69, %dma_wait3A_149] : memref<10240x128xf32, #tpu.memory_space<vmem_shared>> -> memref<32x128xf32, #tpu.memory_space<vmem_shared>>
      %dma_wait3A_151 = arith.constant 0 : i32
      %dma_wait3A_152 = tpu.memref_slice %arg13[%add3A_69, %dma_wait3A_151] : memref<10240x128xf32, #tpu.memory_space<vmem_shared>> -> memref<32x128xf32, #tpu.memory_space<vmem_shared>>
      tpu.wait_dma2 semaphore(%run_scoped3A : memref<!tpu.dma_semaphore, #tpu.memory_space<semaphore_mem>>) src(%arg12 : memref<32x128xf32, #tpu.memory_space<vmem>>) dst(%dma_wait3A_152 : memref<32x128xf32, #tpu.memory_space<vmem_shared>>)
      tpu.yield
    }) : () -> ()
    %mul3A_70 = arith.constant 640 : i32
    %mul3A_71 = arith.muli %arg1, %mul3A_70 : i32
    %add3A_72 = arith.constant 512 : i32
    %add3A_73 = arith.addi %mul3A_71, %add3A_72 : i32
    "tpu.region"() ({
      %run_scoped3A = tpu.sem_alloc : memref<!tpu.dma_semaphore, #tpu.memory_space<semaphore_mem>>
      %dma_start3A = arith.constant 0 : i32
      %dma_start3A_146 = tpu.memref_slice %arg13[%add3A_73, %dma_start3A] : memref<10240x128xf32, #tpu.memory_space<vmem_shared>> -> memref<32x128xf32, #tpu.memory_space<vmem_shared>>
      %dma_start3A_147 = arith.constant 0 : i32
      %dma_start3A_148 = tpu.memref_slice %arg13[%add3A_73, %dma_start3A_147] : memref<10240x128xf32, #tpu.memory_space<vmem_shared>> -> memref<32x128xf32, #tpu.memory_space<vmem_shared>>
      tpu.enqueue_dma source(%arg12 : memref<32x128xf32, #tpu.memory_space<vmem>>) target(%dma_start3A_148 : memref<32x128xf32, #tpu.memory_space<vmem_shared>>) target_semaphore(%run_scoped3A : memref<!tpu.dma_semaphore, #tpu.memory_space<semaphore_mem>>)
      %dma_wait3A_149 = arith.constant 0 : i32
      %dma_wait3A_150 = tpu.memref_slice %arg13[%add3A_73, %dma_wait3A_149] : memref<10240x128xf32, #tpu.memory_space<vmem_shared>> -> memref<32x128xf32, #tpu.memory_space<vmem_shared>>
      %dma_wait3A_151 = arith.constant 0 : i32
      %dma_wait3A_152 = tpu.memref_slice %arg13[%add3A_73, %dma_wait3A_151] : memref<10240x128xf32, #tpu.memory_space<vmem_shared>> -> memref<32x128xf32, #tpu.memory_space<vmem_shared>>
      tpu.wait_dma2 semaphore(%run_scoped3A : memref<!tpu.dma_semaphore, #tpu.memory_space<semaphore_mem>>) src(%arg12 : memref<32x128xf32, #tpu.memory_space<vmem>>) dst(%dma_wait3A_152 : memref<32x128xf32, #tpu.memory_space<vmem_shared>>)
      tpu.yield
    }) : () -> ()
    %mul3A_74 = arith.constant 640 : i32
    %mul3A_75 = arith.muli %arg1, %mul3A_74 : i32
    %add3A_76 = arith.constant 544 : i32
    %add3A_77 = arith.addi %mul3A_75, %add3A_76 : i32
    "tpu.region"() ({
      %run_scoped3A = tpu.sem_alloc : memref<!tpu.dma_semaphore, #tpu.memory_space<semaphore_mem>>
      %dma_start3A = arith.constant 0 : i32
      %dma_start3A_146 = tpu.memref_slice %arg13[%add3A_77, %dma_start3A] : memref<10240x128xf32, #tpu.memory_space<vmem_shared>> -> memref<32x128xf32, #tpu.memory_space<vmem_shared>>
      %dma_start3A_147 = arith.constant 0 : i32
      %dma_start3A_148 = tpu.memref_slice %arg13[%add3A_77, %dma_start3A_147] : memref<10240x128xf32, #tpu.memory_space<vmem_shared>> -> memref<32x128xf32, #tpu.memory_space<vmem_shared>>
      tpu.enqueue_dma source(%arg12 : memref<32x128xf32, #tpu.memory_space<vmem>>) target(%dma_start3A_148 : memref<32x128xf32, #tpu.memory_space<vmem_shared>>) target_semaphore(%run_scoped3A : memref<!tpu.dma_semaphore, #tpu.memory_space<semaphore_mem>>)
      %dma_wait3A_149 = arith.constant 0 : i32
      %dma_wait3A_150 = tpu.memref_slice %arg13[%add3A_77, %dma_wait3A_149] : memref<10240x128xf32, #tpu.memory_space<vmem_shared>> -> memref<32x128xf32, #tpu.memory_space<vmem_shared>>
      %dma_wait3A_151 = arith.constant 0 : i32
      %dma_wait3A_152 = tpu.memref_slice %arg13[%add3A_77, %dma_wait3A_151] : memref<10240x128xf32, #tpu.memory_space<vmem_shared>> -> memref<32x128xf32, #tpu.memory_space<vmem_shared>>
      tpu.wait_dma2 semaphore(%run_scoped3A : memref<!tpu.dma_semaphore, #tpu.memory_space<semaphore_mem>>) src(%arg12 : memref<32x128xf32, #tpu.memory_space<vmem>>) dst(%dma_wait3A_152 : memref<32x128xf32, #tpu.memory_space<vmem_shared>>)
      tpu.yield
    }) : () -> ()
    %mul3A_78 = arith.constant 640 : i32
    %mul3A_79 = arith.muli %arg1, %mul3A_78 : i32
    %add3A_80 = arith.constant 576 : i32
    %add3A_81 = arith.addi %mul3A_79, %add3A_80 : i32
    "tpu.region"() ({
      %run_scoped3A = tpu.sem_alloc : memref<!tpu.dma_semaphore, #tpu.memory_space<semaphore_mem>>
      %dma_start3A = arith.constant 0 : i32
      %dma_start3A_146 = tpu.memref_slice %arg13[%add3A_81, %dma_start3A] : memref<10240x128xf32, #tpu.memory_space<vmem_shared>> -> memref<32x128xf32, #tpu.memory_space<vmem_shared>>
      %dma_start3A_147 = arith.constant 0 : i32
      %dma_start3A_148 = tpu.memref_slice %arg13[%add3A_81, %dma_start3A_147] : memref<10240x128xf32, #tpu.memory_space<vmem_shared>> -> memref<32x128xf32, #tpu.memory_space<vmem_shared>>
      tpu.enqueue_dma source(%arg12 : memref<32x128xf32, #tpu.memory_space<vmem>>) target(%dma_start3A_148 : memref<32x128xf32, #tpu.memory_space<vmem_shared>>) target_semaphore(%run_scoped3A : memref<!tpu.dma_semaphore, #tpu.memory_space<semaphore_mem>>)
      %dma_wait3A_149 = arith.constant 0 : i32
      %dma_wait3A_150 = tpu.memref_slice %arg13[%add3A_81, %dma_wait3A_149] : memref<10240x128xf32, #tpu.memory_space<vmem_shared>> -> memref<32x128xf32, #tpu.memory_space<vmem_shared>>
      %dma_wait3A_151 = arith.constant 0 : i32
      %dma_wait3A_152 = tpu.memref_slice %arg13[%add3A_81, %dma_wait3A_151] : memref<10240x128xf32, #tpu.memory_space<vmem_shared>> -> memref<32x128xf32, #tpu.memory_space<vmem_shared>>
      tpu.wait_dma2 semaphore(%run_scoped3A : memref<!tpu.dma_semaphore, #tpu.memory_space<semaphore_mem>>) src(%arg12 : memref<32x128xf32, #tpu.memory_space<vmem>>) dst(%dma_wait3A_152 : memref<32x128xf32, #tpu.memory_space<vmem_shared>>)
      tpu.yield
    }) : () -> ()
    %mul3A_82 = arith.constant 640 : i32
    %mul3A_83 = arith.muli %arg1, %mul3A_82 : i32
    %add3A_84 = arith.constant 608 : i32
    %add3A_85 = arith.addi %mul3A_83, %add3A_84 : i32
    "tpu.region"() ({
      %run_scoped3A = tpu.sem_alloc : memref<!tpu.dma_semaphore, #tpu.memory_space<semaphore_mem>>
      %dma_start3A = arith.constant 0 : i32
      %dma_start3A_146 = tpu.memref_slice %arg13[%add3A_85, %dma_start3A] : memref<10240x128xf32, #tpu.memory_space<vmem_shared>> -> memref<32x128xf32, #tpu.memory_space<vmem_shared>>
      %dma_start3A_147 = arith.constant 0 : i32
      %dma_start3A_148 = tpu.memref_slice %arg13[%add3A_85, %dma_start3A_147] : memref<10240x128xf32, #tpu.memory_space<vmem_shared>> -> memref<32x128xf32, #tpu.memory_space<vmem_shared>>
      tpu.enqueue_dma source(%arg12 : memref<32x128xf32, #tpu.memory_space<vmem>>) target(%dma_start3A_148 : memref<32x128xf32, #tpu.memory_space<vmem_shared>>) target_semaphore(%run_scoped3A : memref<!tpu.dma_semaphore, #tpu.memory_space<semaphore_mem>>)
      %dma_wait3A_149 = arith.constant 0 : i32
      %dma_wait3A_150 = tpu.memref_slice %arg13[%add3A_85, %dma_wait3A_149] : memref<10240x128xf32, #tpu.memory_space<vmem_shared>> -> memref<32x128xf32, #tpu.memory_space<vmem_shared>>
      %dma_wait3A_151 = arith.constant 0 : i32
      %dma_wait3A_152 = tpu.memref_slice %arg13[%add3A_85, %dma_wait3A_151] : memref<10240x128xf32, #tpu.memory_space<vmem_shared>> -> memref<32x128xf32, #tpu.memory_space<vmem_shared>>
      tpu.wait_dma2 semaphore(%run_scoped3A : memref<!tpu.dma_semaphore, #tpu.memory_space<semaphore_mem>>) src(%arg12 : memref<32x128xf32, #tpu.memory_space<vmem>>) dst(%dma_wait3A_152 : memref<32x128xf32, #tpu.memory_space<vmem_shared>>)
      tpu.yield
    }) : () -> ()
    %barrier3A = arith.constant 0 : index
    tpu.barrier barrier_id(%barrier3A)
    %mul3A_86 = arith.constant 160 : i32
    %mul3A_87 = arith.muli %add3A, %mul3A_86 : i32
    %scan3A_88 = arith.constant 0 : i32
    %scan3A_89 = arith.constant 0 : i32
    %scan3A_90 = arith.constant 10 : i32
    %scan3A_91 = arith.addi %scan3A_89, %scan3A_90 : i32
    %scan3A_92 = arith.constant 1 : i32
    scf.for %scan3A_146 = %scan3A_89 to %scan3A_91 step %scan3A_92  : i32 {
      %jit3A = arith.constant 2 : i32
      %eq3A = arith.constant 0 : i32
      %eq3A_147 = arith.cmpi eq, %jit3A, %eq3A : i32
      %jit3A_148 = arith.constant 1 : i32
      %select_n3A = arith.select %eq3A_147, %jit3A_148, %jit3A : i32
      %rem3A = arith.remsi %scan3A_146, %select_n3A : i32
      %ne3A = arith.constant 0 : i32
      %ne3A_149 = arith.cmpi ne, %rem3A, %ne3A : i32
      %lt3A = arith.constant 0 : i32
      %lt3A_150 = arith.cmpi slt, %rem3A, %lt3A : i32
      %lt3A_151 = arith.constant 0 : i32
      %lt3A_152 = arith.cmpi slt, %select_n3A, %lt3A_151 : i32
      %ne3A_153 = arith.xori %lt3A_150, %lt3A_152 : i1
      %and3A = arith.andi %ne3A_153, %ne3A_149 : i1
      %add3A_154 = arith.addi %rem3A, %select_n3A : i32
      %select_n3A_155 = arith.select %and3A, %add3A_154, %rem3A : i32
      %mul3A_156 = arith.constant 16 : i32
      %mul3A_157 = arith.muli %scan3A_146, %mul3A_156 : i32
      %add3A_158 = arith.addi %mul3A_87, %mul3A_157 : i32
      "tpu.region"() ({
        %run_scoped3A = tpu.sem_alloc : memref<!tpu.dma_semaphore, #tpu.memory_space<semaphore_mem>>
        %dma_start3A = arith.constant 0 : i32
        %dma_start3A_165 = arith.constant 0 : i32
        %dma_start3A_166 = tpu.memref_slice %arg6[%select_n3A_155, %dma_start3A, %dma_start3A_165] : memref<2x16x64xi32, #tpu.memory_space<vmem>> -> memref<1x16x64xi32, #tpu.memory_space<vmem>>
        %dma_start3A_167 = tpu.memref_squeeze %dma_start3A_166 : memref<1x16x64xi32, #tpu.memory_space<vmem>> -> memref<16x64xi32, #tpu.memory_space<vmem>>
        %dma_start3A_168 = arith.constant 0 : i32
        %dma_start3A_169 = tpu.memref_slice %arg3[%add3A_158, %dma_start3A_168] : memref<5120x64xi32, #tpu.memory_space<hbm>> -> memref<16x64xi32, #tpu.memory_space<hbm>>
        %dma_start3A_170 = arith.constant 0 : i32
        %dma_start3A_171 = arith.constant 0 : i32
        %dma_start3A_172 = tpu.memref_slice %arg6[%select_n3A_155, %dma_start3A_170, %dma_start3A_171] : memref<2x16x64xi32, #tpu.memory_space<vmem>> -> memref<1x16x64xi32, #tpu.memory_space<vmem>>
        %dma_start3A_173 = tpu.memref_squeeze %dma_start3A_172 : memref<1x16x64xi32, #tpu.memory_space<vmem>> -> memref<16x64xi32, #tpu.memory_space<vmem>>
        %dma_start3A_174 = arith.constant 0 : i32
        %dma_start3A_175 = tpu.memref_slice %arg3[%add3A_158, %dma_start3A_174] : memref<5120x64xi32, #tpu.memory_space<hbm>> -> memref<16x64xi32, #tpu.memory_space<hbm>>
        tpu.enqueue_dma source(%dma_start3A_175 : memref<16x64xi32, #tpu.memory_space<hbm>>) target(%dma_start3A_173 : memref<16x64xi32, #tpu.memory_space<vmem>>) target_semaphore(%run_scoped3A : memref<!tpu.dma_semaphore, #tpu.memory_space<semaphore_mem>>)
        %dma_wait3A_176 = arith.constant 0 : i32
        %dma_wait3A_177 = arith.constant 0 : i32
        %dma_wait3A_178 = tpu.memref_slice %arg6[%select_n3A_155, %dma_wait3A_176, %dma_wait3A_177] : memref<2x16x64xi32, #tpu.memory_space<vmem>> -> memref<1x16x64xi32, #tpu.memory_space<vmem>>
        %dma_wait3A_179 = tpu.memref_squeeze %dma_wait3A_178 : memref<1x16x64xi32, #tpu.memory_space<vmem>> -> memref<16x64xi32, #tpu.memory_space<vmem>>
        %dma_wait3A_180 = arith.constant 0 : i32
        %dma_wait3A_181 = tpu.memref_slice %arg3[%add3A_158, %dma_wait3A_180] : memref<5120x64xi32, #tpu.memory_space<hbm>> -> memref<16x64xi32, #tpu.memory_space<hbm>>
        %dma_wait3A_182 = arith.constant 0 : i32
        %dma_wait3A_183 = arith.constant 0 : i32
        %dma_wait3A_184 = tpu.memref_slice %arg6[%select_n3A_155, %dma_wait3A_182, %dma_wait3A_183] : memref<2x16x64xi32, #tpu.memory_space<vmem>> -> memref<1x16x64xi32, #tpu.memory_space<vmem>>
        %dma_wait3A_185 = tpu.memref_squeeze %dma_wait3A_184 : memref<1x16x64xi32, #tpu.memory_space<vmem>> -> memref<16x64xi32, #tpu.memory_space<vmem>>
        %dma_wait3A_186 = arith.constant 0 : i32
        %dma_wait3A_187 = tpu.memref_slice %arg3[%add3A_158, %dma_wait3A_186] : memref<5120x64xi32, #tpu.memory_space<hbm>> -> memref<16x64xi32, #tpu.memory_space<hbm>>
        tpu.wait_dma2 semaphore(%run_scoped3A : memref<!tpu.dma_semaphore, #tpu.memory_space<semaphore_mem>>) src(%dma_wait3A_187 : memref<16x64xi32, #tpu.memory_space<hbm>>) dst(%dma_wait3A_185 : memref<16x64xi32, #tpu.memory_space<vmem>>)
        tpu.yield
      }) : () -> ()
      "tpu.region"() ({
        %run_scoped3A = tpu.sem_alloc : memref<!tpu.dma_semaphore, #tpu.memory_space<semaphore_mem>>
        %dma_start3A = arith.constant 0 : i32
        %dma_start3A_165 = arith.constant 0 : i32
        %dma_start3A_166 = tpu.memref_slice %arg7[%select_n3A_155, %dma_start3A, %dma_start3A_165] : memref<2x16x64xi32, #tpu.memory_space<vmem>> -> memref<1x16x64xi32, #tpu.memory_space<vmem>>
        %dma_start3A_167 = tpu.memref_squeeze %dma_start3A_166 : memref<1x16x64xi32, #tpu.memory_space<vmem>> -> memref<16x64xi32, #tpu.memory_space<vmem>>
        %dma_start3A_168 = arith.constant 0 : i32
        %dma_start3A_169 = tpu.memref_slice %arg4[%add3A_158, %dma_start3A_168] : memref<5120x64xi32, #tpu.memory_space<hbm>> -> memref<16x64xi32, #tpu.memory_space<hbm>>
        %dma_start3A_170 = arith.constant 0 : i32
        %dma_start3A_171 = arith.constant 0 : i32
        %dma_start3A_172 = tpu.memref_slice %arg7[%select_n3A_155, %dma_start3A_170, %dma_start3A_171] : memref<2x16x64xi32, #tpu.memory_space<vmem>> -> memref<1x16x64xi32, #tpu.memory_space<vmem>>
        %dma_start3A_173 = tpu.memref_squeeze %dma_start3A_172 : memref<1x16x64xi32, #tpu.memory_space<vmem>> -> memref<16x64xi32, #tpu.memory_space<vmem>>
        %dma_start3A_174 = arith.constant 0 : i32
        %dma_start3A_175 = tpu.memref_slice %arg4[%add3A_158, %dma_start3A_174] : memref<5120x64xi32, #tpu.memory_space<hbm>> -> memref<16x64xi32, #tpu.memory_space<hbm>>
        tpu.enqueue_dma source(%dma_start3A_175 : memref<16x64xi32, #tpu.memory_space<hbm>>) target(%dma_start3A_173 : memref<16x64xi32, #tpu.memory_space<vmem>>) target_semaphore(%run_scoped3A : memref<!tpu.dma_semaphore, #tpu.memory_space<semaphore_mem>>)
        %dma_wait3A_176 = arith.constant 0 : i32
        %dma_wait3A_177 = arith.constant 0 : i32
        %dma_wait3A_178 = tpu.memref_slice %arg7[%select_n3A_155, %dma_wait3A_176, %dma_wait3A_177] : memref<2x16x64xi32, #tpu.memory_space<vmem>> -> memref<1x16x64xi32, #tpu.memory_space<vmem>>
        %dma_wait3A_179 = tpu.memref_squeeze %dma_wait3A_178 : memref<1x16x64xi32, #tpu.memory_space<vmem>> -> memref<16x64xi32, #tpu.memory_space<vmem>>
        %dma_wait3A_180 = arith.constant 0 : i32
        %dma_wait3A_181 = tpu.memref_slice %arg4[%add3A_158, %dma_wait3A_180] : memref<5120x64xi32, #tpu.memory_space<hbm>> -> memref<16x64xi32, #tpu.memory_space<hbm>>
        %dma_wait3A_182 = arith.constant 0 : i32
        %dma_wait3A_183 = arith.constant 0 : i32
        %dma_wait3A_184 = tpu.memref_slice %arg7[%select_n3A_155, %dma_wait3A_182, %dma_wait3A_183] : memref<2x16x64xi32, #tpu.memory_space<vmem>> -> memref<1x16x64xi32, #tpu.memory_space<vmem>>
        %dma_wait3A_185 = tpu.memref_squeeze %dma_wait3A_184 : memref<1x16x64xi32, #tpu.memory_space<vmem>> -> memref<16x64xi32, #tpu.memory_space<vmem>>
        %dma_wait3A_186 = arith.constant 0 : i32
        %dma_wait3A_187 = tpu.memref_slice %arg4[%add3A_158, %dma_wait3A_186] : memref<5120x64xi32, #tpu.memory_space<hbm>> -> memref<16x64xi32, #tpu.memory_space<hbm>>
        tpu.wait_dma2 semaphore(%run_scoped3A : memref<!tpu.dma_semaphore, #tpu.memory_space<semaphore_mem>>) src(%dma_wait3A_187 : memref<16x64xi32, #tpu.memory_space<hbm>>) dst(%dma_wait3A_185 : memref<16x64xi32, #tpu.memory_space<vmem>>)
        tpu.yield
      }) : () -> ()
      %scan3A_159 = arith.constant 0 : i32
      %scan3A_160 = arith.constant 0 : i32
      %scan3A_161 = arith.constant 4 : i32
      %scan3A_162 = arith.addi %scan3A_160, %scan3A_161 : i32
      %scan3A_163 = arith.constant 1 : i32
      scf.for %scan3A_165 = %scan3A_160 to %scan3A_162 step %scan3A_163  : i32 {
        %mul3A_166 = arith.constant 4 : i32
        %mul3A_167 = arith.muli %scan3A_165, %mul3A_166 : i32
        %add3A_168 = arith.constant 0 : i32
        %add3A_169 = arith.addi %mul3A_167, %add3A_168 : i32
        %mul3A_170 = arith.constant 16 : i32
        %mul3A_171 = arith.muli %scan3A_146, %mul3A_170 : i32
        %add3A_172 = arith.addi %mul3A_171, %add3A_169 : i32
        %ge3A = arith.constant 4 : i32
        %ge3A_173 = arith.cmpi sge, %add3A_172, %ge3A : i32
        %convert_element_type3A = arith.extui %ge3A_173 : i1 to i32
        %cond3A = arith.constant 0 : i32
        %cond3A_174 = arith.cmpi ne, %convert_element_type3A, %cond3A : i32
        scf.if %cond3A_174 {
          %dma_wait3A_298 = arith.constant 0 : i32
          %dma_wait3A_299 = tpu.memref_slice %arg7[%select_n3A_155, %add3A_169, %dma_wait3A_298] : memref<2x16x64xi32, #tpu.memory_space<vmem>> -> memref<1x1x64xi32, #tpu.memory_space<vmem>>
          %dma_wait3A_300 = tpu.memref_squeeze %dma_wait3A_299 : memref<1x1x64xi32, #tpu.memory_space<vmem>> -> memref<64xi32, #tpu.memory_space<vmem>>
          %dma_wait3A_301 = arith.constant 0 : i32
          %dma_wait3A_302 = arith.constant 0 : i32
          %dma_wait3A_303 = tpu.memref_slice %arg13[%dma_wait3A_301, %dma_wait3A_302] : memref<10240x128xf32, #tpu.memory_space<vmem_shared>> -> memref<10240x128xf32, #tpu.memory_space<vmem_shared>>
          tpu.wait_indirect_dma semaphore(%arg18 : memref<!tpu.dma_semaphore, #tpu.memory_space<semaphore_mem>>) src(%arg8 : memref<64x128xf32, #tpu.memory_space<vmem>>) dst(%dma_wait3A_303 : memref<10240x128xf32, #tpu.memory_space<vmem_shared>>)
        } else {
        }
        %dma_start3A = arith.constant 0 : i32
        %dma_start3A_175 = tpu.memref_slice %arg6[%select_n3A_155, %add3A_169, %dma_start3A] : memref<2x16x64xi32, #tpu.memory_space<vmem>> -> memref<1x1x64xi32, #tpu.memory_space<vmem>>
        %dma_start3A_176 = tpu.memref_squeeze %dma_start3A_175 : memref<1x1x64xi32, #tpu.memory_space<vmem>> -> memref<64xi32, #tpu.memory_space<vmem>>
        %dma_start3A_177 = arith.constant 0 : i32
        %dma_start3A_178 = arith.constant 0 : i32
        %dma_start3A_179 = tpu.memref_slice %arg2[%dma_start3A_177, %dma_start3A_178] : memref<10000x128xf32, #tpu.memory_space<hbm>> -> memref<10000x128xf32, #tpu.memory_space<hbm>>
        tpu.enqueue_indirect_dma source(%dma_start3A_179 : memref<10000x128xf32, #tpu.memory_space<hbm>>) target(%arg8 : memref<64x128xf32, #tpu.memory_space<vmem>>) offsets(%dma_start3A_176 : memref<64xi32, #tpu.memory_space<vmem>>) semaphore(%arg14 : memref<!tpu.dma_semaphore, #tpu.memory_space<semaphore_mem>>)
        %mul3A_180 = arith.constant 4 : i32
        %mul3A_181 = arith.muli %scan3A_165, %mul3A_180 : i32
        %add3A_182 = arith.constant 1 : i32
        %add3A_183 = arith.addi %mul3A_181, %add3A_182 : i32
        %mul3A_184 = arith.constant 16 : i32
        %mul3A_185 = arith.muli %scan3A_146, %mul3A_184 : i32
        %add3A_186 = arith.addi %mul3A_185, %add3A_183 : i32
        %ge3A_187 = arith.constant 4 : i32
        %ge3A_188 = arith.cmpi sge, %add3A_186, %ge3A_187 : i32
        %convert_element_type3A_189 = arith.extui %ge3A_188 : i1 to i32
        %cond3A_190 = arith.constant 0 : i32
        %cond3A_191 = arith.cmpi ne, %convert_element_type3A_189, %cond3A_190 : i32
        scf.if %cond3A_191 {
          %dma_wait3A_298 = arith.constant 0 : i32
          %dma_wait3A_299 = tpu.memref_slice %arg7[%select_n3A_155, %add3A_183, %dma_wait3A_298] : memref<2x16x64xi32, #tpu.memory_space<vmem>> -> memref<1x1x64xi32, #tpu.memory_space<vmem>>
          %dma_wait3A_300 = tpu.memref_squeeze %dma_wait3A_299 : memref<1x1x64xi32, #tpu.memory_space<vmem>> -> memref<64xi32, #tpu.memory_space<vmem>>
          %dma_wait3A_301 = arith.constant 0 : i32
          %dma_wait3A_302 = arith.constant 0 : i32
          %dma_wait3A_303 = tpu.memref_slice %arg13[%dma_wait3A_301, %dma_wait3A_302] : memref<10240x128xf32, #tpu.memory_space<vmem_shared>> -> memref<10240x128xf32, #tpu.memory_space<vmem_shared>>
          tpu.wait_indirect_dma semaphore(%arg19 : memref<!tpu.dma_semaphore, #tpu.memory_space<semaphore_mem>>) src(%arg9 : memref<64x128xf32, #tpu.memory_space<vmem>>) dst(%dma_wait3A_303 : memref<10240x128xf32, #tpu.memory_space<vmem_shared>>)
        } else {
        }
        %dma_start3A_192 = arith.constant 0 : i32
        %dma_start3A_193 = tpu.memref_slice %arg6[%select_n3A_155, %add3A_183, %dma_start3A_192] : memref<2x16x64xi32, #tpu.memory_space<vmem>> -> memref<1x1x64xi32, #tpu.memory_space<vmem>>
        %dma_start3A_194 = tpu.memref_squeeze %dma_start3A_193 : memref<1x1x64xi32, #tpu.memory_space<vmem>> -> memref<64xi32, #tpu.memory_space<vmem>>
        %dma_start3A_195 = arith.constant 0 : i32
        %dma_start3A_196 = arith.constant 0 : i32
        %dma_start3A_197 = tpu.memref_slice %arg2[%dma_start3A_195, %dma_start3A_196] : memref<10000x128xf32, #tpu.memory_space<hbm>> -> memref<10000x128xf32, #tpu.memory_space<hbm>>
        tpu.enqueue_indirect_dma source(%dma_start3A_197 : memref<10000x128xf32, #tpu.memory_space<hbm>>) target(%arg9 : memref<64x128xf32, #tpu.memory_space<vmem>>) offsets(%dma_start3A_194 : memref<64xi32, #tpu.memory_space<vmem>>) semaphore(%arg15 : memref<!tpu.dma_semaphore, #tpu.memory_space<semaphore_mem>>)
        %mul3A_198 = arith.constant 4 : i32
        %mul3A_199 = arith.muli %scan3A_165, %mul3A_198 : i32
        %add3A_200 = arith.constant 2 : i32
        %add3A_201 = arith.addi %mul3A_199, %add3A_200 : i32
        %mul3A_202 = arith.constant 16 : i32
        %mul3A_203 = arith.muli %scan3A_146, %mul3A_202 : i32
        %add3A_204 = arith.addi %mul3A_203, %add3A_201 : i32
        %ge3A_205 = arith.constant 4 : i32
        %ge3A_206 = arith.cmpi sge, %add3A_204, %ge3A_205 : i32
        %convert_element_type3A_207 = arith.extui %ge3A_206 : i1 to i32
        %cond3A_208 = arith.constant 0 : i32
        %cond3A_209 = arith.cmpi ne, %convert_element_type3A_207, %cond3A_208 : i32
        scf.if %cond3A_209 {
          %dma_wait3A_298 = arith.constant 0 : i32
          %dma_wait3A_299 = tpu.memref_slice %arg7[%select_n3A_155, %add3A_201, %dma_wait3A_298] : memref<2x16x64xi32, #tpu.memory_space<vmem>> -> memref<1x1x64xi32, #tpu.memory_space<vmem>>
          %dma_wait3A_300 = tpu.memref_squeeze %dma_wait3A_299 : memref<1x1x64xi32, #tpu.memory_space<vmem>> -> memref<64xi32, #tpu.memory_space<vmem>>
          %dma_wait3A_301 = arith.constant 0 : i32
          %dma_wait3A_302 = arith.constant 0 : i32
          %dma_wait3A_303 = tpu.memref_slice %arg13[%dma_wait3A_301, %dma_wait3A_302] : memref<10240x128xf32, #tpu.memory_space<vmem_shared>> -> memref<10240x128xf32, #tpu.memory_space<vmem_shared>>
          tpu.wait_indirect_dma semaphore(%arg20 : memref<!tpu.dma_semaphore, #tpu.memory_space<semaphore_mem>>) src(%arg10 : memref<64x128xf32, #tpu.memory_space<vmem>>) dst(%dma_wait3A_303 : memref<10240x128xf32, #tpu.memory_space<vmem_shared>>)
        } else {
        }
        %dma_start3A_210 = arith.constant 0 : i32
        %dma_start3A_211 = tpu.memref_slice %arg6[%select_n3A_155, %add3A_201, %dma_start3A_210] : memref<2x16x64xi32, #tpu.memory_space<vmem>> -> memref<1x1x64xi32, #tpu.memory_space<vmem>>
        %dma_start3A_212 = tpu.memref_squeeze %dma_start3A_211 : memref<1x1x64xi32, #tpu.memory_space<vmem>> -> memref<64xi32, #tpu.memory_space<vmem>>
        %dma_start3A_213 = arith.constant 0 : i32
        %dma_start3A_214 = arith.constant 0 : i32
        %dma_start3A_215 = tpu.memref_slice %arg2[%dma_start3A_213, %dma_start3A_214] : memref<10000x128xf32, #tpu.memory_space<hbm>> -> memref<10000x128xf32, #tpu.memory_space<hbm>>
        tpu.enqueue_indirect_dma source(%dma_start3A_215 : memref<10000x128xf32, #tpu.memory_space<hbm>>) target(%arg10 : memref<64x128xf32, #tpu.memory_space<vmem>>) offsets(%dma_start3A_212 : memref<64xi32, #tpu.memory_space<vmem>>) semaphore(%arg16 : memref<!tpu.dma_semaphore, #tpu.memory_space<semaphore_mem>>)
        %mul3A_216 = arith.constant 4 : i32
        %mul3A_217 = arith.muli %scan3A_165, %mul3A_216 : i32
        %add3A_218 = arith.constant 3 : i32
        %add3A_219 = arith.addi %mul3A_217, %add3A_218 : i32
        %mul3A_220 = arith.constant 16 : i32
        %mul3A_221 = arith.muli %scan3A_146, %mul3A_220 : i32
        %add3A_222 = arith.addi %mul3A_221, %add3A_219 : i32
        %ge3A_223 = arith.constant 4 : i32
        %ge3A_224 = arith.cmpi sge, %add3A_222, %ge3A_223 : i32
        %convert_element_type3A_225 = arith.extui %ge3A_224 : i1 to i32
        %cond3A_226 = arith.constant 0 : i32
        %cond3A_227 = arith.cmpi ne, %convert_element_type3A_225, %cond3A_226 : i32
        scf.if %cond3A_227 {
          %dma_wait3A_298 = arith.constant 0 : i32
          %dma_wait3A_299 = tpu.memref_slice %arg7[%select_n3A_155, %add3A_219, %dma_wait3A_298] : memref<2x16x64xi32, #tpu.memory_space<vmem>> -> memref<1x1x64xi32, #tpu.memory_space<vmem>>
          %dma_wait3A_300 = tpu.memref_squeeze %dma_wait3A_299 : memref<1x1x64xi32, #tpu.memory_space<vmem>> -> memref<64xi32, #tpu.memory_space<vmem>>
          %dma_wait3A_301 = arith.constant 0 : i32
          %dma_wait3A_302 = arith.constant 0 : i32
          %dma_wait3A_303 = tpu.memref_slice %arg13[%dma_wait3A_301, %dma_wait3A_302] : memref<10240x128xf32, #tpu.memory_space<vmem_shared>> -> memref<10240x128xf32, #tpu.memory_space<vmem_shared>>
          tpu.wait_indirect_dma semaphore(%arg21 : memref<!tpu.dma_semaphore, #tpu.memory_space<semaphore_mem>>) src(%arg11 : memref<64x128xf32, #tpu.memory_space<vmem>>) dst(%dma_wait3A_303 : memref<10240x128xf32, #tpu.memory_space<vmem_shared>>)
        } else {
        }
        %dma_start3A_228 = arith.constant 0 : i32
        %dma_start3A_229 = tpu.memref_slice %arg6[%select_n3A_155, %add3A_219, %dma_start3A_228] : memref<2x16x64xi32, #tpu.memory_space<vmem>> -> memref<1x1x64xi32, #tpu.memory_space<vmem>>
        %dma_start3A_230 = tpu.memref_squeeze %dma_start3A_229 : memref<1x1x64xi32, #tpu.memory_space<vmem>> -> memref<64xi32, #tpu.memory_space<vmem>>
        %dma_start3A_231 = arith.constant 0 : i32
        %dma_start3A_232 = arith.constant 0 : i32
        %dma_start3A_233 = tpu.memref_slice %arg2[%dma_start3A_231, %dma_start3A_232] : memref<10000x128xf32, #tpu.memory_space<hbm>> -> memref<10000x128xf32, #tpu.memory_space<hbm>>
        tpu.enqueue_indirect_dma source(%dma_start3A_233 : memref<10000x128xf32, #tpu.memory_space<hbm>>) target(%arg11 : memref<64x128xf32, #tpu.memory_space<vmem>>) offsets(%dma_start3A_230 : memref<64xi32, #tpu.memory_space<vmem>>) semaphore(%arg17 : memref<!tpu.dma_semaphore, #tpu.memory_space<semaphore_mem>>)
        %mul3A_234 = arith.constant 4 : i32
        %mul3A_235 = arith.muli %scan3A_165, %mul3A_234 : i32
        %add3A_236 = arith.constant 0 : i32
        %add3A_237 = arith.addi %mul3A_235, %add3A_236 : i32
        %dma_wait3A_238 = arith.constant 0 : i32
        %dma_wait3A_239 = tpu.memref_slice %arg6[%select_n3A_155, %add3A_237, %dma_wait3A_238] : memref<2x16x64xi32, #tpu.memory_space<vmem>> -> memref<1x1x64xi32, #tpu.memory_space<vmem>>
        %dma_wait3A_240 = tpu.memref_squeeze %dma_wait3A_239 : memref<1x1x64xi32, #tpu.memory_space<vmem>> -> memref<64xi32, #tpu.memory_space<vmem>>
        %dma_wait3A_241 = arith.constant 0 : i32
        %dma_wait3A_242 = arith.constant 0 : i32
        %dma_wait3A_243 = tpu.memref_slice %arg2[%dma_wait3A_241, %dma_wait3A_242] : memref<10000x128xf32, #tpu.memory_space<hbm>> -> memref<10000x128xf32, #tpu.memory_space<hbm>>
        tpu.wait_indirect_dma semaphore(%arg14 : memref<!tpu.dma_semaphore, #tpu.memory_space<semaphore_mem>>) src(%dma_wait3A_243 : memref<10000x128xf32, #tpu.memory_space<hbm>>) dst(%arg8 : memref<64x128xf32, #tpu.memory_space<vmem>>)
        %dma_start3A_244 = arith.constant 0 : i32
        %dma_start3A_245 = tpu.memref_slice %arg7[%select_n3A_155, %add3A_237, %dma_start3A_244] : memref<2x16x64xi32, #tpu.memory_space<vmem>> -> memref<1x1x64xi32, #tpu.memory_space<vmem>>
        %dma_start3A_246 = tpu.memref_squeeze %dma_start3A_245 : memref<1x1x64xi32, #tpu.memory_space<vmem>> -> memref<64xi32, #tpu.memory_space<vmem>>
        %dma_start3A_247 = arith.constant 0 : i32
        %dma_start3A_248 = arith.constant 0 : i32
        %dma_start3A_249 = tpu.memref_slice %arg13[%dma_start3A_247, %dma_start3A_248] : memref<10240x128xf32, #tpu.memory_space<vmem_shared>> -> memref<10240x128xf32, #tpu.memory_space<vmem_shared>>
        tpu.enqueue_indirect_dma source(%arg8 : memref<64x128xf32, #tpu.memory_space<vmem>>) target(%dma_start3A_249 : memref<10240x128xf32, #tpu.memory_space<vmem_shared>>) offsets(%dma_start3A_246 : memref<64xi32, #tpu.memory_space<vmem>>) semaphore(%arg18 : memref<!tpu.dma_semaphore, #tpu.memory_space<semaphore_mem>>) {add = true}
        %mul3A_250 = arith.constant 4 : i32
        %mul3A_251 = arith.muli %scan3A_165, %mul3A_250 : i32
        %add3A_252 = arith.constant 1 : i32
        %add3A_253 = arith.addi %mul3A_251, %add3A_252 : i32
        %dma_wait3A_254 = arith.constant 0 : i32
        %dma_wait3A_255 = tpu.memref_slice %arg6[%select_n3A_155, %add3A_253, %dma_wait3A_254] : memref<2x16x64xi32, #tpu.memory_space<vmem>> -> memref<1x1x64xi32, #tpu.memory_space<vmem>>
        %dma_wait3A_256 = tpu.memref_squeeze %dma_wait3A_255 : memref<1x1x64xi32, #tpu.memory_space<vmem>> -> memref<64xi32, #tpu.memory_space<vmem>>
        %dma_wait3A_257 = arith.constant 0 : i32
        %dma_wait3A_258 = arith.constant 0 : i32
        %dma_wait3A_259 = tpu.memref_slice %arg2[%dma_wait3A_257, %dma_wait3A_258] : memref<10000x128xf32, #tpu.memory_space<hbm>> -> memref<10000x128xf32, #tpu.memory_space<hbm>>
        tpu.wait_indirect_dma semaphore(%arg15 : memref<!tpu.dma_semaphore, #tpu.memory_space<semaphore_mem>>) src(%dma_wait3A_259 : memref<10000x128xf32, #tpu.memory_space<hbm>>) dst(%arg9 : memref<64x128xf32, #tpu.memory_space<vmem>>)
        %dma_start3A_260 = arith.constant 0 : i32
        %dma_start3A_261 = tpu.memref_slice %arg7[%select_n3A_155, %add3A_253, %dma_start3A_260] : memref<2x16x64xi32, #tpu.memory_space<vmem>> -> memref<1x1x64xi32, #tpu.memory_space<vmem>>
        %dma_start3A_262 = tpu.memref_squeeze %dma_start3A_261 : memref<1x1x64xi32, #tpu.memory_space<vmem>> -> memref<64xi32, #tpu.memory_space<vmem>>
        %dma_start3A_263 = arith.constant 0 : i32
        %dma_start3A_264 = arith.constant 0 : i32
        %dma_start3A_265 = tpu.memref_slice %arg13[%dma_start3A_263, %dma_start3A_264] : memref<10240x128xf32, #tpu.memory_space<vmem_shared>> -> memref<10240x128xf32, #tpu.memory_space<vmem_shared>>
        tpu.enqueue_indirect_dma source(%arg9 : memref<64x128xf32, #tpu.memory_space<vmem>>) target(%dma_start3A_265 : memref<10240x128xf32, #tpu.memory_space<vmem_shared>>) offsets(%dma_start3A_262 : memref<64xi32, #tpu.memory_space<vmem>>) semaphore(%arg19 : memref<!tpu.dma_semaphore, #tpu.memory_space<semaphore_mem>>) {add = true}
        %mul3A_266 = arith.constant 4 : i32
        %mul3A_267 = arith.muli %scan3A_165, %mul3A_266 : i32
        %add3A_268 = arith.constant 2 : i32
        %add3A_269 = arith.addi %mul3A_267, %add3A_268 : i32
        %dma_wait3A_270 = arith.constant 0 : i32
        %dma_wait3A_271 = tpu.memref_slice %arg6[%select_n3A_155, %add3A_269, %dma_wait3A_270] : memref<2x16x64xi32, #tpu.memory_space<vmem>> -> memref<1x1x64xi32, #tpu.memory_space<vmem>>
        %dma_wait3A_272 = tpu.memref_squeeze %dma_wait3A_271 : memref<1x1x64xi32, #tpu.memory_space<vmem>> -> memref<64xi32, #tpu.memory_space<vmem>>
        %dma_wait3A_273 = arith.constant 0 : i32
        %dma_wait3A_274 = arith.constant 0 : i32
        %dma_wait3A_275 = tpu.memref_slice %arg2[%dma_wait3A_273, %dma_wait3A_274] : memref<10000x128xf32, #tpu.memory_space<hbm>> -> memref<10000x128xf32, #tpu.memory_space<hbm>>
        tpu.wait_indirect_dma semaphore(%arg16 : memref<!tpu.dma_semaphore, #tpu.memory_space<semaphore_mem>>) src(%dma_wait3A_275 : memref<10000x128xf32, #tpu.memory_space<hbm>>) dst(%arg10 : memref<64x128xf32, #tpu.memory_space<vmem>>)
        %dma_start3A_276 = arith.constant 0 : i32
        %dma_start3A_277 = tpu.memref_slice %arg7[%select_n3A_155, %add3A_269, %dma_start3A_276] : memref<2x16x64xi32, #tpu.memory_space<vmem>> -> memref<1x1x64xi32, #tpu.memory_space<vmem>>
        %dma_start3A_278 = tpu.memref_squeeze %dma_start3A_277 : memref<1x1x64xi32, #tpu.memory_space<vmem>> -> memref<64xi32, #tpu.memory_space<vmem>>
        %dma_start3A_279 = arith.constant 0 : i32
        %dma_start3A_280 = arith.constant 0 : i32
        %dma_start3A_281 = tpu.memref_slice %arg13[%dma_start3A_279, %dma_start3A_280] : memref<10240x128xf32, #tpu.memory_space<vmem_shared>> -> memref<10240x128xf32, #tpu.memory_space<vmem_shared>>
        tpu.enqueue_indirect_dma source(%arg10 : memref<64x128xf32, #tpu.memory_space<vmem>>) target(%dma_start3A_281 : memref<10240x128xf32, #tpu.memory_space<vmem_shared>>) offsets(%dma_start3A_278 : memref<64xi32, #tpu.memory_space<vmem>>) semaphore(%arg20 : memref<!tpu.dma_semaphore, #tpu.memory_space<semaphore_mem>>) {add = true}
        %mul3A_282 = arith.constant 4 : i32
        %mul3A_283 = arith.muli %scan3A_165, %mul3A_282 : i32
        %add3A_284 = arith.constant 3 : i32
        %add3A_285 = arith.addi %mul3A_283, %add3A_284 : i32
        %dma_wait3A_286 = arith.constant 0 : i32
        %dma_wait3A_287 = tpu.memref_slice %arg6[%select_n3A_155, %add3A_285, %dma_wait3A_286] : memref<2x16x64xi32, #tpu.memory_space<vmem>> -> memref<1x1x64xi32, #tpu.memory_space<vmem>>
        %dma_wait3A_288 = tpu.memref_squeeze %dma_wait3A_287 : memref<1x1x64xi32, #tpu.memory_space<vmem>> -> memref<64xi32, #tpu.memory_space<vmem>>
        %dma_wait3A_289 = arith.constant 0 : i32
        %dma_wait3A_290 = arith.constant 0 : i32
        %dma_wait3A_291 = tpu.memref_slice %arg2[%dma_wait3A_289, %dma_wait3A_290] : memref<10000x128xf32, #tpu.memory_space<hbm>> -> memref<10000x128xf32, #tpu.memory_space<hbm>>
        tpu.wait_indirect_dma semaphore(%arg17 : memref<!tpu.dma_semaphore, #tpu.memory_space<semaphore_mem>>) src(%dma_wait3A_291 : memref<10000x128xf32, #tpu.memory_space<hbm>>) dst(%arg11 : memref<64x128xf32, #tpu.memory_space<vmem>>)
        %dma_start3A_292 = arith.constant 0 : i32
        %dma_start3A_293 = tpu.memref_slice %arg7[%select_n3A_155, %add3A_285, %dma_start3A_292] : memref<2x16x64xi32, #tpu.memory_space<vmem>> -> memref<1x1x64xi32, #tpu.memory_space<vmem>>
        %dma_start3A_294 = tpu.memref_squeeze %dma_start3A_293 : memref<1x1x64xi32, #tpu.memory_space<vmem>> -> memref<64xi32, #tpu.memory_space<vmem>>
        %dma_start3A_295 = arith.constant 0 : i32
        %dma_start3A_296 = arith.constant 0 : i32
        %dma_start3A_297 = tpu.memref_slice %arg13[%dma_start3A_295, %dma_start3A_296] : memref<10240x128xf32, #tpu.memory_space<vmem_shared>> -> memref<10240x128xf32, #tpu.memory_space<vmem_shared>>
        tpu.enqueue_indirect_dma source(%arg11 : memref<64x128xf32, #tpu.memory_space<vmem>>) target(%dma_start3A_297 : memref<10240x128xf32, #tpu.memory_space<vmem_shared>>) offsets(%dma_start3A_294 : memref<64xi32, #tpu.memory_space<vmem>>) semaphore(%arg21 : memref<!tpu.dma_semaphore, #tpu.memory_space<semaphore_mem>>) {add = true}
      }
      %scan3A_164 = arith.constant 4 : i32
    }
    %scan3A_93 = arith.constant 10 : i32
    %dma_wait3A = arith.constant 0 : i32
    %dma_wait3A_94 = arith.constant 0 : i32
    %dma_wait3A_95 = arith.constant 0 : i32
    %dma_wait3A_96 = tpu.memref_slice %arg7[%dma_wait3A, %dma_wait3A_94, %dma_wait3A_95] : memref<2x16x64xi32, #tpu.memory_space<vmem>> -> memref<1x1x64xi32, #tpu.memory_space<vmem>>
    %dma_wait3A_97 = tpu.memref_squeeze %dma_wait3A_96 : memref<1x1x64xi32, #tpu.memory_space<vmem>> -> memref<64xi32, #tpu.memory_space<vmem>>
    %dma_wait3A_98 = arith.constant 0 : i32
    %dma_wait3A_99 = arith.constant 0 : i32
    %dma_wait3A_100 = tpu.memref_slice %arg13[%dma_wait3A_98, %dma_wait3A_99] : memref<10240x128xf32, #tpu.memory_space<vmem_shared>> -> memref<10240x128xf32, #tpu.memory_space<vmem_shared>>
    tpu.wait_indirect_dma semaphore(%arg18 : memref<!tpu.dma_semaphore, #tpu.memory_space<semaphore_mem>>) src(%arg8 : memref<64x128xf32, #tpu.memory_space<vmem>>) dst(%dma_wait3A_100 : memref<10240x128xf32, #tpu.memory_space<vmem_shared>>)
    %dma_wait3A_101 = arith.constant 0 : i32
    %dma_wait3A_102 = arith.constant 0 : i32
    %dma_wait3A_103 = arith.constant 0 : i32
    %dma_wait3A_104 = tpu.memref_slice %arg7[%dma_wait3A_101, %dma_wait3A_102, %dma_wait3A_103] : memref<2x16x64xi32, #tpu.memory_space<vmem>> -> memref<1x1x64xi32, #tpu.memory_space<vmem>>
    %dma_wait3A_105 = tpu.memref_squeeze %dma_wait3A_104 : memref<1x1x64xi32, #tpu.memory_space<vmem>> -> memref<64xi32, #tpu.memory_space<vmem>>
    %dma_wait3A_106 = arith.constant 0 : i32
    %dma_wait3A_107 = arith.constant 0 : i32
    %dma_wait3A_108 = tpu.memref_slice %arg13[%dma_wait3A_106, %dma_wait3A_107] : memref<10240x128xf32, #tpu.memory_space<vmem_shared>> -> memref<10240x128xf32, #tpu.memory_space<vmem_shared>>
    tpu.wait_indirect_dma semaphore(%arg19 : memref<!tpu.dma_semaphore, #tpu.memory_space<semaphore_mem>>) src(%arg9 : memref<64x128xf32, #tpu.memory_space<vmem>>) dst(%dma_wait3A_108 : memref<10240x128xf32, #tpu.memory_space<vmem_shared>>)
    %dma_wait3A_109 = arith.constant 0 : i32
    %dma_wait3A_110 = arith.constant 0 : i32
    %dma_wait3A_111 = arith.constant 0 : i32
    %dma_wait3A_112 = tpu.memref_slice %arg7[%dma_wait3A_109, %dma_wait3A_110, %dma_wait3A_111] : memref<2x16x64xi32, #tpu.memory_space<vmem>> -> memref<1x1x64xi32, #tpu.memory_space<vmem>>
    %dma_wait3A_113 = tpu.memref_squeeze %dma_wait3A_112 : memref<1x1x64xi32, #tpu.memory_space<vmem>> -> memref<64xi32, #tpu.memory_space<vmem>>
    %dma_wait3A_114 = arith.constant 0 : i32
    %dma_wait3A_115 = arith.constant 0 : i32
    %dma_wait3A_116 = tpu.memref_slice %arg13[%dma_wait3A_114, %dma_wait3A_115] : memref<10240x128xf32, #tpu.memory_space<vmem_shared>> -> memref<10240x128xf32, #tpu.memory_space<vmem_shared>>
    tpu.wait_indirect_dma semaphore(%arg20 : memref<!tpu.dma_semaphore, #tpu.memory_space<semaphore_mem>>) src(%arg10 : memref<64x128xf32, #tpu.memory_space<vmem>>) dst(%dma_wait3A_116 : memref<10240x128xf32, #tpu.memory_space<vmem_shared>>)
    %dma_wait3A_117 = arith.constant 0 : i32
    %dma_wait3A_118 = arith.constant 0 : i32
    %dma_wait3A_119 = arith.constant 0 : i32
    %dma_wait3A_120 = tpu.memref_slice %arg7[%dma_wait3A_117, %dma_wait3A_118, %dma_wait3A_119] : memref<2x16x64xi32, #tpu.memory_space<vmem>> -> memref<1x1x64xi32, #tpu.memory_space<vmem>>
    %dma_wait3A_121 = tpu.memref_squeeze %dma_wait3A_120 : memref<1x1x64xi32, #tpu.memory_space<vmem>> -> memref<64xi32, #tpu.memory_space<vmem>>
    %dma_wait3A_122 = arith.constant 0 : i32
    %dma_wait3A_123 = arith.constant 0 : i32
    %dma_wait3A_124 = tpu.memref_slice %arg13[%dma_wait3A_122, %dma_wait3A_123] : memref<10240x128xf32, #tpu.memory_space<vmem_shared>> -> memref<10240x128xf32, #tpu.memory_space<vmem_shared>>
    tpu.wait_indirect_dma semaphore(%arg21 : memref<!tpu.dma_semaphore, #tpu.memory_space<semaphore_mem>>) src(%arg11 : memref<64x128xf32, #tpu.memory_space<vmem>>) dst(%dma_wait3A_124 : memref<10240x128xf32, #tpu.memory_space<vmem_shared>>)
    %barrier3A_125 = arith.constant 0 : index
    tpu.barrier barrier_id(%barrier3A_125)
    %mul3A_126 = arith.constant 640 : i32
    %mul3A_127 = arith.muli %arg1, %mul3A_126 : i32
    %add3A_128 = arith.constant 0 : i32
    %add3A_129 = arith.addi %mul3A_127, %add3A_128 : i32
    "tpu.region"() ({
      %run_scoped3A = tpu.sem_alloc : memref<!tpu.dma_semaphore, #tpu.memory_space<semaphore_mem>>
      %dma_start3A = arith.constant 0 : i32
      %dma_start3A_146 = tpu.memref_slice %arg5[%arg0, %add3A_129, %dma_start3A] : memref<2x10240x128xf32, #tpu.memory_space<hbm>> -> memref<1x128x128xf32, #tpu.memory_space<hbm>>
      %dma_start3A_147 = tpu.memref_squeeze %dma_start3A_146 : memref<1x128x128xf32, #tpu.memory_space<hbm>> -> memref<128x128xf32, #tpu.memory_space<hbm>>
      %dma_start3A_148 = arith.constant 0 : i32
      %dma_start3A_149 = tpu.memref_slice %arg13[%add3A_129, %dma_start3A_148] : memref<10240x128xf32, #tpu.memory_space<vmem_shared>> -> memref<128x128xf32, #tpu.memory_space<vmem_shared>>
      tpu.enqueue_dma source(%dma_start3A_149 : memref<128x128xf32, #tpu.memory_space<vmem_shared>>) target(%dma_start3A_147 : memref<128x128xf32, #tpu.memory_space<hbm>>) target_semaphore(%run_scoped3A : memref<!tpu.dma_semaphore, #tpu.memory_space<semaphore_mem>>)
      %dma_wait3A_150 = arith.constant 0 : i32
      %dma_wait3A_151 = tpu.memref_slice %arg5[%arg0, %add3A_129, %dma_wait3A_150] : memref<2x10240x128xf32, #tpu.memory_space<hbm>> -> memref<1x128x128xf32, #tpu.memory_space<hbm>>
      %dma_wait3A_152 = tpu.memref_squeeze %dma_wait3A_151 : memref<1x128x128xf32, #tpu.memory_space<hbm>> -> memref<128x128xf32, #tpu.memory_space<hbm>>
      %dma_wait3A_153 = arith.constant 0 : i32
      %dma_wait3A_154 = tpu.memref_slice %arg13[%add3A_129, %dma_wait3A_153] : memref<10240x128xf32, #tpu.memory_space<vmem_shared>> -> memref<128x128xf32, #tpu.memory_space<vmem_shared>>
      tpu.wait_dma2 semaphore(%run_scoped3A : memref<!tpu.dma_semaphore, #tpu.memory_space<semaphore_mem>>) src(%dma_wait3A_154 : memref<128x128xf32, #tpu.memory_space<vmem_shared>>) dst(%dma_wait3A_152 : memref<128x128xf32, #tpu.memory_space<hbm>>)
      tpu.yield
    }) : () -> ()
    %mul3A_130 = arith.constant 640 : i32
    %mul3A_131 = arith.muli %arg1, %mul3A_130 : i32
    %add3A_132 = arith.constant 128 : i32
    %add3A_133 = arith.addi %mul3A_131, %add3A_132 : i32
    "tpu.region"() ({
      %run_scoped3A = tpu.sem_alloc : memref<!tpu.dma_semaphore, #tpu.memory_space<semaphore_mem>>
      %dma_start3A = arith.constant 0 : i32
      %dma_start3A_146 = tpu.memref_slice %arg5[%arg0, %add3A_133, %dma_start3A] : memref<2x10240x128xf32, #tpu.memory_space<hbm>> -> memref<1x128x128xf32, #tpu.memory_space<hbm>>
      %dma_start3A_147 = tpu.memref_squeeze %dma_start3A_146 : memref<1x128x128xf32, #tpu.memory_space<hbm>> -> memref<128x128xf32, #tpu.memory_space<hbm>>
      %dma_start3A_148 = arith.constant 0 : i32
      %dma_start3A_149 = tpu.memref_slice %arg13[%add3A_133, %dma_start3A_148] : memref<10240x128xf32, #tpu.memory_space<vmem_shared>> -> memref<128x128xf32, #tpu.memory_space<vmem_shared>>
      tpu.enqueue_dma source(%dma_start3A_149 : memref<128x128xf32, #tpu.memory_space<vmem_shared>>) target(%dma_start3A_147 : memref<128x128xf32, #tpu.memory_space<hbm>>) target_semaphore(%run_scoped3A : memref<!tpu.dma_semaphore, #tpu.memory_space<semaphore_mem>>)
      %dma_wait3A_150 = arith.constant 0 : i32
      %dma_wait3A_151 = tpu.memref_slice %arg5[%arg0, %add3A_133, %dma_wait3A_150] : memref<2x10240x128xf32, #tpu.memory_space<hbm>> -> memref<1x128x128xf32, #tpu.memory_space<hbm>>
      %dma_wait3A_152 = tpu.memref_squeeze %dma_wait3A_151 : memref<1x128x128xf32, #tpu.memory_space<hbm>> -> memref<128x128xf32, #tpu.memory_space<hbm>>
      %dma_wait3A_153 = arith.constant 0 : i32
      %dma_wait3A_154 = tpu.memref_slice %arg13[%add3A_133, %dma_wait3A_153] : memref<10240x128xf32, #tpu.memory_space<vmem_shared>> -> memref<128x128xf32, #tpu.memory_space<vmem_shared>>
      tpu.wait_dma2 semaphore(%run_scoped3A : memref<!tpu.dma_semaphore, #tpu.memory_space<semaphore_mem>>) src(%dma_wait3A_154 : memref<128x128xf32, #tpu.memory_space<vmem_shared>>) dst(%dma_wait3A_152 : memref<128x128xf32, #tpu.memory_space<hbm>>)
      tpu.yield
    }) : () -> ()
    %mul3A_134 = arith.constant 640 : i32
    %mul3A_135 = arith.muli %arg1, %mul3A_134 : i32
    %add3A_136 = arith.constant 256 : i32
    %add3A_137 = arith.addi %mul3A_135, %add3A_136 : i32
    "tpu.region"() ({
      %run_scoped3A = tpu.sem_alloc : memref<!tpu.dma_semaphore, #tpu.memory_space<semaphore_mem>>
      %dma_start3A = arith.constant 0 : i32
      %dma_start3A_146 = tpu.memref_slice %arg5[%arg0, %add3A_137, %dma_start3A] : memref<2x10240x128xf32, #tpu.memory_space<hbm>> -> memref<1x128x128xf32, #tpu.memory_space<hbm>>
      %dma_start3A_147 = tpu.memref_squeeze %dma_start3A_146 : memref<1x128x128xf32, #tpu.memory_space<hbm>> -> memref<128x128xf32, #tpu.memory_space<hbm>>
      %dma_start3A_148 = arith.constant 0 : i32
      %dma_start3A_149 = tpu.memref_slice %arg13[%add3A_137, %dma_start3A_148] : memref<10240x128xf32, #tpu.memory_space<vmem_shared>> -> memref<128x128xf32, #tpu.memory_space<vmem_shared>>
      tpu.enqueue_dma source(%dma_start3A_149 : memref<128x128xf32, #tpu.memory_space<vmem_shared>>) target(%dma_start3A_147 : memref<128x128xf32, #tpu.memory_space<hbm>>) target_semaphore(%run_scoped3A : memref<!tpu.dma_semaphore, #tpu.memory_space<semaphore_mem>>)
      %dma_wait3A_150 = arith.constant 0 : i32
      %dma_wait3A_151 = tpu.memref_slice %arg5[%arg0, %add3A_137, %dma_wait3A_150] : memref<2x10240x128xf32, #tpu.memory_space<hbm>> -> memref<1x128x128xf32, #tpu.memory_space<hbm>>
      %dma_wait3A_152 = tpu.memref_squeeze %dma_wait3A_151 : memref<1x128x128xf32, #tpu.memory_space<hbm>> -> memref<128x128xf32, #tpu.memory_space<hbm>>
      %dma_wait3A_153 = arith.constant 0 : i32
      %dma_wait3A_154 = tpu.memref_slice %arg13[%add3A_137, %dma_wait3A_153] : memref<10240x128xf32, #tpu.memory_space<vmem_shared>> -> memref<128x128xf32, #tpu.memory_space<vmem_shared>>
      tpu.wait_dma2 semaphore(%run_scoped3A : memref<!tpu.dma_semaphore, #tpu.memory_space<semaphore_mem>>) src(%dma_wait3A_154 : memref<128x128xf32, #tpu.memory_space<vmem_shared>>) dst(%dma_wait3A_152 : memref<128x128xf32, #tpu.memory_space<hbm>>)
      tpu.yield
    }) : () -> ()
    %mul3A_138 = arith.constant 640 : i32
    %mul3A_139 = arith.muli %arg1, %mul3A_138 : i32
    %add3A_140 = arith.constant 384 : i32
    %add3A_141 = arith.addi %mul3A_139, %add3A_140 : i32
    "tpu.region"() ({
      %run_scoped3A = tpu.sem_alloc : memref<!tpu.dma_semaphore, #tpu.memory_space<semaphore_mem>>
      %dma_start3A = arith.constant 0 : i32
      %dma_start3A_146 = tpu.memref_slice %arg5[%arg0, %add3A_141, %dma_start3A] : memref<2x10240x128xf32, #tpu.memory_space<hbm>> -> memref<1x128x128xf32, #tpu.memory_space<hbm>>
      %dma_start3A_147 = tpu.memref_squeeze %dma_start3A_146 : memref<1x128x128xf32, #tpu.memory_space<hbm>> -> memref<128x128xf32, #tpu.memory_space<hbm>>
      %dma_start3A_148 = arith.constant 0 : i32
      %dma_start3A_149 = tpu.memref_slice %arg13[%add3A_141, %dma_start3A_148] : memref<10240x128xf32, #tpu.memory_space<vmem_shared>> -> memref<128x128xf32, #tpu.memory_space<vmem_shared>>
      tpu.enqueue_dma source(%dma_start3A_149 : memref<128x128xf32, #tpu.memory_space<vmem_shared>>) target(%dma_start3A_147 : memref<128x128xf32, #tpu.memory_space<hbm>>) target_semaphore(%run_scoped3A : memref<!tpu.dma_semaphore, #tpu.memory_space<semaphore_mem>>)
      %dma_wait3A_150 = arith.constant 0 : i32
      %dma_wait3A_151 = tpu.memref_slice %arg5[%arg0, %add3A_141, %dma_wait3A_150] : memref<2x10240x128xf32, #tpu.memory_space<hbm>> -> memref<1x128x128xf32, #tpu.memory_space<hbm>>
      %dma_wait3A_152 = tpu.memref_squeeze %dma_wait3A_151 : memref<1x128x128xf32, #tpu.memory_space<hbm>> -> memref<128x128xf32, #tpu.memory_space<hbm>>
      %dma_wait3A_153 = arith.constant 0 : i32
      %dma_wait3A_154 = tpu.memref_slice %arg13[%add3A_141, %dma_wait3A_153] : memref<10240x128xf32, #tpu.memory_space<vmem_shared>> -> memref<128x128xf32, #tpu.memory_space<vmem_shared>>
      tpu.wait_dma2 semaphore(%run_scoped3A : memref<!tpu.dma_semaphore, #tpu.memory_space<semaphore_mem>>) src(%dma_wait3A_154 : memref<128x128xf32, #tpu.memory_space<vmem_shared>>) dst(%dma_wait3A_152 : memref<128x128xf32, #tpu.memory_space<hbm>>)
      tpu.yield
    }) : () -> ()
    %mul3A_142 = arith.constant 640 : i32
    %mul3A_143 = arith.muli %arg1, %mul3A_142 : i32
    %add3A_144 = arith.constant 512 : i32
    %add3A_145 = arith.addi %mul3A_143, %add3A_144 : i32
    "tpu.region"() ({
      %run_scoped3A = tpu.sem_alloc : memref<!tpu.dma_semaphore, #tpu.memory_space<semaphore_mem>>
      %dma_start3A = arith.constant 0 : i32
      %dma_start3A_146 = tpu.memref_slice %arg5[%arg0, %add3A_145, %dma_start3A] : memref<2x10240x128xf32, #tpu.memory_space<hbm>> -> memref<1x128x128xf32, #tpu.memory_space<hbm>>
      %dma_start3A_147 = tpu.memref_squeeze %dma_start3A_146 : memref<1x128x128xf32, #tpu.memory_space<hbm>> -> memref<128x128xf32, #tpu.memory_space<hbm>>
      %dma_start3A_148 = arith.constant 0 : i32
      %dma_start3A_149 = tpu.memref_slice %arg13[%add3A_145, %dma_start3A_148] : memref<10240x128xf32, #tpu.memory_space<vmem_shared>> -> memref<128x128xf32, #tpu.memory_space<vmem_shared>>
      tpu.enqueue_dma source(%dma_start3A_149 : memref<128x128xf32, #tpu.memory_space<vmem_shared>>) target(%dma_start3A_147 : memref<128x128xf32, #tpu.memory_space<hbm>>) target_semaphore(%run_scoped3A : memref<!tpu.dma_semaphore, #tpu.memory_space<semaphore_mem>>)
      %dma_wait3A_150 = arith.constant 0 : i32
      %dma_wait3A_151 = tpu.memref_slice %arg5[%arg0, %add3A_145, %dma_wait3A_150] : memref<2x10240x128xf32, #tpu.memory_space<hbm>> -> memref<1x128x128xf32, #tpu.memory_space<hbm>>
      %dma_wait3A_152 = tpu.memref_squeeze %dma_wait3A_151 : memref<1x128x128xf32, #tpu.memory_space<hbm>> -> memref<128x128xf32, #tpu.memory_space<hbm>>
      %dma_wait3A_153 = arith.constant 0 : i32
      %dma_wait3A_154 = tpu.memref_slice %arg13[%add3A_145, %dma_wait3A_153] : memref<10240x128xf32, #tpu.memory_space<vmem_shared>> -> memref<128x128xf32, #tpu.memory_space<vmem_shared>>
      tpu.wait_dma2 semaphore(%run_scoped3A : memref<!tpu.dma_semaphore, #tpu.memory_space<semaphore_mem>>) src(%dma_wait3A_154 : memref<128x128xf32, #tpu.memory_space<vmem_shared>>) dst(%dma_wait3A_152 : memref<128x128xf32, #tpu.memory_space<hbm>>)
      tpu.yield
    }) : () -> ()
    return
  }
}

#map = affine_map<(d0, d1) -> (0, 0)>
#map1 = affine_map<(d0, d1) -> (0, 0, 0)>
module attributes {stable_mosaic.version = 14 : i64} {
  func.func @_deg(%arg0: i32, %arg1: i32, %arg2: memref<5120x64xi32, #tpu.memory_space<hbm>>, %arg3: memref<5120x64xi32, #tpu.memory_space<hbm>>, %arg4: memref<2x2x10240xf32, #tpu.memory_space<hbm>>, %arg5: memref<16x64xi32, #tpu.memory_space<vmem>>, %arg6: memref<16x64xi32, #tpu.memory_space<vmem>>, %arg7: memref<16x64xf32, #tpu.memory_space<vmem>>, %arg8: memref<640xf32, #tpu.memory_space<vmem>>, %arg9: memref<10240xf32, #tpu.memory_space<vmem_shared>>, %arg10: memref<10240xf32, #tpu.memory_space<vmem_shared>>) attributes {dimension_semantics = [#tpu.dimension_semantics<core_parallel>, #tpu.dimension_semantics<subcore_parallel>], iteration_bounds = array<i64: 2, 16>, scalar_prefetch = 0 : i64, scratch_operands = 6 : i64, tpu.core_type = #tpu.core_type<sc_vector_subcore>, window_params = [{transform_indices = #map}, {transform_indices = #map}, {transform_indices = #map1}]} {
    %mul3A = arith.constant 2 : i32
    %mul3A_0 = arith.muli %arg1, %mul3A : i32
    %add3A = arith.addi %mul3A_0, %arg0 : i32
    %scan3A = arith.constant 0 : i32
    %scan3A_1 = arith.constant 0 : i32
    %scan3A_2 = arith.constant 16 : i32
    %scan3A_3 = arith.addi %scan3A_1, %scan3A_2 : i32
    %scan3A_4 = arith.constant 1 : i32
    scf.for %scan3A_34 = %scan3A_1 to %scan3A_3 step %scan3A_4  : i32 {
      %broadcast_in_dim3A = arith.constant 1.000000e+00 : f32
      %broadcast_in_dim3A_35 = vector.broadcast %broadcast_in_dim3A : f32 to vector<16xf32>
      %swap3A = arith.index_cast %scan3A_34 : i32 to index
      %swap3A_36 = arith.constant 0 : index
      %swap3A_37 = tpu.vector_load %arg7[%swap3A, %swap3A_36] {strides = array<i32>} : memref<16x64xf32, #tpu.memory_space<vmem>>, vector<1x16xf32>,
      %swap3A_38 = vector.shape_cast %swap3A_37 : vector<1x16xf32> to vector<16xf32>
      %swap3A_39 = vector.shape_cast %broadcast_in_dim3A_35 : vector<16xf32> to vector<1x16xf32>
      tpu.vector_store %arg7[%swap3A, %swap3A_36], %swap3A_39 {strides = array<i32>} : memref<16x64xf32, #tpu.memory_space<vmem>>, vector<1x16xf32>,
      %broadcast_in_dim3A_40 = arith.constant 1.000000e+00 : f32
      %broadcast_in_dim3A_41 = vector.broadcast %broadcast_in_dim3A_40 : f32 to vector<16xf32>
      %swap3A_42 = arith.index_cast %scan3A_34 : i32 to index
      %swap3A_43 = arith.constant 16 : index
      %swap3A_44 = tpu.vector_load %arg7[%swap3A_42, %swap3A_43] {strides = array<i32>} : memref<16x64xf32, #tpu.memory_space<vmem>>, vector<1x16xf32>,
      %swap3A_45 = vector.shape_cast %swap3A_44 : vector<1x16xf32> to vector<16xf32>
      %swap3A_46 = vector.shape_cast %broadcast_in_dim3A_41 : vector<16xf32> to vector<1x16xf32>
      tpu.vector_store %arg7[%swap3A_42, %swap3A_43], %swap3A_46 {strides = array<i32>} : memref<16x64xf32, #tpu.memory_space<vmem>>, vector<1x16xf32>,
      %broadcast_in_dim3A_47 = arith.constant 1.000000e+00 : f32
      %broadcast_in_dim3A_48 = vector.broadcast %broadcast_in_dim3A_47 : f32 to vector<16xf32>
      %swap3A_49 = arith.index_cast %scan3A_34 : i32 to index
      %swap3A_50 = arith.constant 32 : index
      %swap3A_51 = tpu.vector_load %arg7[%swap3A_49, %swap3A_50] {strides = array<i32>} : memref<16x64xf32, #tpu.memory_space<vmem>>, vector<1x16xf32>,
      %swap3A_52 = vector.shape_cast %swap3A_51 : vector<1x16xf32> to vector<16xf32>
      %swap3A_53 = vector.shape_cast %broadcast_in_dim3A_48 : vector<16xf32> to vector<1x16xf32>
      tpu.vector_store %arg7[%swap3A_49, %swap3A_50], %swap3A_53 {strides = array<i32>} : memref<16x64xf32, #tpu.memory_space<vmem>>, vector<1x16xf32>,
      %broadcast_in_dim3A_54 = arith.constant 1.000000e+00 : f32
      %broadcast_in_dim3A_55 = vector.broadcast %broadcast_in_dim3A_54 : f32 to vector<16xf32>
      %swap3A_56 = arith.index_cast %scan3A_34 : i32 to index
      %swap3A_57 = arith.constant 48 : index
      %swap3A_58 = tpu.vector_load %arg7[%swap3A_56, %swap3A_57] {strides = array<i32>} : memref<16x64xf32, #tpu.memory_space<vmem>>, vector<1x16xf32>,
      %swap3A_59 = vector.shape_cast %swap3A_58 : vector<1x16xf32> to vector<16xf32>
      %swap3A_60 = vector.shape_cast %broadcast_in_dim3A_55 : vector<16xf32> to vector<1x16xf32>
      tpu.vector_store %arg7[%swap3A_56, %swap3A_57], %swap3A_60 {strides = array<i32>} : memref<16x64xf32, #tpu.memory_space<vmem>>, vector<1x16xf32>,
    }
    %scan3A_5 = arith.constant 16 : i32
    %scan3A_6 = arith.constant 0 : i32
    %scan3A_7 = arith.constant 0 : i32
    %scan3A_8 = arith.constant 40 : i32
    %scan3A_9 = arith.addi %scan3A_7, %scan3A_8 : i32
    %scan3A_10 = arith.constant 1 : i32
    scf.for %scan3A_34 = %scan3A_7 to %scan3A_9 step %scan3A_10  : i32 {
      %broadcast_in_dim3A = arith.constant 0.000000e+00 : f32
      %broadcast_in_dim3A_35 = vector.broadcast %broadcast_in_dim3A : f32 to vector<16xf32>
      %mul3A_36 = arith.constant 16 : i32
      %mul3A_37 = arith.muli %scan3A_34, %mul3A_36 : i32
      %swap3A = arith.index_cast %mul3A_37 : i32 to index
      %swap3A_38 = tpu.vector_load %arg8[%swap3A] {strides = array<i32>} : memref<640xf32, #tpu.memory_space<vmem>>, vector<16xf32>,
      %swap3A_39 = vector.shape_cast %swap3A_38 : vector<16xf32> to vector<16xf32>
      %swap3A_40 = vector.shape_cast %broadcast_in_dim3A_35 : vector<16xf32> to vector<16xf32>
      tpu.vector_store %arg8[%swap3A], %swap3A_40 {strides = array<i32>} : memref<640xf32, #tpu.memory_space<vmem>>, vector<16xf32>,
    }
    %scan3A_11 = arith.constant 40 : i32
    %mul3A_12 = arith.constant 640 : i32
    %mul3A_13 = arith.muli %arg1, %mul3A_12 : i32
    "tpu.region"() ({
      %run_scoped3A_34 = tpu.sem_alloc : memref<!tpu.dma_semaphore, #tpu.memory_space<semaphore_mem>>
      %dma_start3A = tpu.memref_slice %arg9[%mul3A_13] : memref<10240xf32, #tpu.memory_space<vmem_shared>> -> memref<640xf32, #tpu.memory_space<vmem_shared>>
      %dma_start3A_35 = tpu.memref_slice %arg9[%mul3A_13] : memref<10240xf32, #tpu.memory_space<vmem_shared>> -> memref<640xf32, #tpu.memory_space<vmem_shared>>
      tpu.enqueue_dma source(%arg8 : memref<640xf32, #tpu.memory_space<vmem>>) target(%dma_start3A_35 : memref<640xf32, #tpu.memory_space<vmem_shared>>) target_semaphore(%run_scoped3A_34 : memref<!tpu.dma_semaphore, #tpu.memory_space<semaphore_mem>>)
      %dma_wait3A = tpu.memref_slice %arg9[%mul3A_13] : memref<10240xf32, #tpu.memory_space<vmem_shared>> -> memref<640xf32, #tpu.memory_space<vmem_shared>>
      %dma_wait3A_36 = tpu.memref_slice %arg9[%mul3A_13] : memref<10240xf32, #tpu.memory_space<vmem_shared>> -> memref<640xf32, #tpu.memory_space<vmem_shared>>
      tpu.wait_dma2 semaphore(%run_scoped3A_34 : memref<!tpu.dma_semaphore, #tpu.memory_space<semaphore_mem>>) src(%arg8 : memref<640xf32, #tpu.memory_space<vmem>>) dst(%dma_wait3A_36 : memref<640xf32, #tpu.memory_space<vmem_shared>>)
      tpu.yield
    }) : () -> ()
    %mul3A_14 = arith.constant 640 : i32
    %mul3A_15 = arith.muli %arg1, %mul3A_14 : i32
    "tpu.region"() ({
      %run_scoped3A_34 = tpu.sem_alloc : memref<!tpu.dma_semaphore, #tpu.memory_space<semaphore_mem>>
      %dma_start3A = tpu.memref_slice %arg10[%mul3A_15] : memref<10240xf32, #tpu.memory_space<vmem_shared>> -> memref<640xf32, #tpu.memory_space<vmem_shared>>
      %dma_start3A_35 = tpu.memref_slice %arg10[%mul3A_15] : memref<10240xf32, #tpu.memory_space<vmem_shared>> -> memref<640xf32, #tpu.memory_space<vmem_shared>>
      tpu.enqueue_dma source(%arg8 : memref<640xf32, #tpu.memory_space<vmem>>) target(%dma_start3A_35 : memref<640xf32, #tpu.memory_space<vmem_shared>>) target_semaphore(%run_scoped3A_34 : memref<!tpu.dma_semaphore, #tpu.memory_space<semaphore_mem>>)
      %dma_wait3A = tpu.memref_slice %arg10[%mul3A_15] : memref<10240xf32, #tpu.memory_space<vmem_shared>> -> memref<640xf32, #tpu.memory_space<vmem_shared>>
      %dma_wait3A_36 = tpu.memref_slice %arg10[%mul3A_15] : memref<10240xf32, #tpu.memory_space<vmem_shared>> -> memref<640xf32, #tpu.memory_space<vmem_shared>>
      tpu.wait_dma2 semaphore(%run_scoped3A_34 : memref<!tpu.dma_semaphore, #tpu.memory_space<semaphore_mem>>) src(%arg8 : memref<640xf32, #tpu.memory_space<vmem>>) dst(%dma_wait3A_36 : memref<640xf32, #tpu.memory_space<vmem_shared>>)
      tpu.yield
    }) : () -> ()
    %barrier3A = arith.constant 0 : index
    tpu.barrier barrier_id(%barrier3A)
    %mul3A_16 = arith.constant 160 : i32
    %mul3A_17 = arith.muli %add3A, %mul3A_16 : i32
    %scan3A_18 = arith.constant 0 : i32
    %scan3A_19 = arith.constant 0 : i32
    %scan3A_20 = arith.constant 10 : i32
    %scan3A_21 = arith.addi %scan3A_19, %scan3A_20 : i32
    %scan3A_22 = arith.constant 1 : i32
    scf.for %scan3A_34 = %scan3A_19 to %scan3A_21 step %scan3A_22  : i32 {
      %mul3A_35 = arith.constant 16 : i32
      %mul3A_36 = arith.muli %scan3A_34, %mul3A_35 : i32
      %add3A_37 = arith.addi %mul3A_17, %mul3A_36 : i32
      "tpu.region"() ({
        %run_scoped3A_44 = tpu.sem_alloc : memref<!tpu.dma_semaphore, #tpu.memory_space<semaphore_mem>>
        %dma_start3A = arith.constant 0 : i32
        %dma_start3A_45 = tpu.memref_slice %arg2[%add3A_37, %dma_start3A] : memref<5120x64xi32, #tpu.memory_space<hbm>> -> memref<16x64xi32, #tpu.memory_space<hbm>>
        %dma_start3A_46 = arith.constant 0 : i32
        %dma_start3A_47 = tpu.memref_slice %arg2[%add3A_37, %dma_start3A_46] : memref<5120x64xi32, #tpu.memory_space<hbm>> -> memref<16x64xi32, #tpu.memory_space<hbm>>
        tpu.enqueue_dma source(%dma_start3A_47 : memref<16x64xi32, #tpu.memory_space<hbm>>) target(%arg5 : memref<16x64xi32, #tpu.memory_space<vmem>>) target_semaphore(%run_scoped3A_44 : memref<!tpu.dma_semaphore, #tpu.memory_space<semaphore_mem>>)
        %dma_wait3A = arith.constant 0 : i32
        %dma_wait3A_48 = tpu.memref_slice %arg2[%add3A_37, %dma_wait3A] : memref<5120x64xi32, #tpu.memory_space<hbm>> -> memref<16x64xi32, #tpu.memory_space<hbm>>
        %dma_wait3A_49 = arith.constant 0 : i32
        %dma_wait3A_50 = tpu.memref_slice %arg2[%add3A_37, %dma_wait3A_49] : memref<5120x64xi32, #tpu.memory_space<hbm>> -> memref<16x64xi32, #tpu.memory_space<hbm>>
        tpu.wait_dma2 semaphore(%run_scoped3A_44 : memref<!tpu.dma_semaphore, #tpu.memory_space<semaphore_mem>>) src(%dma_wait3A_50 : memref<16x64xi32, #tpu.memory_space<hbm>>) dst(%arg5 : memref<16x64xi32, #tpu.memory_space<vmem>>)
        tpu.yield
      }) : () -> ()
      "tpu.region"() ({
        %run_scoped3A_44 = tpu.sem_alloc : memref<!tpu.dma_semaphore, #tpu.memory_space<semaphore_mem>>
        %dma_start3A = arith.constant 0 : i32
        %dma_start3A_45 = tpu.memref_slice %arg3[%add3A_37, %dma_start3A] : memref<5120x64xi32, #tpu.memory_space<hbm>> -> memref<16x64xi32, #tpu.memory_space<hbm>>
        %dma_start3A_46 = arith.constant 0 : i32
        %dma_start3A_47 = tpu.memref_slice %arg3[%add3A_37, %dma_start3A_46] : memref<5120x64xi32, #tpu.memory_space<hbm>> -> memref<16x64xi32, #tpu.memory_space<hbm>>
        tpu.enqueue_dma source(%dma_start3A_47 : memref<16x64xi32, #tpu.memory_space<hbm>>) target(%arg6 : memref<16x64xi32, #tpu.memory_space<vmem>>) target_semaphore(%run_scoped3A_44 : memref<!tpu.dma_semaphore, #tpu.memory_space<semaphore_mem>>)
        %dma_wait3A = arith.constant 0 : i32
        %dma_wait3A_48 = tpu.memref_slice %arg3[%add3A_37, %dma_wait3A] : memref<5120x64xi32, #tpu.memory_space<hbm>> -> memref<16x64xi32, #tpu.memory_space<hbm>>
        %dma_wait3A_49 = arith.constant 0 : i32
        %dma_wait3A_50 = tpu.memref_slice %arg3[%add3A_37, %dma_wait3A_49] : memref<5120x64xi32, #tpu.memory_space<hbm>> -> memref<16x64xi32, #tpu.memory_space<hbm>>
        tpu.wait_dma2 semaphore(%run_scoped3A_44 : memref<!tpu.dma_semaphore, #tpu.memory_space<semaphore_mem>>) src(%dma_wait3A_50 : memref<16x64xi32, #tpu.memory_space<hbm>>) dst(%arg6 : memref<16x64xi32, #tpu.memory_space<vmem>>)
        tpu.yield
      }) : () -> ()
      %scan3A_38 = arith.constant 0 : i32
      %scan3A_39 = arith.constant 0 : i32
      %scan3A_40 = arith.constant 16 : i32
      %scan3A_41 = arith.addi %scan3A_39, %scan3A_40 : i32
      %scan3A_42 = arith.constant 1 : i32
      scf.for %scan3A_44 = %scan3A_39 to %scan3A_41 step %scan3A_42  : i32 {
        %run_scoped3A_45 = arith.constant 0 : i32
        "tpu.region"() ({
          %run_scoped3A_47 = tpu.sem_alloc : memref<!tpu.dma_semaphore, #tpu.memory_space<semaphore_mem>>
          %dma_start3A = arith.constant 0 : i32
          %dma_start3A_48 = tpu.memref_slice %arg7[%run_scoped3A_45, %dma_start3A] : memref<16x64xf32, #tpu.memory_space<vmem>> -> memref<1x64xf32, #tpu.memory_space<vmem>>
          %dma_start3A_49 = tpu.memref_squeeze %dma_start3A_48 : memref<1x64xf32, #tpu.memory_space<vmem>> -> memref<64xf32, #tpu.memory_space<vmem>>
          %dma_start3A_50 = arith.constant 0 : i32
          %dma_start3A_51 = tpu.memref_slice %arg5[%scan3A_44, %dma_start3A_50] : memref<16x64xi32, #tpu.memory_space<vmem>> -> memref<1x64xi32, #tpu.memory_space<vmem>>
          %dma_start3A_52 = tpu.memref_squeeze %dma_start3A_51 : memref<1x64xi32, #tpu.memory_space<vmem>> -> memref<64xi32, #tpu.memory_space<vmem>>
          %dma_start3A_53 = arith.constant 0 : i32
          %dma_start3A_54 = tpu.memref_slice %arg9[%dma_start3A_53] : memref<10240xf32, #tpu.memory_space<vmem_shared>> -> memref<10240xf32, #tpu.memory_space<vmem_shared>>
          tpu.enqueue_indirect_dma source(%dma_start3A_49 : memref<64xf32, #tpu.memory_space<vmem>>) target(%dma_start3A_54 : memref<10240xf32, #tpu.memory_space<vmem_shared>>) offsets(%dma_start3A_52 : memref<64xi32, #tpu.memory_space<vmem>>) semaphore(%run_scoped3A_47 : memref<!tpu.dma_semaphore, #tpu.memory_space<semaphore_mem>>) {add = true}
          %dma_wait3A = arith.constant 0 : i32
          %dma_wait3A_55 = tpu.memref_slice %arg7[%run_scoped3A_45, %dma_wait3A] : memref<16x64xf32, #tpu.memory_space<vmem>> -> memref<1x64xf32, #tpu.memory_space<vmem>>
          %dma_wait3A_56 = tpu.memref_squeeze %dma_wait3A_55 : memref<1x64xf32, #tpu.memory_space<vmem>> -> memref<64xf32, #tpu.memory_space<vmem>>
          %dma_wait3A_57 = arith.constant 0 : i32
          %dma_wait3A_58 = tpu.memref_slice %arg5[%scan3A_44, %dma_wait3A_57] : memref<16x64xi32, #tpu.memory_space<vmem>> -> memref<1x64xi32, #tpu.memory_space<vmem>>
          %dma_wait3A_59 = tpu.memref_squeeze %dma_wait3A_58 : memref<1x64xi32, #tpu.memory_space<vmem>> -> memref<64xi32, #tpu.memory_space<vmem>>
          %dma_wait3A_60 = arith.constant 0 : i32
          %dma_wait3A_61 = tpu.memref_slice %arg9[%dma_wait3A_60] : memref<10240xf32, #tpu.memory_space<vmem_shared>> -> memref<10240xf32, #tpu.memory_space<vmem_shared>>
          tpu.wait_indirect_dma semaphore(%run_scoped3A_47 : memref<!tpu.dma_semaphore, #tpu.memory_space<semaphore_mem>>) src(%dma_wait3A_56 : memref<64xf32, #tpu.memory_space<vmem>>) dst(%dma_wait3A_61 : memref<10240xf32, #tpu.memory_space<vmem_shared>>)
          tpu.yield
        }) : () -> ()
        %run_scoped3A_46 = arith.constant 0 : i32
        "tpu.region"() ({
          %run_scoped3A_47 = tpu.sem_alloc : memref<!tpu.dma_semaphore, #tpu.memory_space<semaphore_mem>>
          %dma_start3A = arith.constant 0 : i32
          %dma_start3A_48 = tpu.memref_slice %arg7[%run_scoped3A_46, %dma_start3A] : memref<16x64xf32, #tpu.memory_space<vmem>> -> memref<1x64xf32, #tpu.memory_space<vmem>>
          %dma_start3A_49 = tpu.memref_squeeze %dma_start3A_48 : memref<1x64xf32, #tpu.memory_space<vmem>> -> memref<64xf32, #tpu.memory_space<vmem>>
          %dma_start3A_50 = arith.constant 0 : i32
          %dma_start3A_51 = tpu.memref_slice %arg6[%scan3A_44, %dma_start3A_50] : memref<16x64xi32, #tpu.memory_space<vmem>> -> memref<1x64xi32, #tpu.memory_space<vmem>>
          %dma_start3A_52 = tpu.memref_squeeze %dma_start3A_51 : memref<1x64xi32, #tpu.memory_space<vmem>> -> memref<64xi32, #tpu.memory_space<vmem>>
          %dma_start3A_53 = arith.constant 0 : i32
          %dma_start3A_54 = tpu.memref_slice %arg10[%dma_start3A_53] : memref<10240xf32, #tpu.memory_space<vmem_shared>> -> memref<10240xf32, #tpu.memory_space<vmem_shared>>
          tpu.enqueue_indirect_dma source(%dma_start3A_49 : memref<64xf32, #tpu.memory_space<vmem>>) target(%dma_start3A_54 : memref<10240xf32, #tpu.memory_space<vmem_shared>>) offsets(%dma_start3A_52 : memref<64xi32, #tpu.memory_space<vmem>>) semaphore(%run_scoped3A_47 : memref<!tpu.dma_semaphore, #tpu.memory_space<semaphore_mem>>) {add = true}
          %dma_wait3A = arith.constant 0 : i32
          %dma_wait3A_55 = tpu.memref_slice %arg7[%run_scoped3A_46, %dma_wait3A] : memref<16x64xf32, #tpu.memory_space<vmem>> -> memref<1x64xf32, #tpu.memory_space<vmem>>
          %dma_wait3A_56 = tpu.memref_squeeze %dma_wait3A_55 : memref<1x64xf32, #tpu.memory_space<vmem>> -> memref<64xf32, #tpu.memory_space<vmem>>
          %dma_wait3A_57 = arith.constant 0 : i32
          %dma_wait3A_58 = tpu.memref_slice %arg6[%scan3A_44, %dma_wait3A_57] : memref<16x64xi32, #tpu.memory_space<vmem>> -> memref<1x64xi32, #tpu.memory_space<vmem>>
          %dma_wait3A_59 = tpu.memref_squeeze %dma_wait3A_58 : memref<1x64xi32, #tpu.memory_space<vmem>> -> memref<64xi32, #tpu.memory_space<vmem>>
          %dma_wait3A_60 = arith.constant 0 : i32
          %dma_wait3A_61 = tpu.memref_slice %arg10[%dma_wait3A_60] : memref<10240xf32, #tpu.memory_space<vmem_shared>> -> memref<10240xf32, #tpu.memory_space<vmem_shared>>
          tpu.wait_indirect_dma semaphore(%run_scoped3A_47 : memref<!tpu.dma_semaphore, #tpu.memory_space<semaphore_mem>>) src(%dma_wait3A_56 : memref<64xf32, #tpu.memory_space<vmem>>) dst(%dma_wait3A_61 : memref<10240xf32, #tpu.memory_space<vmem_shared>>)
          tpu.yield
        }) : () -> ()
      }
      %scan3A_43 = arith.constant 16 : i32
    }
    %scan3A_23 = arith.constant 10 : i32
    %barrier3A_24 = arith.constant 0 : index
    tpu.barrier barrier_id(%barrier3A_24)
    %mul3A_25 = arith.constant 640 : i32
    %mul3A_26 = arith.muli %arg1, %mul3A_25 : i32
    %mul3A_27 = arith.constant 640 : i32
    %mul3A_28 = arith.muli %arg1, %mul3A_27 : i32
    %run_scoped3A = arith.constant 0 : i32
    "tpu.region"() ({
      %run_scoped3A_34 = tpu.sem_alloc : memref<!tpu.dma_semaphore, #tpu.memory_space<semaphore_mem>>
      %dma_start3A = tpu.memref_slice %arg4[%arg0, %run_scoped3A, %mul3A_28] : memref<2x2x10240xf32, #tpu.memory_space<hbm>> -> memref<1x1x640xf32, #tpu.memory_space<hbm>>
      %dma_start3A_35 = tpu.memref_squeeze %dma_start3A : memref<1x1x640xf32, #tpu.memory_space<hbm>> -> memref<640xf32, #tpu.memory_space<hbm>>
      %dma_start3A_36 = tpu.memref_slice %arg9[%mul3A_26] : memref<10240xf32, #tpu.memory_space<vmem_shared>> -> memref<640xf32, #tpu.memory_space<vmem_shared>>
      tpu.enqueue_dma source(%dma_start3A_36 : memref<640xf32, #tpu.memory_space<vmem_shared>>) target(%dma_start3A_35 : memref<640xf32, #tpu.memory_space<hbm>>) target_semaphore(%run_scoped3A_34 : memref<!tpu.dma_semaphore, #tpu.memory_space<semaphore_mem>>)
      %dma_wait3A = tpu.memref_slice %arg4[%arg0, %run_scoped3A, %mul3A_28] : memref<2x2x10240xf32, #tpu.memory_space<hbm>> -> memref<1x1x640xf32, #tpu.memory_space<hbm>>
      %dma_wait3A_37 = tpu.memref_squeeze %dma_wait3A : memref<1x1x640xf32, #tpu.memory_space<hbm>> -> memref<640xf32, #tpu.memory_space<hbm>>
      %dma_wait3A_38 = tpu.memref_slice %arg9[%mul3A_26] : memref<10240xf32, #tpu.memory_space<vmem_shared>> -> memref<640xf32, #tpu.memory_space<vmem_shared>>
      tpu.wait_dma2 semaphore(%run_scoped3A_34 : memref<!tpu.dma_semaphore, #tpu.memory_space<semaphore_mem>>) src(%dma_wait3A_38 : memref<640xf32, #tpu.memory_space<vmem_shared>>) dst(%dma_wait3A_37 : memref<640xf32, #tpu.memory_space<hbm>>)
      tpu.yield
    }) : () -> ()
    %mul3A_29 = arith.constant 640 : i32
    %mul3A_30 = arith.muli %arg1, %mul3A_29 : i32
    %mul3A_31 = arith.constant 640 : i32
    %mul3A_32 = arith.muli %arg1, %mul3A_31 : i32
    %run_scoped3A_33 = arith.constant 1 : i32
    "tpu.region"() ({
      %run_scoped3A_34 = tpu.sem_alloc : memref<!tpu.dma_semaphore, #tpu.memory_space<semaphore_mem>>
      %dma_start3A = tpu.memref_slice %arg4[%arg0, %run_scoped3A_33, %mul3A_32] : memref<2x2x10240xf32, #tpu.memory_space<hbm>> -> memref<1x1x640xf32, #tpu.memory_space<hbm>>
      %dma_start3A_35 = tpu.memref_squeeze %dma_start3A : memref<1x1x640xf32, #tpu.memory_space<hbm>> -> memref<640xf32, #tpu.memory_space<hbm>>
      %dma_start3A_36 = tpu.memref_slice %arg10[%mul3A_30] : memref<10240xf32, #tpu.memory_space<vmem_shared>> -> memref<640xf32, #tpu.memory_space<vmem_shared>>
      tpu.enqueue_dma source(%dma_start3A_36 : memref<640xf32, #tpu.memory_space<vmem_shared>>) target(%dma_start3A_35 : memref<640xf32, #tpu.memory_space<hbm>>) target_semaphore(%run_scoped3A_34 : memref<!tpu.dma_semaphore, #tpu.memory_space<semaphore_mem>>)
      %dma_wait3A = tpu.memref_slice %arg4[%arg0, %run_scoped3A_33, %mul3A_32] : memref<2x2x10240xf32, #tpu.memory_space<hbm>> -> memref<1x1x640xf32, #tpu.memory_space<hbm>>
      %dma_wait3A_37 = tpu.memref_squeeze %dma_wait3A : memref<1x1x640xf32, #tpu.memory_space<hbm>> -> memref<640xf32, #tpu.memory_space<hbm>>
      %dma_wait3A_38 = tpu.memref_slice %arg10[%mul3A_30] : memref<10240xf32, #tpu.memory_space<vmem_shared>> -> memref<640xf32, #tpu.memory_space<vmem_shared>>
      tpu.wait_dma2 semaphore(%run_scoped3A_34 : memref<!tpu.dma_semaphore, #tpu.memory_space<semaphore_mem>>) src(%dma_wait3A_38 : memref<640xf32, #tpu.memory_space<vmem_shared>>) dst(%dma_wait3A_37 : memref<640xf32, #tpu.memory_space<hbm>>)
      tpu.yield
    }) : () -> ()
    return
  }
}

#map = affine_map<(d0, d1) -> (0, 0)>
#map1 = affine_map<(d0, d1) -> (0, 0, 0)>
module attributes {stable_mosaic.version = 14 : i64} {
  func.func @_segsum(%arg0: i32, %arg1: i32, %arg2: memref<10000x128xf32, #tpu.memory_space<hbm>>, %arg3: memref<5120x64xi32, #tpu.memory_space<hbm>>, %arg4: memref<5120x64xi32, #tpu.memory_space<hbm>>, %arg5: memref<2x10240x128xf32, #tpu.memory_space<hbm>>, %arg6: memref<2x16x64xi32, #tpu.memory_space<vmem>>, %arg7: memref<2x16x64xi32, #tpu.memory_space<vmem>>, %arg8: memref<64x128xf32, #tpu.memory_space<vmem>>, %arg9: memref<64x128xf32, #tpu.memory_space<vmem>>, %arg10: memref<64x128xf32, #tpu.memory_space<vmem>>, %arg11: memref<64x128xf32, #tpu.memory_space<vmem>>, %arg12: memref<32x128xf32, #tpu.memory_space<vmem>>, %arg13: memref<10240x128xf32, #tpu.memory_space<vmem_shared>>, %arg14: memref<!tpu.dma_semaphore, #tpu.memory_space<semaphore_mem>>, %arg15: memref<!tpu.dma_semaphore, #tpu.memory_space<semaphore_mem>>, %arg16: memref<!tpu.dma_semaphore, #tpu.memory_space<semaphore_mem>>, %arg17: memref<!tpu.dma_semaphore, #tpu.memory_space<semaphore_mem>>, %arg18: memref<!tpu.dma_semaphore, #tpu.memory_space<semaphore_mem>>, %arg19: memref<!tpu.dma_semaphore, #tpu.memory_space<semaphore_mem>>, %arg20: memref<!tpu.dma_semaphore, #tpu.memory_space<semaphore_mem>>, %arg21: memref<!tpu.dma_semaphore, #tpu.memory_space<semaphore_mem>>) attributes {dimension_semantics = [#tpu.dimension_semantics<core_parallel>, #tpu.dimension_semantics<subcore_parallel>], iteration_bounds = array<i64: 2, 16>, scalar_prefetch = 0 : i64, scratch_operands = 16 : i64, tpu.core_type = #tpu.core_type<sc_vector_subcore>, window_params = [{transform_indices = #map}, {transform_indices = #map}, {transform_indices = #map}, {transform_indices = #map1}]} {
    %mul3A = arith.constant 2 : i32
    %mul3A_0 = arith.muli %arg1, %mul3A : i32
    %add3A = arith.addi %mul3A_0, %arg0 : i32
    %scan3A = arith.constant 0 : i32
    %scan3A_1 = arith.constant 0 : i32
    %scan3A_2 = arith.constant 32 : i32
    %scan3A_3 = arith.addi %scan3A_1, %scan3A_2 : i32
    %scan3A_4 = arith.constant 1 : i32
    scf.for %scan3A_146 = %scan3A_1 to %scan3A_3 step %scan3A_4  : i32 {
      %broadcast_in_dim3A = arith.constant 0.000000e+00 : f32
      %broadcast_in_dim3A_147 = vector.broadcast %broadcast_in_dim3A : f32 to vector<16xf32>
      %swap3A = arith.index_cast %scan3A_146 : i32 to index
      %swap3A_148 = arith.constant 0 : index
      %swap3A_149 = tpu.vector_load %arg12[%swap3A, %swap3A_148] {strides = array<i32>} : memref<32x128xf32, #tpu.memory_space<vmem>>, vector<1x16xf32>,
      %swap3A_150 = vector.shape_cast %swap3A_149 : vector<1x16xf32> to vector<16xf32>
      %swap3A_151 = vector.shape_cast %broadcast_in_dim3A_147 : vector<16xf32> to vector<1x16xf32>
      tpu.vector_store %arg12[%swap3A, %swap3A_148], %swap3A_151 {strides = array<i32>} : memref<32x128xf32, #tpu.memory_space<vmem>>, vector<1x16xf32>,
      %broadcast_in_dim3A_152 = arith.constant 0.000000e+00 : f32
      %broadcast_in_dim3A_153 = vector.broadcast %broadcast_in_dim3A_152 : f32 to vector<16xf32>
      %swap3A_154 = arith.index_cast %scan3A_146 : i32 to index
      %swap3A_155 = arith.constant 16 : index
      %swap3A_156 = tpu.vector_load %arg12[%swap3A_154, %swap3A_155] {strides = array<i32>} : memref<32x128xf32, #tpu.memory_space<vmem>>, vector<1x16xf32>,
      %swap3A_157 = vector.shape_cast %swap3A_156 : vector<1x16xf32> to vector<16xf32>
      %swap3A_158 = vector.shape_cast %broadcast_in_dim3A_153 : vector<16xf32> to vector<1x16xf32>
      tpu.vector_store %arg12[%swap3A_154, %swap3A_155], %swap3A_158 {strides = array<i32>} : memref<32x128xf32, #tpu.memory_space<vmem>>, vector<1x16xf32>,
      %broadcast_in_dim3A_159 = arith.constant 0.000000e+00 : f32
      %broadcast_in_dim3A_160 = vector.broadcast %broadcast_in_dim3A_159 : f32 to vector<16xf32>
      %swap3A_161 = arith.index_cast %scan3A_146 : i32 to index
      %swap3A_162 = arith.constant 32 : index
      %swap3A_163 = tpu.vector_load %arg12[%swap3A_161, %swap3A_162] {strides = array<i32>} : memref<32x128xf32, #tpu.memory_space<vmem>>, vector<1x16xf32>,
      %swap3A_164 = vector.shape_cast %swap3A_163 : vector<1x16xf32> to vector<16xf32>
      %swap3A_165 = vector.shape_cast %broadcast_in_dim3A_160 : vector<16xf32> to vector<1x16xf32>
      tpu.vector_store %arg12[%swap3A_161, %swap3A_162], %swap3A_165 {strides = array<i32>} : memref<32x128xf32, #tpu.memory_space<vmem>>, vector<1x16xf32>,
      %broadcast_in_dim3A_166 = arith.constant 0.000000e+00 : f32
      %broadcast_in_dim3A_167 = vector.broadcast %broadcast_in_dim3A_166 : f32 to vector<16xf32>
      %swap3A_168 = arith.index_cast %scan3A_146 : i32 to index
      %swap3A_169 = arith.constant 48 : index
      %swap3A_170 = tpu.vector_load %arg12[%swap3A_168, %swap3A_169] {strides = array<i32>} : memref<32x128xf32, #tpu.memory_space<vmem>>, vector<1x16xf32>,
      %swap3A_171 = vector.shape_cast %swap3A_170 : vector<1x16xf32> to vector<16xf32>
      %swap3A_172 = vector.shape_cast %broadcast_in_dim3A_167 : vector<16xf32> to vector<1x16xf32>
      tpu.vector_store %arg12[%swap3A_168, %swap3A_169], %swap3A_172 {strides = array<i32>} : memref<32x128xf32, #tpu.memory_space<vmem>>, vector<1x16xf32>,
      %broadcast_in_dim3A_173 = arith.constant 0.000000e+00 : f32
      %broadcast_in_dim3A_174 = vector.broadcast %broadcast_in_dim3A_173 : f32 to vector<16xf32>
      %swap3A_175 = arith.index_cast %scan3A_146 : i32 to index
      %swap3A_176 = arith.constant 64 : index
      %swap3A_177 = tpu.vector_load %arg12[%swap3A_175, %swap3A_176] {strides = array<i32>} : memref<32x128xf32, #tpu.memory_space<vmem>>, vector<1x16xf32>,
      %swap3A_178 = vector.shape_cast %swap3A_177 : vector<1x16xf32> to vector<16xf32>
      %swap3A_179 = vector.shape_cast %broadcast_in_dim3A_174 : vector<16xf32> to vector<1x16xf32>
      tpu.vector_store %arg12[%swap3A_175, %swap3A_176], %swap3A_179 {strides = array<i32>} : memref<32x128xf32, #tpu.memory_space<vmem>>, vector<1x16xf32>,
      %broadcast_in_dim3A_180 = arith.constant 0.000000e+00 : f32
      %broadcast_in_dim3A_181 = vector.broadcast %broadcast_in_dim3A_180 : f32 to vector<16xf32>
      %swap3A_182 = arith.index_cast %scan3A_146 : i32 to index
      %swap3A_183 = arith.constant 80 : index
      %swap3A_184 = tpu.vector_load %arg12[%swap3A_182, %swap3A_183] {strides = array<i32>} : memref<32x128xf32, #tpu.memory_space<vmem>>, vector<1x16xf32>,
      %swap3A_185 = vector.shape_cast %swap3A_184 : vector<1x16xf32> to vector<16xf32>
      %swap3A_186 = vector.shape_cast %broadcast_in_dim3A_181 : vector<16xf32> to vector<1x16xf32>
      tpu.vector_store %arg12[%swap3A_182, %swap3A_183], %swap3A_186 {strides = array<i32>} : memref<32x128xf32, #tpu.memory_space<vmem>>, vector<1x16xf32>,
      %broadcast_in_dim3A_187 = arith.constant 0.000000e+00 : f32
      %broadcast_in_dim3A_188 = vector.broadcast %broadcast_in_dim3A_187 : f32 to vector<16xf32>
      %swap3A_189 = arith.index_cast %scan3A_146 : i32 to index
      %swap3A_190 = arith.constant 96 : index
      %swap3A_191 = tpu.vector_load %arg12[%swap3A_189, %swap3A_190] {strides = array<i32>} : memref<32x128xf32, #tpu.memory_space<vmem>>, vector<1x16xf32>,
      %swap3A_192 = vector.shape_cast %swap3A_191 : vector<1x16xf32> to vector<16xf32>
      %swap3A_193 = vector.shape_cast %broadcast_in_dim3A_188 : vector<16xf32> to vector<1x16xf32>
      tpu.vector_store %arg12[%swap3A_189, %swap3A_190], %swap3A_193 {strides = array<i32>} : memref<32x128xf32, #tpu.memory_space<vmem>>, vector<1x16xf32>,
      %broadcast_in_dim3A_194 = arith.constant 0.000000e+00 : f32
      %broadcast_in_dim3A_195 = vector.broadcast %broadcast_in_dim3A_194 : f32 to vector<16xf32>
      %swap3A_196 = arith.index_cast %scan3A_146 : i32 to index
      %swap3A_197 = arith.constant 112 : index
      %swap3A_198 = tpu.vector_load %arg12[%swap3A_196, %swap3A_197] {strides = array<i32>} : memref<32x128xf32, #tpu.memory_space<vmem>>, vector<1x16xf32>,
      %swap3A_199 = vector.shape_cast %swap3A_198 : vector<1x16xf32> to vector<16xf32>
      %swap3A_200 = vector.shape_cast %broadcast_in_dim3A_195 : vector<16xf32> to vector<1x16xf32>
      tpu.vector_store %arg12[%swap3A_196, %swap3A_197], %swap3A_200 {strides = array<i32>} : memref<32x128xf32, #tpu.memory_space<vmem>>, vector<1x16xf32>,
    }
    %scan3A_5 = arith.constant 32 : i32
    %mul3A_6 = arith.constant 640 : i32
    %mul3A_7 = arith.muli %arg1, %mul3A_6 : i32
    %add3A_8 = arith.constant 0 : i32
    %add3A_9 = arith.addi %mul3A_7, %add3A_8 : i32
    "tpu.region"() ({
      %run_scoped3A = tpu.sem_alloc : memref<!tpu.dma_semaphore, #tpu.memory_space<semaphore_mem>>
      %dma_start3A = arith.constant 0 : i32
      %dma_start3A_146 = tpu.memref_slice %arg13[%add3A_9, %dma_start3A] : memref<10240x128xf32, #tpu.memory_space<vmem_shared>> -> memref<32x128xf32, #tpu.memory_space<vmem_shared>>
      %dma_start3A_147 = arith.constant 0 : i32
      %dma_start3A_148 = tpu.memref_slice %arg13[%add3A_9, %dma_start3A_147] : memref<10240x128xf32, #tpu.memory_space<vmem_shared>> -> memref<32x128xf32, #tpu.memory_space<vmem_shared>>
      tpu.enqueue_dma source(%arg12 : memref<32x128xf32, #tpu.memory_space<vmem>>) target(%dma_start3A_148 : memref<32x128xf32, #tpu.memory_space<vmem_shared>>) target_semaphore(%run_scoped3A : memref<!tpu.dma_semaphore, #tpu.memory_space<semaphore_mem>>)
      %dma_wait3A_149 = arith.constant 0 : i32
      %dma_wait3A_150 = tpu.memref_slice %arg13[%add3A_9, %dma_wait3A_149] : memref<10240x128xf32, #tpu.memory_space<vmem_shared>> -> memref<32x128xf32, #tpu.memory_space<vmem_shared>>
      %dma_wait3A_151 = arith.constant 0 : i32
      %dma_wait3A_152 = tpu.memref_slice %arg13[%add3A_9, %dma_wait3A_151] : memref<10240x128xf32, #tpu.memory_space<vmem_shared>> -> memref<32x128xf32, #tpu.memory_space<vmem_shared>>
      tpu.wait_dma2 semaphore(%run_scoped3A : memref<!tpu.dma_semaphore, #tpu.memory_space<semaphore_mem>>) src(%arg12 : memref<32x128xf32, #tpu.memory_space<vmem>>) dst(%dma_wait3A_152 : memref<32x128xf32, #tpu.memory_space<vmem_shared>>)
      tpu.yield
    }) : () -> ()
    %mul3A_10 = arith.constant 640 : i32
    %mul3A_11 = arith.muli %arg1, %mul3A_10 : i32
    %add3A_12 = arith.constant 32 : i32
    %add3A_13 = arith.addi %mul3A_11, %add3A_12 : i32
    "tpu.region"() ({
      %run_scoped3A = tpu.sem_alloc : memref<!tpu.dma_semaphore, #tpu.memory_space<semaphore_mem>>
      %dma_start3A = arith.constant 0 : i32
      %dma_start3A_146 = tpu.memref_slice %arg13[%add3A_13, %dma_start3A] : memref<10240x128xf32, #tpu.memory_space<vmem_shared>> -> memref<32x128xf32, #tpu.memory_space<vmem_shared>>
      %dma_start3A_147 = arith.constant 0 : i32
      %dma_start3A_148 = tpu.memref_slice %arg13[%add3A_13, %dma_start3A_147] : memref<10240x128xf32, #tpu.memory_space<vmem_shared>> -> memref<32x128xf32, #tpu.memory_space<vmem_shared>>
      tpu.enqueue_dma source(%arg12 : memref<32x128xf32, #tpu.memory_space<vmem>>) target(%dma_start3A_148 : memref<32x128xf32, #tpu.memory_space<vmem_shared>>) target_semaphore(%run_scoped3A : memref<!tpu.dma_semaphore, #tpu.memory_space<semaphore_mem>>)
      %dma_wait3A_149 = arith.constant 0 : i32
      %dma_wait3A_150 = tpu.memref_slice %arg13[%add3A_13, %dma_wait3A_149] : memref<10240x128xf32, #tpu.memory_space<vmem_shared>> -> memref<32x128xf32, #tpu.memory_space<vmem_shared>>
      %dma_wait3A_151 = arith.constant 0 : i32
      %dma_wait3A_152 = tpu.memref_slice %arg13[%add3A_13, %dma_wait3A_151] : memref<10240x128xf32, #tpu.memory_space<vmem_shared>> -> memref<32x128xf32, #tpu.memory_space<vmem_shared>>
      tpu.wait_dma2 semaphore(%run_scoped3A : memref<!tpu.dma_semaphore, #tpu.memory_space<semaphore_mem>>) src(%arg12 : memref<32x128xf32, #tpu.memory_space<vmem>>) dst(%dma_wait3A_152 : memref<32x128xf32, #tpu.memory_space<vmem_shared>>)
      tpu.yield
    }) : () -> ()
    %mul3A_14 = arith.constant 640 : i32
    %mul3A_15 = arith.muli %arg1, %mul3A_14 : i32
    %add3A_16 = arith.constant 64 : i32
    %add3A_17 = arith.addi %mul3A_15, %add3A_16 : i32
    "tpu.region"() ({
      %run_scoped3A = tpu.sem_alloc : memref<!tpu.dma_semaphore, #tpu.memory_space<semaphore_mem>>
      %dma_start3A = arith.constant 0 : i32
      %dma_start3A_146 = tpu.memref_slice %arg13[%add3A_17, %dma_start3A] : memref<10240x128xf32, #tpu.memory_space<vmem_shared>> -> memref<32x128xf32, #tpu.memory_space<vmem_shared>>
      %dma_start3A_147 = arith.constant 0 : i32
      %dma_start3A_148 = tpu.memref_slice %arg13[%add3A_17, %dma_start3A_147] : memref<10240x128xf32, #tpu.memory_space<vmem_shared>> -> memref<32x128xf32, #tpu.memory_space<vmem_shared>>
      tpu.enqueue_dma source(%arg12 : memref<32x128xf32, #tpu.memory_space<vmem>>) target(%dma_start3A_148 : memref<32x128xf32, #tpu.memory_space<vmem_shared>>) target_semaphore(%run_scoped3A : memref<!tpu.dma_semaphore, #tpu.memory_space<semaphore_mem>>)
      %dma_wait3A_149 = arith.constant 0 : i32
      %dma_wait3A_150 = tpu.memref_slice %arg13[%add3A_17, %dma_wait3A_149] : memref<10240x128xf32, #tpu.memory_space<vmem_shared>> -> memref<32x128xf32, #tpu.memory_space<vmem_shared>>
      %dma_wait3A_151 = arith.constant 0 : i32
      %dma_wait3A_152 = tpu.memref_slice %arg13[%add3A_17, %dma_wait3A_151] : memref<10240x128xf32, #tpu.memory_space<vmem_shared>> -> memref<32x128xf32, #tpu.memory_space<vmem_shared>>
      tpu.wait_dma2 semaphore(%run_scoped3A : memref<!tpu.dma_semaphore, #tpu.memory_space<semaphore_mem>>) src(%arg12 : memref<32x128xf32, #tpu.memory_space<vmem>>) dst(%dma_wait3A_152 : memref<32x128xf32, #tpu.memory_space<vmem_shared>>)
      tpu.yield
    }) : () -> ()
    %mul3A_18 = arith.constant 640 : i32
    %mul3A_19 = arith.muli %arg1, %mul3A_18 : i32
    %add3A_20 = arith.constant 96 : i32
    %add3A_21 = arith.addi %mul3A_19, %add3A_20 : i32
    "tpu.region"() ({
      %run_scoped3A = tpu.sem_alloc : memref<!tpu.dma_semaphore, #tpu.memory_space<semaphore_mem>>
      %dma_start3A = arith.constant 0 : i32
      %dma_start3A_146 = tpu.memref_slice %arg13[%add3A_21, %dma_start3A] : memref<10240x128xf32, #tpu.memory_space<vmem_shared>> -> memref<32x128xf32, #tpu.memory_space<vmem_shared>>
      %dma_start3A_147 = arith.constant 0 : i32
      %dma_start3A_148 = tpu.memref_slice %arg13[%add3A_21, %dma_start3A_147] : memref<10240x128xf32, #tpu.memory_space<vmem_shared>> -> memref<32x128xf32, #tpu.memory_space<vmem_shared>>
      tpu.enqueue_dma source(%arg12 : memref<32x128xf32, #tpu.memory_space<vmem>>) target(%dma_start3A_148 : memref<32x128xf32, #tpu.memory_space<vmem_shared>>) target_semaphore(%run_scoped3A : memref<!tpu.dma_semaphore, #tpu.memory_space<semaphore_mem>>)
      %dma_wait3A_149 = arith.constant 0 : i32
      %dma_wait3A_150 = tpu.memref_slice %arg13[%add3A_21, %dma_wait3A_149] : memref<10240x128xf32, #tpu.memory_space<vmem_shared>> -> memref<32x128xf32, #tpu.memory_space<vmem_shared>>
      %dma_wait3A_151 = arith.constant 0 : i32
      %dma_wait3A_152 = tpu.memref_slice %arg13[%add3A_21, %dma_wait3A_151] : memref<10240x128xf32, #tpu.memory_space<vmem_shared>> -> memref<32x128xf32, #tpu.memory_space<vmem_shared>>
      tpu.wait_dma2 semaphore(%run_scoped3A : memref<!tpu.dma_semaphore, #tpu.memory_space<semaphore_mem>>) src(%arg12 : memref<32x128xf32, #tpu.memory_space<vmem>>) dst(%dma_wait3A_152 : memref<32x128xf32, #tpu.memory_space<vmem_shared>>)
      tpu.yield
    }) : () -> ()
    %mul3A_22 = arith.constant 640 : i32
    %mul3A_23 = arith.muli %arg1, %mul3A_22 : i32
    %add3A_24 = arith.constant 128 : i32
    %add3A_25 = arith.addi %mul3A_23, %add3A_24 : i32
    "tpu.region"() ({
      %run_scoped3A = tpu.sem_alloc : memref<!tpu.dma_semaphore, #tpu.memory_space<semaphore_mem>>
      %dma_start3A = arith.constant 0 : i32
      %dma_start3A_146 = tpu.memref_slice %arg13[%add3A_25, %dma_start3A] : memref<10240x128xf32, #tpu.memory_space<vmem_shared>> -> memref<32x128xf32, #tpu.memory_space<vmem_shared>>
      %dma_start3A_147 = arith.constant 0 : i32
      %dma_start3A_148 = tpu.memref_slice %arg13[%add3A_25, %dma_start3A_147] : memref<10240x128xf32, #tpu.memory_space<vmem_shared>> -> memref<32x128xf32, #tpu.memory_space<vmem_shared>>
      tpu.enqueue_dma source(%arg12 : memref<32x128xf32, #tpu.memory_space<vmem>>) target(%dma_start3A_148 : memref<32x128xf32, #tpu.memory_space<vmem_shared>>) target_semaphore(%run_scoped3A : memref<!tpu.dma_semaphore, #tpu.memory_space<semaphore_mem>>)
      %dma_wait3A_149 = arith.constant 0 : i32
      %dma_wait3A_150 = tpu.memref_slice %arg13[%add3A_25, %dma_wait3A_149] : memref<10240x128xf32, #tpu.memory_space<vmem_shared>> -> memref<32x128xf32, #tpu.memory_space<vmem_shared>>
      %dma_wait3A_151 = arith.constant 0 : i32
      %dma_wait3A_152 = tpu.memref_slice %arg13[%add3A_25, %dma_wait3A_151] : memref<10240x128xf32, #tpu.memory_space<vmem_shared>> -> memref<32x128xf32, #tpu.memory_space<vmem_shared>>
      tpu.wait_dma2 semaphore(%run_scoped3A : memref<!tpu.dma_semaphore, #tpu.memory_space<semaphore_mem>>) src(%arg12 : memref<32x128xf32, #tpu.memory_space<vmem>>) dst(%dma_wait3A_152 : memref<32x128xf32, #tpu.memory_space<vmem_shared>>)
      tpu.yield
    }) : () -> ()
    %mul3A_26 = arith.constant 640 : i32
    %mul3A_27 = arith.muli %arg1, %mul3A_26 : i32
    %add3A_28 = arith.constant 160 : i32
    %add3A_29 = arith.addi %mul3A_27, %add3A_28 : i32
    "tpu.region"() ({
      %run_scoped3A = tpu.sem_alloc : memref<!tpu.dma_semaphore, #tpu.memory_space<semaphore_mem>>
      %dma_start3A = arith.constant 0 : i32
      %dma_start3A_146 = tpu.memref_slice %arg13[%add3A_29, %dma_start3A] : memref<10240x128xf32, #tpu.memory_space<vmem_shared>> -> memref<32x128xf32, #tpu.memory_space<vmem_shared>>
      %dma_start3A_147 = arith.constant 0 : i32
      %dma_start3A_148 = tpu.memref_slice %arg13[%add3A_29, %dma_start3A_147] : memref<10240x128xf32, #tpu.memory_space<vmem_shared>> -> memref<32x128xf32, #tpu.memory_space<vmem_shared>>
      tpu.enqueue_dma source(%arg12 : memref<32x128xf32, #tpu.memory_space<vmem>>) target(%dma_start3A_148 : memref<32x128xf32, #tpu.memory_space<vmem_shared>>) target_semaphore(%run_scoped3A : memref<!tpu.dma_semaphore, #tpu.memory_space<semaphore_mem>>)
      %dma_wait3A_149 = arith.constant 0 : i32
      %dma_wait3A_150 = tpu.memref_slice %arg13[%add3A_29, %dma_wait3A_149] : memref<10240x128xf32, #tpu.memory_space<vmem_shared>> -> memref<32x128xf32, #tpu.memory_space<vmem_shared>>
      %dma_wait3A_151 = arith.constant 0 : i32
      %dma_wait3A_152 = tpu.memref_slice %arg13[%add3A_29, %dma_wait3A_151] : memref<10240x128xf32, #tpu.memory_space<vmem_shared>> -> memref<32x128xf32, #tpu.memory_space<vmem_shared>>
      tpu.wait_dma2 semaphore(%run_scoped3A : memref<!tpu.dma_semaphore, #tpu.memory_space<semaphore_mem>>) src(%arg12 : memref<32x128xf32, #tpu.memory_space<vmem>>) dst(%dma_wait3A_152 : memref<32x128xf32, #tpu.memory_space<vmem_shared>>)
      tpu.yield
    }) : () -> ()
    %mul3A_30 = arith.constant 640 : i32
    %mul3A_31 = arith.muli %arg1, %mul3A_30 : i32
    %add3A_32 = arith.constant 192 : i32
    %add3A_33 = arith.addi %mul3A_31, %add3A_32 : i32
    "tpu.region"() ({
      %run_scoped3A = tpu.sem_alloc : memref<!tpu.dma_semaphore, #tpu.memory_space<semaphore_mem>>
      %dma_start3A = arith.constant 0 : i32
      %dma_start3A_146 = tpu.memref_slice %arg13[%add3A_33, %dma_start3A] : memref<10240x128xf32, #tpu.memory_space<vmem_shared>> -> memref<32x128xf32, #tpu.memory_space<vmem_shared>>
      %dma_start3A_147 = arith.constant 0 : i32
      %dma_start3A_148 = tpu.memref_slice %arg13[%add3A_33, %dma_start3A_147] : memref<10240x128xf32, #tpu.memory_space<vmem_shared>> -> memref<32x128xf32, #tpu.memory_space<vmem_shared>>
      tpu.enqueue_dma source(%arg12 : memref<32x128xf32, #tpu.memory_space<vmem>>) target(%dma_start3A_148 : memref<32x128xf32, #tpu.memory_space<vmem_shared>>) target_semaphore(%run_scoped3A : memref<!tpu.dma_semaphore, #tpu.memory_space<semaphore_mem>>)
      %dma_wait3A_149 = arith.constant 0 : i32
      %dma_wait3A_150 = tpu.memref_slice %arg13[%add3A_33, %dma_wait3A_149] : memref<10240x128xf32, #tpu.memory_space<vmem_shared>> -> memref<32x128xf32, #tpu.memory_space<vmem_shared>>
      %dma_wait3A_151 = arith.constant 0 : i32
      %dma_wait3A_152 = tpu.memref_slice %arg13[%add3A_33, %dma_wait3A_151] : memref<10240x128xf32, #tpu.memory_space<vmem_shared>> -> memref<32x128xf32, #tpu.memory_space<vmem_shared>>
      tpu.wait_dma2 semaphore(%run_scoped3A : memref<!tpu.dma_semaphore, #tpu.memory_space<semaphore_mem>>) src(%arg12 : memref<32x128xf32, #tpu.memory_space<vmem>>) dst(%dma_wait3A_152 : memref<32x128xf32, #tpu.memory_space<vmem_shared>>)
      tpu.yield
    }) : () -> ()
    %mul3A_34 = arith.constant 640 : i32
    %mul3A_35 = arith.muli %arg1, %mul3A_34 : i32
    %add3A_36 = arith.constant 224 : i32
    %add3A_37 = arith.addi %mul3A_35, %add3A_36 : i32
    "tpu.region"() ({
      %run_scoped3A = tpu.sem_alloc : memref<!tpu.dma_semaphore, #tpu.memory_space<semaphore_mem>>
      %dma_start3A = arith.constant 0 : i32
      %dma_start3A_146 = tpu.memref_slice %arg13[%add3A_37, %dma_start3A] : memref<10240x128xf32, #tpu.memory_space<vmem_shared>> -> memref<32x128xf32, #tpu.memory_space<vmem_shared>>
      %dma_start3A_147 = arith.constant 0 : i32
      %dma_start3A_148 = tpu.memref_slice %arg13[%add3A_37, %dma_start3A_147] : memref<10240x128xf32, #tpu.memory_space<vmem_shared>> -> memref<32x128xf32, #tpu.memory_space<vmem_shared>>
      tpu.enqueue_dma source(%arg12 : memref<32x128xf32, #tpu.memory_space<vmem>>) target(%dma_start3A_148 : memref<32x128xf32, #tpu.memory_space<vmem_shared>>) target_semaphore(%run_scoped3A : memref<!tpu.dma_semaphore, #tpu.memory_space<semaphore_mem>>)
      %dma_wait3A_149 = arith.constant 0 : i32
      %dma_wait3A_150 = tpu.memref_slice %arg13[%add3A_37, %dma_wait3A_149] : memref<10240x128xf32, #tpu.memory_space<vmem_shared>> -> memref<32x128xf32, #tpu.memory_space<vmem_shared>>
      %dma_wait3A_151 = arith.constant 0 : i32
      %dma_wait3A_152 = tpu.memref_slice %arg13[%add3A_37, %dma_wait3A_151] : memref<10240x128xf32, #tpu.memory_space<vmem_shared>> -> memref<32x128xf32, #tpu.memory_space<vmem_shared>>
      tpu.wait_dma2 semaphore(%run_scoped3A : memref<!tpu.dma_semaphore, #tpu.memory_space<semaphore_mem>>) src(%arg12 : memref<32x128xf32, #tpu.memory_space<vmem>>) dst(%dma_wait3A_152 : memref<32x128xf32, #tpu.memory_space<vmem_shared>>)
      tpu.yield
    }) : () -> ()
    %mul3A_38 = arith.constant 640 : i32
    %mul3A_39 = arith.muli %arg1, %mul3A_38 : i32
    %add3A_40 = arith.constant 256 : i32
    %add3A_41 = arith.addi %mul3A_39, %add3A_40 : i32
    "tpu.region"() ({
      %run_scoped3A = tpu.sem_alloc : memref<!tpu.dma_semaphore, #tpu.memory_space<semaphore_mem>>
      %dma_start3A = arith.constant 0 : i32
      %dma_start3A_146 = tpu.memref_slice %arg13[%add3A_41, %dma_start3A] : memref<10240x128xf32, #tpu.memory_space<vmem_shared>> -> memref<32x128xf32, #tpu.memory_space<vmem_shared>>
      %dma_start3A_147 = arith.constant 0 : i32
      %dma_start3A_148 = tpu.memref_slice %arg13[%add3A_41, %dma_start3A_147] : memref<10240x128xf32, #tpu.memory_space<vmem_shared>> -> memref<32x128xf32, #tpu.memory_space<vmem_shared>>
      tpu.enqueue_dma source(%arg12 : memref<32x128xf32, #tpu.memory_space<vmem>>) target(%dma_start3A_148 : memref<32x128xf32, #tpu.memory_space<vmem_shared>>) target_semaphore(%run_scoped3A : memref<!tpu.dma_semaphore, #tpu.memory_space<semaphore_mem>>)
      %dma_wait3A_149 = arith.constant 0 : i32
      %dma_wait3A_150 = tpu.memref_slice %arg13[%add3A_41, %dma_wait3A_149] : memref<10240x128xf32, #tpu.memory_space<vmem_shared>> -> memref<32x128xf32, #tpu.memory_space<vmem_shared>>
      %dma_wait3A_151 = arith.constant 0 : i32
      %dma_wait3A_152 = tpu.memref_slice %arg13[%add3A_41, %dma_wait3A_151] : memref<10240x128xf32, #tpu.memory_space<vmem_shared>> -> memref<32x128xf32, #tpu.memory_space<vmem_shared>>
      tpu.wait_dma2 semaphore(%run_scoped3A : memref<!tpu.dma_semaphore, #tpu.memory_space<semaphore_mem>>) src(%arg12 : memref<32x128xf32, #tpu.memory_space<vmem>>) dst(%dma_wait3A_152 : memref<32x128xf32, #tpu.memory_space<vmem_shared>>)
      tpu.yield
    }) : () -> ()
    %mul3A_42 = arith.constant 640 : i32
    %mul3A_43 = arith.muli %arg1, %mul3A_42 : i32
    %add3A_44 = arith.constant 288 : i32
    %add3A_45 = arith.addi %mul3A_43, %add3A_44 : i32
    "tpu.region"() ({
      %run_scoped3A = tpu.sem_alloc : memref<!tpu.dma_semaphore, #tpu.memory_space<semaphore_mem>>
      %dma_start3A = arith.constant 0 : i32
      %dma_start3A_146 = tpu.memref_slice %arg13[%add3A_45, %dma_start3A] : memref<10240x128xf32, #tpu.memory_space<vmem_shared>> -> memref<32x128xf32, #tpu.memory_space<vmem_shared>>
      %dma_start3A_147 = arith.constant 0 : i32
      %dma_start3A_148 = tpu.memref_slice %arg13[%add3A_45, %dma_start3A_147] : memref<10240x128xf32, #tpu.memory_space<vmem_shared>> -> memref<32x128xf32, #tpu.memory_space<vmem_shared>>
      tpu.enqueue_dma source(%arg12 : memref<32x128xf32, #tpu.memory_space<vmem>>) target(%dma_start3A_148 : memref<32x128xf32, #tpu.memory_space<vmem_shared>>) target_semaphore(%run_scoped3A : memref<!tpu.dma_semaphore, #tpu.memory_space<semaphore_mem>>)
      %dma_wait3A_149 = arith.constant 0 : i32
      %dma_wait3A_150 = tpu.memref_slice %arg13[%add3A_45, %dma_wait3A_149] : memref<10240x128xf32, #tpu.memory_space<vmem_shared>> -> memref<32x128xf32, #tpu.memory_space<vmem_shared>>
      %dma_wait3A_151 = arith.constant 0 : i32
      %dma_wait3A_152 = tpu.memref_slice %arg13[%add3A_45, %dma_wait3A_151] : memref<10240x128xf32, #tpu.memory_space<vmem_shared>> -> memref<32x128xf32, #tpu.memory_space<vmem_shared>>
      tpu.wait_dma2 semaphore(%run_scoped3A : memref<!tpu.dma_semaphore, #tpu.memory_space<semaphore_mem>>) src(%arg12 : memref<32x128xf32, #tpu.memory_space<vmem>>) dst(%dma_wait3A_152 : memref<32x128xf32, #tpu.memory_space<vmem_shared>>)
      tpu.yield
    }) : () -> ()
    %mul3A_46 = arith.constant 640 : i32
    %mul3A_47 = arith.muli %arg1, %mul3A_46 : i32
    %add3A_48 = arith.constant 320 : i32
    %add3A_49 = arith.addi %mul3A_47, %add3A_48 : i32
    "tpu.region"() ({
      %run_scoped3A = tpu.sem_alloc : memref<!tpu.dma_semaphore, #tpu.memory_space<semaphore_mem>>
      %dma_start3A = arith.constant 0 : i32
      %dma_start3A_146 = tpu.memref_slice %arg13[%add3A_49, %dma_start3A] : memref<10240x128xf32, #tpu.memory_space<vmem_shared>> -> memref<32x128xf32, #tpu.memory_space<vmem_shared>>
      %dma_start3A_147 = arith.constant 0 : i32
      %dma_start3A_148 = tpu.memref_slice %arg13[%add3A_49, %dma_start3A_147] : memref<10240x128xf32, #tpu.memory_space<vmem_shared>> -> memref<32x128xf32, #tpu.memory_space<vmem_shared>>
      tpu.enqueue_dma source(%arg12 : memref<32x128xf32, #tpu.memory_space<vmem>>) target(%dma_start3A_148 : memref<32x128xf32, #tpu.memory_space<vmem_shared>>) target_semaphore(%run_scoped3A : memref<!tpu.dma_semaphore, #tpu.memory_space<semaphore_mem>>)
      %dma_wait3A_149 = arith.constant 0 : i32
      %dma_wait3A_150 = tpu.memref_slice %arg13[%add3A_49, %dma_wait3A_149] : memref<10240x128xf32, #tpu.memory_space<vmem_shared>> -> memref<32x128xf32, #tpu.memory_space<vmem_shared>>
      %dma_wait3A_151 = arith.constant 0 : i32
      %dma_wait3A_152 = tpu.memref_slice %arg13[%add3A_49, %dma_wait3A_151] : memref<10240x128xf32, #tpu.memory_space<vmem_shared>> -> memref<32x128xf32, #tpu.memory_space<vmem_shared>>
      tpu.wait_dma2 semaphore(%run_scoped3A : memref<!tpu.dma_semaphore, #tpu.memory_space<semaphore_mem>>) src(%arg12 : memref<32x128xf32, #tpu.memory_space<vmem>>) dst(%dma_wait3A_152 : memref<32x128xf32, #tpu.memory_space<vmem_shared>>)
      tpu.yield
    }) : () -> ()
    %mul3A_50 = arith.constant 640 : i32
    %mul3A_51 = arith.muli %arg1, %mul3A_50 : i32
    %add3A_52 = arith.constant 352 : i32
    %add3A_53 = arith.addi %mul3A_51, %add3A_52 : i32
    "tpu.region"() ({
      %run_scoped3A = tpu.sem_alloc : memref<!tpu.dma_semaphore, #tpu.memory_space<semaphore_mem>>
      %dma_start3A = arith.constant 0 : i32
      %dma_start3A_146 = tpu.memref_slice %arg13[%add3A_53, %dma_start3A] : memref<10240x128xf32, #tpu.memory_space<vmem_shared>> -> memref<32x128xf32, #tpu.memory_space<vmem_shared>>
      %dma_start3A_147 = arith.constant 0 : i32
      %dma_start3A_148 = tpu.memref_slice %arg13[%add3A_53, %dma_start3A_147] : memref<10240x128xf32, #tpu.memory_space<vmem_shared>> -> memref<32x128xf32, #tpu.memory_space<vmem_shared>>
      tpu.enqueue_dma source(%arg12 : memref<32x128xf32, #tpu.memory_space<vmem>>) target(%dma_start3A_148 : memref<32x128xf32, #tpu.memory_space<vmem_shared>>) target_semaphore(%run_scoped3A : memref<!tpu.dma_semaphore, #tpu.memory_space<semaphore_mem>>)
      %dma_wait3A_149 = arith.constant 0 : i32
      %dma_wait3A_150 = tpu.memref_slice %arg13[%add3A_53, %dma_wait3A_149] : memref<10240x128xf32, #tpu.memory_space<vmem_shared>> -> memref<32x128xf32, #tpu.memory_space<vmem_shared>>
      %dma_wait3A_151 = arith.constant 0 : i32
      %dma_wait3A_152 = tpu.memref_slice %arg13[%add3A_53, %dma_wait3A_151] : memref<10240x128xf32, #tpu.memory_space<vmem_shared>> -> memref<32x128xf32, #tpu.memory_space<vmem_shared>>
      tpu.wait_dma2 semaphore(%run_scoped3A : memref<!tpu.dma_semaphore, #tpu.memory_space<semaphore_mem>>) src(%arg12 : memref<32x128xf32, #tpu.memory_space<vmem>>) dst(%dma_wait3A_152 : memref<32x128xf32, #tpu.memory_space<vmem_shared>>)
      tpu.yield
    }) : () -> ()
    %mul3A_54 = arith.constant 640 : i32
    %mul3A_55 = arith.muli %arg1, %mul3A_54 : i32
    %add3A_56 = arith.constant 384 : i32
    %add3A_57 = arith.addi %mul3A_55, %add3A_56 : i32
    "tpu.region"() ({
      %run_scoped3A = tpu.sem_alloc : memref<!tpu.dma_semaphore, #tpu.memory_space<semaphore_mem>>
      %dma_start3A = arith.constant 0 : i32
      %dma_start3A_146 = tpu.memref_slice %arg13[%add3A_57, %dma_start3A] : memref<10240x128xf32, #tpu.memory_space<vmem_shared>> -> memref<32x128xf32, #tpu.memory_space<vmem_shared>>
      %dma_start3A_147 = arith.constant 0 : i32
      %dma_start3A_148 = tpu.memref_slice %arg13[%add3A_57, %dma_start3A_147] : memref<10240x128xf32, #tpu.memory_space<vmem_shared>> -> memref<32x128xf32, #tpu.memory_space<vmem_shared>>
      tpu.enqueue_dma source(%arg12 : memref<32x128xf32, #tpu.memory_space<vmem>>) target(%dma_start3A_148 : memref<32x128xf32, #tpu.memory_space<vmem_shared>>) target_semaphore(%run_scoped3A : memref<!tpu.dma_semaphore, #tpu.memory_space<semaphore_mem>>)
      %dma_wait3A_149 = arith.constant 0 : i32
      %dma_wait3A_150 = tpu.memref_slice %arg13[%add3A_57, %dma_wait3A_149] : memref<10240x128xf32, #tpu.memory_space<vmem_shared>> -> memref<32x128xf32, #tpu.memory_space<vmem_shared>>
      %dma_wait3A_151 = arith.constant 0 : i32
      %dma_wait3A_152 = tpu.memref_slice %arg13[%add3A_57, %dma_wait3A_151] : memref<10240x128xf32, #tpu.memory_space<vmem_shared>> -> memref<32x128xf32, #tpu.memory_space<vmem_shared>>
      tpu.wait_dma2 semaphore(%run_scoped3A : memref<!tpu.dma_semaphore, #tpu.memory_space<semaphore_mem>>) src(%arg12 : memref<32x128xf32, #tpu.memory_space<vmem>>) dst(%dma_wait3A_152 : memref<32x128xf32, #tpu.memory_space<vmem_shared>>)
      tpu.yield
    }) : () -> ()
    %mul3A_58 = arith.constant 640 : i32
    %mul3A_59 = arith.muli %arg1, %mul3A_58 : i32
    %add3A_60 = arith.constant 416 : i32
    %add3A_61 = arith.addi %mul3A_59, %add3A_60 : i32
    "tpu.region"() ({
      %run_scoped3A = tpu.sem_alloc : memref<!tpu.dma_semaphore, #tpu.memory_space<semaphore_mem>>
      %dma_start3A = arith.constant 0 : i32
      %dma_start3A_146 = tpu.memref_slice %arg13[%add3A_61, %dma_start3A] : memref<10240x128xf32, #tpu.memory_space<vmem_shared>> -> memref<32x128xf32, #tpu.memory_space<vmem_shared>>
      %dma_start3A_147 = arith.constant 0 : i32
      %dma_start3A_148 = tpu.memref_slice %arg13[%add3A_61, %dma_start3A_147] : memref<10240x128xf32, #tpu.memory_space<vmem_shared>> -> memref<32x128xf32, #tpu.memory_space<vmem_shared>>
      tpu.enqueue_dma source(%arg12 : memref<32x128xf32, #tpu.memory_space<vmem>>) target(%dma_start3A_148 : memref<32x128xf32, #tpu.memory_space<vmem_shared>>) target_semaphore(%run_scoped3A : memref<!tpu.dma_semaphore, #tpu.memory_space<semaphore_mem>>)
      %dma_wait3A_149 = arith.constant 0 : i32
      %dma_wait3A_150 = tpu.memref_slice %arg13[%add3A_61, %dma_wait3A_149] : memref<10240x128xf32, #tpu.memory_space<vmem_shared>> -> memref<32x128xf32, #tpu.memory_space<vmem_shared>>
      %dma_wait3A_151 = arith.constant 0 : i32
      %dma_wait3A_152 = tpu.memref_slice %arg13[%add3A_61, %dma_wait3A_151] : memref<10240x128xf32, #tpu.memory_space<vmem_shared>> -> memref<32x128xf32, #tpu.memory_space<vmem_shared>>
      tpu.wait_dma2 semaphore(%run_scoped3A : memref<!tpu.dma_semaphore, #tpu.memory_space<semaphore_mem>>) src(%arg12 : memref<32x128xf32, #tpu.memory_space<vmem>>) dst(%dma_wait3A_152 : memref<32x128xf32, #tpu.memory_space<vmem_shared>>)
      tpu.yield
    }) : () -> ()
    %mul3A_62 = arith.constant 640 : i32
    %mul3A_63 = arith.muli %arg1, %mul3A_62 : i32
    %add3A_64 = arith.constant 448 : i32
    %add3A_65 = arith.addi %mul3A_63, %add3A_64 : i32
    "tpu.region"() ({
      %run_scoped3A = tpu.sem_alloc : memref<!tpu.dma_semaphore, #tpu.memory_space<semaphore_mem>>
      %dma_start3A = arith.constant 0 : i32
      %dma_start3A_146 = tpu.memref_slice %arg13[%add3A_65, %dma_start3A] : memref<10240x128xf32, #tpu.memory_space<vmem_shared>> -> memref<32x128xf32, #tpu.memory_space<vmem_shared>>
      %dma_start3A_147 = arith.constant 0 : i32
      %dma_start3A_148 = tpu.memref_slice %arg13[%add3A_65, %dma_start3A_147] : memref<10240x128xf32, #tpu.memory_space<vmem_shared>> -> memref<32x128xf32, #tpu.memory_space<vmem_shared>>
      tpu.enqueue_dma source(%arg12 : memref<32x128xf32, #tpu.memory_space<vmem>>) target(%dma_start3A_148 : memref<32x128xf32, #tpu.memory_space<vmem_shared>>) target_semaphore(%run_scoped3A : memref<!tpu.dma_semaphore, #tpu.memory_space<semaphore_mem>>)
      %dma_wait3A_149 = arith.constant 0 : i32
      %dma_wait3A_150 = tpu.memref_slice %arg13[%add3A_65, %dma_wait3A_149] : memref<10240x128xf32, #tpu.memory_space<vmem_shared>> -> memref<32x128xf32, #tpu.memory_space<vmem_shared>>
      %dma_wait3A_151 = arith.constant 0 : i32
      %dma_wait3A_152 = tpu.memref_slice %arg13[%add3A_65, %dma_wait3A_151] : memref<10240x128xf32, #tpu.memory_space<vmem_shared>> -> memref<32x128xf32, #tpu.memory_space<vmem_shared>>
      tpu.wait_dma2 semaphore(%run_scoped3A : memref<!tpu.dma_semaphore, #tpu.memory_space<semaphore_mem>>) src(%arg12 : memref<32x128xf32, #tpu.memory_space<vmem>>) dst(%dma_wait3A_152 : memref<32x128xf32, #tpu.memory_space<vmem_shared>>)
      tpu.yield
    }) : () -> ()
    %mul3A_66 = arith.constant 640 : i32
    %mul3A_67 = arith.muli %arg1, %mul3A_66 : i32
    %add3A_68 = arith.constant 480 : i32
    %add3A_69 = arith.addi %mul3A_67, %add3A_68 : i32
    "tpu.region"() ({
      %run_scoped3A = tpu.sem_alloc : memref<!tpu.dma_semaphore, #tpu.memory_space<semaphore_mem>>
      %dma_start3A = arith.constant 0 : i32
      %dma_start3A_146 = tpu.memref_slice %arg13[%add3A_69, %dma_start3A] : memref<10240x128xf32, #tpu.memory_space<vmem_shared>> -> memref<32x128xf32, #tpu.memory_space<vmem_shared>>
      %dma_start3A_147 = arith.constant 0 : i32
      %dma_start3A_148 = tpu.memref_slice %arg13[%add3A_69, %dma_start3A_147] : memref<10240x128xf32, #tpu.memory_space<vmem_shared>> -> memref<32x128xf32, #tpu.memory_space<vmem_shared>>
      tpu.enqueue_dma source(%arg12 : memref<32x128xf32, #tpu.memory_space<vmem>>) target(%dma_start3A_148 : memref<32x128xf32, #tpu.memory_space<vmem_shared>>) target_semaphore(%run_scoped3A : memref<!tpu.dma_semaphore, #tpu.memory_space<semaphore_mem>>)
      %dma_wait3A_149 = arith.constant 0 : i32
      %dma_wait3A_150 = tpu.memref_slice %arg13[%add3A_69, %dma_wait3A_149] : memref<10240x128xf32, #tpu.memory_space<vmem_shared>> -> memref<32x128xf32, #tpu.memory_space<vmem_shared>>
      %dma_wait3A_151 = arith.constant 0 : i32
      %dma_wait3A_152 = tpu.memref_slice %arg13[%add3A_69, %dma_wait3A_151] : memref<10240x128xf32, #tpu.memory_space<vmem_shared>> -> memref<32x128xf32, #tpu.memory_space<vmem_shared>>
      tpu.wait_dma2 semaphore(%run_scoped3A : memref<!tpu.dma_semaphore, #tpu.memory_space<semaphore_mem>>) src(%arg12 : memref<32x128xf32, #tpu.memory_space<vmem>>) dst(%dma_wait3A_152 : memref<32x128xf32, #tpu.memory_space<vmem_shared>>)
      tpu.yield
    }) : () -> ()
    %mul3A_70 = arith.constant 640 : i32
    %mul3A_71 = arith.muli %arg1, %mul3A_70 : i32
    %add3A_72 = arith.constant 512 : i32
    %add3A_73 = arith.addi %mul3A_71, %add3A_72 : i32
    "tpu.region"() ({
      %run_scoped3A = tpu.sem_alloc : memref<!tpu.dma_semaphore, #tpu.memory_space<semaphore_mem>>
      %dma_start3A = arith.constant 0 : i32
      %dma_start3A_146 = tpu.memref_slice %arg13[%add3A_73, %dma_start3A] : memref<10240x128xf32, #tpu.memory_space<vmem_shared>> -> memref<32x128xf32, #tpu.memory_space<vmem_shared>>
      %dma_start3A_147 = arith.constant 0 : i32
      %dma_start3A_148 = tpu.memref_slice %arg13[%add3A_73, %dma_start3A_147] : memref<10240x128xf32, #tpu.memory_space<vmem_shared>> -> memref<32x128xf32, #tpu.memory_space<vmem_shared>>
      tpu.enqueue_dma source(%arg12 : memref<32x128xf32, #tpu.memory_space<vmem>>) target(%dma_start3A_148 : memref<32x128xf32, #tpu.memory_space<vmem_shared>>) target_semaphore(%run_scoped3A : memref<!tpu.dma_semaphore, #tpu.memory_space<semaphore_mem>>)
      %dma_wait3A_149 = arith.constant 0 : i32
      %dma_wait3A_150 = tpu.memref_slice %arg13[%add3A_73, %dma_wait3A_149] : memref<10240x128xf32, #tpu.memory_space<vmem_shared>> -> memref<32x128xf32, #tpu.memory_space<vmem_shared>>
      %dma_wait3A_151 = arith.constant 0 : i32
      %dma_wait3A_152 = tpu.memref_slice %arg13[%add3A_73, %dma_wait3A_151] : memref<10240x128xf32, #tpu.memory_space<vmem_shared>> -> memref<32x128xf32, #tpu.memory_space<vmem_shared>>
      tpu.wait_dma2 semaphore(%run_scoped3A : memref<!tpu.dma_semaphore, #tpu.memory_space<semaphore_mem>>) src(%arg12 : memref<32x128xf32, #tpu.memory_space<vmem>>) dst(%dma_wait3A_152 : memref<32x128xf32, #tpu.memory_space<vmem_shared>>)
      tpu.yield
    }) : () -> ()
    %mul3A_74 = arith.constant 640 : i32
    %mul3A_75 = arith.muli %arg1, %mul3A_74 : i32
    %add3A_76 = arith.constant 544 : i32
    %add3A_77 = arith.addi %mul3A_75, %add3A_76 : i32
    "tpu.region"() ({
      %run_scoped3A = tpu.sem_alloc : memref<!tpu.dma_semaphore, #tpu.memory_space<semaphore_mem>>
      %dma_start3A = arith.constant 0 : i32
      %dma_start3A_146 = tpu.memref_slice %arg13[%add3A_77, %dma_start3A] : memref<10240x128xf32, #tpu.memory_space<vmem_shared>> -> memref<32x128xf32, #tpu.memory_space<vmem_shared>>
      %dma_start3A_147 = arith.constant 0 : i32
      %dma_start3A_148 = tpu.memref_slice %arg13[%add3A_77, %dma_start3A_147] : memref<10240x128xf32, #tpu.memory_space<vmem_shared>> -> memref<32x128xf32, #tpu.memory_space<vmem_shared>>
      tpu.enqueue_dma source(%arg12 : memref<32x128xf32, #tpu.memory_space<vmem>>) target(%dma_start3A_148 : memref<32x128xf32, #tpu.memory_space<vmem_shared>>) target_semaphore(%run_scoped3A : memref<!tpu.dma_semaphore, #tpu.memory_space<semaphore_mem>>)
      %dma_wait3A_149 = arith.constant 0 : i32
      %dma_wait3A_150 = tpu.memref_slice %arg13[%add3A_77, %dma_wait3A_149] : memref<10240x128xf32, #tpu.memory_space<vmem_shared>> -> memref<32x128xf32, #tpu.memory_space<vmem_shared>>
      %dma_wait3A_151 = arith.constant 0 : i32
      %dma_wait3A_152 = tpu.memref_slice %arg13[%add3A_77, %dma_wait3A_151] : memref<10240x128xf32, #tpu.memory_space<vmem_shared>> -> memref<32x128xf32, #tpu.memory_space<vmem_shared>>
      tpu.wait_dma2 semaphore(%run_scoped3A : memref<!tpu.dma_semaphore, #tpu.memory_space<semaphore_mem>>) src(%arg12 : memref<32x128xf32, #tpu.memory_space<vmem>>) dst(%dma_wait3A_152 : memref<32x128xf32, #tpu.memory_space<vmem_shared>>)
      tpu.yield
    }) : () -> ()
    %mul3A_78 = arith.constant 640 : i32
    %mul3A_79 = arith.muli %arg1, %mul3A_78 : i32
    %add3A_80 = arith.constant 576 : i32
    %add3A_81 = arith.addi %mul3A_79, %add3A_80 : i32
    "tpu.region"() ({
      %run_scoped3A = tpu.sem_alloc : memref<!tpu.dma_semaphore, #tpu.memory_space<semaphore_mem>>
      %dma_start3A = arith.constant 0 : i32
      %dma_start3A_146 = tpu.memref_slice %arg13[%add3A_81, %dma_start3A] : memref<10240x128xf32, #tpu.memory_space<vmem_shared>> -> memref<32x128xf32, #tpu.memory_space<vmem_shared>>
      %dma_start3A_147 = arith.constant 0 : i32
      %dma_start3A_148 = tpu.memref_slice %arg13[%add3A_81, %dma_start3A_147] : memref<10240x128xf32, #tpu.memory_space<vmem_shared>> -> memref<32x128xf32, #tpu.memory_space<vmem_shared>>
      tpu.enqueue_dma source(%arg12 : memref<32x128xf32, #tpu.memory_space<vmem>>) target(%dma_start3A_148 : memref<32x128xf32, #tpu.memory_space<vmem_shared>>) target_semaphore(%run_scoped3A : memref<!tpu.dma_semaphore, #tpu.memory_space<semaphore_mem>>)
      %dma_wait3A_149 = arith.constant 0 : i32
      %dma_wait3A_150 = tpu.memref_slice %arg13[%add3A_81, %dma_wait3A_149] : memref<10240x128xf32, #tpu.memory_space<vmem_shared>> -> memref<32x128xf32, #tpu.memory_space<vmem_shared>>
      %dma_wait3A_151 = arith.constant 0 : i32
      %dma_wait3A_152 = tpu.memref_slice %arg13[%add3A_81, %dma_wait3A_151] : memref<10240x128xf32, #tpu.memory_space<vmem_shared>> -> memref<32x128xf32, #tpu.memory_space<vmem_shared>>
      tpu.wait_dma2 semaphore(%run_scoped3A : memref<!tpu.dma_semaphore, #tpu.memory_space<semaphore_mem>>) src(%arg12 : memref<32x128xf32, #tpu.memory_space<vmem>>) dst(%dma_wait3A_152 : memref<32x128xf32, #tpu.memory_space<vmem_shared>>)
      tpu.yield
    }) : () -> ()
    %mul3A_82 = arith.constant 640 : i32
    %mul3A_83 = arith.muli %arg1, %mul3A_82 : i32
    %add3A_84 = arith.constant 608 : i32
    %add3A_85 = arith.addi %mul3A_83, %add3A_84 : i32
    "tpu.region"() ({
      %run_scoped3A = tpu.sem_alloc : memref<!tpu.dma_semaphore, #tpu.memory_space<semaphore_mem>>
      %dma_start3A = arith.constant 0 : i32
      %dma_start3A_146 = tpu.memref_slice %arg13[%add3A_85, %dma_start3A] : memref<10240x128xf32, #tpu.memory_space<vmem_shared>> -> memref<32x128xf32, #tpu.memory_space<vmem_shared>>
      %dma_start3A_147 = arith.constant 0 : i32
      %dma_start3A_148 = tpu.memref_slice %arg13[%add3A_85, %dma_start3A_147] : memref<10240x128xf32, #tpu.memory_space<vmem_shared>> -> memref<32x128xf32, #tpu.memory_space<vmem_shared>>
      tpu.enqueue_dma source(%arg12 : memref<32x128xf32, #tpu.memory_space<vmem>>) target(%dma_start3A_148 : memref<32x128xf32, #tpu.memory_space<vmem_shared>>) target_semaphore(%run_scoped3A : memref<!tpu.dma_semaphore, #tpu.memory_space<semaphore_mem>>)
      %dma_wait3A_149 = arith.constant 0 : i32
      %dma_wait3A_150 = tpu.memref_slice %arg13[%add3A_85, %dma_wait3A_149] : memref<10240x128xf32, #tpu.memory_space<vmem_shared>> -> memref<32x128xf32, #tpu.memory_space<vmem_shared>>
      %dma_wait3A_151 = arith.constant 0 : i32
      %dma_wait3A_152 = tpu.memref_slice %arg13[%add3A_85, %dma_wait3A_151] : memref<10240x128xf32, #tpu.memory_space<vmem_shared>> -> memref<32x128xf32, #tpu.memory_space<vmem_shared>>
      tpu.wait_dma2 semaphore(%run_scoped3A : memref<!tpu.dma_semaphore, #tpu.memory_space<semaphore_mem>>) src(%arg12 : memref<32x128xf32, #tpu.memory_space<vmem>>) dst(%dma_wait3A_152 : memref<32x128xf32, #tpu.memory_space<vmem_shared>>)
      tpu.yield
    }) : () -> ()
    %barrier3A = arith.constant 0 : index
    tpu.barrier barrier_id(%barrier3A)
    %mul3A_86 = arith.constant 160 : i32
    %mul3A_87 = arith.muli %add3A, %mul3A_86 : i32
    %scan3A_88 = arith.constant 0 : i32
    %scan3A_89 = arith.constant 0 : i32
    %scan3A_90 = arith.constant 10 : i32
    %scan3A_91 = arith.addi %scan3A_89, %scan3A_90 : i32
    %scan3A_92 = arith.constant 1 : i32
    scf.for %scan3A_146 = %scan3A_89 to %scan3A_91 step %scan3A_92  : i32 {
      %jit3A = arith.constant 2 : i32
      %eq3A = arith.constant 0 : i32
      %eq3A_147 = arith.cmpi eq, %jit3A, %eq3A : i32
      %jit3A_148 = arith.constant 1 : i32
      %select_n3A = arith.select %eq3A_147, %jit3A_148, %jit3A : i32
      %rem3A = arith.remsi %scan3A_146, %select_n3A : i32
      %ne3A = arith.constant 0 : i32
      %ne3A_149 = arith.cmpi ne, %rem3A, %ne3A : i32
      %lt3A = arith.constant 0 : i32
      %lt3A_150 = arith.cmpi slt, %rem3A, %lt3A : i32
      %lt3A_151 = arith.constant 0 : i32
      %lt3A_152 = arith.cmpi slt, %select_n3A, %lt3A_151 : i32
      %ne3A_153 = arith.xori %lt3A_150, %lt3A_152 : i1
      %and3A = arith.andi %ne3A_153, %ne3A_149 : i1
      %add3A_154 = arith.addi %rem3A, %select_n3A : i32
      %select_n3A_155 = arith.select %and3A, %add3A_154, %rem3A : i32
      %mul3A_156 = arith.constant 16 : i32
      %mul3A_157 = arith.muli %scan3A_146, %mul3A_156 : i32
      %add3A_158 = arith.addi %mul3A_87, %mul3A_157 : i32
      "tpu.region"() ({
        %run_scoped3A = tpu.sem_alloc : memref<!tpu.dma_semaphore, #tpu.memory_space<semaphore_mem>>
        %dma_start3A = arith.constant 0 : i32
        %dma_start3A_165 = arith.constant 0 : i32
        %dma_start3A_166 = tpu.memref_slice %arg6[%select_n3A_155, %dma_start3A, %dma_start3A_165] : memref<2x16x64xi32, #tpu.memory_space<vmem>> -> memref<1x16x64xi32, #tpu.memory_space<vmem>>
        %dma_start3A_167 = tpu.memref_squeeze %dma_start3A_166 : memref<1x16x64xi32, #tpu.memory_space<vmem>> -> memref<16x64xi32, #tpu.memory_space<vmem>>
        %dma_start3A_168 = arith.constant 0 : i32
        %dma_start3A_169 = tpu.memref_slice %arg3[%add3A_158, %dma_start3A_168] : memref<5120x64xi32, #tpu.memory_space<hbm>> -> memref<16x64xi32, #tpu.memory_space<hbm>>
        %dma_start3A_170 = arith.constant 0 : i32
        %dma_start3A_171 = arith.constant 0 : i32
        %dma_start3A_172 = tpu.memref_slice %arg6[%select_n3A_155, %dma_start3A_170, %dma_start3A_171] : memref<2x16x64xi32, #tpu.memory_space<vmem>> -> memref<1x16x64xi32, #tpu.memory_space<vmem>>
        %dma_start3A_173 = tpu.memref_squeeze %dma_start3A_172 : memref<1x16x64xi32, #tpu.memory_space<vmem>> -> memref<16x64xi32, #tpu.memory_space<vmem>>
        %dma_start3A_174 = arith.constant 0 : i32
        %dma_start3A_175 = tpu.memref_slice %arg3[%add3A_158, %dma_start3A_174] : memref<5120x64xi32, #tpu.memory_space<hbm>> -> memref<16x64xi32, #tpu.memory_space<hbm>>
        tpu.enqueue_dma source(%dma_start3A_175 : memref<16x64xi32, #tpu.memory_space<hbm>>) target(%dma_start3A_173 : memref<16x64xi32, #tpu.memory_space<vmem>>) target_semaphore(%run_scoped3A : memref<!tpu.dma_semaphore, #tpu.memory_space<semaphore_mem>>)
        %dma_wait3A_176 = arith.constant 0 : i32
        %dma_wait3A_177 = arith.constant 0 : i32
        %dma_wait3A_178 = tpu.memref_slice %arg6[%select_n3A_155, %dma_wait3A_176, %dma_wait3A_177] : memref<2x16x64xi32, #tpu.memory_space<vmem>> -> memref<1x16x64xi32, #tpu.memory_space<vmem>>
        %dma_wait3A_179 = tpu.memref_squeeze %dma_wait3A_178 : memref<1x16x64xi32, #tpu.memory_space<vmem>> -> memref<16x64xi32, #tpu.memory_space<vmem>>
        %dma_wait3A_180 = arith.constant 0 : i32
        %dma_wait3A_181 = tpu.memref_slice %arg3[%add3A_158, %dma_wait3A_180] : memref<5120x64xi32, #tpu.memory_space<hbm>> -> memref<16x64xi32, #tpu.memory_space<hbm>>
        %dma_wait3A_182 = arith.constant 0 : i32
        %dma_wait3A_183 = arith.constant 0 : i32
        %dma_wait3A_184 = tpu.memref_slice %arg6[%select_n3A_155, %dma_wait3A_182, %dma_wait3A_183] : memref<2x16x64xi32, #tpu.memory_space<vmem>> -> memref<1x16x64xi32, #tpu.memory_space<vmem>>
        %dma_wait3A_185 = tpu.memref_squeeze %dma_wait3A_184 : memref<1x16x64xi32, #tpu.memory_space<vmem>> -> memref<16x64xi32, #tpu.memory_space<vmem>>
        %dma_wait3A_186 = arith.constant 0 : i32
        %dma_wait3A_187 = tpu.memref_slice %arg3[%add3A_158, %dma_wait3A_186] : memref<5120x64xi32, #tpu.memory_space<hbm>> -> memref<16x64xi32, #tpu.memory_space<hbm>>
        tpu.wait_dma2 semaphore(%run_scoped3A : memref<!tpu.dma_semaphore, #tpu.memory_space<semaphore_mem>>) src(%dma_wait3A_187 : memref<16x64xi32, #tpu.memory_space<hbm>>) dst(%dma_wait3A_185 : memref<16x64xi32, #tpu.memory_space<vmem>>)
        tpu.yield
      }) : () -> ()
      "tpu.region"() ({
        %run_scoped3A = tpu.sem_alloc : memref<!tpu.dma_semaphore, #tpu.memory_space<semaphore_mem>>
        %dma_start3A = arith.constant 0 : i32
        %dma_start3A_165 = arith.constant 0 : i32
        %dma_start3A_166 = tpu.memref_slice %arg7[%select_n3A_155, %dma_start3A, %dma_start3A_165] : memref<2x16x64xi32, #tpu.memory_space<vmem>> -> memref<1x16x64xi32, #tpu.memory_space<vmem>>
        %dma_start3A_167 = tpu.memref_squeeze %dma_start3A_166 : memref<1x16x64xi32, #tpu.memory_space<vmem>> -> memref<16x64xi32, #tpu.memory_space<vmem>>
        %dma_start3A_168 = arith.constant 0 : i32
        %dma_start3A_169 = tpu.memref_slice %arg4[%add3A_158, %dma_start3A_168] : memref<5120x64xi32, #tpu.memory_space<hbm>> -> memref<16x64xi32, #tpu.memory_space<hbm>>
        %dma_start3A_170 = arith.constant 0 : i32
        %dma_start3A_171 = arith.constant 0 : i32
        %dma_start3A_172 = tpu.memref_slice %arg7[%select_n3A_155, %dma_start3A_170, %dma_start3A_171] : memref<2x16x64xi32, #tpu.memory_space<vmem>> -> memref<1x16x64xi32, #tpu.memory_space<vmem>>
        %dma_start3A_173 = tpu.memref_squeeze %dma_start3A_172 : memref<1x16x64xi32, #tpu.memory_space<vmem>> -> memref<16x64xi32, #tpu.memory_space<vmem>>
        %dma_start3A_174 = arith.constant 0 : i32
        %dma_start3A_175 = tpu.memref_slice %arg4[%add3A_158, %dma_start3A_174] : memref<5120x64xi32, #tpu.memory_space<hbm>> -> memref<16x64xi32, #tpu.memory_space<hbm>>
        tpu.enqueue_dma source(%dma_start3A_175 : memref<16x64xi32, #tpu.memory_space<hbm>>) target(%dma_start3A_173 : memref<16x64xi32, #tpu.memory_space<vmem>>) target_semaphore(%run_scoped3A : memref<!tpu.dma_semaphore, #tpu.memory_space<semaphore_mem>>)
        %dma_wait3A_176 = arith.constant 0 : i32
        %dma_wait3A_177 = arith.constant 0 : i32
        %dma_wait3A_178 = tpu.memref_slice %arg7[%select_n3A_155, %dma_wait3A_176, %dma_wait3A_177] : memref<2x16x64xi32, #tpu.memory_space<vmem>> -> memref<1x16x64xi32, #tpu.memory_space<vmem>>
        %dma_wait3A_179 = tpu.memref_squeeze %dma_wait3A_178 : memref<1x16x64xi32, #tpu.memory_space<vmem>> -> memref<16x64xi32, #tpu.memory_space<vmem>>
        %dma_wait3A_180 = arith.constant 0 : i32
        %dma_wait3A_181 = tpu.memref_slice %arg4[%add3A_158, %dma_wait3A_180] : memref<5120x64xi32, #tpu.memory_space<hbm>> -> memref<16x64xi32, #tpu.memory_space<hbm>>
        %dma_wait3A_182 = arith.constant 0 : i32
        %dma_wait3A_183 = arith.constant 0 : i32
        %dma_wait3A_184 = tpu.memref_slice %arg7[%select_n3A_155, %dma_wait3A_182, %dma_wait3A_183] : memref<2x16x64xi32, #tpu.memory_space<vmem>> -> memref<1x16x64xi32, #tpu.memory_space<vmem>>
        %dma_wait3A_185 = tpu.memref_squeeze %dma_wait3A_184 : memref<1x16x64xi32, #tpu.memory_space<vmem>> -> memref<16x64xi32, #tpu.memory_space<vmem>>
        %dma_wait3A_186 = arith.constant 0 : i32
        %dma_wait3A_187 = tpu.memref_slice %arg4[%add3A_158, %dma_wait3A_186] : memref<5120x64xi32, #tpu.memory_space<hbm>> -> memref<16x64xi32, #tpu.memory_space<hbm>>
        tpu.wait_dma2 semaphore(%run_scoped3A : memref<!tpu.dma_semaphore, #tpu.memory_space<semaphore_mem>>) src(%dma_wait3A_187 : memref<16x64xi32, #tpu.memory_space<hbm>>) dst(%dma_wait3A_185 : memref<16x64xi32, #tpu.memory_space<vmem>>)
        tpu.yield
      }) : () -> ()
      %scan3A_159 = arith.constant 0 : i32
      %scan3A_160 = arith.constant 0 : i32
      %scan3A_161 = arith.constant 4 : i32
      %scan3A_162 = arith.addi %scan3A_160, %scan3A_161 : i32
      %scan3A_163 = arith.constant 1 : i32
      scf.for %scan3A_165 = %scan3A_160 to %scan3A_162 step %scan3A_163  : i32 {
        %mul3A_166 = arith.constant 4 : i32
        %mul3A_167 = arith.muli %scan3A_165, %mul3A_166 : i32
        %add3A_168 = arith.constant 0 : i32
        %add3A_169 = arith.addi %mul3A_167, %add3A_168 : i32
        %mul3A_170 = arith.constant 16 : i32
        %mul3A_171 = arith.muli %scan3A_146, %mul3A_170 : i32
        %add3A_172 = arith.addi %mul3A_171, %add3A_169 : i32
        %ge3A = arith.constant 4 : i32
        %ge3A_173 = arith.cmpi sge, %add3A_172, %ge3A : i32
        %convert_element_type3A = arith.extui %ge3A_173 : i1 to i32
        %cond3A = arith.constant 0 : i32
        %cond3A_174 = arith.cmpi ne, %convert_element_type3A, %cond3A : i32
        scf.if %cond3A_174 {
          %dma_wait3A_298 = arith.constant 0 : i32
          %dma_wait3A_299 = tpu.memref_slice %arg7[%select_n3A_155, %add3A_169, %dma_wait3A_298] : memref<2x16x64xi32, #tpu.memory_space<vmem>> -> memref<1x1x64xi32, #tpu.memory_space<vmem>>
          %dma_wait3A_300 = tpu.memref_squeeze %dma_wait3A_299 : memref<1x1x64xi32, #tpu.memory_space<vmem>> -> memref<64xi32, #tpu.memory_space<vmem>>
          %dma_wait3A_301 = arith.constant 0 : i32
          %dma_wait3A_302 = arith.constant 0 : i32
          %dma_wait3A_303 = tpu.memref_slice %arg13[%dma_wait3A_301, %dma_wait3A_302] : memref<10240x128xf32, #tpu.memory_space<vmem_shared>> -> memref<10240x128xf32, #tpu.memory_space<vmem_shared>>
          tpu.wait_indirect_dma semaphore(%arg18 : memref<!tpu.dma_semaphore, #tpu.memory_space<semaphore_mem>>) src(%arg8 : memref<64x128xf32, #tpu.memory_space<vmem>>) dst(%dma_wait3A_303 : memref<10240x128xf32, #tpu.memory_space<vmem_shared>>)
        } else {
        }
        %dma_start3A = arith.constant 0 : i32
        %dma_start3A_175 = tpu.memref_slice %arg6[%select_n3A_155, %add3A_169, %dma_start3A] : memref<2x16x64xi32, #tpu.memory_space<vmem>> -> memref<1x1x64xi32, #tpu.memory_space<vmem>>
        %dma_start3A_176 = tpu.memref_squeeze %dma_start3A_175 : memref<1x1x64xi32, #tpu.memory_space<vmem>> -> memref<64xi32, #tpu.memory_space<vmem>>
        %dma_start3A_177 = arith.constant 0 : i32
        %dma_start3A_178 = arith.constant 0 : i32
        %dma_start3A_179 = tpu.memref_slice %arg2[%dma_start3A_177, %dma_start3A_178] : memref<10000x128xf32, #tpu.memory_space<hbm>> -> memref<10000x128xf32, #tpu.memory_space<hbm>>
        tpu.enqueue_indirect_dma source(%dma_start3A_179 : memref<10000x128xf32, #tpu.memory_space<hbm>>) target(%arg8 : memref<64x128xf32, #tpu.memory_space<vmem>>) offsets(%dma_start3A_176 : memref<64xi32, #tpu.memory_space<vmem>>) semaphore(%arg14 : memref<!tpu.dma_semaphore, #tpu.memory_space<semaphore_mem>>)
        %mul3A_180 = arith.constant 4 : i32
        %mul3A_181 = arith.muli %scan3A_165, %mul3A_180 : i32
        %add3A_182 = arith.constant 1 : i32
        %add3A_183 = arith.addi %mul3A_181, %add3A_182 : i32
        %mul3A_184 = arith.constant 16 : i32
        %mul3A_185 = arith.muli %scan3A_146, %mul3A_184 : i32
        %add3A_186 = arith.addi %mul3A_185, %add3A_183 : i32
        %ge3A_187 = arith.constant 4 : i32
        %ge3A_188 = arith.cmpi sge, %add3A_186, %ge3A_187 : i32
        %convert_element_type3A_189 = arith.extui %ge3A_188 : i1 to i32
        %cond3A_190 = arith.constant 0 : i32
        %cond3A_191 = arith.cmpi ne, %convert_element_type3A_189, %cond3A_190 : i32
        scf.if %cond3A_191 {
          %dma_wait3A_298 = arith.constant 0 : i32
          %dma_wait3A_299 = tpu.memref_slice %arg7[%select_n3A_155, %add3A_183, %dma_wait3A_298] : memref<2x16x64xi32, #tpu.memory_space<vmem>> -> memref<1x1x64xi32, #tpu.memory_space<vmem>>
          %dma_wait3A_300 = tpu.memref_squeeze %dma_wait3A_299 : memref<1x1x64xi32, #tpu.memory_space<vmem>> -> memref<64xi32, #tpu.memory_space<vmem>>
          %dma_wait3A_301 = arith.constant 0 : i32
          %dma_wait3A_302 = arith.constant 0 : i32
          %dma_wait3A_303 = tpu.memref_slice %arg13[%dma_wait3A_301, %dma_wait3A_302] : memref<10240x128xf32, #tpu.memory_space<vmem_shared>> -> memref<10240x128xf32, #tpu.memory_space<vmem_shared>>
          tpu.wait_indirect_dma semaphore(%arg19 : memref<!tpu.dma_semaphore, #tpu.memory_space<semaphore_mem>>) src(%arg9 : memref<64x128xf32, #tpu.memory_space<vmem>>) dst(%dma_wait3A_303 : memref<10240x128xf32, #tpu.memory_space<vmem_shared>>)
        } else {
        }
        %dma_start3A_192 = arith.constant 0 : i32
        %dma_start3A_193 = tpu.memref_slice %arg6[%select_n3A_155, %add3A_183, %dma_start3A_192] : memref<2x16x64xi32, #tpu.memory_space<vmem>> -> memref<1x1x64xi32, #tpu.memory_space<vmem>>
        %dma_start3A_194 = tpu.memref_squeeze %dma_start3A_193 : memref<1x1x64xi32, #tpu.memory_space<vmem>> -> memref<64xi32, #tpu.memory_space<vmem>>
        %dma_start3A_195 = arith.constant 0 : i32
        %dma_start3A_196 = arith.constant 0 : i32
        %dma_start3A_197 = tpu.memref_slice %arg2[%dma_start3A_195, %dma_start3A_196] : memref<10000x128xf32, #tpu.memory_space<hbm>> -> memref<10000x128xf32, #tpu.memory_space<hbm>>
        tpu.enqueue_indirect_dma source(%dma_start3A_197 : memref<10000x128xf32, #tpu.memory_space<hbm>>) target(%arg9 : memref<64x128xf32, #tpu.memory_space<vmem>>) offsets(%dma_start3A_194 : memref<64xi32, #tpu.memory_space<vmem>>) semaphore(%arg15 : memref<!tpu.dma_semaphore, #tpu.memory_space<semaphore_mem>>)
        %mul3A_198 = arith.constant 4 : i32
        %mul3A_199 = arith.muli %scan3A_165, %mul3A_198 : i32
        %add3A_200 = arith.constant 2 : i32
        %add3A_201 = arith.addi %mul3A_199, %add3A_200 : i32
        %mul3A_202 = arith.constant 16 : i32
        %mul3A_203 = arith.muli %scan3A_146, %mul3A_202 : i32
        %add3A_204 = arith.addi %mul3A_203, %add3A_201 : i32
        %ge3A_205 = arith.constant 4 : i32
        %ge3A_206 = arith.cmpi sge, %add3A_204, %ge3A_205 : i32
        %convert_element_type3A_207 = arith.extui %ge3A_206 : i1 to i32
        %cond3A_208 = arith.constant 0 : i32
        %cond3A_209 = arith.cmpi ne, %convert_element_type3A_207, %cond3A_208 : i32
        scf.if %cond3A_209 {
          %dma_wait3A_298 = arith.constant 0 : i32
          %dma_wait3A_299 = tpu.memref_slice %arg7[%select_n3A_155, %add3A_201, %dma_wait3A_298] : memref<2x16x64xi32, #tpu.memory_space<vmem>> -> memref<1x1x64xi32, #tpu.memory_space<vmem>>
          %dma_wait3A_300 = tpu.memref_squeeze %dma_wait3A_299 : memref<1x1x64xi32, #tpu.memory_space<vmem>> -> memref<64xi32, #tpu.memory_space<vmem>>
          %dma_wait3A_301 = arith.constant 0 : i32
          %dma_wait3A_302 = arith.constant 0 : i32
          %dma_wait3A_303 = tpu.memref_slice %arg13[%dma_wait3A_301, %dma_wait3A_302] : memref<10240x128xf32, #tpu.memory_space<vmem_shared>> -> memref<10240x128xf32, #tpu.memory_space<vmem_shared>>
          tpu.wait_indirect_dma semaphore(%arg20 : memref<!tpu.dma_semaphore, #tpu.memory_space<semaphore_mem>>) src(%arg10 : memref<64x128xf32, #tpu.memory_space<vmem>>) dst(%dma_wait3A_303 : memref<10240x128xf32, #tpu.memory_space<vmem_shared>>)
        } else {
        }
        %dma_start3A_210 = arith.constant 0 : i32
        %dma_start3A_211 = tpu.memref_slice %arg6[%select_n3A_155, %add3A_201, %dma_start3A_210] : memref<2x16x64xi32, #tpu.memory_space<vmem>> -> memref<1x1x64xi32, #tpu.memory_space<vmem>>
        %dma_start3A_212 = tpu.memref_squeeze %dma_start3A_211 : memref<1x1x64xi32, #tpu.memory_space<vmem>> -> memref<64xi32, #tpu.memory_space<vmem>>
        %dma_start3A_213 = arith.constant 0 : i32
        %dma_start3A_214 = arith.constant 0 : i32
        %dma_start3A_215 = tpu.memref_slice %arg2[%dma_start3A_213, %dma_start3A_214] : memref<10000x128xf32, #tpu.memory_space<hbm>> -> memref<10000x128xf32, #tpu.memory_space<hbm>>
        tpu.enqueue_indirect_dma source(%dma_start3A_215 : memref<10000x128xf32, #tpu.memory_space<hbm>>) target(%arg10 : memref<64x128xf32, #tpu.memory_space<vmem>>) offsets(%dma_start3A_212 : memref<64xi32, #tpu.memory_space<vmem>>) semaphore(%arg16 : memref<!tpu.dma_semaphore, #tpu.memory_space<semaphore_mem>>)
        %mul3A_216 = arith.constant 4 : i32
        %mul3A_217 = arith.muli %scan3A_165, %mul3A_216 : i32
        %add3A_218 = arith.constant 3 : i32
        %add3A_219 = arith.addi %mul3A_217, %add3A_218 : i32
        %mul3A_220 = arith.constant 16 : i32
        %mul3A_221 = arith.muli %scan3A_146, %mul3A_220 : i32
        %add3A_222 = arith.addi %mul3A_221, %add3A_219 : i32
        %ge3A_223 = arith.constant 4 : i32
        %ge3A_224 = arith.cmpi sge, %add3A_222, %ge3A_223 : i32
        %convert_element_type3A_225 = arith.extui %ge3A_224 : i1 to i32
        %cond3A_226 = arith.constant 0 : i32
        %cond3A_227 = arith.cmpi ne, %convert_element_type3A_225, %cond3A_226 : i32
        scf.if %cond3A_227 {
          %dma_wait3A_298 = arith.constant 0 : i32
          %dma_wait3A_299 = tpu.memref_slice %arg7[%select_n3A_155, %add3A_219, %dma_wait3A_298] : memref<2x16x64xi32, #tpu.memory_space<vmem>> -> memref<1x1x64xi32, #tpu.memory_space<vmem>>
          %dma_wait3A_300 = tpu.memref_squeeze %dma_wait3A_299 : memref<1x1x64xi32, #tpu.memory_space<vmem>> -> memref<64xi32, #tpu.memory_space<vmem>>
          %dma_wait3A_301 = arith.constant 0 : i32
          %dma_wait3A_302 = arith.constant 0 : i32
          %dma_wait3A_303 = tpu.memref_slice %arg13[%dma_wait3A_301, %dma_wait3A_302] : memref<10240x128xf32, #tpu.memory_space<vmem_shared>> -> memref<10240x128xf32, #tpu.memory_space<vmem_shared>>
          tpu.wait_indirect_dma semaphore(%arg21 : memref<!tpu.dma_semaphore, #tpu.memory_space<semaphore_mem>>) src(%arg11 : memref<64x128xf32, #tpu.memory_space<vmem>>) dst(%dma_wait3A_303 : memref<10240x128xf32, #tpu.memory_space<vmem_shared>>)
        } else {
        }
        %dma_start3A_228 = arith.constant 0 : i32
        %dma_start3A_229 = tpu.memref_slice %arg6[%select_n3A_155, %add3A_219, %dma_start3A_228] : memref<2x16x64xi32, #tpu.memory_space<vmem>> -> memref<1x1x64xi32, #tpu.memory_space<vmem>>
        %dma_start3A_230 = tpu.memref_squeeze %dma_start3A_229 : memref<1x1x64xi32, #tpu.memory_space<vmem>> -> memref<64xi32, #tpu.memory_space<vmem>>
        %dma_start3A_231 = arith.constant 0 : i32
        %dma_start3A_232 = arith.constant 0 : i32
        %dma_start3A_233 = tpu.memref_slice %arg2[%dma_start3A_231, %dma_start3A_232] : memref<10000x128xf32, #tpu.memory_space<hbm>> -> memref<10000x128xf32, #tpu.memory_space<hbm>>
        tpu.enqueue_indirect_dma source(%dma_start3A_233 : memref<10000x128xf32, #tpu.memory_space<hbm>>) target(%arg11 : memref<64x128xf32, #tpu.memory_space<vmem>>) offsets(%dma_start3A_230 : memref<64xi32, #tpu.memory_space<vmem>>) semaphore(%arg17 : memref<!tpu.dma_semaphore, #tpu.memory_space<semaphore_mem>>)
        %mul3A_234 = arith.constant 4 : i32
        %mul3A_235 = arith.muli %scan3A_165, %mul3A_234 : i32
        %add3A_236 = arith.constant 0 : i32
        %add3A_237 = arith.addi %mul3A_235, %add3A_236 : i32
        %dma_wait3A_238 = arith.constant 0 : i32
        %dma_wait3A_239 = tpu.memref_slice %arg6[%select_n3A_155, %add3A_237, %dma_wait3A_238] : memref<2x16x64xi32, #tpu.memory_space<vmem>> -> memref<1x1x64xi32, #tpu.memory_space<vmem>>
        %dma_wait3A_240 = tpu.memref_squeeze %dma_wait3A_239 : memref<1x1x64xi32, #tpu.memory_space<vmem>> -> memref<64xi32, #tpu.memory_space<vmem>>
        %dma_wait3A_241 = arith.constant 0 : i32
        %dma_wait3A_242 = arith.constant 0 : i32
        %dma_wait3A_243 = tpu.memref_slice %arg2[%dma_wait3A_241, %dma_wait3A_242] : memref<10000x128xf32, #tpu.memory_space<hbm>> -> memref<10000x128xf32, #tpu.memory_space<hbm>>
        tpu.wait_indirect_dma semaphore(%arg14 : memref<!tpu.dma_semaphore, #tpu.memory_space<semaphore_mem>>) src(%dma_wait3A_243 : memref<10000x128xf32, #tpu.memory_space<hbm>>) dst(%arg8 : memref<64x128xf32, #tpu.memory_space<vmem>>)
        %dma_start3A_244 = arith.constant 0 : i32
        %dma_start3A_245 = tpu.memref_slice %arg7[%select_n3A_155, %add3A_237, %dma_start3A_244] : memref<2x16x64xi32, #tpu.memory_space<vmem>> -> memref<1x1x64xi32, #tpu.memory_space<vmem>>
        %dma_start3A_246 = tpu.memref_squeeze %dma_start3A_245 : memref<1x1x64xi32, #tpu.memory_space<vmem>> -> memref<64xi32, #tpu.memory_space<vmem>>
        %dma_start3A_247 = arith.constant 0 : i32
        %dma_start3A_248 = arith.constant 0 : i32
        %dma_start3A_249 = tpu.memref_slice %arg13[%dma_start3A_247, %dma_start3A_248] : memref<10240x128xf32, #tpu.memory_space<vmem_shared>> -> memref<10240x128xf32, #tpu.memory_space<vmem_shared>>
        tpu.enqueue_indirect_dma source(%arg8 : memref<64x128xf32, #tpu.memory_space<vmem>>) target(%dma_start3A_249 : memref<10240x128xf32, #tpu.memory_space<vmem_shared>>) offsets(%dma_start3A_246 : memref<64xi32, #tpu.memory_space<vmem>>) semaphore(%arg18 : memref<!tpu.dma_semaphore, #tpu.memory_space<semaphore_mem>>) {add = true}
        %mul3A_250 = arith.constant 4 : i32
        %mul3A_251 = arith.muli %scan3A_165, %mul3A_250 : i32
        %add3A_252 = arith.constant 1 : i32
        %add3A_253 = arith.addi %mul3A_251, %add3A_252 : i32
        %dma_wait3A_254 = arith.constant 0 : i32
        %dma_wait3A_255 = tpu.memref_slice %arg6[%select_n3A_155, %add3A_253, %dma_wait3A_254] : memref<2x16x64xi32, #tpu.memory_space<vmem>> -> memref<1x1x64xi32, #tpu.memory_space<vmem>>
        %dma_wait3A_256 = tpu.memref_squeeze %dma_wait3A_255 : memref<1x1x64xi32, #tpu.memory_space<vmem>> -> memref<64xi32, #tpu.memory_space<vmem>>
        %dma_wait3A_257 = arith.constant 0 : i32
        %dma_wait3A_258 = arith.constant 0 : i32
        %dma_wait3A_259 = tpu.memref_slice %arg2[%dma_wait3A_257, %dma_wait3A_258] : memref<10000x128xf32, #tpu.memory_space<hbm>> -> memref<10000x128xf32, #tpu.memory_space<hbm>>
        tpu.wait_indirect_dma semaphore(%arg15 : memref<!tpu.dma_semaphore, #tpu.memory_space<semaphore_mem>>) src(%dma_wait3A_259 : memref<10000x128xf32, #tpu.memory_space<hbm>>) dst(%arg9 : memref<64x128xf32, #tpu.memory_space<vmem>>)
        %dma_start3A_260 = arith.constant 0 : i32
        %dma_start3A_261 = tpu.memref_slice %arg7[%select_n3A_155, %add3A_253, %dma_start3A_260] : memref<2x16x64xi32, #tpu.memory_space<vmem>> -> memref<1x1x64xi32, #tpu.memory_space<vmem>>
        %dma_start3A_262 = tpu.memref_squeeze %dma_start3A_261 : memref<1x1x64xi32, #tpu.memory_space<vmem>> -> memref<64xi32, #tpu.memory_space<vmem>>
        %dma_start3A_263 = arith.constant 0 : i32
        %dma_start3A_264 = arith.constant 0 : i32
        %dma_start3A_265 = tpu.memref_slice %arg13[%dma_start3A_263, %dma_start3A_264] : memref<10240x128xf32, #tpu.memory_space<vmem_shared>> -> memref<10240x128xf32, #tpu.memory_space<vmem_shared>>
        tpu.enqueue_indirect_dma source(%arg9 : memref<64x128xf32, #tpu.memory_space<vmem>>) target(%dma_start3A_265 : memref<10240x128xf32, #tpu.memory_space<vmem_shared>>) offsets(%dma_start3A_262 : memref<64xi32, #tpu.memory_space<vmem>>) semaphore(%arg19 : memref<!tpu.dma_semaphore, #tpu.memory_space<semaphore_mem>>) {add = true}
        %mul3A_266 = arith.constant 4 : i32
        %mul3A_267 = arith.muli %scan3A_165, %mul3A_266 : i32
        %add3A_268 = arith.constant 2 : i32
        %add3A_269 = arith.addi %mul3A_267, %add3A_268 : i32
        %dma_wait3A_270 = arith.constant 0 : i32
        %dma_wait3A_271 = tpu.memref_slice %arg6[%select_n3A_155, %add3A_269, %dma_wait3A_270] : memref<2x16x64xi32, #tpu.memory_space<vmem>> -> memref<1x1x64xi32, #tpu.memory_space<vmem>>
        %dma_wait3A_272 = tpu.memref_squeeze %dma_wait3A_271 : memref<1x1x64xi32, #tpu.memory_space<vmem>> -> memref<64xi32, #tpu.memory_space<vmem>>
        %dma_wait3A_273 = arith.constant 0 : i32
        %dma_wait3A_274 = arith.constant 0 : i32
        %dma_wait3A_275 = tpu.memref_slice %arg2[%dma_wait3A_273, %dma_wait3A_274] : memref<10000x128xf32, #tpu.memory_space<hbm>> -> memref<10000x128xf32, #tpu.memory_space<hbm>>
        tpu.wait_indirect_dma semaphore(%arg16 : memref<!tpu.dma_semaphore, #tpu.memory_space<semaphore_mem>>) src(%dma_wait3A_275 : memref<10000x128xf32, #tpu.memory_space<hbm>>) dst(%arg10 : memref<64x128xf32, #tpu.memory_space<vmem>>)
        %dma_start3A_276 = arith.constant 0 : i32
        %dma_start3A_277 = tpu.memref_slice %arg7[%select_n3A_155, %add3A_269, %dma_start3A_276] : memref<2x16x64xi32, #tpu.memory_space<vmem>> -> memref<1x1x64xi32, #tpu.memory_space<vmem>>
        %dma_start3A_278 = tpu.memref_squeeze %dma_start3A_277 : memref<1x1x64xi32, #tpu.memory_space<vmem>> -> memref<64xi32, #tpu.memory_space<vmem>>
        %dma_start3A_279 = arith.constant 0 : i32
        %dma_start3A_280 = arith.constant 0 : i32
        %dma_start3A_281 = tpu.memref_slice %arg13[%dma_start3A_279, %dma_start3A_280] : memref<10240x128xf32, #tpu.memory_space<vmem_shared>> -> memref<10240x128xf32, #tpu.memory_space<vmem_shared>>
        tpu.enqueue_indirect_dma source(%arg10 : memref<64x128xf32, #tpu.memory_space<vmem>>) target(%dma_start3A_281 : memref<10240x128xf32, #tpu.memory_space<vmem_shared>>) offsets(%dma_start3A_278 : memref<64xi32, #tpu.memory_space<vmem>>) semaphore(%arg20 : memref<!tpu.dma_semaphore, #tpu.memory_space<semaphore_mem>>) {add = true}
        %mul3A_282 = arith.constant 4 : i32
        %mul3A_283 = arith.muli %scan3A_165, %mul3A_282 : i32
        %add3A_284 = arith.constant 3 : i32
        %add3A_285 = arith.addi %mul3A_283, %add3A_284 : i32
        %dma_wait3A_286 = arith.constant 0 : i32
        %dma_wait3A_287 = tpu.memref_slice %arg6[%select_n3A_155, %add3A_285, %dma_wait3A_286] : memref<2x16x64xi32, #tpu.memory_space<vmem>> -> memref<1x1x64xi32, #tpu.memory_space<vmem>>
        %dma_wait3A_288 = tpu.memref_squeeze %dma_wait3A_287 : memref<1x1x64xi32, #tpu.memory_space<vmem>> -> memref<64xi32, #tpu.memory_space<vmem>>
        %dma_wait3A_289 = arith.constant 0 : i32
        %dma_wait3A_290 = arith.constant 0 : i32
        %dma_wait3A_291 = tpu.memref_slice %arg2[%dma_wait3A_289, %dma_wait3A_290] : memref<10000x128xf32, #tpu.memory_space<hbm>> -> memref<10000x128xf32, #tpu.memory_space<hbm>>
        tpu.wait_indirect_dma semaphore(%arg17 : memref<!tpu.dma_semaphore, #tpu.memory_space<semaphore_mem>>) src(%dma_wait3A_291 : memref<10000x128xf32, #tpu.memory_space<hbm>>) dst(%arg11 : memref<64x128xf32, #tpu.memory_space<vmem>>)
        %dma_start3A_292 = arith.constant 0 : i32
        %dma_start3A_293 = tpu.memref_slice %arg7[%select_n3A_155, %add3A_285, %dma_start3A_292] : memref<2x16x64xi32, #tpu.memory_space<vmem>> -> memref<1x1x64xi32, #tpu.memory_space<vmem>>
        %dma_start3A_294 = tpu.memref_squeeze %dma_start3A_293 : memref<1x1x64xi32, #tpu.memory_space<vmem>> -> memref<64xi32, #tpu.memory_space<vmem>>
        %dma_start3A_295 = arith.constant 0 : i32
        %dma_start3A_296 = arith.constant 0 : i32
        %dma_start3A_297 = tpu.memref_slice %arg13[%dma_start3A_295, %dma_start3A_296] : memref<10240x128xf32, #tpu.memory_space<vmem_shared>> -> memref<10240x128xf32, #tpu.memory_space<vmem_shared>>
        tpu.enqueue_indirect_dma source(%arg11 : memref<64x128xf32, #tpu.memory_space<vmem>>) target(%dma_start3A_297 : memref<10240x128xf32, #tpu.memory_space<vmem_shared>>) offsets(%dma_start3A_294 : memref<64xi32, #tpu.memory_space<vmem>>) semaphore(%arg21 : memref<!tpu.dma_semaphore, #tpu.memory_space<semaphore_mem>>) {add = true}
      }
      %scan3A_164 = arith.constant 4 : i32
    }
    %scan3A_93 = arith.constant 10 : i32
    %dma_wait3A = arith.constant 0 : i32
    %dma_wait3A_94 = arith.constant 0 : i32
    %dma_wait3A_95 = arith.constant 0 : i32
    %dma_wait3A_96 = tpu.memref_slice %arg7[%dma_wait3A, %dma_wait3A_94, %dma_wait3A_95] : memref<2x16x64xi32, #tpu.memory_space<vmem>> -> memref<1x1x64xi32, #tpu.memory_space<vmem>>
    %dma_wait3A_97 = tpu.memref_squeeze %dma_wait3A_96 : memref<1x1x64xi32, #tpu.memory_space<vmem>> -> memref<64xi32, #tpu.memory_space<vmem>>
    %dma_wait3A_98 = arith.constant 0 : i32
    %dma_wait3A_99 = arith.constant 0 : i32
    %dma_wait3A_100 = tpu.memref_slice %arg13[%dma_wait3A_98, %dma_wait3A_99] : memref<10240x128xf32, #tpu.memory_space<vmem_shared>> -> memref<10240x128xf32, #tpu.memory_space<vmem_shared>>
    tpu.wait_indirect_dma semaphore(%arg18 : memref<!tpu.dma_semaphore, #tpu.memory_space<semaphore_mem>>) src(%arg8 : memref<64x128xf32, #tpu.memory_space<vmem>>) dst(%dma_wait3A_100 : memref<10240x128xf32, #tpu.memory_space<vmem_shared>>)
    %dma_wait3A_101 = arith.constant 0 : i32
    %dma_wait3A_102 = arith.constant 0 : i32
    %dma_wait3A_103 = arith.constant 0 : i32
    %dma_wait3A_104 = tpu.memref_slice %arg7[%dma_wait3A_101, %dma_wait3A_102, %dma_wait3A_103] : memref<2x16x64xi32, #tpu.memory_space<vmem>> -> memref<1x1x64xi32, #tpu.memory_space<vmem>>
    %dma_wait3A_105 = tpu.memref_squeeze %dma_wait3A_104 : memref<1x1x64xi32, #tpu.memory_space<vmem>> -> memref<64xi32, #tpu.memory_space<vmem>>
    %dma_wait3A_106 = arith.constant 0 : i32
    %dma_wait3A_107 = arith.constant 0 : i32
    %dma_wait3A_108 = tpu.memref_slice %arg13[%dma_wait3A_106, %dma_wait3A_107] : memref<10240x128xf32, #tpu.memory_space<vmem_shared>> -> memref<10240x128xf32, #tpu.memory_space<vmem_shared>>
    tpu.wait_indirect_dma semaphore(%arg19 : memref<!tpu.dma_semaphore, #tpu.memory_space<semaphore_mem>>) src(%arg9 : memref<64x128xf32, #tpu.memory_space<vmem>>) dst(%dma_wait3A_108 : memref<10240x128xf32, #tpu.memory_space<vmem_shared>>)
    %dma_wait3A_109 = arith.constant 0 : i32
    %dma_wait3A_110 = arith.constant 0 : i32
    %dma_wait3A_111 = arith.constant 0 : i32
    %dma_wait3A_112 = tpu.memref_slice %arg7[%dma_wait3A_109, %dma_wait3A_110, %dma_wait3A_111] : memref<2x16x64xi32, #tpu.memory_space<vmem>> -> memref<1x1x64xi32, #tpu.memory_space<vmem>>
    %dma_wait3A_113 = tpu.memref_squeeze %dma_wait3A_112 : memref<1x1x64xi32, #tpu.memory_space<vmem>> -> memref<64xi32, #tpu.memory_space<vmem>>
    %dma_wait3A_114 = arith.constant 0 : i32
    %dma_wait3A_115 = arith.constant 0 : i32
    %dma_wait3A_116 = tpu.memref_slice %arg13[%dma_wait3A_114, %dma_wait3A_115] : memref<10240x128xf32, #tpu.memory_space<vmem_shared>> -> memref<10240x128xf32, #tpu.memory_space<vmem_shared>>
    tpu.wait_indirect_dma semaphore(%arg20 : memref<!tpu.dma_semaphore, #tpu.memory_space<semaphore_mem>>) src(%arg10 : memref<64x128xf32, #tpu.memory_space<vmem>>) dst(%dma_wait3A_116 : memref<10240x128xf32, #tpu.memory_space<vmem_shared>>)
    %dma_wait3A_117 = arith.constant 0 : i32
    %dma_wait3A_118 = arith.constant 0 : i32
    %dma_wait3A_119 = arith.constant 0 : i32
    %dma_wait3A_120 = tpu.memref_slice %arg7[%dma_wait3A_117, %dma_wait3A_118, %dma_wait3A_119] : memref<2x16x64xi32, #tpu.memory_space<vmem>> -> memref<1x1x64xi32, #tpu.memory_space<vmem>>
    %dma_wait3A_121 = tpu.memref_squeeze %dma_wait3A_120 : memref<1x1x64xi32, #tpu.memory_space<vmem>> -> memref<64xi32, #tpu.memory_space<vmem>>
    %dma_wait3A_122 = arith.constant 0 : i32
    %dma_wait3A_123 = arith.constant 0 : i32
    %dma_wait3A_124 = tpu.memref_slice %arg13[%dma_wait3A_122, %dma_wait3A_123] : memref<10240x128xf32, #tpu.memory_space<vmem_shared>> -> memref<10240x128xf32, #tpu.memory_space<vmem_shared>>
    tpu.wait_indirect_dma semaphore(%arg21 : memref<!tpu.dma_semaphore, #tpu.memory_space<semaphore_mem>>) src(%arg11 : memref<64x128xf32, #tpu.memory_space<vmem>>) dst(%dma_wait3A_124 : memref<10240x128xf32, #tpu.memory_space<vmem_shared>>)
    %barrier3A_125 = arith.constant 0 : index
    tpu.barrier barrier_id(%barrier3A_125)
    %mul3A_126 = arith.constant 640 : i32
    %mul3A_127 = arith.muli %arg1, %mul3A_126 : i32
    %add3A_128 = arith.constant 0 : i32
    %add3A_129 = arith.addi %mul3A_127, %add3A_128 : i32
    "tpu.region"() ({
      %run_scoped3A = tpu.sem_alloc : memref<!tpu.dma_semaphore, #tpu.memory_space<semaphore_mem>>
      %dma_start3A = arith.constant 0 : i32
      %dma_start3A_146 = tpu.memref_slice %arg5[%arg0, %add3A_129, %dma_start3A] : memref<2x10240x128xf32, #tpu.memory_space<hbm>> -> memref<1x128x128xf32, #tpu.memory_space<hbm>>
      %dma_start3A_147 = tpu.memref_squeeze %dma_start3A_146 : memref<1x128x128xf32, #tpu.memory_space<hbm>> -> memref<128x128xf32, #tpu.memory_space<hbm>>
      %dma_start3A_148 = arith.constant 0 : i32
      %dma_start3A_149 = tpu.memref_slice %arg13[%add3A_129, %dma_start3A_148] : memref<10240x128xf32, #tpu.memory_space<vmem_shared>> -> memref<128x128xf32, #tpu.memory_space<vmem_shared>>
      tpu.enqueue_dma source(%dma_start3A_149 : memref<128x128xf32, #tpu.memory_space<vmem_shared>>) target(%dma_start3A_147 : memref<128x128xf32, #tpu.memory_space<hbm>>) target_semaphore(%run_scoped3A : memref<!tpu.dma_semaphore, #tpu.memory_space<semaphore_mem>>)
      %dma_wait3A_150 = arith.constant 0 : i32
      %dma_wait3A_151 = tpu.memref_slice %arg5[%arg0, %add3A_129, %dma_wait3A_150] : memref<2x10240x128xf32, #tpu.memory_space<hbm>> -> memref<1x128x128xf32, #tpu.memory_space<hbm>>
      %dma_wait3A_152 = tpu.memref_squeeze %dma_wait3A_151 : memref<1x128x128xf32, #tpu.memory_space<hbm>> -> memref<128x128xf32, #tpu.memory_space<hbm>>
      %dma_wait3A_153 = arith.constant 0 : i32
      %dma_wait3A_154 = tpu.memref_slice %arg13[%add3A_129, %dma_wait3A_153] : memref<10240x128xf32, #tpu.memory_space<vmem_shared>> -> memref<128x128xf32, #tpu.memory_space<vmem_shared>>
      tpu.wait_dma2 semaphore(%run_scoped3A : memref<!tpu.dma_semaphore, #tpu.memory_space<semaphore_mem>>) src(%dma_wait3A_154 : memref<128x128xf32, #tpu.memory_space<vmem_shared>>) dst(%dma_wait3A_152 : memref<128x128xf32, #tpu.memory_space<hbm>>)
      tpu.yield
    }) : () -> ()
    %mul3A_130 = arith.constant 640 : i32
    %mul3A_131 = arith.muli %arg1, %mul3A_130 : i32
    %add3A_132 = arith.constant 128 : i32
    %add3A_133 = arith.addi %mul3A_131, %add3A_132 : i32
    "tpu.region"() ({
      %run_scoped3A = tpu.sem_alloc : memref<!tpu.dma_semaphore, #tpu.memory_space<semaphore_mem>>
      %dma_start3A = arith.constant 0 : i32
      %dma_start3A_146 = tpu.memref_slice %arg5[%arg0, %add3A_133, %dma_start3A] : memref<2x10240x128xf32, #tpu.memory_space<hbm>> -> memref<1x128x128xf32, #tpu.memory_space<hbm>>
      %dma_start3A_147 = tpu.memref_squeeze %dma_start3A_146 : memref<1x128x128xf32, #tpu.memory_space<hbm>> -> memref<128x128xf32, #tpu.memory_space<hbm>>
      %dma_start3A_148 = arith.constant 0 : i32
      %dma_start3A_149 = tpu.memref_slice %arg13[%add3A_133, %dma_start3A_148] : memref<10240x128xf32, #tpu.memory_space<vmem_shared>> -> memref<128x128xf32, #tpu.memory_space<vmem_shared>>
      tpu.enqueue_dma source(%dma_start3A_149 : memref<128x128xf32, #tpu.memory_space<vmem_shared>>) target(%dma_start3A_147 : memref<128x128xf32, #tpu.memory_space<hbm>>) target_semaphore(%run_scoped3A : memref<!tpu.dma_semaphore, #tpu.memory_space<semaphore_mem>>)
      %dma_wait3A_150 = arith.constant 0 : i32
      %dma_wait3A_151 = tpu.memref_slice %arg5[%arg0, %add3A_133, %dma_wait3A_150] : memref<2x10240x128xf32, #tpu.memory_space<hbm>> -> memref<1x128x128xf32, #tpu.memory_space<hbm>>
      %dma_wait3A_152 = tpu.memref_squeeze %dma_wait3A_151 : memref<1x128x128xf32, #tpu.memory_space<hbm>> -> memref<128x128xf32, #tpu.memory_space<hbm>>
      %dma_wait3A_153 = arith.constant 0 : i32
      %dma_wait3A_154 = tpu.memref_slice %arg13[%add3A_133, %dma_wait3A_153] : memref<10240x128xf32, #tpu.memory_space<vmem_shared>> -> memref<128x128xf32, #tpu.memory_space<vmem_shared>>
      tpu.wait_dma2 semaphore(%run_scoped3A : memref<!tpu.dma_semaphore, #tpu.memory_space<semaphore_mem>>) src(%dma_wait3A_154 : memref<128x128xf32, #tpu.memory_space<vmem_shared>>) dst(%dma_wait3A_152 : memref<128x128xf32, #tpu.memory_space<hbm>>)
      tpu.yield
    }) : () -> ()
    %mul3A_134 = arith.constant 640 : i32
    %mul3A_135 = arith.muli %arg1, %mul3A_134 : i32
    %add3A_136 = arith.constant 256 : i32
    %add3A_137 = arith.addi %mul3A_135, %add3A_136 : i32
    "tpu.region"() ({
      %run_scoped3A = tpu.sem_alloc : memref<!tpu.dma_semaphore, #tpu.memory_space<semaphore_mem>>
      %dma_start3A = arith.constant 0 : i32
      %dma_start3A_146 = tpu.memref_slice %arg5[%arg0, %add3A_137, %dma_start3A] : memref<2x10240x128xf32, #tpu.memory_space<hbm>> -> memref<1x128x128xf32, #tpu.memory_space<hbm>>
      %dma_start3A_147 = tpu.memref_squeeze %dma_start3A_146 : memref<1x128x128xf32, #tpu.memory_space<hbm>> -> memref<128x128xf32, #tpu.memory_space<hbm>>
      %dma_start3A_148 = arith.constant 0 : i32
      %dma_start3A_149 = tpu.memref_slice %arg13[%add3A_137, %dma_start3A_148] : memref<10240x128xf32, #tpu.memory_space<vmem_shared>> -> memref<128x128xf32, #tpu.memory_space<vmem_shared>>
      tpu.enqueue_dma source(%dma_start3A_149 : memref<128x128xf32, #tpu.memory_space<vmem_shared>>) target(%dma_start3A_147 : memref<128x128xf32, #tpu.memory_space<hbm>>) target_semaphore(%run_scoped3A : memref<!tpu.dma_semaphore, #tpu.memory_space<semaphore_mem>>)
      %dma_wait3A_150 = arith.constant 0 : i32
      %dma_wait3A_151 = tpu.memref_slice %arg5[%arg0, %add3A_137, %dma_wait3A_150] : memref<2x10240x128xf32, #tpu.memory_space<hbm>> -> memref<1x128x128xf32, #tpu.memory_space<hbm>>
      %dma_wait3A_152 = tpu.memref_squeeze %dma_wait3A_151 : memref<1x128x128xf32, #tpu.memory_space<hbm>> -> memref<128x128xf32, #tpu.memory_space<hbm>>
      %dma_wait3A_153 = arith.constant 0 : i32
      %dma_wait3A_154 = tpu.memref_slice %arg13[%add3A_137, %dma_wait3A_153] : memref<10240x128xf32, #tpu.memory_space<vmem_shared>> -> memref<128x128xf32, #tpu.memory_space<vmem_shared>>
      tpu.wait_dma2 semaphore(%run_scoped3A : memref<!tpu.dma_semaphore, #tpu.memory_space<semaphore_mem>>) src(%dma_wait3A_154 : memref<128x128xf32, #tpu.memory_space<vmem_shared>>) dst(%dma_wait3A_152 : memref<128x128xf32, #tpu.memory_space<hbm>>)
      tpu.yield
    }) : () -> ()
    %mul3A_138 = arith.constant 640 : i32
    %mul3A_139 = arith.muli %arg1, %mul3A_138 : i32
    %add3A_140 = arith.constant 384 : i32
    %add3A_141 = arith.addi %mul3A_139, %add3A_140 : i32
    "tpu.region"() ({
      %run_scoped3A = tpu.sem_alloc : memref<!tpu.dma_semaphore, #tpu.memory_space<semaphore_mem>>
      %dma_start3A = arith.constant 0 : i32
      %dma_start3A_146 = tpu.memref_slice %arg5[%arg0, %add3A_141, %dma_start3A] : memref<2x10240x128xf32, #tpu.memory_space<hbm>> -> memref<1x128x128xf32, #tpu.memory_space<hbm>>
      %dma_start3A_147 = tpu.memref_squeeze %dma_start3A_146 : memref<1x128x128xf32, #tpu.memory_space<hbm>> -> memref<128x128xf32, #tpu.memory_space<hbm>>
      %dma_start3A_148 = arith.constant 0 : i32
      %dma_start3A_149 = tpu.memref_slice %arg13[%add3A_141, %dma_start3A_148] : memref<10240x128xf32, #tpu.memory_space<vmem_shared>> -> memref<128x128xf32, #tpu.memory_space<vmem_shared>>
      tpu.enqueue_dma source(%dma_start3A_149 : memref<128x128xf32, #tpu.memory_space<vmem_shared>>) target(%dma_start3A_147 : memref<128x128xf32, #tpu.memory_space<hbm>>) target_semaphore(%run_scoped3A : memref<!tpu.dma_semaphore, #tpu.memory_space<semaphore_mem>>)
      %dma_wait3A_150 = arith.constant 0 : i32
      %dma_wait3A_151 = tpu.memref_slice %arg5[%arg0, %add3A_141, %dma_wait3A_150] : memref<2x10240x128xf32, #tpu.memory_space<hbm>> -> memref<1x128x128xf32, #tpu.memory_space<hbm>>
      %dma_wait3A_152 = tpu.memref_squeeze %dma_wait3A_151 : memref<1x128x128xf32, #tpu.memory_space<hbm>> -> memref<128x128xf32, #tpu.memory_space<hbm>>
      %dma_wait3A_153 = arith.constant 0 : i32
      %dma_wait3A_154 = tpu.memref_slice %arg13[%add3A_141, %dma_wait3A_153] : memref<10240x128xf32, #tpu.memory_space<vmem_shared>> -> memref<128x128xf32, #tpu.memory_space<vmem_shared>>
      tpu.wait_dma2 semaphore(%run_scoped3A : memref<!tpu.dma_semaphore, #tpu.memory_space<semaphore_mem>>) src(%dma_wait3A_154 : memref<128x128xf32, #tpu.memory_space<vmem_shared>>) dst(%dma_wait3A_152 : memref<128x128xf32, #tpu.memory_space<hbm>>)
      tpu.yield
    }) : () -> ()
    %mul3A_142 = arith.constant 640 : i32
    %mul3A_143 = arith.muli %arg1, %mul3A_142 : i32
    %add3A_144 = arith.constant 512 : i32
    %add3A_145 = arith.addi %mul3A_143, %add3A_144 : i32
    "tpu.region"() ({
      %run_scoped3A = tpu.sem_alloc : memref<!tpu.dma_semaphore, #tpu.memory_space<semaphore_mem>>
      %dma_start3A = arith.constant 0 : i32
      %dma_start3A_146 = tpu.memref_slice %arg5[%arg0, %add3A_145, %dma_start3A] : memref<2x10240x128xf32, #tpu.memory_space<hbm>> -> memref<1x128x128xf32, #tpu.memory_space<hbm>>
      %dma_start3A_147 = tpu.memref_squeeze %dma_start3A_146 : memref<1x128x128xf32, #tpu.memory_space<hbm>> -> memref<128x128xf32, #tpu.memory_space<hbm>>
      %dma_start3A_148 = arith.constant 0 : i32
      %dma_start3A_149 = tpu.memref_slice %arg13[%add3A_145, %dma_start3A_148] : memref<10240x128xf32, #tpu.memory_space<vmem_shared>> -> memref<128x128xf32, #tpu.memory_space<vmem_shared>>
      tpu.enqueue_dma source(%dma_start3A_149 : memref<128x128xf32, #tpu.memory_space<vmem_shared>>) target(%dma_start3A_147 : memref<128x128xf32, #tpu.memory_space<hbm>>) target_semaphore(%run_scoped3A : memref<!tpu.dma_semaphore, #tpu.memory_space<semaphore_mem>>)
      %dma_wait3A_150 = arith.constant 0 : i32
      %dma_wait3A_151 = tpu.memref_slice %arg5[%arg0, %add3A_145, %dma_wait3A_150] : memref<2x10240x128xf32, #tpu.memory_space<hbm>> -> memref<1x128x128xf32, #tpu.memory_space<hbm>>
      %dma_wait3A_152 = tpu.memref_squeeze %dma_wait3A_151 : memref<1x128x128xf32, #tpu.memory_space<hbm>> -> memref<128x128xf32, #tpu.memory_space<hbm>>
      %dma_wait3A_153 = arith.constant 0 : i32
      %dma_wait3A_154 = tpu.memref_slice %arg13[%add3A_145, %dma_wait3A_153] : memref<10240x128xf32, #tpu.memory_space<vmem_shared>> -> memref<128x128xf32, #tpu.memory_space<vmem_shared>>
      tpu.wait_dma2 semaphore(%run_scoped3A : memref<!tpu.dma_semaphore, #tpu.memory_space<semaphore_mem>>) src(%dma_wait3A_154 : memref<128x128xf32, #tpu.memory_space<vmem_shared>>) dst(%dma_wait3A_152 : memref<128x128xf32, #tpu.memory_space<hbm>>)
      tpu.yield
    }) : () -> ()
    return
  }
}

#map = affine_map<(d0, d1) -> (0, 0)>
#map1 = affine_map<(d0, d1) -> (0, 0, 0)>
module attributes {stable_mosaic.version = 14 : i64} {
  func.func @_segsum(%arg0: i32, %arg1: i32, %arg2: memref<10000x128xf32, #tpu.memory_space<hbm>>, %arg3: memref<5120x64xi32, #tpu.memory_space<hbm>>, %arg4: memref<5120x64xi32, #tpu.memory_space<hbm>>, %arg5: memref<2x10240x128xf32, #tpu.memory_space<hbm>>, %arg6: memref<2x16x64xi32, #tpu.memory_space<vmem>>, %arg7: memref<2x16x64xi32, #tpu.memory_space<vmem>>, %arg8: memref<64x128xf32, #tpu.memory_space<vmem>>, %arg9: memref<64x128xf32, #tpu.memory_space<vmem>>, %arg10: memref<64x128xf32, #tpu.memory_space<vmem>>, %arg11: memref<64x128xf32, #tpu.memory_space<vmem>>, %arg12: memref<32x128xf32, #tpu.memory_space<vmem>>, %arg13: memref<10240x128xf32, #tpu.memory_space<vmem_shared>>, %arg14: memref<!tpu.dma_semaphore, #tpu.memory_space<semaphore_mem>>, %arg15: memref<!tpu.dma_semaphore, #tpu.memory_space<semaphore_mem>>, %arg16: memref<!tpu.dma_semaphore, #tpu.memory_space<semaphore_mem>>, %arg17: memref<!tpu.dma_semaphore, #tpu.memory_space<semaphore_mem>>, %arg18: memref<!tpu.dma_semaphore, #tpu.memory_space<semaphore_mem>>, %arg19: memref<!tpu.dma_semaphore, #tpu.memory_space<semaphore_mem>>, %arg20: memref<!tpu.dma_semaphore, #tpu.memory_space<semaphore_mem>>, %arg21: memref<!tpu.dma_semaphore, #tpu.memory_space<semaphore_mem>>) attributes {dimension_semantics = [#tpu.dimension_semantics<core_parallel>, #tpu.dimension_semantics<subcore_parallel>], iteration_bounds = array<i64: 2, 16>, scalar_prefetch = 0 : i64, scratch_operands = 16 : i64, tpu.core_type = #tpu.core_type<sc_vector_subcore>, window_params = [{transform_indices = #map}, {transform_indices = #map}, {transform_indices = #map}, {transform_indices = #map1}]} {
    %mul3A = arith.constant 2 : i32
    %mul3A_0 = arith.muli %arg1, %mul3A : i32
    %add3A = arith.addi %mul3A_0, %arg0 : i32
    %scan3A = arith.constant 0 : i32
    %scan3A_1 = arith.constant 0 : i32
    %scan3A_2 = arith.constant 32 : i32
    %scan3A_3 = arith.addi %scan3A_1, %scan3A_2 : i32
    %scan3A_4 = arith.constant 1 : i32
    scf.for %scan3A_146 = %scan3A_1 to %scan3A_3 step %scan3A_4  : i32 {
      %broadcast_in_dim3A = arith.constant 0.000000e+00 : f32
      %broadcast_in_dim3A_147 = vector.broadcast %broadcast_in_dim3A : f32 to vector<16xf32>
      %swap3A = arith.index_cast %scan3A_146 : i32 to index
      %swap3A_148 = arith.constant 0 : index
      %swap3A_149 = tpu.vector_load %arg12[%swap3A, %swap3A_148] {strides = array<i32>} : memref<32x128xf32, #tpu.memory_space<vmem>>, vector<1x16xf32>,
      %swap3A_150 = vector.shape_cast %swap3A_149 : vector<1x16xf32> to vector<16xf32>
      %swap3A_151 = vector.shape_cast %broadcast_in_dim3A_147 : vector<16xf32> to vector<1x16xf32>
      tpu.vector_store %arg12[%swap3A, %swap3A_148], %swap3A_151 {strides = array<i32>} : memref<32x128xf32, #tpu.memory_space<vmem>>, vector<1x16xf32>,
      %broadcast_in_dim3A_152 = arith.constant 0.000000e+00 : f32
      %broadcast_in_dim3A_153 = vector.broadcast %broadcast_in_dim3A_152 : f32 to vector<16xf32>
      %swap3A_154 = arith.index_cast %scan3A_146 : i32 to index
      %swap3A_155 = arith.constant 16 : index
      %swap3A_156 = tpu.vector_load %arg12[%swap3A_154, %swap3A_155] {strides = array<i32>} : memref<32x128xf32, #tpu.memory_space<vmem>>, vector<1x16xf32>,
      %swap3A_157 = vector.shape_cast %swap3A_156 : vector<1x16xf32> to vector<16xf32>
      %swap3A_158 = vector.shape_cast %broadcast_in_dim3A_153 : vector<16xf32> to vector<1x16xf32>
      tpu.vector_store %arg12[%swap3A_154, %swap3A_155], %swap3A_158 {strides = array<i32>} : memref<32x128xf32, #tpu.memory_space<vmem>>, vector<1x16xf32>,
      %broadcast_in_dim3A_159 = arith.constant 0.000000e+00 : f32
      %broadcast_in_dim3A_160 = vector.broadcast %broadcast_in_dim3A_159 : f32 to vector<16xf32>
      %swap3A_161 = arith.index_cast %scan3A_146 : i32 to index
      %swap3A_162 = arith.constant 32 : index
      %swap3A_163 = tpu.vector_load %arg12[%swap3A_161, %swap3A_162] {strides = array<i32>} : memref<32x128xf32, #tpu.memory_space<vmem>>, vector<1x16xf32>,
      %swap3A_164 = vector.shape_cast %swap3A_163 : vector<1x16xf32> to vector<16xf32>
      %swap3A_165 = vector.shape_cast %broadcast_in_dim3A_160 : vector<16xf32> to vector<1x16xf32>
      tpu.vector_store %arg12[%swap3A_161, %swap3A_162], %swap3A_165 {strides = array<i32>} : memref<32x128xf32, #tpu.memory_space<vmem>>, vector<1x16xf32>,
      %broadcast_in_dim3A_166 = arith.constant 0.000000e+00 : f32
      %broadcast_in_dim3A_167 = vector.broadcast %broadcast_in_dim3A_166 : f32 to vector<16xf32>
      %swap3A_168 = arith.index_cast %scan3A_146 : i32 to index
      %swap3A_169 = arith.constant 48 : index
      %swap3A_170 = tpu.vector_load %arg12[%swap3A_168, %swap3A_169] {strides = array<i32>} : memref<32x128xf32, #tpu.memory_space<vmem>>, vector<1x16xf32>,
      %swap3A_171 = vector.shape_cast %swap3A_170 : vector<1x16xf32> to vector<16xf32>
      %swap3A_172 = vector.shape_cast %broadcast_in_dim3A_167 : vector<16xf32> to vector<1x16xf32>
      tpu.vector_store %arg12[%swap3A_168, %swap3A_169], %swap3A_172 {strides = array<i32>} : memref<32x128xf32, #tpu.memory_space<vmem>>, vector<1x16xf32>,
      %broadcast_in_dim3A_173 = arith.constant 0.000000e+00 : f32
      %broadcast_in_dim3A_174 = vector.broadcast %broadcast_in_dim3A_173 : f32 to vector<16xf32>
      %swap3A_175 = arith.index_cast %scan3A_146 : i32 to index
      %swap3A_176 = arith.constant 64 : index
      %swap3A_177 = tpu.vector_load %arg12[%swap3A_175, %swap3A_176] {strides = array<i32>} : memref<32x128xf32, #tpu.memory_space<vmem>>, vector<1x16xf32>,
      %swap3A_178 = vector.shape_cast %swap3A_177 : vector<1x16xf32> to vector<16xf32>
      %swap3A_179 = vector.shape_cast %broadcast_in_dim3A_174 : vector<16xf32> to vector<1x16xf32>
      tpu.vector_store %arg12[%swap3A_175, %swap3A_176], %swap3A_179 {strides = array<i32>} : memref<32x128xf32, #tpu.memory_space<vmem>>, vector<1x16xf32>,
      %broadcast_in_dim3A_180 = arith.constant 0.000000e+00 : f32
      %broadcast_in_dim3A_181 = vector.broadcast %broadcast_in_dim3A_180 : f32 to vector<16xf32>
      %swap3A_182 = arith.index_cast %scan3A_146 : i32 to index
      %swap3A_183 = arith.constant 80 : index
      %swap3A_184 = tpu.vector_load %arg12[%swap3A_182, %swap3A_183] {strides = array<i32>} : memref<32x128xf32, #tpu.memory_space<vmem>>, vector<1x16xf32>,
      %swap3A_185 = vector.shape_cast %swap3A_184 : vector<1x16xf32> to vector<16xf32>
      %swap3A_186 = vector.shape_cast %broadcast_in_dim3A_181 : vector<16xf32> to vector<1x16xf32>
      tpu.vector_store %arg12[%swap3A_182, %swap3A_183], %swap3A_186 {strides = array<i32>} : memref<32x128xf32, #tpu.memory_space<vmem>>, vector<1x16xf32>,
      %broadcast_in_dim3A_187 = arith.constant 0.000000e+00 : f32
      %broadcast_in_dim3A_188 = vector.broadcast %broadcast_in_dim3A_187 : f32 to vector<16xf32>
      %swap3A_189 = arith.index_cast %scan3A_146 : i32 to index
      %swap3A_190 = arith.constant 96 : index
      %swap3A_191 = tpu.vector_load %arg12[%swap3A_189, %swap3A_190] {strides = array<i32>} : memref<32x128xf32, #tpu.memory_space<vmem>>, vector<1x16xf32>,
      %swap3A_192 = vector.shape_cast %swap3A_191 : vector<1x16xf32> to vector<16xf32>
      %swap3A_193 = vector.shape_cast %broadcast_in_dim3A_188 : vector<16xf32> to vector<1x16xf32>
      tpu.vector_store %arg12[%swap3A_189, %swap3A_190], %swap3A_193 {strides = array<i32>} : memref<32x128xf32, #tpu.memory_space<vmem>>, vector<1x16xf32>,
      %broadcast_in_dim3A_194 = arith.constant 0.000000e+00 : f32
      %broadcast_in_dim3A_195 = vector.broadcast %broadcast_in_dim3A_194 : f32 to vector<16xf32>
      %swap3A_196 = arith.index_cast %scan3A_146 : i32 to index
      %swap3A_197 = arith.constant 112 : index
      %swap3A_198 = tpu.vector_load %arg12[%swap3A_196, %swap3A_197] {strides = array<i32>} : memref<32x128xf32, #tpu.memory_space<vmem>>, vector<1x16xf32>,
      %swap3A_199 = vector.shape_cast %swap3A_198 : vector<1x16xf32> to vector<16xf32>
      %swap3A_200 = vector.shape_cast %broadcast_in_dim3A_195 : vector<16xf32> to vector<1x16xf32>
      tpu.vector_store %arg12[%swap3A_196, %swap3A_197], %swap3A_200 {strides = array<i32>} : memref<32x128xf32, #tpu.memory_space<vmem>>, vector<1x16xf32>,
    }
    %scan3A_5 = arith.constant 32 : i32
    %mul3A_6 = arith.constant 640 : i32
    %mul3A_7 = arith.muli %arg1, %mul3A_6 : i32
    %add3A_8 = arith.constant 0 : i32
    %add3A_9 = arith.addi %mul3A_7, %add3A_8 : i32
    "tpu.region"() ({
      %run_scoped3A = tpu.sem_alloc : memref<!tpu.dma_semaphore, #tpu.memory_space<semaphore_mem>>
      %dma_start3A = arith.constant 0 : i32
      %dma_start3A_146 = tpu.memref_slice %arg13[%add3A_9, %dma_start3A] : memref<10240x128xf32, #tpu.memory_space<vmem_shared>> -> memref<32x128xf32, #tpu.memory_space<vmem_shared>>
      %dma_start3A_147 = arith.constant 0 : i32
      %dma_start3A_148 = tpu.memref_slice %arg13[%add3A_9, %dma_start3A_147] : memref<10240x128xf32, #tpu.memory_space<vmem_shared>> -> memref<32x128xf32, #tpu.memory_space<vmem_shared>>
      tpu.enqueue_dma source(%arg12 : memref<32x128xf32, #tpu.memory_space<vmem>>) target(%dma_start3A_148 : memref<32x128xf32, #tpu.memory_space<vmem_shared>>) target_semaphore(%run_scoped3A : memref<!tpu.dma_semaphore, #tpu.memory_space<semaphore_mem>>)
      %dma_wait3A_149 = arith.constant 0 : i32
      %dma_wait3A_150 = tpu.memref_slice %arg13[%add3A_9, %dma_wait3A_149] : memref<10240x128xf32, #tpu.memory_space<vmem_shared>> -> memref<32x128xf32, #tpu.memory_space<vmem_shared>>
      %dma_wait3A_151 = arith.constant 0 : i32
      %dma_wait3A_152 = tpu.memref_slice %arg13[%add3A_9, %dma_wait3A_151] : memref<10240x128xf32, #tpu.memory_space<vmem_shared>> -> memref<32x128xf32, #tpu.memory_space<vmem_shared>>
      tpu.wait_dma2 semaphore(%run_scoped3A : memref<!tpu.dma_semaphore, #tpu.memory_space<semaphore_mem>>) src(%arg12 : memref<32x128xf32, #tpu.memory_space<vmem>>) dst(%dma_wait3A_152 : memref<32x128xf32, #tpu.memory_space<vmem_shared>>)
      tpu.yield
    }) : () -> ()
    %mul3A_10 = arith.constant 640 : i32
    %mul3A_11 = arith.muli %arg1, %mul3A_10 : i32
    %add3A_12 = arith.constant 32 : i32
    %add3A_13 = arith.addi %mul3A_11, %add3A_12 : i32
    "tpu.region"() ({
      %run_scoped3A = tpu.sem_alloc : memref<!tpu.dma_semaphore, #tpu.memory_space<semaphore_mem>>
      %dma_start3A = arith.constant 0 : i32
      %dma_start3A_146 = tpu.memref_slice %arg13[%add3A_13, %dma_start3A] : memref<10240x128xf32, #tpu.memory_space<vmem_shared>> -> memref<32x128xf32, #tpu.memory_space<vmem_shared>>
      %dma_start3A_147 = arith.constant 0 : i32
      %dma_start3A_148 = tpu.memref_slice %arg13[%add3A_13, %dma_start3A_147] : memref<10240x128xf32, #tpu.memory_space<vmem_shared>> -> memref<32x128xf32, #tpu.memory_space<vmem_shared>>
      tpu.enqueue_dma source(%arg12 : memref<32x128xf32, #tpu.memory_space<vmem>>) target(%dma_start3A_148 : memref<32x128xf32, #tpu.memory_space<vmem_shared>>) target_semaphore(%run_scoped3A : memref<!tpu.dma_semaphore, #tpu.memory_space<semaphore_mem>>)
      %dma_wait3A_149 = arith.constant 0 : i32
      %dma_wait3A_150 = tpu.memref_slice %arg13[%add3A_13, %dma_wait3A_149] : memref<10240x128xf32, #tpu.memory_space<vmem_shared>> -> memref<32x128xf32, #tpu.memory_space<vmem_shared>>
      %dma_wait3A_151 = arith.constant 0 : i32
      %dma_wait3A_152 = tpu.memref_slice %arg13[%add3A_13, %dma_wait3A_151] : memref<10240x128xf32, #tpu.memory_space<vmem_shared>> -> memref<32x128xf32, #tpu.memory_space<vmem_shared>>
      tpu.wait_dma2 semaphore(%run_scoped3A : memref<!tpu.dma_semaphore, #tpu.memory_space<semaphore_mem>>) src(%arg12 : memref<32x128xf32, #tpu.memory_space<vmem>>) dst(%dma_wait3A_152 : memref<32x128xf32, #tpu.memory_space<vmem_shared>>)
      tpu.yield
    }) : () -> ()
    %mul3A_14 = arith.constant 640 : i32
    %mul3A_15 = arith.muli %arg1, %mul3A_14 : i32
    %add3A_16 = arith.constant 64 : i32
    %add3A_17 = arith.addi %mul3A_15, %add3A_16 : i32
    "tpu.region"() ({
      %run_scoped3A = tpu.sem_alloc : memref<!tpu.dma_semaphore, #tpu.memory_space<semaphore_mem>>
      %dma_start3A = arith.constant 0 : i32
      %dma_start3A_146 = tpu.memref_slice %arg13[%add3A_17, %dma_start3A] : memref<10240x128xf32, #tpu.memory_space<vmem_shared>> -> memref<32x128xf32, #tpu.memory_space<vmem_shared>>
      %dma_start3A_147 = arith.constant 0 : i32
      %dma_start3A_148 = tpu.memref_slice %arg13[%add3A_17, %dma_start3A_147] : memref<10240x128xf32, #tpu.memory_space<vmem_shared>> -> memref<32x128xf32, #tpu.memory_space<vmem_shared>>
      tpu.enqueue_dma source(%arg12 : memref<32x128xf32, #tpu.memory_space<vmem>>) target(%dma_start3A_148 : memref<32x128xf32, #tpu.memory_space<vmem_shared>>) target_semaphore(%run_scoped3A : memref<!tpu.dma_semaphore, #tpu.memory_space<semaphore_mem>>)
      %dma_wait3A_149 = arith.constant 0 : i32
      %dma_wait3A_150 = tpu.memref_slice %arg13[%add3A_17, %dma_wait3A_149] : memref<10240x128xf32, #tpu.memory_space<vmem_shared>> -> memref<32x128xf32, #tpu.memory_space<vmem_shared>>
      %dma_wait3A_151 = arith.constant 0 : i32
      %dma_wait3A_152 = tpu.memref_slice %arg13[%add3A_17, %dma_wait3A_151] : memref<10240x128xf32, #tpu.memory_space<vmem_shared>> -> memref<32x128xf32, #tpu.memory_space<vmem_shared>>
      tpu.wait_dma2 semaphore(%run_scoped3A : memref<!tpu.dma_semaphore, #tpu.memory_space<semaphore_mem>>) src(%arg12 : memref<32x128xf32, #tpu.memory_space<vmem>>) dst(%dma_wait3A_152 : memref<32x128xf32, #tpu.memory_space<vmem_shared>>)
      tpu.yield
    }) : () -> ()
    %mul3A_18 = arith.constant 640 : i32
    %mul3A_19 = arith.muli %arg1, %mul3A_18 : i32
    %add3A_20 = arith.constant 96 : i32
    %add3A_21 = arith.addi %mul3A_19, %add3A_20 : i32
    "tpu.region"() ({
      %run_scoped3A = tpu.sem_alloc : memref<!tpu.dma_semaphore, #tpu.memory_space<semaphore_mem>>
      %dma_start3A = arith.constant 0 : i32
      %dma_start3A_146 = tpu.memref_slice %arg13[%add3A_21, %dma_start3A] : memref<10240x128xf32, #tpu.memory_space<vmem_shared>> -> memref<32x128xf32, #tpu.memory_space<vmem_shared>>
      %dma_start3A_147 = arith.constant 0 : i32
      %dma_start3A_148 = tpu.memref_slice %arg13[%add3A_21, %dma_start3A_147] : memref<10240x128xf32, #tpu.memory_space<vmem_shared>> -> memref<32x128xf32, #tpu.memory_space<vmem_shared>>
      tpu.enqueue_dma source(%arg12 : memref<32x128xf32, #tpu.memory_space<vmem>>) target(%dma_start3A_148 : memref<32x128xf32, #tpu.memory_space<vmem_shared>>) target_semaphore(%run_scoped3A : memref<!tpu.dma_semaphore, #tpu.memory_space<semaphore_mem>>)
      %dma_wait3A_149 = arith.constant 0 : i32
      %dma_wait3A_150 = tpu.memref_slice %arg13[%add3A_21, %dma_wait3A_149] : memref<10240x128xf32, #tpu.memory_space<vmem_shared>> -> memref<32x128xf32, #tpu.memory_space<vmem_shared>>
      %dma_wait3A_151 = arith.constant 0 : i32
      %dma_wait3A_152 = tpu.memref_slice %arg13[%add3A_21, %dma_wait3A_151] : memref<10240x128xf32, #tpu.memory_space<vmem_shared>> -> memref<32x128xf32, #tpu.memory_space<vmem_shared>>
      tpu.wait_dma2 semaphore(%run_scoped3A : memref<!tpu.dma_semaphore, #tpu.memory_space<semaphore_mem>>) src(%arg12 : memref<32x128xf32, #tpu.memory_space<vmem>>) dst(%dma_wait3A_152 : memref<32x128xf32, #tpu.memory_space<vmem_shared>>)
      tpu.yield
    }) : () -> ()
    %mul3A_22 = arith.constant 640 : i32
    %mul3A_23 = arith.muli %arg1, %mul3A_22 : i32
    %add3A_24 = arith.constant 128 : i32
    %add3A_25 = arith.addi %mul3A_23, %add3A_24 : i32
    "tpu.region"() ({
      %run_scoped3A = tpu.sem_alloc : memref<!tpu.dma_semaphore, #tpu.memory_space<semaphore_mem>>
      %dma_start3A = arith.constant 0 : i32
      %dma_start3A_146 = tpu.memref_slice %arg13[%add3A_25, %dma_start3A] : memref<10240x128xf32, #tpu.memory_space<vmem_shared>> -> memref<32x128xf32, #tpu.memory_space<vmem_shared>>
      %dma_start3A_147 = arith.constant 0 : i32
      %dma_start3A_148 = tpu.memref_slice %arg13[%add3A_25, %dma_start3A_147] : memref<10240x128xf32, #tpu.memory_space<vmem_shared>> -> memref<32x128xf32, #tpu.memory_space<vmem_shared>>
      tpu.enqueue_dma source(%arg12 : memref<32x128xf32, #tpu.memory_space<vmem>>) target(%dma_start3A_148 : memref<32x128xf32, #tpu.memory_space<vmem_shared>>) target_semaphore(%run_scoped3A : memref<!tpu.dma_semaphore, #tpu.memory_space<semaphore_mem>>)
      %dma_wait3A_149 = arith.constant 0 : i32
      %dma_wait3A_150 = tpu.memref_slice %arg13[%add3A_25, %dma_wait3A_149] : memref<10240x128xf32, #tpu.memory_space<vmem_shared>> -> memref<32x128xf32, #tpu.memory_space<vmem_shared>>
      %dma_wait3A_151 = arith.constant 0 : i32
      %dma_wait3A_152 = tpu.memref_slice %arg13[%add3A_25, %dma_wait3A_151] : memref<10240x128xf32, #tpu.memory_space<vmem_shared>> -> memref<32x128xf32, #tpu.memory_space<vmem_shared>>
      tpu.wait_dma2 semaphore(%run_scoped3A : memref<!tpu.dma_semaphore, #tpu.memory_space<semaphore_mem>>) src(%arg12 : memref<32x128xf32, #tpu.memory_space<vmem>>) dst(%dma_wait3A_152 : memref<32x128xf32, #tpu.memory_space<vmem_shared>>)
      tpu.yield
    }) : () -> ()
    %mul3A_26 = arith.constant 640 : i32
    %mul3A_27 = arith.muli %arg1, %mul3A_26 : i32
    %add3A_28 = arith.constant 160 : i32
    %add3A_29 = arith.addi %mul3A_27, %add3A_28 : i32
    "tpu.region"() ({
      %run_scoped3A = tpu.sem_alloc : memref<!tpu.dma_semaphore, #tpu.memory_space<semaphore_mem>>
      %dma_start3A = arith.constant 0 : i32
      %dma_start3A_146 = tpu.memref_slice %arg13[%add3A_29, %dma_start3A] : memref<10240x128xf32, #tpu.memory_space<vmem_shared>> -> memref<32x128xf32, #tpu.memory_space<vmem_shared>>
      %dma_start3A_147 = arith.constant 0 : i32
      %dma_start3A_148 = tpu.memref_slice %arg13[%add3A_29, %dma_start3A_147] : memref<10240x128xf32, #tpu.memory_space<vmem_shared>> -> memref<32x128xf32, #tpu.memory_space<vmem_shared>>
      tpu.enqueue_dma source(%arg12 : memref<32x128xf32, #tpu.memory_space<vmem>>) target(%dma_start3A_148 : memref<32x128xf32, #tpu.memory_space<vmem_shared>>) target_semaphore(%run_scoped3A : memref<!tpu.dma_semaphore, #tpu.memory_space<semaphore_mem>>)
      %dma_wait3A_149 = arith.constant 0 : i32
      %dma_wait3A_150 = tpu.memref_slice %arg13[%add3A_29, %dma_wait3A_149] : memref<10240x128xf32, #tpu.memory_space<vmem_shared>> -> memref<32x128xf32, #tpu.memory_space<vmem_shared>>
      %dma_wait3A_151 = arith.constant 0 : i32
      %dma_wait3A_152 = tpu.memref_slice %arg13[%add3A_29, %dma_wait3A_151] : memref<10240x128xf32, #tpu.memory_space<vmem_shared>> -> memref<32x128xf32, #tpu.memory_space<vmem_shared>>
      tpu.wait_dma2 semaphore(%run_scoped3A : memref<!tpu.dma_semaphore, #tpu.memory_space<semaphore_mem>>) src(%arg12 : memref<32x128xf32, #tpu.memory_space<vmem>>) dst(%dma_wait3A_152 : memref<32x128xf32, #tpu.memory_space<vmem_shared>>)
      tpu.yield
    }) : () -> ()
    %mul3A_30 = arith.constant 640 : i32
    %mul3A_31 = arith.muli %arg1, %mul3A_30 : i32
    %add3A_32 = arith.constant 192 : i32
    %add3A_33 = arith.addi %mul3A_31, %add3A_32 : i32
    "tpu.region"() ({
      %run_scoped3A = tpu.sem_alloc : memref<!tpu.dma_semaphore, #tpu.memory_space<semaphore_mem>>
      %dma_start3A = arith.constant 0 : i32
      %dma_start3A_146 = tpu.memref_slice %arg13[%add3A_33, %dma_start3A] : memref<10240x128xf32, #tpu.memory_space<vmem_shared>> -> memref<32x128xf32, #tpu.memory_space<vmem_shared>>
      %dma_start3A_147 = arith.constant 0 : i32
      %dma_start3A_148 = tpu.memref_slice %arg13[%add3A_33, %dma_start3A_147] : memref<10240x128xf32, #tpu.memory_space<vmem_shared>> -> memref<32x128xf32, #tpu.memory_space<vmem_shared>>
      tpu.enqueue_dma source(%arg12 : memref<32x128xf32, #tpu.memory_space<vmem>>) target(%dma_start3A_148 : memref<32x128xf32, #tpu.memory_space<vmem_shared>>) target_semaphore(%run_scoped3A : memref<!tpu.dma_semaphore, #tpu.memory_space<semaphore_mem>>)
      %dma_wait3A_149 = arith.constant 0 : i32
      %dma_wait3A_150 = tpu.memref_slice %arg13[%add3A_33, %dma_wait3A_149] : memref<10240x128xf32, #tpu.memory_space<vmem_shared>> -> memref<32x128xf32, #tpu.memory_space<vmem_shared>>
      %dma_wait3A_151 = arith.constant 0 : i32
      %dma_wait3A_152 = tpu.memref_slice %arg13[%add3A_33, %dma_wait3A_151] : memref<10240x128xf32, #tpu.memory_space<vmem_shared>> -> memref<32x128xf32, #tpu.memory_space<vmem_shared>>
      tpu.wait_dma2 semaphore(%run_scoped3A : memref<!tpu.dma_semaphore, #tpu.memory_space<semaphore_mem>>) src(%arg12 : memref<32x128xf32, #tpu.memory_space<vmem>>) dst(%dma_wait3A_152 : memref<32x128xf32, #tpu.memory_space<vmem_shared>>)
      tpu.yield
    }) : () -> ()
    %mul3A_34 = arith.constant 640 : i32
    %mul3A_35 = arith.muli %arg1, %mul3A_34 : i32
    %add3A_36 = arith.constant 224 : i32
    %add3A_37 = arith.addi %mul3A_35, %add3A_36 : i32
    "tpu.region"() ({
      %run_scoped3A = tpu.sem_alloc : memref<!tpu.dma_semaphore, #tpu.memory_space<semaphore_mem>>
      %dma_start3A = arith.constant 0 : i32
      %dma_start3A_146 = tpu.memref_slice %arg13[%add3A_37, %dma_start3A] : memref<10240x128xf32, #tpu.memory_space<vmem_shared>> -> memref<32x128xf32, #tpu.memory_space<vmem_shared>>
      %dma_start3A_147 = arith.constant 0 : i32
      %dma_start3A_148 = tpu.memref_slice %arg13[%add3A_37, %dma_start3A_147] : memref<10240x128xf32, #tpu.memory_space<vmem_shared>> -> memref<32x128xf32, #tpu.memory_space<vmem_shared>>
      tpu.enqueue_dma source(%arg12 : memref<32x128xf32, #tpu.memory_space<vmem>>) target(%dma_start3A_148 : memref<32x128xf32, #tpu.memory_space<vmem_shared>>) target_semaphore(%run_scoped3A : memref<!tpu.dma_semaphore, #tpu.memory_space<semaphore_mem>>)
      %dma_wait3A_149 = arith.constant 0 : i32
      %dma_wait3A_150 = tpu.memref_slice %arg13[%add3A_37, %dma_wait3A_149] : memref<10240x128xf32, #tpu.memory_space<vmem_shared>> -> memref<32x128xf32, #tpu.memory_space<vmem_shared>>
      %dma_wait3A_151 = arith.constant 0 : i32
      %dma_wait3A_152 = tpu.memref_slice %arg13[%add3A_37, %dma_wait3A_151] : memref<10240x128xf32, #tpu.memory_space<vmem_shared>> -> memref<32x128xf32, #tpu.memory_space<vmem_shared>>
      tpu.wait_dma2 semaphore(%run_scoped3A : memref<!tpu.dma_semaphore, #tpu.memory_space<semaphore_mem>>) src(%arg12 : memref<32x128xf32, #tpu.memory_space<vmem>>) dst(%dma_wait3A_152 : memref<32x128xf32, #tpu.memory_space<vmem_shared>>)
      tpu.yield
    }) : () -> ()
    %mul3A_38 = arith.constant 640 : i32
    %mul3A_39 = arith.muli %arg1, %mul3A_38 : i32
    %add3A_40 = arith.constant 256 : i32
    %add3A_41 = arith.addi %mul3A_39, %add3A_40 : i32
    "tpu.region"() ({
      %run_scoped3A = tpu.sem_alloc : memref<!tpu.dma_semaphore, #tpu.memory_space<semaphore_mem>>
      %dma_start3A = arith.constant 0 : i32
      %dma_start3A_146 = tpu.memref_slice %arg13[%add3A_41, %dma_start3A] : memref<10240x128xf32, #tpu.memory_space<vmem_shared>> -> memref<32x128xf32, #tpu.memory_space<vmem_shared>>
      %dma_start3A_147 = arith.constant 0 : i32
      %dma_start3A_148 = tpu.memref_slice %arg13[%add3A_41, %dma_start3A_147] : memref<10240x128xf32, #tpu.memory_space<vmem_shared>> -> memref<32x128xf32, #tpu.memory_space<vmem_shared>>
      tpu.enqueue_dma source(%arg12 : memref<32x128xf32, #tpu.memory_space<vmem>>) target(%dma_start3A_148 : memref<32x128xf32, #tpu.memory_space<vmem_shared>>) target_semaphore(%run_scoped3A : memref<!tpu.dma_semaphore, #tpu.memory_space<semaphore_mem>>)
      %dma_wait3A_149 = arith.constant 0 : i32
      %dma_wait3A_150 = tpu.memref_slice %arg13[%add3A_41, %dma_wait3A_149] : memref<10240x128xf32, #tpu.memory_space<vmem_shared>> -> memref<32x128xf32, #tpu.memory_space<vmem_shared>>
      %dma_wait3A_151 = arith.constant 0 : i32
      %dma_wait3A_152 = tpu.memref_slice %arg13[%add3A_41, %dma_wait3A_151] : memref<10240x128xf32, #tpu.memory_space<vmem_shared>> -> memref<32x128xf32, #tpu.memory_space<vmem_shared>>
      tpu.wait_dma2 semaphore(%run_scoped3A : memref<!tpu.dma_semaphore, #tpu.memory_space<semaphore_mem>>) src(%arg12 : memref<32x128xf32, #tpu.memory_space<vmem>>) dst(%dma_wait3A_152 : memref<32x128xf32, #tpu.memory_space<vmem_shared>>)
      tpu.yield
    }) : () -> ()
    %mul3A_42 = arith.constant 640 : i32
    %mul3A_43 = arith.muli %arg1, %mul3A_42 : i32
    %add3A_44 = arith.constant 288 : i32
    %add3A_45 = arith.addi %mul3A_43, %add3A_44 : i32
    "tpu.region"() ({
      %run_scoped3A = tpu.sem_alloc : memref<!tpu.dma_semaphore, #tpu.memory_space<semaphore_mem>>
      %dma_start3A = arith.constant 0 : i32
      %dma_start3A_146 = tpu.memref_slice %arg13[%add3A_45, %dma_start3A] : memref<10240x128xf32, #tpu.memory_space<vmem_shared>> -> memref<32x128xf32, #tpu.memory_space<vmem_shared>>
      %dma_start3A_147 = arith.constant 0 : i32
      %dma_start3A_148 = tpu.memref_slice %arg13[%add3A_45, %dma_start3A_147] : memref<10240x128xf32, #tpu.memory_space<vmem_shared>> -> memref<32x128xf32, #tpu.memory_space<vmem_shared>>
      tpu.enqueue_dma source(%arg12 : memref<32x128xf32, #tpu.memory_space<vmem>>) target(%dma_start3A_148 : memref<32x128xf32, #tpu.memory_space<vmem_shared>>) target_semaphore(%run_scoped3A : memref<!tpu.dma_semaphore, #tpu.memory_space<semaphore_mem>>)
      %dma_wait3A_149 = arith.constant 0 : i32
      %dma_wait3A_150 = tpu.memref_slice %arg13[%add3A_45, %dma_wait3A_149] : memref<10240x128xf32, #tpu.memory_space<vmem_shared>> -> memref<32x128xf32, #tpu.memory_space<vmem_shared>>
      %dma_wait3A_151 = arith.constant 0 : i32
      %dma_wait3A_152 = tpu.memref_slice %arg13[%add3A_45, %dma_wait3A_151] : memref<10240x128xf32, #tpu.memory_space<vmem_shared>> -> memref<32x128xf32, #tpu.memory_space<vmem_shared>>
      tpu.wait_dma2 semaphore(%run_scoped3A : memref<!tpu.dma_semaphore, #tpu.memory_space<semaphore_mem>>) src(%arg12 : memref<32x128xf32, #tpu.memory_space<vmem>>) dst(%dma_wait3A_152 : memref<32x128xf32, #tpu.memory_space<vmem_shared>>)
      tpu.yield
    }) : () -> ()
    %mul3A_46 = arith.constant 640 : i32
    %mul3A_47 = arith.muli %arg1, %mul3A_46 : i32
    %add3A_48 = arith.constant 320 : i32
    %add3A_49 = arith.addi %mul3A_47, %add3A_48 : i32
    "tpu.region"() ({
      %run_scoped3A = tpu.sem_alloc : memref<!tpu.dma_semaphore, #tpu.memory_space<semaphore_mem>>
      %dma_start3A = arith.constant 0 : i32
      %dma_start3A_146 = tpu.memref_slice %arg13[%add3A_49, %dma_start3A] : memref<10240x128xf32, #tpu.memory_space<vmem_shared>> -> memref<32x128xf32, #tpu.memory_space<vmem_shared>>
      %dma_start3A_147 = arith.constant 0 : i32
      %dma_start3A_148 = tpu.memref_slice %arg13[%add3A_49, %dma_start3A_147] : memref<10240x128xf32, #tpu.memory_space<vmem_shared>> -> memref<32x128xf32, #tpu.memory_space<vmem_shared>>
      tpu.enqueue_dma source(%arg12 : memref<32x128xf32, #tpu.memory_space<vmem>>) target(%dma_start3A_148 : memref<32x128xf32, #tpu.memory_space<vmem_shared>>) target_semaphore(%run_scoped3A : memref<!tpu.dma_semaphore, #tpu.memory_space<semaphore_mem>>)
      %dma_wait3A_149 = arith.constant 0 : i32
      %dma_wait3A_150 = tpu.memref_slice %arg13[%add3A_49, %dma_wait3A_149] : memref<10240x128xf32, #tpu.memory_space<vmem_shared>> -> memref<32x128xf32, #tpu.memory_space<vmem_shared>>
      %dma_wait3A_151 = arith.constant 0 : i32
      %dma_wait3A_152 = tpu.memref_slice %arg13[%add3A_49, %dma_wait3A_151] : memref<10240x128xf32, #tpu.memory_space<vmem_shared>> -> memref<32x128xf32, #tpu.memory_space<vmem_shared>>
      tpu.wait_dma2 semaphore(%run_scoped3A : memref<!tpu.dma_semaphore, #tpu.memory_space<semaphore_mem>>) src(%arg12 : memref<32x128xf32, #tpu.memory_space<vmem>>) dst(%dma_wait3A_152 : memref<32x128xf32, #tpu.memory_space<vmem_shared>>)
      tpu.yield
    }) : () -> ()
    %mul3A_50 = arith.constant 640 : i32
    %mul3A_51 = arith.muli %arg1, %mul3A_50 : i32
    %add3A_52 = arith.constant 352 : i32
    %add3A_53 = arith.addi %mul3A_51, %add3A_52 : i32
    "tpu.region"() ({
      %run_scoped3A = tpu.sem_alloc : memref<!tpu.dma_semaphore, #tpu.memory_space<semaphore_mem>>
      %dma_start3A = arith.constant 0 : i32
      %dma_start3A_146 = tpu.memref_slice %arg13[%add3A_53, %dma_start3A] : memref<10240x128xf32, #tpu.memory_space<vmem_shared>> -> memref<32x128xf32, #tpu.memory_space<vmem_shared>>
      %dma_start3A_147 = arith.constant 0 : i32
      %dma_start3A_148 = tpu.memref_slice %arg13[%add3A_53, %dma_start3A_147] : memref<10240x128xf32, #tpu.memory_space<vmem_shared>> -> memref<32x128xf32, #tpu.memory_space<vmem_shared>>
      tpu.enqueue_dma source(%arg12 : memref<32x128xf32, #tpu.memory_space<vmem>>) target(%dma_start3A_148 : memref<32x128xf32, #tpu.memory_space<vmem_shared>>) target_semaphore(%run_scoped3A : memref<!tpu.dma_semaphore, #tpu.memory_space<semaphore_mem>>)
      %dma_wait3A_149 = arith.constant 0 : i32
      %dma_wait3A_150 = tpu.memref_slice %arg13[%add3A_53, %dma_wait3A_149] : memref<10240x128xf32, #tpu.memory_space<vmem_shared>> -> memref<32x128xf32, #tpu.memory_space<vmem_shared>>
      %dma_wait3A_151 = arith.constant 0 : i32
      %dma_wait3A_152 = tpu.memref_slice %arg13[%add3A_53, %dma_wait3A_151] : memref<10240x128xf32, #tpu.memory_space<vmem_shared>> -> memref<32x128xf32, #tpu.memory_space<vmem_shared>>
      tpu.wait_dma2 semaphore(%run_scoped3A : memref<!tpu.dma_semaphore, #tpu.memory_space<semaphore_mem>>) src(%arg12 : memref<32x128xf32, #tpu.memory_space<vmem>>) dst(%dma_wait3A_152 : memref<32x128xf32, #tpu.memory_space<vmem_shared>>)
      tpu.yield
    }) : () -> ()
    %mul3A_54 = arith.constant 640 : i32
    %mul3A_55 = arith.muli %arg1, %mul3A_54 : i32
    %add3A_56 = arith.constant 384 : i32
    %add3A_57 = arith.addi %mul3A_55, %add3A_56 : i32
    "tpu.region"() ({
      %run_scoped3A = tpu.sem_alloc : memref<!tpu.dma_semaphore, #tpu.memory_space<semaphore_mem>>
      %dma_start3A = arith.constant 0 : i32
      %dma_start3A_146 = tpu.memref_slice %arg13[%add3A_57, %dma_start3A] : memref<10240x128xf32, #tpu.memory_space<vmem_shared>> -> memref<32x128xf32, #tpu.memory_space<vmem_shared>>
      %dma_start3A_147 = arith.constant 0 : i32
      %dma_start3A_148 = tpu.memref_slice %arg13[%add3A_57, %dma_start3A_147] : memref<10240x128xf32, #tpu.memory_space<vmem_shared>> -> memref<32x128xf32, #tpu.memory_space<vmem_shared>>
      tpu.enqueue_dma source(%arg12 : memref<32x128xf32, #tpu.memory_space<vmem>>) target(%dma_start3A_148 : memref<32x128xf32, #tpu.memory_space<vmem_shared>>) target_semaphore(%run_scoped3A : memref<!tpu.dma_semaphore, #tpu.memory_space<semaphore_mem>>)
      %dma_wait3A_149 = arith.constant 0 : i32
      %dma_wait3A_150 = tpu.memref_slice %arg13[%add3A_57, %dma_wait3A_149] : memref<10240x128xf32, #tpu.memory_space<vmem_shared>> -> memref<32x128xf32, #tpu.memory_space<vmem_shared>>
      %dma_wait3A_151 = arith.constant 0 : i32
      %dma_wait3A_152 = tpu.memref_slice %arg13[%add3A_57, %dma_wait3A_151] : memref<10240x128xf32, #tpu.memory_space<vmem_shared>> -> memref<32x128xf32, #tpu.memory_space<vmem_shared>>
      tpu.wait_dma2 semaphore(%run_scoped3A : memref<!tpu.dma_semaphore, #tpu.memory_space<semaphore_mem>>) src(%arg12 : memref<32x128xf32, #tpu.memory_space<vmem>>) dst(%dma_wait3A_152 : memref<32x128xf32, #tpu.memory_space<vmem_shared>>)
      tpu.yield
    }) : () -> ()
    %mul3A_58 = arith.constant 640 : i32
    %mul3A_59 = arith.muli %arg1, %mul3A_58 : i32
    %add3A_60 = arith.constant 416 : i32
    %add3A_61 = arith.addi %mul3A_59, %add3A_60 : i32
    "tpu.region"() ({
      %run_scoped3A = tpu.sem_alloc : memref<!tpu.dma_semaphore, #tpu.memory_space<semaphore_mem>>
      %dma_start3A = arith.constant 0 : i32
      %dma_start3A_146 = tpu.memref_slice %arg13[%add3A_61, %dma_start3A] : memref<10240x128xf32, #tpu.memory_space<vmem_shared>> -> memref<32x128xf32, #tpu.memory_space<vmem_shared>>
      %dma_start3A_147 = arith.constant 0 : i32
      %dma_start3A_148 = tpu.memref_slice %arg13[%add3A_61, %dma_start3A_147] : memref<10240x128xf32, #tpu.memory_space<vmem_shared>> -> memref<32x128xf32, #tpu.memory_space<vmem_shared>>
      tpu.enqueue_dma source(%arg12 : memref<32x128xf32, #tpu.memory_space<vmem>>) target(%dma_start3A_148 : memref<32x128xf32, #tpu.memory_space<vmem_shared>>) target_semaphore(%run_scoped3A : memref<!tpu.dma_semaphore, #tpu.memory_space<semaphore_mem>>)
      %dma_wait3A_149 = arith.constant 0 : i32
      %dma_wait3A_150 = tpu.memref_slice %arg13[%add3A_61, %dma_wait3A_149] : memref<10240x128xf32, #tpu.memory_space<vmem_shared>> -> memref<32x128xf32, #tpu.memory_space<vmem_shared>>
      %dma_wait3A_151 = arith.constant 0 : i32
      %dma_wait3A_152 = tpu.memref_slice %arg13[%add3A_61, %dma_wait3A_151] : memref<10240x128xf32, #tpu.memory_space<vmem_shared>> -> memref<32x128xf32, #tpu.memory_space<vmem_shared>>
      tpu.wait_dma2 semaphore(%run_scoped3A : memref<!tpu.dma_semaphore, #tpu.memory_space<semaphore_mem>>) src(%arg12 : memref<32x128xf32, #tpu.memory_space<vmem>>) dst(%dma_wait3A_152 : memref<32x128xf32, #tpu.memory_space<vmem_shared>>)
      tpu.yield
    }) : () -> ()
    %mul3A_62 = arith.constant 640 : i32
    %mul3A_63 = arith.muli %arg1, %mul3A_62 : i32
    %add3A_64 = arith.constant 448 : i32
    %add3A_65 = arith.addi %mul3A_63, %add3A_64 : i32
    "tpu.region"() ({
      %run_scoped3A = tpu.sem_alloc : memref<!tpu.dma_semaphore, #tpu.memory_space<semaphore_mem>>
      %dma_start3A = arith.constant 0 : i32
      %dma_start3A_146 = tpu.memref_slice %arg13[%add3A_65, %dma_start3A] : memref<10240x128xf32, #tpu.memory_space<vmem_shared>> -> memref<32x128xf32, #tpu.memory_space<vmem_shared>>
      %dma_start3A_147 = arith.constant 0 : i32
      %dma_start3A_148 = tpu.memref_slice %arg13[%add3A_65, %dma_start3A_147] : memref<10240x128xf32, #tpu.memory_space<vmem_shared>> -> memref<32x128xf32, #tpu.memory_space<vmem_shared>>
      tpu.enqueue_dma source(%arg12 : memref<32x128xf32, #tpu.memory_space<vmem>>) target(%dma_start3A_148 : memref<32x128xf32, #tpu.memory_space<vmem_shared>>) target_semaphore(%run_scoped3A : memref<!tpu.dma_semaphore, #tpu.memory_space<semaphore_mem>>)
      %dma_wait3A_149 = arith.constant 0 : i32
      %dma_wait3A_150 = tpu.memref_slice %arg13[%add3A_65, %dma_wait3A_149] : memref<10240x128xf32, #tpu.memory_space<vmem_shared>> -> memref<32x128xf32, #tpu.memory_space<vmem_shared>>
      %dma_wait3A_151 = arith.constant 0 : i32
      %dma_wait3A_152 = tpu.memref_slice %arg13[%add3A_65, %dma_wait3A_151] : memref<10240x128xf32, #tpu.memory_space<vmem_shared>> -> memref<32x128xf32, #tpu.memory_space<vmem_shared>>
      tpu.wait_dma2 semaphore(%run_scoped3A : memref<!tpu.dma_semaphore, #tpu.memory_space<semaphore_mem>>) src(%arg12 : memref<32x128xf32, #tpu.memory_space<vmem>>) dst(%dma_wait3A_152 : memref<32x128xf32, #tpu.memory_space<vmem_shared>>)
      tpu.yield
    }) : () -> ()
    %mul3A_66 = arith.constant 640 : i32
    %mul3A_67 = arith.muli %arg1, %mul3A_66 : i32
    %add3A_68 = arith.constant 480 : i32
    %add3A_69 = arith.addi %mul3A_67, %add3A_68 : i32
    "tpu.region"() ({
      %run_scoped3A = tpu.sem_alloc : memref<!tpu.dma_semaphore, #tpu.memory_space<semaphore_mem>>
      %dma_start3A = arith.constant 0 : i32
      %dma_start3A_146 = tpu.memref_slice %arg13[%add3A_69, %dma_start3A] : memref<10240x128xf32, #tpu.memory_space<vmem_shared>> -> memref<32x128xf32, #tpu.memory_space<vmem_shared>>
      %dma_start3A_147 = arith.constant 0 : i32
      %dma_start3A_148 = tpu.memref_slice %arg13[%add3A_69, %dma_start3A_147] : memref<10240x128xf32, #tpu.memory_space<vmem_shared>> -> memref<32x128xf32, #tpu.memory_space<vmem_shared>>
      tpu.enqueue_dma source(%arg12 : memref<32x128xf32, #tpu.memory_space<vmem>>) target(%dma_start3A_148 : memref<32x128xf32, #tpu.memory_space<vmem_shared>>) target_semaphore(%run_scoped3A : memref<!tpu.dma_semaphore, #tpu.memory_space<semaphore_mem>>)
      %dma_wait3A_149 = arith.constant 0 : i32
      %dma_wait3A_150 = tpu.memref_slice %arg13[%add3A_69, %dma_wait3A_149] : memref<10240x128xf32, #tpu.memory_space<vmem_shared>> -> memref<32x128xf32, #tpu.memory_space<vmem_shared>>
      %dma_wait3A_151 = arith.constant 0 : i32
      %dma_wait3A_152 = tpu.memref_slice %arg13[%add3A_69, %dma_wait3A_151] : memref<10240x128xf32, #tpu.memory_space<vmem_shared>> -> memref<32x128xf32, #tpu.memory_space<vmem_shared>>
      tpu.wait_dma2 semaphore(%run_scoped3A : memref<!tpu.dma_semaphore, #tpu.memory_space<semaphore_mem>>) src(%arg12 : memref<32x128xf32, #tpu.memory_space<vmem>>) dst(%dma_wait3A_152 : memref<32x128xf32, #tpu.memory_space<vmem_shared>>)
      tpu.yield
    }) : () -> ()
    %mul3A_70 = arith.constant 640 : i32
    %mul3A_71 = arith.muli %arg1, %mul3A_70 : i32
    %add3A_72 = arith.constant 512 : i32
    %add3A_73 = arith.addi %mul3A_71, %add3A_72 : i32
    "tpu.region"() ({
      %run_scoped3A = tpu.sem_alloc : memref<!tpu.dma_semaphore, #tpu.memory_space<semaphore_mem>>
      %dma_start3A = arith.constant 0 : i32
      %dma_start3A_146 = tpu.memref_slice %arg13[%add3A_73, %dma_start3A] : memref<10240x128xf32, #tpu.memory_space<vmem_shared>> -> memref<32x128xf32, #tpu.memory_space<vmem_shared>>
      %dma_start3A_147 = arith.constant 0 : i32
      %dma_start3A_148 = tpu.memref_slice %arg13[%add3A_73, %dma_start3A_147] : memref<10240x128xf32, #tpu.memory_space<vmem_shared>> -> memref<32x128xf32, #tpu.memory_space<vmem_shared>>
      tpu.enqueue_dma source(%arg12 : memref<32x128xf32, #tpu.memory_space<vmem>>) target(%dma_start3A_148 : memref<32x128xf32, #tpu.memory_space<vmem_shared>>) target_semaphore(%run_scoped3A : memref<!tpu.dma_semaphore, #tpu.memory_space<semaphore_mem>>)
      %dma_wait3A_149 = arith.constant 0 : i32
      %dma_wait3A_150 = tpu.memref_slice %arg13[%add3A_73, %dma_wait3A_149] : memref<10240x128xf32, #tpu.memory_space<vmem_shared>> -> memref<32x128xf32, #tpu.memory_space<vmem_shared>>
      %dma_wait3A_151 = arith.constant 0 : i32
      %dma_wait3A_152 = tpu.memref_slice %arg13[%add3A_73, %dma_wait3A_151] : memref<10240x128xf32, #tpu.memory_space<vmem_shared>> -> memref<32x128xf32, #tpu.memory_space<vmem_shared>>
      tpu.wait_dma2 semaphore(%run_scoped3A : memref<!tpu.dma_semaphore, #tpu.memory_space<semaphore_mem>>) src(%arg12 : memref<32x128xf32, #tpu.memory_space<vmem>>) dst(%dma_wait3A_152 : memref<32x128xf32, #tpu.memory_space<vmem_shared>>)
      tpu.yield
    }) : () -> ()
    %mul3A_74 = arith.constant 640 : i32
    %mul3A_75 = arith.muli %arg1, %mul3A_74 : i32
    %add3A_76 = arith.constant 544 : i32
    %add3A_77 = arith.addi %mul3A_75, %add3A_76 : i32
    "tpu.region"() ({
      %run_scoped3A = tpu.sem_alloc : memref<!tpu.dma_semaphore, #tpu.memory_space<semaphore_mem>>
      %dma_start3A = arith.constant 0 : i32
      %dma_start3A_146 = tpu.memref_slice %arg13[%add3A_77, %dma_start3A] : memref<10240x128xf32, #tpu.memory_space<vmem_shared>> -> memref<32x128xf32, #tpu.memory_space<vmem_shared>>
      %dma_start3A_147 = arith.constant 0 : i32
      %dma_start3A_148 = tpu.memref_slice %arg13[%add3A_77, %dma_start3A_147] : memref<10240x128xf32, #tpu.memory_space<vmem_shared>> -> memref<32x128xf32, #tpu.memory_space<vmem_shared>>
      tpu.enqueue_dma source(%arg12 : memref<32x128xf32, #tpu.memory_space<vmem>>) target(%dma_start3A_148 : memref<32x128xf32, #tpu.memory_space<vmem_shared>>) target_semaphore(%run_scoped3A : memref<!tpu.dma_semaphore, #tpu.memory_space<semaphore_mem>>)
      %dma_wait3A_149 = arith.constant 0 : i32
      %dma_wait3A_150 = tpu.memref_slice %arg13[%add3A_77, %dma_wait3A_149] : memref<10240x128xf32, #tpu.memory_space<vmem_shared>> -> memref<32x128xf32, #tpu.memory_space<vmem_shared>>
      %dma_wait3A_151 = arith.constant 0 : i32
      %dma_wait3A_152 = tpu.memref_slice %arg13[%add3A_77, %dma_wait3A_151] : memref<10240x128xf32, #tpu.memory_space<vmem_shared>> -> memref<32x128xf32, #tpu.memory_space<vmem_shared>>
      tpu.wait_dma2 semaphore(%run_scoped3A : memref<!tpu.dma_semaphore, #tpu.memory_space<semaphore_mem>>) src(%arg12 : memref<32x128xf32, #tpu.memory_space<vmem>>) dst(%dma_wait3A_152 : memref<32x128xf32, #tpu.memory_space<vmem_shared>>)
      tpu.yield
    }) : () -> ()
    %mul3A_78 = arith.constant 640 : i32
    %mul3A_79 = arith.muli %arg1, %mul3A_78 : i32
    %add3A_80 = arith.constant 576 : i32
    %add3A_81 = arith.addi %mul3A_79, %add3A_80 : i32
    "tpu.region"() ({
      %run_scoped3A = tpu.sem_alloc : memref<!tpu.dma_semaphore, #tpu.memory_space<semaphore_mem>>
      %dma_start3A = arith.constant 0 : i32
      %dma_start3A_146 = tpu.memref_slice %arg13[%add3A_81, %dma_start3A] : memref<10240x128xf32, #tpu.memory_space<vmem_shared>> -> memref<32x128xf32, #tpu.memory_space<vmem_shared>>
      %dma_start3A_147 = arith.constant 0 : i32
      %dma_start3A_148 = tpu.memref_slice %arg13[%add3A_81, %dma_start3A_147] : memref<10240x128xf32, #tpu.memory_space<vmem_shared>> -> memref<32x128xf32, #tpu.memory_space<vmem_shared>>
      tpu.enqueue_dma source(%arg12 : memref<32x128xf32, #tpu.memory_space<vmem>>) target(%dma_start3A_148 : memref<32x128xf32, #tpu.memory_space<vmem_shared>>) target_semaphore(%run_scoped3A : memref<!tpu.dma_semaphore, #tpu.memory_space<semaphore_mem>>)
      %dma_wait3A_149 = arith.constant 0 : i32
      %dma_wait3A_150 = tpu.memref_slice %arg13[%add3A_81, %dma_wait3A_149] : memref<10240x128xf32, #tpu.memory_space<vmem_shared>> -> memref<32x128xf32, #tpu.memory_space<vmem_shared>>
      %dma_wait3A_151 = arith.constant 0 : i32
      %dma_wait3A_152 = tpu.memref_slice %arg13[%add3A_81, %dma_wait3A_151] : memref<10240x128xf32, #tpu.memory_space<vmem_shared>> -> memref<32x128xf32, #tpu.memory_space<vmem_shared>>
      tpu.wait_dma2 semaphore(%run_scoped3A : memref<!tpu.dma_semaphore, #tpu.memory_space<semaphore_mem>>) src(%arg12 : memref<32x128xf32, #tpu.memory_space<vmem>>) dst(%dma_wait3A_152 : memref<32x128xf32, #tpu.memory_space<vmem_shared>>)
      tpu.yield
    }) : () -> ()
    %mul3A_82 = arith.constant 640 : i32
    %mul3A_83 = arith.muli %arg1, %mul3A_82 : i32
    %add3A_84 = arith.constant 608 : i32
    %add3A_85 = arith.addi %mul3A_83, %add3A_84 : i32
    "tpu.region"() ({
      %run_scoped3A = tpu.sem_alloc : memref<!tpu.dma_semaphore, #tpu.memory_space<semaphore_mem>>
      %dma_start3A = arith.constant 0 : i32
      %dma_start3A_146 = tpu.memref_slice %arg13[%add3A_85, %dma_start3A] : memref<10240x128xf32, #tpu.memory_space<vmem_shared>> -> memref<32x128xf32, #tpu.memory_space<vmem_shared>>
      %dma_start3A_147 = arith.constant 0 : i32
      %dma_start3A_148 = tpu.memref_slice %arg13[%add3A_85, %dma_start3A_147] : memref<10240x128xf32, #tpu.memory_space<vmem_shared>> -> memref<32x128xf32, #tpu.memory_space<vmem_shared>>
      tpu.enqueue_dma source(%arg12 : memref<32x128xf32, #tpu.memory_space<vmem>>) target(%dma_start3A_148 : memref<32x128xf32, #tpu.memory_space<vmem_shared>>) target_semaphore(%run_scoped3A : memref<!tpu.dma_semaphore, #tpu.memory_space<semaphore_mem>>)
      %dma_wait3A_149 = arith.constant 0 : i32
      %dma_wait3A_150 = tpu.memref_slice %arg13[%add3A_85, %dma_wait3A_149] : memref<10240x128xf32, #tpu.memory_space<vmem_shared>> -> memref<32x128xf32, #tpu.memory_space<vmem_shared>>
      %dma_wait3A_151 = arith.constant 0 : i32
      %dma_wait3A_152 = tpu.memref_slice %arg13[%add3A_85, %dma_wait3A_151] : memref<10240x128xf32, #tpu.memory_space<vmem_shared>> -> memref<32x128xf32, #tpu.memory_space<vmem_shared>>
      tpu.wait_dma2 semaphore(%run_scoped3A : memref<!tpu.dma_semaphore, #tpu.memory_space<semaphore_mem>>) src(%arg12 : memref<32x128xf32, #tpu.memory_space<vmem>>) dst(%dma_wait3A_152 : memref<32x128xf32, #tpu.memory_space<vmem_shared>>)
      tpu.yield
    }) : () -> ()
    %barrier3A = arith.constant 0 : index
    tpu.barrier barrier_id(%barrier3A)
    %mul3A_86 = arith.constant 160 : i32
    %mul3A_87 = arith.muli %add3A, %mul3A_86 : i32
    %scan3A_88 = arith.constant 0 : i32
    %scan3A_89 = arith.constant 0 : i32
    %scan3A_90 = arith.constant 10 : i32
    %scan3A_91 = arith.addi %scan3A_89, %scan3A_90 : i32
    %scan3A_92 = arith.constant 1 : i32
    scf.for %scan3A_146 = %scan3A_89 to %scan3A_91 step %scan3A_92  : i32 {
      %jit3A = arith.constant 2 : i32
      %eq3A = arith.constant 0 : i32
      %eq3A_147 = arith.cmpi eq, %jit3A, %eq3A : i32
      %jit3A_148 = arith.constant 1 : i32
      %select_n3A = arith.select %eq3A_147, %jit3A_148, %jit3A : i32
      %rem3A = arith.remsi %scan3A_146, %select_n3A : i32
      %ne3A = arith.constant 0 : i32
      %ne3A_149 = arith.cmpi ne, %rem3A, %ne3A : i32
      %lt3A = arith.constant 0 : i32
      %lt3A_150 = arith.cmpi slt, %rem3A, %lt3A : i32
      %lt3A_151 = arith.constant 0 : i32
      %lt3A_152 = arith.cmpi slt, %select_n3A, %lt3A_151 : i32
      %ne3A_153 = arith.xori %lt3A_150, %lt3A_152 : i1
      %and3A = arith.andi %ne3A_153, %ne3A_149 : i1
      %add3A_154 = arith.addi %rem3A, %select_n3A : i32
      %select_n3A_155 = arith.select %and3A, %add3A_154, %rem3A : i32
      %mul3A_156 = arith.constant 16 : i32
      %mul3A_157 = arith.muli %scan3A_146, %mul3A_156 : i32
      %add3A_158 = arith.addi %mul3A_87, %mul3A_157 : i32
      "tpu.region"() ({
        %run_scoped3A = tpu.sem_alloc : memref<!tpu.dma_semaphore, #tpu.memory_space<semaphore_mem>>
        %dma_start3A = arith.constant 0 : i32
        %dma_start3A_165 = arith.constant 0 : i32
        %dma_start3A_166 = tpu.memref_slice %arg6[%select_n3A_155, %dma_start3A, %dma_start3A_165] : memref<2x16x64xi32, #tpu.memory_space<vmem>> -> memref<1x16x64xi32, #tpu.memory_space<vmem>>
        %dma_start3A_167 = tpu.memref_squeeze %dma_start3A_166 : memref<1x16x64xi32, #tpu.memory_space<vmem>> -> memref<16x64xi32, #tpu.memory_space<vmem>>
        %dma_start3A_168 = arith.constant 0 : i32
        %dma_start3A_169 = tpu.memref_slice %arg3[%add3A_158, %dma_start3A_168] : memref<5120x64xi32, #tpu.memory_space<hbm>> -> memref<16x64xi32, #tpu.memory_space<hbm>>
        %dma_start3A_170 = arith.constant 0 : i32
        %dma_start3A_171 = arith.constant 0 : i32
        %dma_start3A_172 = tpu.memref_slice %arg6[%select_n3A_155, %dma_start3A_170, %dma_start3A_171] : memref<2x16x64xi32, #tpu.memory_space<vmem>> -> memref<1x16x64xi32, #tpu.memory_space<vmem>>
        %dma_start3A_173 = tpu.memref_squeeze %dma_start3A_172 : memref<1x16x64xi32, #tpu.memory_space<vmem>> -> memref<16x64xi32, #tpu.memory_space<vmem>>
        %dma_start3A_174 = arith.constant 0 : i32
        %dma_start3A_175 = tpu.memref_slice %arg3[%add3A_158, %dma_start3A_174] : memref<5120x64xi32, #tpu.memory_space<hbm>> -> memref<16x64xi32, #tpu.memory_space<hbm>>
        tpu.enqueue_dma source(%dma_start3A_175 : memref<16x64xi32, #tpu.memory_space<hbm>>) target(%dma_start3A_173 : memref<16x64xi32, #tpu.memory_space<vmem>>) target_semaphore(%run_scoped3A : memref<!tpu.dma_semaphore, #tpu.memory_space<semaphore_mem>>)
        %dma_wait3A_176 = arith.constant 0 : i32
        %dma_wait3A_177 = arith.constant 0 : i32
        %dma_wait3A_178 = tpu.memref_slice %arg6[%select_n3A_155, %dma_wait3A_176, %dma_wait3A_177] : memref<2x16x64xi32, #tpu.memory_space<vmem>> -> memref<1x16x64xi32, #tpu.memory_space<vmem>>
        %dma_wait3A_179 = tpu.memref_squeeze %dma_wait3A_178 : memref<1x16x64xi32, #tpu.memory_space<vmem>> -> memref<16x64xi32, #tpu.memory_space<vmem>>
        %dma_wait3A_180 = arith.constant 0 : i32
        %dma_wait3A_181 = tpu.memref_slice %arg3[%add3A_158, %dma_wait3A_180] : memref<5120x64xi32, #tpu.memory_space<hbm>> -> memref<16x64xi32, #tpu.memory_space<hbm>>
        %dma_wait3A_182 = arith.constant 0 : i32
        %dma_wait3A_183 = arith.constant 0 : i32
        %dma_wait3A_184 = tpu.memref_slice %arg6[%select_n3A_155, %dma_wait3A_182, %dma_wait3A_183] : memref<2x16x64xi32, #tpu.memory_space<vmem>> -> memref<1x16x64xi32, #tpu.memory_space<vmem>>
        %dma_wait3A_185 = tpu.memref_squeeze %dma_wait3A_184 : memref<1x16x64xi32, #tpu.memory_space<vmem>> -> memref<16x64xi32, #tpu.memory_space<vmem>>
        %dma_wait3A_186 = arith.constant 0 : i32
        %dma_wait3A_187 = tpu.memref_slice %arg3[%add3A_158, %dma_wait3A_186] : memref<5120x64xi32, #tpu.memory_space<hbm>> -> memref<16x64xi32, #tpu.memory_space<hbm>>
        tpu.wait_dma2 semaphore(%run_scoped3A : memref<!tpu.dma_semaphore, #tpu.memory_space<semaphore_mem>>) src(%dma_wait3A_187 : memref<16x64xi32, #tpu.memory_space<hbm>>) dst(%dma_wait3A_185 : memref<16x64xi32, #tpu.memory_space<vmem>>)
        tpu.yield
      }) : () -> ()
      "tpu.region"() ({
        %run_scoped3A = tpu.sem_alloc : memref<!tpu.dma_semaphore, #tpu.memory_space<semaphore_mem>>
        %dma_start3A = arith.constant 0 : i32
        %dma_start3A_165 = arith.constant 0 : i32
        %dma_start3A_166 = tpu.memref_slice %arg7[%select_n3A_155, %dma_start3A, %dma_start3A_165] : memref<2x16x64xi32, #tpu.memory_space<vmem>> -> memref<1x16x64xi32, #tpu.memory_space<vmem>>
        %dma_start3A_167 = tpu.memref_squeeze %dma_start3A_166 : memref<1x16x64xi32, #tpu.memory_space<vmem>> -> memref<16x64xi32, #tpu.memory_space<vmem>>
        %dma_start3A_168 = arith.constant 0 : i32
        %dma_start3A_169 = tpu.memref_slice %arg4[%add3A_158, %dma_start3A_168] : memref<5120x64xi32, #tpu.memory_space<hbm>> -> memref<16x64xi32, #tpu.memory_space<hbm>>
        %dma_start3A_170 = arith.constant 0 : i32
        %dma_start3A_171 = arith.constant 0 : i32
        %dma_start3A_172 = tpu.memref_slice %arg7[%select_n3A_155, %dma_start3A_170, %dma_start3A_171] : memref<2x16x64xi32, #tpu.memory_space<vmem>> -> memref<1x16x64xi32, #tpu.memory_space<vmem>>
        %dma_start3A_173 = tpu.memref_squeeze %dma_start3A_172 : memref<1x16x64xi32, #tpu.memory_space<vmem>> -> memref<16x64xi32, #tpu.memory_space<vmem>>
        %dma_start3A_174 = arith.constant 0 : i32
        %dma_start3A_175 = tpu.memref_slice %arg4[%add3A_158, %dma_start3A_174] : memref<5120x64xi32, #tpu.memory_space<hbm>> -> memref<16x64xi32, #tpu.memory_space<hbm>>
        tpu.enqueue_dma source(%dma_start3A_175 : memref<16x64xi32, #tpu.memory_space<hbm>>) target(%dma_start3A_173 : memref<16x64xi32, #tpu.memory_space<vmem>>) target_semaphore(%run_scoped3A : memref<!tpu.dma_semaphore, #tpu.memory_space<semaphore_mem>>)
        %dma_wait3A_176 = arith.constant 0 : i32
        %dma_wait3A_177 = arith.constant 0 : i32
        %dma_wait3A_178 = tpu.memref_slice %arg7[%select_n3A_155, %dma_wait3A_176, %dma_wait3A_177] : memref<2x16x64xi32, #tpu.memory_space<vmem>> -> memref<1x16x64xi32, #tpu.memory_space<vmem>>
        %dma_wait3A_179 = tpu.memref_squeeze %dma_wait3A_178 : memref<1x16x64xi32, #tpu.memory_space<vmem>> -> memref<16x64xi32, #tpu.memory_space<vmem>>
        %dma_wait3A_180 = arith.constant 0 : i32
        %dma_wait3A_181 = tpu.memref_slice %arg4[%add3A_158, %dma_wait3A_180] : memref<5120x64xi32, #tpu.memory_space<hbm>> -> memref<16x64xi32, #tpu.memory_space<hbm>>
        %dma_wait3A_182 = arith.constant 0 : i32
        %dma_wait3A_183 = arith.constant 0 : i32
        %dma_wait3A_184 = tpu.memref_slice %arg7[%select_n3A_155, %dma_wait3A_182, %dma_wait3A_183] : memref<2x16x64xi32, #tpu.memory_space<vmem>> -> memref<1x16x64xi32, #tpu.memory_space<vmem>>
        %dma_wait3A_185 = tpu.memref_squeeze %dma_wait3A_184 : memref<1x16x64xi32, #tpu.memory_space<vmem>> -> memref<16x64xi32, #tpu.memory_space<vmem>>
        %dma_wait3A_186 = arith.constant 0 : i32
        %dma_wait3A_187 = tpu.memref_slice %arg4[%add3A_158, %dma_wait3A_186] : memref<5120x64xi32, #tpu.memory_space<hbm>> -> memref<16x64xi32, #tpu.memory_space<hbm>>
        tpu.wait_dma2 semaphore(%run_scoped3A : memref<!tpu.dma_semaphore, #tpu.memory_space<semaphore_mem>>) src(%dma_wait3A_187 : memref<16x64xi32, #tpu.memory_space<hbm>>) dst(%dma_wait3A_185 : memref<16x64xi32, #tpu.memory_space<vmem>>)
        tpu.yield
      }) : () -> ()
      %scan3A_159 = arith.constant 0 : i32
      %scan3A_160 = arith.constant 0 : i32
      %scan3A_161 = arith.constant 4 : i32
      %scan3A_162 = arith.addi %scan3A_160, %scan3A_161 : i32
      %scan3A_163 = arith.constant 1 : i32
      scf.for %scan3A_165 = %scan3A_160 to %scan3A_162 step %scan3A_163  : i32 {
        %mul3A_166 = arith.constant 4 : i32
        %mul3A_167 = arith.muli %scan3A_165, %mul3A_166 : i32
        %add3A_168 = arith.constant 0 : i32
        %add3A_169 = arith.addi %mul3A_167, %add3A_168 : i32
        %mul3A_170 = arith.constant 16 : i32
        %mul3A_171 = arith.muli %scan3A_146, %mul3A_170 : i32
        %add3A_172 = arith.addi %mul3A_171, %add3A_169 : i32
        %ge3A = arith.constant 4 : i32
        %ge3A_173 = arith.cmpi sge, %add3A_172, %ge3A : i32
        %convert_element_type3A = arith.extui %ge3A_173 : i1 to i32
        %cond3A = arith.constant 0 : i32
        %cond3A_174 = arith.cmpi ne, %convert_element_type3A, %cond3A : i32
        scf.if %cond3A_174 {
          %dma_wait3A_298 = arith.constant 0 : i32
          %dma_wait3A_299 = tpu.memref_slice %arg7[%select_n3A_155, %add3A_169, %dma_wait3A_298] : memref<2x16x64xi32, #tpu.memory_space<vmem>> -> memref<1x1x64xi32, #tpu.memory_space<vmem>>
          %dma_wait3A_300 = tpu.memref_squeeze %dma_wait3A_299 : memref<1x1x64xi32, #tpu.memory_space<vmem>> -> memref<64xi32, #tpu.memory_space<vmem>>
          %dma_wait3A_301 = arith.constant 0 : i32
          %dma_wait3A_302 = arith.constant 0 : i32
          %dma_wait3A_303 = tpu.memref_slice %arg13[%dma_wait3A_301, %dma_wait3A_302] : memref<10240x128xf32, #tpu.memory_space<vmem_shared>> -> memref<10240x128xf32, #tpu.memory_space<vmem_shared>>
          tpu.wait_indirect_dma semaphore(%arg18 : memref<!tpu.dma_semaphore, #tpu.memory_space<semaphore_mem>>) src(%arg8 : memref<64x128xf32, #tpu.memory_space<vmem>>) dst(%dma_wait3A_303 : memref<10240x128xf32, #tpu.memory_space<vmem_shared>>)
        } else {
        }
        %dma_start3A = arith.constant 0 : i32
        %dma_start3A_175 = tpu.memref_slice %arg6[%select_n3A_155, %add3A_169, %dma_start3A] : memref<2x16x64xi32, #tpu.memory_space<vmem>> -> memref<1x1x64xi32, #tpu.memory_space<vmem>>
        %dma_start3A_176 = tpu.memref_squeeze %dma_start3A_175 : memref<1x1x64xi32, #tpu.memory_space<vmem>> -> memref<64xi32, #tpu.memory_space<vmem>>
        %dma_start3A_177 = arith.constant 0 : i32
        %dma_start3A_178 = arith.constant 0 : i32
        %dma_start3A_179 = tpu.memref_slice %arg2[%dma_start3A_177, %dma_start3A_178] : memref<10000x128xf32, #tpu.memory_space<hbm>> -> memref<10000x128xf32, #tpu.memory_space<hbm>>
        tpu.enqueue_indirect_dma source(%dma_start3A_179 : memref<10000x128xf32, #tpu.memory_space<hbm>>) target(%arg8 : memref<64x128xf32, #tpu.memory_space<vmem>>) offsets(%dma_start3A_176 : memref<64xi32, #tpu.memory_space<vmem>>) semaphore(%arg14 : memref<!tpu.dma_semaphore, #tpu.memory_space<semaphore_mem>>)
        %mul3A_180 = arith.constant 4 : i32
        %mul3A_181 = arith.muli %scan3A_165, %mul3A_180 : i32
        %add3A_182 = arith.constant 1 : i32
        %add3A_183 = arith.addi %mul3A_181, %add3A_182 : i32
        %mul3A_184 = arith.constant 16 : i32
        %mul3A_185 = arith.muli %scan3A_146, %mul3A_184 : i32
        %add3A_186 = arith.addi %mul3A_185, %add3A_183 : i32
        %ge3A_187 = arith.constant 4 : i32
        %ge3A_188 = arith.cmpi sge, %add3A_186, %ge3A_187 : i32
        %convert_element_type3A_189 = arith.extui %ge3A_188 : i1 to i32
        %cond3A_190 = arith.constant 0 : i32
        %cond3A_191 = arith.cmpi ne, %convert_element_type3A_189, %cond3A_190 : i32
        scf.if %cond3A_191 {
          %dma_wait3A_298 = arith.constant 0 : i32
          %dma_wait3A_299 = tpu.memref_slice %arg7[%select_n3A_155, %add3A_183, %dma_wait3A_298] : memref<2x16x64xi32, #tpu.memory_space<vmem>> -> memref<1x1x64xi32, #tpu.memory_space<vmem>>
          %dma_wait3A_300 = tpu.memref_squeeze %dma_wait3A_299 : memref<1x1x64xi32, #tpu.memory_space<vmem>> -> memref<64xi32, #tpu.memory_space<vmem>>
          %dma_wait3A_301 = arith.constant 0 : i32
          %dma_wait3A_302 = arith.constant 0 : i32
          %dma_wait3A_303 = tpu.memref_slice %arg13[%dma_wait3A_301, %dma_wait3A_302] : memref<10240x128xf32, #tpu.memory_space<vmem_shared>> -> memref<10240x128xf32, #tpu.memory_space<vmem_shared>>
          tpu.wait_indirect_dma semaphore(%arg19 : memref<!tpu.dma_semaphore, #tpu.memory_space<semaphore_mem>>) src(%arg9 : memref<64x128xf32, #tpu.memory_space<vmem>>) dst(%dma_wait3A_303 : memref<10240x128xf32, #tpu.memory_space<vmem_shared>>)
        } else {
        }
        %dma_start3A_192 = arith.constant 0 : i32
        %dma_start3A_193 = tpu.memref_slice %arg6[%select_n3A_155, %add3A_183, %dma_start3A_192] : memref<2x16x64xi32, #tpu.memory_space<vmem>> -> memref<1x1x64xi32, #tpu.memory_space<vmem>>
        %dma_start3A_194 = tpu.memref_squeeze %dma_start3A_193 : memref<1x1x64xi32, #tpu.memory_space<vmem>> -> memref<64xi32, #tpu.memory_space<vmem>>
        %dma_start3A_195 = arith.constant 0 : i32
        %dma_start3A_196 = arith.constant 0 : i32
        %dma_start3A_197 = tpu.memref_slice %arg2[%dma_start3A_195, %dma_start3A_196] : memref<10000x128xf32, #tpu.memory_space<hbm>> -> memref<10000x128xf32, #tpu.memory_space<hbm>>
        tpu.enqueue_indirect_dma source(%dma_start3A_197 : memref<10000x128xf32, #tpu.memory_space<hbm>>) target(%arg9 : memref<64x128xf32, #tpu.memory_space<vmem>>) offsets(%dma_start3A_194 : memref<64xi32, #tpu.memory_space<vmem>>) semaphore(%arg15 : memref<!tpu.dma_semaphore, #tpu.memory_space<semaphore_mem>>)
        %mul3A_198 = arith.constant 4 : i32
        %mul3A_199 = arith.muli %scan3A_165, %mul3A_198 : i32
        %add3A_200 = arith.constant 2 : i32
        %add3A_201 = arith.addi %mul3A_199, %add3A_200 : i32
        %mul3A_202 = arith.constant 16 : i32
        %mul3A_203 = arith.muli %scan3A_146, %mul3A_202 : i32
        %add3A_204 = arith.addi %mul3A_203, %add3A_201 : i32
        %ge3A_205 = arith.constant 4 : i32
        %ge3A_206 = arith.cmpi sge, %add3A_204, %ge3A_205 : i32
        %convert_element_type3A_207 = arith.extui %ge3A_206 : i1 to i32
        %cond3A_208 = arith.constant 0 : i32
        %cond3A_209 = arith.cmpi ne, %convert_element_type3A_207, %cond3A_208 : i32
        scf.if %cond3A_209 {
          %dma_wait3A_298 = arith.constant 0 : i32
          %dma_wait3A_299 = tpu.memref_slice %arg7[%select_n3A_155, %add3A_201, %dma_wait3A_298] : memref<2x16x64xi32, #tpu.memory_space<vmem>> -> memref<1x1x64xi32, #tpu.memory_space<vmem>>
          %dma_wait3A_300 = tpu.memref_squeeze %dma_wait3A_299 : memref<1x1x64xi32, #tpu.memory_space<vmem>> -> memref<64xi32, #tpu.memory_space<vmem>>
          %dma_wait3A_301 = arith.constant 0 : i32
          %dma_wait3A_302 = arith.constant 0 : i32
          %dma_wait3A_303 = tpu.memref_slice %arg13[%dma_wait3A_301, %dma_wait3A_302] : memref<10240x128xf32, #tpu.memory_space<vmem_shared>> -> memref<10240x128xf32, #tpu.memory_space<vmem_shared>>
          tpu.wait_indirect_dma semaphore(%arg20 : memref<!tpu.dma_semaphore, #tpu.memory_space<semaphore_mem>>) src(%arg10 : memref<64x128xf32, #tpu.memory_space<vmem>>) dst(%dma_wait3A_303 : memref<10240x128xf32, #tpu.memory_space<vmem_shared>>)
        } else {
        }
        %dma_start3A_210 = arith.constant 0 : i32
        %dma_start3A_211 = tpu.memref_slice %arg6[%select_n3A_155, %add3A_201, %dma_start3A_210] : memref<2x16x64xi32, #tpu.memory_space<vmem>> -> memref<1x1x64xi32, #tpu.memory_space<vmem>>
        %dma_start3A_212 = tpu.memref_squeeze %dma_start3A_211 : memref<1x1x64xi32, #tpu.memory_space<vmem>> -> memref<64xi32, #tpu.memory_space<vmem>>
        %dma_start3A_213 = arith.constant 0 : i32
        %dma_start3A_214 = arith.constant 0 : i32
        %dma_start3A_215 = tpu.memref_slice %arg2[%dma_start3A_213, %dma_start3A_214] : memref<10000x128xf32, #tpu.memory_space<hbm>> -> memref<10000x128xf32, #tpu.memory_space<hbm>>
        tpu.enqueue_indirect_dma source(%dma_start3A_215 : memref<10000x128xf32, #tpu.memory_space<hbm>>) target(%arg10 : memref<64x128xf32, #tpu.memory_space<vmem>>) offsets(%dma_start3A_212 : memref<64xi32, #tpu.memory_space<vmem>>) semaphore(%arg16 : memref<!tpu.dma_semaphore, #tpu.memory_space<semaphore_mem>>)
        %mul3A_216 = arith.constant 4 : i32
        %mul3A_217 = arith.muli %scan3A_165, %mul3A_216 : i32
        %add3A_218 = arith.constant 3 : i32
        %add3A_219 = arith.addi %mul3A_217, %add3A_218 : i32
        %mul3A_220 = arith.constant 16 : i32
        %mul3A_221 = arith.muli %scan3A_146, %mul3A_220 : i32
        %add3A_222 = arith.addi %mul3A_221, %add3A_219 : i32
        %ge3A_223 = arith.constant 4 : i32
        %ge3A_224 = arith.cmpi sge, %add3A_222, %ge3A_223 : i32
        %convert_element_type3A_225 = arith.extui %ge3A_224 : i1 to i32
        %cond3A_226 = arith.constant 0 : i32
        %cond3A_227 = arith.cmpi ne, %convert_element_type3A_225, %cond3A_226 : i32
        scf.if %cond3A_227 {
          %dma_wait3A_298 = arith.constant 0 : i32
          %dma_wait3A_299 = tpu.memref_slice %arg7[%select_n3A_155, %add3A_219, %dma_wait3A_298] : memref<2x16x64xi32, #tpu.memory_space<vmem>> -> memref<1x1x64xi32, #tpu.memory_space<vmem>>
          %dma_wait3A_300 = tpu.memref_squeeze %dma_wait3A_299 : memref<1x1x64xi32, #tpu.memory_space<vmem>> -> memref<64xi32, #tpu.memory_space<vmem>>
          %dma_wait3A_301 = arith.constant 0 : i32
          %dma_wait3A_302 = arith.constant 0 : i32
          %dma_wait3A_303 = tpu.memref_slice %arg13[%dma_wait3A_301, %dma_wait3A_302] : memref<10240x128xf32, #tpu.memory_space<vmem_shared>> -> memref<10240x128xf32, #tpu.memory_space<vmem_shared>>
          tpu.wait_indirect_dma semaphore(%arg21 : memref<!tpu.dma_semaphore, #tpu.memory_space<semaphore_mem>>) src(%arg11 : memref<64x128xf32, #tpu.memory_space<vmem>>) dst(%dma_wait3A_303 : memref<10240x128xf32, #tpu.memory_space<vmem_shared>>)
        } else {
        }
        %dma_start3A_228 = arith.constant 0 : i32
        %dma_start3A_229 = tpu.memref_slice %arg6[%select_n3A_155, %add3A_219, %dma_start3A_228] : memref<2x16x64xi32, #tpu.memory_space<vmem>> -> memref<1x1x64xi32, #tpu.memory_space<vmem>>
        %dma_start3A_230 = tpu.memref_squeeze %dma_start3A_229 : memref<1x1x64xi32, #tpu.memory_space<vmem>> -> memref<64xi32, #tpu.memory_space<vmem>>
        %dma_start3A_231 = arith.constant 0 : i32
        %dma_start3A_232 = arith.constant 0 : i32
        %dma_start3A_233 = tpu.memref_slice %arg2[%dma_start3A_231, %dma_start3A_232] : memref<10000x128xf32, #tpu.memory_space<hbm>> -> memref<10000x128xf32, #tpu.memory_space<hbm>>
        tpu.enqueue_indirect_dma source(%dma_start3A_233 : memref<10000x128xf32, #tpu.memory_space<hbm>>) target(%arg11 : memref<64x128xf32, #tpu.memory_space<vmem>>) offsets(%dma_start3A_230 : memref<64xi32, #tpu.memory_space<vmem>>) semaphore(%arg17 : memref<!tpu.dma_semaphore, #tpu.memory_space<semaphore_mem>>)
        %mul3A_234 = arith.constant 4 : i32
        %mul3A_235 = arith.muli %scan3A_165, %mul3A_234 : i32
        %add3A_236 = arith.constant 0 : i32
        %add3A_237 = arith.addi %mul3A_235, %add3A_236 : i32
        %dma_wait3A_238 = arith.constant 0 : i32
        %dma_wait3A_239 = tpu.memref_slice %arg6[%select_n3A_155, %add3A_237, %dma_wait3A_238] : memref<2x16x64xi32, #tpu.memory_space<vmem>> -> memref<1x1x64xi32, #tpu.memory_space<vmem>>
        %dma_wait3A_240 = tpu.memref_squeeze %dma_wait3A_239 : memref<1x1x64xi32, #tpu.memory_space<vmem>> -> memref<64xi32, #tpu.memory_space<vmem>>
        %dma_wait3A_241 = arith.constant 0 : i32
        %dma_wait3A_242 = arith.constant 0 : i32
        %dma_wait3A_243 = tpu.memref_slice %arg2[%dma_wait3A_241, %dma_wait3A_242] : memref<10000x128xf32, #tpu.memory_space<hbm>> -> memref<10000x128xf32, #tpu.memory_space<hbm>>
        tpu.wait_indirect_dma semaphore(%arg14 : memref<!tpu.dma_semaphore, #tpu.memory_space<semaphore_mem>>) src(%dma_wait3A_243 : memref<10000x128xf32, #tpu.memory_space<hbm>>) dst(%arg8 : memref<64x128xf32, #tpu.memory_space<vmem>>)
        %dma_start3A_244 = arith.constant 0 : i32
        %dma_start3A_245 = tpu.memref_slice %arg7[%select_n3A_155, %add3A_237, %dma_start3A_244] : memref<2x16x64xi32, #tpu.memory_space<vmem>> -> memref<1x1x64xi32, #tpu.memory_space<vmem>>
        %dma_start3A_246 = tpu.memref_squeeze %dma_start3A_245 : memref<1x1x64xi32, #tpu.memory_space<vmem>> -> memref<64xi32, #tpu.memory_space<vmem>>
        %dma_start3A_247 = arith.constant 0 : i32
        %dma_start3A_248 = arith.constant 0 : i32
        %dma_start3A_249 = tpu.memref_slice %arg13[%dma_start3A_247, %dma_start3A_248] : memref<10240x128xf32, #tpu.memory_space<vmem_shared>> -> memref<10240x128xf32, #tpu.memory_space<vmem_shared>>
        tpu.enqueue_indirect_dma source(%arg8 : memref<64x128xf32, #tpu.memory_space<vmem>>) target(%dma_start3A_249 : memref<10240x128xf32, #tpu.memory_space<vmem_shared>>) offsets(%dma_start3A_246 : memref<64xi32, #tpu.memory_space<vmem>>) semaphore(%arg18 : memref<!tpu.dma_semaphore, #tpu.memory_space<semaphore_mem>>) {add = true}
        %mul3A_250 = arith.constant 4 : i32
        %mul3A_251 = arith.muli %scan3A_165, %mul3A_250 : i32
        %add3A_252 = arith.constant 1 : i32
        %add3A_253 = arith.addi %mul3A_251, %add3A_252 : i32
        %dma_wait3A_254 = arith.constant 0 : i32
        %dma_wait3A_255 = tpu.memref_slice %arg6[%select_n3A_155, %add3A_253, %dma_wait3A_254] : memref<2x16x64xi32, #tpu.memory_space<vmem>> -> memref<1x1x64xi32, #tpu.memory_space<vmem>>
        %dma_wait3A_256 = tpu.memref_squeeze %dma_wait3A_255 : memref<1x1x64xi32, #tpu.memory_space<vmem>> -> memref<64xi32, #tpu.memory_space<vmem>>
        %dma_wait3A_257 = arith.constant 0 : i32
        %dma_wait3A_258 = arith.constant 0 : i32
        %dma_wait3A_259 = tpu.memref_slice %arg2[%dma_wait3A_257, %dma_wait3A_258] : memref<10000x128xf32, #tpu.memory_space<hbm>> -> memref<10000x128xf32, #tpu.memory_space<hbm>>
        tpu.wait_indirect_dma semaphore(%arg15 : memref<!tpu.dma_semaphore, #tpu.memory_space<semaphore_mem>>) src(%dma_wait3A_259 : memref<10000x128xf32, #tpu.memory_space<hbm>>) dst(%arg9 : memref<64x128xf32, #tpu.memory_space<vmem>>)
        %dma_start3A_260 = arith.constant 0 : i32
        %dma_start3A_261 = tpu.memref_slice %arg7[%select_n3A_155, %add3A_253, %dma_start3A_260] : memref<2x16x64xi32, #tpu.memory_space<vmem>> -> memref<1x1x64xi32, #tpu.memory_space<vmem>>
        %dma_start3A_262 = tpu.memref_squeeze %dma_start3A_261 : memref<1x1x64xi32, #tpu.memory_space<vmem>> -> memref<64xi32, #tpu.memory_space<vmem>>
        %dma_start3A_263 = arith.constant 0 : i32
        %dma_start3A_264 = arith.constant 0 : i32
        %dma_start3A_265 = tpu.memref_slice %arg13[%dma_start3A_263, %dma_start3A_264] : memref<10240x128xf32, #tpu.memory_space<vmem_shared>> -> memref<10240x128xf32, #tpu.memory_space<vmem_shared>>
        tpu.enqueue_indirect_dma source(%arg9 : memref<64x128xf32, #tpu.memory_space<vmem>>) target(%dma_start3A_265 : memref<10240x128xf32, #tpu.memory_space<vmem_shared>>) offsets(%dma_start3A_262 : memref<64xi32, #tpu.memory_space<vmem>>) semaphore(%arg19 : memref<!tpu.dma_semaphore, #tpu.memory_space<semaphore_mem>>) {add = true}
        %mul3A_266 = arith.constant 4 : i32
        %mul3A_267 = arith.muli %scan3A_165, %mul3A_266 : i32
        %add3A_268 = arith.constant 2 : i32
        %add3A_269 = arith.addi %mul3A_267, %add3A_268 : i32
        %dma_wait3A_270 = arith.constant 0 : i32
        %dma_wait3A_271 = tpu.memref_slice %arg6[%select_n3A_155, %add3A_269, %dma_wait3A_270] : memref<2x16x64xi32, #tpu.memory_space<vmem>> -> memref<1x1x64xi32, #tpu.memory_space<vmem>>
        %dma_wait3A_272 = tpu.memref_squeeze %dma_wait3A_271 : memref<1x1x64xi32, #tpu.memory_space<vmem>> -> memref<64xi32, #tpu.memory_space<vmem>>
        %dma_wait3A_273 = arith.constant 0 : i32
        %dma_wait3A_274 = arith.constant 0 : i32
        %dma_wait3A_275 = tpu.memref_slice %arg2[%dma_wait3A_273, %dma_wait3A_274] : memref<10000x128xf32, #tpu.memory_space<hbm>> -> memref<10000x128xf32, #tpu.memory_space<hbm>>
        tpu.wait_indirect_dma semaphore(%arg16 : memref<!tpu.dma_semaphore, #tpu.memory_space<semaphore_mem>>) src(%dma_wait3A_275 : memref<10000x128xf32, #tpu.memory_space<hbm>>) dst(%arg10 : memref<64x128xf32, #tpu.memory_space<vmem>>)
        %dma_start3A_276 = arith.constant 0 : i32
        %dma_start3A_277 = tpu.memref_slice %arg7[%select_n3A_155, %add3A_269, %dma_start3A_276] : memref<2x16x64xi32, #tpu.memory_space<vmem>> -> memref<1x1x64xi32, #tpu.memory_space<vmem>>
        %dma_start3A_278 = tpu.memref_squeeze %dma_start3A_277 : memref<1x1x64xi32, #tpu.memory_space<vmem>> -> memref<64xi32, #tpu.memory_space<vmem>>
        %dma_start3A_279 = arith.constant 0 : i32
        %dma_start3A_280 = arith.constant 0 : i32
        %dma_start3A_281 = tpu.memref_slice %arg13[%dma_start3A_279, %dma_start3A_280] : memref<10240x128xf32, #tpu.memory_space<vmem_shared>> -> memref<10240x128xf32, #tpu.memory_space<vmem_shared>>
        tpu.enqueue_indirect_dma source(%arg10 : memref<64x128xf32, #tpu.memory_space<vmem>>) target(%dma_start3A_281 : memref<10240x128xf32, #tpu.memory_space<vmem_shared>>) offsets(%dma_start3A_278 : memref<64xi32, #tpu.memory_space<vmem>>) semaphore(%arg20 : memref<!tpu.dma_semaphore, #tpu.memory_space<semaphore_mem>>) {add = true}
        %mul3A_282 = arith.constant 4 : i32
        %mul3A_283 = arith.muli %scan3A_165, %mul3A_282 : i32
        %add3A_284 = arith.constant 3 : i32
        %add3A_285 = arith.addi %mul3A_283, %add3A_284 : i32
        %dma_wait3A_286 = arith.constant 0 : i32
        %dma_wait3A_287 = tpu.memref_slice %arg6[%select_n3A_155, %add3A_285, %dma_wait3A_286] : memref<2x16x64xi32, #tpu.memory_space<vmem>> -> memref<1x1x64xi32, #tpu.memory_space<vmem>>
        %dma_wait3A_288 = tpu.memref_squeeze %dma_wait3A_287 : memref<1x1x64xi32, #tpu.memory_space<vmem>> -> memref<64xi32, #tpu.memory_space<vmem>>
        %dma_wait3A_289 = arith.constant 0 : i32
        %dma_wait3A_290 = arith.constant 0 : i32
        %dma_wait3A_291 = tpu.memref_slice %arg2[%dma_wait3A_289, %dma_wait3A_290] : memref<10000x128xf32, #tpu.memory_space<hbm>> -> memref<10000x128xf32, #tpu.memory_space<hbm>>
        tpu.wait_indirect_dma semaphore(%arg17 : memref<!tpu.dma_semaphore, #tpu.memory_space<semaphore_mem>>) src(%dma_wait3A_291 : memref<10000x128xf32, #tpu.memory_space<hbm>>) dst(%arg11 : memref<64x128xf32, #tpu.memory_space<vmem>>)
        %dma_start3A_292 = arith.constant 0 : i32
        %dma_start3A_293 = tpu.memref_slice %arg7[%select_n3A_155, %add3A_285, %dma_start3A_292] : memref<2x16x64xi32, #tpu.memory_space<vmem>> -> memref<1x1x64xi32, #tpu.memory_space<vmem>>
        %dma_start3A_294 = tpu.memref_squeeze %dma_start3A_293 : memref<1x1x64xi32, #tpu.memory_space<vmem>> -> memref<64xi32, #tpu.memory_space<vmem>>
        %dma_start3A_295 = arith.constant 0 : i32
        %dma_start3A_296 = arith.constant 0 : i32
        %dma_start3A_297 = tpu.memref_slice %arg13[%dma_start3A_295, %dma_start3A_296] : memref<10240x128xf32, #tpu.memory_space<vmem_shared>> -> memref<10240x128xf32, #tpu.memory_space<vmem_shared>>
        tpu.enqueue_indirect_dma source(%arg11 : memref<64x128xf32, #tpu.memory_space<vmem>>) target(%dma_start3A_297 : memref<10240x128xf32, #tpu.memory_space<vmem_shared>>) offsets(%dma_start3A_294 : memref<64xi32, #tpu.memory_space<vmem>>) semaphore(%arg21 : memref<!tpu.dma_semaphore, #tpu.memory_space<semaphore_mem>>) {add = true}
      }
      %scan3A_164 = arith.constant 4 : i32
    }
    %scan3A_93 = arith.constant 10 : i32
    %dma_wait3A = arith.constant 0 : i32
    %dma_wait3A_94 = arith.constant 0 : i32
    %dma_wait3A_95 = arith.constant 0 : i32
    %dma_wait3A_96 = tpu.memref_slice %arg7[%dma_wait3A, %dma_wait3A_94, %dma_wait3A_95] : memref<2x16x64xi32, #tpu.memory_space<vmem>> -> memref<1x1x64xi32, #tpu.memory_space<vmem>>
    %dma_wait3A_97 = tpu.memref_squeeze %dma_wait3A_96 : memref<1x1x64xi32, #tpu.memory_space<vmem>> -> memref<64xi32, #tpu.memory_space<vmem>>
    %dma_wait3A_98 = arith.constant 0 : i32
    %dma_wait3A_99 = arith.constant 0 : i32
    %dma_wait3A_100 = tpu.memref_slice %arg13[%dma_wait3A_98, %dma_wait3A_99] : memref<10240x128xf32, #tpu.memory_space<vmem_shared>> -> memref<10240x128xf32, #tpu.memory_space<vmem_shared>>
    tpu.wait_indirect_dma semaphore(%arg18 : memref<!tpu.dma_semaphore, #tpu.memory_space<semaphore_mem>>) src(%arg8 : memref<64x128xf32, #tpu.memory_space<vmem>>) dst(%dma_wait3A_100 : memref<10240x128xf32, #tpu.memory_space<vmem_shared>>)
    %dma_wait3A_101 = arith.constant 0 : i32
    %dma_wait3A_102 = arith.constant 0 : i32
    %dma_wait3A_103 = arith.constant 0 : i32
    %dma_wait3A_104 = tpu.memref_slice %arg7[%dma_wait3A_101, %dma_wait3A_102, %dma_wait3A_103] : memref<2x16x64xi32, #tpu.memory_space<vmem>> -> memref<1x1x64xi32, #tpu.memory_space<vmem>>
    %dma_wait3A_105 = tpu.memref_squeeze %dma_wait3A_104 : memref<1x1x64xi32, #tpu.memory_space<vmem>> -> memref<64xi32, #tpu.memory_space<vmem>>
    %dma_wait3A_106 = arith.constant 0 : i32
    %dma_wait3A_107 = arith.constant 0 : i32
    %dma_wait3A_108 = tpu.memref_slice %arg13[%dma_wait3A_106, %dma_wait3A_107] : memref<10240x128xf32, #tpu.memory_space<vmem_shared>> -> memref<10240x128xf32, #tpu.memory_space<vmem_shared>>
    tpu.wait_indirect_dma semaphore(%arg19 : memref<!tpu.dma_semaphore, #tpu.memory_space<semaphore_mem>>) src(%arg9 : memref<64x128xf32, #tpu.memory_space<vmem>>) dst(%dma_wait3A_108 : memref<10240x128xf32, #tpu.memory_space<vmem_shared>>)
    %dma_wait3A_109 = arith.constant 0 : i32
    %dma_wait3A_110 = arith.constant 0 : i32
    %dma_wait3A_111 = arith.constant 0 : i32
    %dma_wait3A_112 = tpu.memref_slice %arg7[%dma_wait3A_109, %dma_wait3A_110, %dma_wait3A_111] : memref<2x16x64xi32, #tpu.memory_space<vmem>> -> memref<1x1x64xi32, #tpu.memory_space<vmem>>
    %dma_wait3A_113 = tpu.memref_squeeze %dma_wait3A_112 : memref<1x1x64xi32, #tpu.memory_space<vmem>> -> memref<64xi32, #tpu.memory_space<vmem>>
    %dma_wait3A_114 = arith.constant 0 : i32
    %dma_wait3A_115 = arith.constant 0 : i32
    %dma_wait3A_116 = tpu.memref_slice %arg13[%dma_wait3A_114, %dma_wait3A_115] : memref<10240x128xf32, #tpu.memory_space<vmem_shared>> -> memref<10240x128xf32, #tpu.memory_space<vmem_shared>>
    tpu.wait_indirect_dma semaphore(%arg20 : memref<!tpu.dma_semaphore, #tpu.memory_space<semaphore_mem>>) src(%arg10 : memref<64x128xf32, #tpu.memory_space<vmem>>) dst(%dma_wait3A_116 : memref<10240x128xf32, #tpu.memory_space<vmem_shared>>)
    %dma_wait3A_117 = arith.constant 0 : i32
    %dma_wait3A_118 = arith.constant 0 : i32
    %dma_wait3A_119 = arith.constant 0 : i32
    %dma_wait3A_120 = tpu.memref_slice %arg7[%dma_wait3A_117, %dma_wait3A_118, %dma_wait3A_119] : memref<2x16x64xi32, #tpu.memory_space<vmem>> -> memref<1x1x64xi32, #tpu.memory_space<vmem>>
    %dma_wait3A_121 = tpu.memref_squeeze %dma_wait3A_120 : memref<1x1x64xi32, #tpu.memory_space<vmem>> -> memref<64xi32, #tpu.memory_space<vmem>>
    %dma_wait3A_122 = arith.constant 0 : i32
    %dma_wait3A_123 = arith.constant 0 : i32
    %dma_wait3A_124 = tpu.memref_slice %arg13[%dma_wait3A_122, %dma_wait3A_123] : memref<10240x128xf32, #tpu.memory_space<vmem_shared>> -> memref<10240x128xf32, #tpu.memory_space<vmem_shared>>
    tpu.wait_indirect_dma semaphore(%arg21 : memref<!tpu.dma_semaphore, #tpu.memory_space<semaphore_mem>>) src(%arg11 : memref<64x128xf32, #tpu.memory_space<vmem>>) dst(%dma_wait3A_124 : memref<10240x128xf32, #tpu.memory_space<vmem_shared>>)
    %barrier3A_125 = arith.constant 0 : index
    tpu.barrier barrier_id(%barrier3A_125)
    %mul3A_126 = arith.constant 640 : i32
    %mul3A_127 = arith.muli %arg1, %mul3A_126 : i32
    %add3A_128 = arith.constant 0 : i32
    %add3A_129 = arith.addi %mul3A_127, %add3A_128 : i32
    "tpu.region"() ({
      %run_scoped3A = tpu.sem_alloc : memref<!tpu.dma_semaphore, #tpu.memory_space<semaphore_mem>>
      %dma_start3A = arith.constant 0 : i32
      %dma_start3A_146 = tpu.memref_slice %arg5[%arg0, %add3A_129, %dma_start3A] : memref<2x10240x128xf32, #tpu.memory_space<hbm>> -> memref<1x128x128xf32, #tpu.memory_space<hbm>>
      %dma_start3A_147 = tpu.memref_squeeze %dma_start3A_146 : memref<1x128x128xf32, #tpu.memory_space<hbm>> -> memref<128x128xf32, #tpu.memory_space<hbm>>
      %dma_start3A_148 = arith.constant 0 : i32
      %dma_start3A_149 = tpu.memref_slice %arg13[%add3A_129, %dma_start3A_148] : memref<10240x128xf32, #tpu.memory_space<vmem_shared>> -> memref<128x128xf32, #tpu.memory_space<vmem_shared>>
      tpu.enqueue_dma source(%dma_start3A_149 : memref<128x128xf32, #tpu.memory_space<vmem_shared>>) target(%dma_start3A_147 : memref<128x128xf32, #tpu.memory_space<hbm>>) target_semaphore(%run_scoped3A : memref<!tpu.dma_semaphore, #tpu.memory_space<semaphore_mem>>)
      %dma_wait3A_150 = arith.constant 0 : i32
      %dma_wait3A_151 = tpu.memref_slice %arg5[%arg0, %add3A_129, %dma_wait3A_150] : memref<2x10240x128xf32, #tpu.memory_space<hbm>> -> memref<1x128x128xf32, #tpu.memory_space<hbm>>
      %dma_wait3A_152 = tpu.memref_squeeze %dma_wait3A_151 : memref<1x128x128xf32, #tpu.memory_space<hbm>> -> memref<128x128xf32, #tpu.memory_space<hbm>>
      %dma_wait3A_153 = arith.constant 0 : i32
      %dma_wait3A_154 = tpu.memref_slice %arg13[%add3A_129, %dma_wait3A_153] : memref<10240x128xf32, #tpu.memory_space<vmem_shared>> -> memref<128x128xf32, #tpu.memory_space<vmem_shared>>
      tpu.wait_dma2 semaphore(%run_scoped3A : memref<!tpu.dma_semaphore, #tpu.memory_space<semaphore_mem>>) src(%dma_wait3A_154 : memref<128x128xf32, #tpu.memory_space<vmem_shared>>) dst(%dma_wait3A_152 : memref<128x128xf32, #tpu.memory_space<hbm>>)
      tpu.yield
    }) : () -> ()
    %mul3A_130 = arith.constant 640 : i32
    %mul3A_131 = arith.muli %arg1, %mul3A_130 : i32
    %add3A_132 = arith.constant 128 : i32
    %add3A_133 = arith.addi %mul3A_131, %add3A_132 : i32
    "tpu.region"() ({
      %run_scoped3A = tpu.sem_alloc : memref<!tpu.dma_semaphore, #tpu.memory_space<semaphore_mem>>
      %dma_start3A = arith.constant 0 : i32
      %dma_start3A_146 = tpu.memref_slice %arg5[%arg0, %add3A_133, %dma_start3A] : memref<2x10240x128xf32, #tpu.memory_space<hbm>> -> memref<1x128x128xf32, #tpu.memory_space<hbm>>
      %dma_start3A_147 = tpu.memref_squeeze %dma_start3A_146 : memref<1x128x128xf32, #tpu.memory_space<hbm>> -> memref<128x128xf32, #tpu.memory_space<hbm>>
      %dma_start3A_148 = arith.constant 0 : i32
      %dma_start3A_149 = tpu.memref_slice %arg13[%add3A_133, %dma_start3A_148] : memref<10240x128xf32, #tpu.memory_space<vmem_shared>> -> memref<128x128xf32, #tpu.memory_space<vmem_shared>>
      tpu.enqueue_dma source(%dma_start3A_149 : memref<128x128xf32, #tpu.memory_space<vmem_shared>>) target(%dma_start3A_147 : memref<128x128xf32, #tpu.memory_space<hbm>>) target_semaphore(%run_scoped3A : memref<!tpu.dma_semaphore, #tpu.memory_space<semaphore_mem>>)
      %dma_wait3A_150 = arith.constant 0 : i32
      %dma_wait3A_151 = tpu.memref_slice %arg5[%arg0, %add3A_133, %dma_wait3A_150] : memref<2x10240x128xf32, #tpu.memory_space<hbm>> -> memref<1x128x128xf32, #tpu.memory_space<hbm>>
      %dma_wait3A_152 = tpu.memref_squeeze %dma_wait3A_151 : memref<1x128x128xf32, #tpu.memory_space<hbm>> -> memref<128x128xf32, #tpu.memory_space<hbm>>
      %dma_wait3A_153 = arith.constant 0 : i32
      %dma_wait3A_154 = tpu.memref_slice %arg13[%add3A_133, %dma_wait3A_153] : memref<10240x128xf32, #tpu.memory_space<vmem_shared>> -> memref<128x128xf32, #tpu.memory_space<vmem_shared>>
      tpu.wait_dma2 semaphore(%run_scoped3A : memref<!tpu.dma_semaphore, #tpu.memory_space<semaphore_mem>>) src(%dma_wait3A_154 : memref<128x128xf32, #tpu.memory_space<vmem_shared>>) dst(%dma_wait3A_152 : memref<128x128xf32, #tpu.memory_space<hbm>>)
      tpu.yield
    }) : () -> ()
    %mul3A_134 = arith.constant 640 : i32
    %mul3A_135 = arith.muli %arg1, %mul3A_134 : i32
    %add3A_136 = arith.constant 256 : i32
    %add3A_137 = arith.addi %mul3A_135, %add3A_136 : i32
    "tpu.region"() ({
      %run_scoped3A = tpu.sem_alloc : memref<!tpu.dma_semaphore, #tpu.memory_space<semaphore_mem>>
      %dma_start3A = arith.constant 0 : i32
      %dma_start3A_146 = tpu.memref_slice %arg5[%arg0, %add3A_137, %dma_start3A] : memref<2x10240x128xf32, #tpu.memory_space<hbm>> -> memref<1x128x128xf32, #tpu.memory_space<hbm>>
      %dma_start3A_147 = tpu.memref_squeeze %dma_start3A_146 : memref<1x128x128xf32, #tpu.memory_space<hbm>> -> memref<128x128xf32, #tpu.memory_space<hbm>>
      %dma_start3A_148 = arith.constant 0 : i32
      %dma_start3A_149 = tpu.memref_slice %arg13[%add3A_137, %dma_start3A_148] : memref<10240x128xf32, #tpu.memory_space<vmem_shared>> -> memref<128x128xf32, #tpu.memory_space<vmem_shared>>
      tpu.enqueue_dma source(%dma_start3A_149 : memref<128x128xf32, #tpu.memory_space<vmem_shared>>) target(%dma_start3A_147 : memref<128x128xf32, #tpu.memory_space<hbm>>) target_semaphore(%run_scoped3A : memref<!tpu.dma_semaphore, #tpu.memory_space<semaphore_mem>>)
      %dma_wait3A_150 = arith.constant 0 : i32
      %dma_wait3A_151 = tpu.memref_slice %arg5[%arg0, %add3A_137, %dma_wait3A_150] : memref<2x10240x128xf32, #tpu.memory_space<hbm>> -> memref<1x128x128xf32, #tpu.memory_space<hbm>>
      %dma_wait3A_152 = tpu.memref_squeeze %dma_wait3A_151 : memref<1x128x128xf32, #tpu.memory_space<hbm>> -> memref<128x128xf32, #tpu.memory_space<hbm>>
      %dma_wait3A_153 = arith.constant 0 : i32
      %dma_wait3A_154 = tpu.memref_slice %arg13[%add3A_137, %dma_wait3A_153] : memref<10240x128xf32, #tpu.memory_space<vmem_shared>> -> memref<128x128xf32, #tpu.memory_space<vmem_shared>>
      tpu.wait_dma2 semaphore(%run_scoped3A : memref<!tpu.dma_semaphore, #tpu.memory_space<semaphore_mem>>) src(%dma_wait3A_154 : memref<128x128xf32, #tpu.memory_space<vmem_shared>>) dst(%dma_wait3A_152 : memref<128x128xf32, #tpu.memory_space<hbm>>)
      tpu.yield
    }) : () -> ()
    %mul3A_138 = arith.constant 640 : i32
    %mul3A_139 = arith.muli %arg1, %mul3A_138 : i32
    %add3A_140 = arith.constant 384 : i32
    %add3A_141 = arith.addi %mul3A_139, %add3A_140 : i32
    "tpu.region"() ({
      %run_scoped3A = tpu.sem_alloc : memref<!tpu.dma_semaphore, #tpu.memory_space<semaphore_mem>>
      %dma_start3A = arith.constant 0 : i32
      %dma_start3A_146 = tpu.memref_slice %arg5[%arg0, %add3A_141, %dma_start3A] : memref<2x10240x128xf32, #tpu.memory_space<hbm>> -> memref<1x128x128xf32, #tpu.memory_space<hbm>>
      %dma_start3A_147 = tpu.memref_squeeze %dma_start3A_146 : memref<1x128x128xf32, #tpu.memory_space<hbm>> -> memref<128x128xf32, #tpu.memory_space<hbm>>
      %dma_start3A_148 = arith.constant 0 : i32
      %dma_start3A_149 = tpu.memref_slice %arg13[%add3A_141, %dma_start3A_148] : memref<10240x128xf32, #tpu.memory_space<vmem_shared>> -> memref<128x128xf32, #tpu.memory_space<vmem_shared>>
      tpu.enqueue_dma source(%dma_start3A_149 : memref<128x128xf32, #tpu.memory_space<vmem_shared>>) target(%dma_start3A_147 : memref<128x128xf32, #tpu.memory_space<hbm>>) target_semaphore(%run_scoped3A : memref<!tpu.dma_semaphore, #tpu.memory_space<semaphore_mem>>)
      %dma_wait3A_150 = arith.constant 0 : i32
      %dma_wait3A_151 = tpu.memref_slice %arg5[%arg0, %add3A_141, %dma_wait3A_150] : memref<2x10240x128xf32, #tpu.memory_space<hbm>> -> memref<1x128x128xf32, #tpu.memory_space<hbm>>
      %dma_wait3A_152 = tpu.memref_squeeze %dma_wait3A_151 : memref<1x128x128xf32, #tpu.memory_space<hbm>> -> memref<128x128xf32, #tpu.memory_space<hbm>>
      %dma_wait3A_153 = arith.constant 0 : i32
      %dma_wait3A_154 = tpu.memref_slice %arg13[%add3A_141, %dma_wait3A_153] : memref<10240x128xf32, #tpu.memory_space<vmem_shared>> -> memref<128x128xf32, #tpu.memory_space<vmem_shared>>
      tpu.wait_dma2 semaphore(%run_scoped3A : memref<!tpu.dma_semaphore, #tpu.memory_space<semaphore_mem>>) src(%dma_wait3A_154 : memref<128x128xf32, #tpu.memory_space<vmem_shared>>) dst(%dma_wait3A_152 : memref<128x128xf32, #tpu.memory_space<hbm>>)
      tpu.yield
    }) : () -> ()
    %mul3A_142 = arith.constant 640 : i32
    %mul3A_143 = arith.muli %arg1, %mul3A_142 : i32
    %add3A_144 = arith.constant 512 : i32
    %add3A_145 = arith.addi %mul3A_143, %add3A_144 : i32
    "tpu.region"() ({
      %run_scoped3A = tpu.sem_alloc : memref<!tpu.dma_semaphore, #tpu.memory_space<semaphore_mem>>
      %dma_start3A = arith.constant 0 : i32
      %dma_start3A_146 = tpu.memref_slice %arg5[%arg0, %add3A_145, %dma_start3A] : memref<2x10240x128xf32, #tpu.memory_space<hbm>> -> memref<1x128x128xf32, #tpu.memory_space<hbm>>
      %dma_start3A_147 = tpu.memref_squeeze %dma_start3A_146 : memref<1x128x128xf32, #tpu.memory_space<hbm>> -> memref<128x128xf32, #tpu.memory_space<hbm>>
      %dma_start3A_148 = arith.constant 0 : i32
      %dma_start3A_149 = tpu.memref_slice %arg13[%add3A_145, %dma_start3A_148] : memref<10240x128xf32, #tpu.memory_space<vmem_shared>> -> memref<128x128xf32, #tpu.memory_space<vmem_shared>>
      tpu.enqueue_dma source(%dma_start3A_149 : memref<128x128xf32, #tpu.memory_space<vmem_shared>>) target(%dma_start3A_147 : memref<128x128xf32, #tpu.memory_space<hbm>>) target_semaphore(%run_scoped3A : memref<!tpu.dma_semaphore, #tpu.memory_space<semaphore_mem>>)
      %dma_wait3A_150 = arith.constant 0 : i32
      %dma_wait3A_151 = tpu.memref_slice %arg5[%arg0, %add3A_145, %dma_wait3A_150] : memref<2x10240x128xf32, #tpu.memory_space<hbm>> -> memref<1x128x128xf32, #tpu.memory_space<hbm>>
      %dma_wait3A_152 = tpu.memref_squeeze %dma_wait3A_151 : memref<1x128x128xf32, #tpu.memory_space<hbm>> -> memref<128x128xf32, #tpu.memory_space<hbm>>
      %dma_wait3A_153 = arith.constant 0 : i32
      %dma_wait3A_154 = tpu.memref_slice %arg13[%add3A_145, %dma_wait3A_153] : memref<10240x128xf32, #tpu.memory_space<vmem_shared>> -> memref<128x128xf32, #tpu.memory_space<vmem_shared>>
      tpu.wait_dma2 semaphore(%run_scoped3A : memref<!tpu.dma_semaphore, #tpu.memory_space<semaphore_mem>>) src(%dma_wait3A_154 : memref<128x128xf32, #tpu.memory_space<vmem_shared>>) dst(%dma_wait3A_152 : memref<128x128xf32, #tpu.memory_space<hbm>>)
      tpu.yield
    }) : () -> ()
    return
  }
}

module attributes {stable_mosaic.version = 14 : i64} {
  func.func @_pre_body(%arg0: i32, %arg1: memref<1000x128xf32, #tpu.memory_space<vmem>>, %arg2: memref<1000x4xf32, #tpu.memory_space<vmem>>, %arg3: memref<1000x128xf32, #tpu.memory_space<vmem>>, %arg4: memref<1000x1xf32, #tpu.memory_space<vmem>>, %arg5: memref<1000x1xf32, #tpu.memory_space<vmem>>) attributes {dimension_semantics = [#tpu.dimension_semantics<arbitrary>], iteration_bounds = array<i64: 10>, scalar_prefetch = 0 : i64, scratch_operands = 0 : i64, tpu.core_type = #tpu.core_type<tc>, window_params = [{transform_indices = @transform_0, window_bounds = array<i64: 1000, 128>}, {transform_indices = @transform_1, window_bounds = array<i64: 1000, 4>}, {transform_indices = @transform_2, window_bounds = array<i64: 1000, 128>}, {transform_indices = @transform_3, window_bounds = array<i64: 1000, 1>}, {transform_indices = @transform_4, window_bounds = array<i64: 1000, 1>}]} {
    %get3A = arith.constant 0 : index
    %get3A_0 = arith.constant 0 : index
    %get3A_1 = vector.load %arg2[%get3A, %get3A_0] : memref<1000x4xf32, #tpu.memory_space<vmem>>, vector<1000x4xf32>
    %slice3A = vector.extract_strided_slice %get3A_1 {offsets = [0, 0], sizes = [1000, 1], strides = [1, 1]} : vector<1000x4xf32> to vector<1000x1xf32>
    %slice3A_2 = vector.extract_strided_slice %get3A_1 {offsets = [0, 2], sizes = [1000, 1], strides = [1, 1]} : vector<1000x4xf32> to vector<1000x1xf32>
    %add3A = arith.addf %slice3A, %slice3A_2 : vector<1000x1xf32>
    %max3A = arith.constant 1.000000e+00 : f32
    %max3A_3 = vector.broadcast %max3A : f32 to vector<1000x1xf32>
    %max3A_4 = arith.maximumf %add3A, %max3A_3 : vector<1000x1xf32>
    %rsqrt3A = math.rsqrt %max3A_4 : vector<1000x1xf32>
    %slice3A_5 = vector.extract_strided_slice %get3A_1 {offsets = [0, 1], sizes = [1000, 1], strides = [1, 1]} : vector<1000x4xf32> to vector<1000x1xf32>
    %slice3A_6 = vector.extract_strided_slice %get3A_1 {offsets = [0, 3], sizes = [1000, 1], strides = [1, 1]} : vector<1000x4xf32> to vector<1000x1xf32>
    %add3A_7 = arith.addf %slice3A_5, %slice3A_6 : vector<1000x1xf32>
    %max3A_8 = arith.constant 1.000000e+00 : f32
    %max3A_9 = vector.broadcast %max3A_8 : f32 to vector<1000x1xf32>
    %max3A_10 = arith.maximumf %add3A_7, %max3A_9 : vector<1000x1xf32>
    %rsqrt3A_11 = math.rsqrt %max3A_10 : vector<1000x1xf32>
    %swap3A = arith.constant 0 : index
    %swap3A_12 = arith.constant 0 : index
    %swap3A_13 = vector.load %arg4[%swap3A, %swap3A_12] : memref<1000x1xf32, #tpu.memory_space<vmem>>, vector<1000x1xf32>
    tpu.vector_store %arg4[%swap3A, %swap3A_12], %rsqrt3A {strides = array<i32>} : memref<1000x1xf32, #tpu.memory_space<vmem>>, vector<1000x1xf32>,
    %swap3A_14 = arith.constant 0 : index
    %swap3A_15 = arith.constant 0 : index
    %swap3A_16 = vector.load %arg5[%swap3A_14, %swap3A_15] : memref<1000x1xf32, #tpu.memory_space<vmem>>, vector<1000x1xf32>
    tpu.vector_store %arg5[%swap3A_14, %swap3A_15], %rsqrt3A_11 {strides = array<i32>} : memref<1000x1xf32, #tpu.memory_space<vmem>>, vector<1000x1xf32>,
    %get3A_17 = arith.constant 0 : index
    %get3A_18 = arith.constant 0 : index
    %get3A_19 = vector.load %arg1[%get3A_17, %get3A_18] : memref<1000x128xf32, #tpu.memory_space<vmem>>, vector<1000x128xf32>
    %mul3A = vector.broadcast %rsqrt3A : vector<1000x1xf32> to vector<1000x128xf32>
    %mul3A_20 = arith.mulf %get3A_19, %mul3A : vector<1000x128xf32>
    %swap3A_21 = arith.constant 0 : index
    %swap3A_22 = arith.constant 0 : index
    %swap3A_23 = vector.load %arg3[%swap3A_21, %swap3A_22] : memref<1000x128xf32, #tpu.memory_space<vmem>>, vector<1000x128xf32>
    tpu.vector_store %arg3[%swap3A_21, %swap3A_22], %mul3A_20 {strides = array<i32>} : memref<1000x128xf32, #tpu.memory_space<vmem>>, vector<1000x128xf32>,
    return
  }
  func.func @transform_0(%arg0: i32) -> (i32, i32) {
    %c0_i32 = arith.constant 0 : i32
    %c0_i32_0 = arith.constant 0 : i32
    return %arg0, %c0_i32 : i32, i32
  }
  func.func @transform_1(%arg0: i32) -> (i32, i32) {
    %c0_i32 = arith.constant 0 : i32
    %c0_i32_0 = arith.constant 0 : i32
    return %arg0, %c0_i32 : i32, i32
  }
  func.func @transform_2(%arg0: i32) -> (i32, i32) {
    %c0_i32 = arith.constant 0 : i32
    %c0_i32_0 = arith.constant 0 : i32
    return %arg0, %c0_i32 : i32, i32
  }
  func.func @transform_3(%arg0: i32) -> (i32, i32) {
    %c0_i32 = arith.constant 0 : i32
    %c0_i32_0 = arith.constant 0 : i32
    return %arg0, %c0_i32 : i32, i32
  }
  func.func @transform_4(%arg0: i32) -> (i32, i32) {
    %c0_i32 = arith.constant 0 : i32
    %c0_i32_0 = arith.constant 0 : i32
    return %arg0, %c0_i32 : i32, i32
  }
}

module attributes {stable_mosaic.version = 14 : i64} {
  func.func @_convA_body(%arg0: i32, %arg1: memref<2x1000x128xf32, #tpu.memory_space<vmem>>, %arg2: memref<1000x1xf32, #tpu.memory_space<vmem>>, %arg3: memref<128x128xf32, #tpu.memory_space<vmem>>, %arg4: memref<1000x128xf32, #tpu.memory_space<vmem>>, %arg5: memref<2x128xf32, #tpu.memory_space<vmem>>) attributes {dimension_semantics = [#tpu.dimension_semantics<arbitrary>], iteration_bounds = array<i64: 10>, scalar_prefetch = 0 : i64, scratch_operands = 0 : i64, tpu.core_type = #tpu.core_type<tc>, window_params = [{transform_indices = @transform_0, window_bounds = array<i64: 2, 1000, 128>}, {transform_indices = @transform_1, window_bounds = array<i64: 1000, 1>}, {pipeline_mode = #tpu.pipeline_mode<synchronous>, transform_indices = @transform_2, window_bounds = array<i64: 128, 128>}, {transform_indices = @transform_3, window_bounds = array<i64: 1000, 128>}, {pipeline_mode = #tpu.pipeline_mode<synchronous>, transform_indices = @transform_4, window_bounds = array<i64: 2, 128>}]} {
    %get3A = arith.constant 0 : index
    %get3A_0 = arith.constant 0 : index
    %get3A_1 = arith.constant 0 : index
    %get3A_2 = vector.load %arg1[%get3A, %get3A_0, %get3A_1] : memref<2x1000x128xf32, #tpu.memory_space<vmem>>, vector<1x1000x128xf32>
    %get3A_3 = vector.shape_cast %get3A_2 : vector<1x1000x128xf32> to vector<1000x128xf32>
    %get3A_4 = arith.constant 1 : index
    %get3A_5 = arith.constant 0 : index
    %get3A_6 = arith.constant 0 : index
    %get3A_7 = vector.load %arg1[%get3A_4, %get3A_5, %get3A_6] : memref<2x1000x128xf32, #tpu.memory_space<vmem>>, vector<1x1000x128xf32>
    %get3A_8 = vector.shape_cast %get3A_7 : vector<1x1000x128xf32> to vector<1000x128xf32>
    %add3A = arith.addf %get3A_3, %get3A_8 : vector<1000x128xf32>
    %get3A_9 = arith.constant 0 : index
    %get3A_10 = arith.constant 0 : index
    %get3A_11 = vector.load %arg2[%get3A_9, %get3A_10] : memref<1000x1xf32, #tpu.memory_space<vmem>>, vector<1000x1xf32>
    %mul3A = vector.broadcast %get3A_11 : vector<1000x1xf32> to vector<1000x128xf32>
    %mul3A_12 = arith.mulf %add3A, %mul3A : vector<1000x128xf32>
    %get3A_13 = arith.constant 0 : index
    %get3A_14 = arith.constant 0 : index
    %get3A_15 = vector.load %arg3[%get3A_13, %get3A_14] : memref<128x128xf32, #tpu.memory_space<vmem>>, vector<128x128xf32>
    %dot_general3A = arith.constant dense<0.000000e+00> : vector<1000x128xf32>
    %dot_general3A_16 = tpu.matmul %mul3A_12, %get3A_15, %dot_general3A {dimension_numbers = #tpu.dot_dimension_numbers<[1], [0], [0], [1], [0, 0, 1, 1], [], []>, transpose_lhs_hint = false} : vector<1000x128xf32>, vector<128x128xf32>, vector<1000x128xf32> -> vector<1000x128xf32>
    %swap3A = arith.constant 0 : index
    %swap3A_17 = arith.constant 0 : index
    %swap3A_18 = vector.load %arg4[%swap3A, %swap3A_17] : memref<1000x128xf32, #tpu.memory_space<vmem>>, vector<1000x128xf32>
    tpu.vector_store %arg4[%swap3A, %swap3A_17], %dot_general3A_16 {strides = array<i32>} : memref<1000x128xf32, #tpu.memory_space<vmem>>, vector<1000x128xf32>,
    %eq3A = arith.constant 0 : i32
    %eq3A_19 = arith.cmpi eq, %arg0, %eq3A : i32
    %convert_element_type3A = arith.extui %eq3A_19 : i1 to i32
    %cond3A = arith.constant 0 : i32
    %cond3A_20 = arith.cmpi ne, %convert_element_type3A, %cond3A : i32
    scf.if %cond3A_20 {
      %broadcast_in_dim3A_40 = arith.constant 0.000000e+00 : f32
      %broadcast_in_dim3A_41 = vector.broadcast %broadcast_in_dim3A_40 : f32 to vector<2x128xf32>
      %swap3A_42 = arith.constant 0 : index
      %swap3A_43 = arith.constant 0 : index
      %swap3A_44 = vector.load %arg5[%swap3A_42, %swap3A_43] : memref<2x128xf32, #tpu.memory_space<vmem>>, vector<2x128xf32>
      tpu.vector_store %arg5[%swap3A_42, %swap3A_43], %broadcast_in_dim3A_41 {strides = array<i32>} : memref<2x128xf32, #tpu.memory_space<vmem>>, vector<2x128xf32>,
    } else {
    }
    %get3A_21 = arith.constant 0 : index
    %get3A_22 = arith.constant 0 : index
    %get3A_23 = vector.load %arg5[%get3A_21, %get3A_22] : memref<2x128xf32, #tpu.memory_space<vmem>>, vector<1x128xf32>
    %reduce_sum3A = arith.constant dense<0.000000e+00> : vector<128xf32>
    %reduce_sum3A_24 = vector.multi_reduction <add>, %dot_general3A_16, %reduce_sum3A [0] : vector<1000x128xf32> to vector<128xf32>
    %broadcast_in_dim3A = vector.shape_cast %reduce_sum3A_24 : vector<128xf32> to vector<1x128xf32>
    %add3A_25 = arith.addf %get3A_23, %broadcast_in_dim3A : vector<1x128xf32>
    %swap3A_26 = arith.constant 0 : index
    %swap3A_27 = arith.constant 0 : index
    %swap3A_28 = vector.load %arg5[%swap3A_26, %swap3A_27] : memref<2x128xf32, #tpu.memory_space<vmem>>, vector<1x128xf32>
    tpu.vector_store %arg5[%swap3A_26, %swap3A_27], %add3A_25 {strides = array<i32>} : memref<2x128xf32, #tpu.memory_space<vmem>>, vector<1x128xf32>,
    %get3A_29 = arith.constant 1 : index
    %get3A_30 = arith.constant 0 : index
    %get3A_31 = vector.load %arg5[%get3A_29, %get3A_30] : memref<2x128xf32, #tpu.memory_space<vmem>>, vector<1x128xf32>
    %mul3A_32 = arith.mulf %dot_general3A_16, %dot_general3A_16 : vector<1000x128xf32>
    %reduce_sum3A_33 = arith.constant dense<0.000000e+00> : vector<128xf32>
    %reduce_sum3A_34 = vector.multi_reduction <add>, %mul3A_32, %reduce_sum3A_33 [0] : vector<1000x128xf32> to vector<128xf32>
    %broadcast_in_dim3A_35 = vector.shape_cast %reduce_sum3A_34 : vector<128xf32> to vector<1x128xf32>
    %add3A_36 = arith.addf %get3A_31, %broadcast_in_dim3A_35 : vector<1x128xf32>
    %swap3A_37 = arith.constant 1 : index
    %swap3A_38 = arith.constant 0 : index
    %swap3A_39 = vector.load %arg5[%swap3A_37, %swap3A_38] : memref<2x128xf32, #tpu.memory_space<vmem>>, vector<1x128xf32>
    tpu.vector_store %arg5[%swap3A_37, %swap3A_38], %add3A_36 {strides = array<i32>} : memref<2x128xf32, #tpu.memory_space<vmem>>, vector<1x128xf32>,
    return
  }
  func.func @transform_0(%arg0: i32) -> (i32, i32, i32) {
    %c0_i32 = arith.constant 0 : i32
    %c0_i32_0 = arith.constant 0 : i32
    %c0_i32_1 = arith.constant 0 : i32
    return %c0_i32, %arg0, %c0_i32_0 : i32, i32, i32
  }
  func.func @transform_1(%arg0: i32) -> (i32, i32) {
    %c0_i32 = arith.constant 0 : i32
    %c0_i32_0 = arith.constant 0 : i32
    return %arg0, %c0_i32 : i32, i32
  }
  func.func @transform_2(%arg0: i32) -> (i32, i32) {
    %c0_i32 = arith.constant 0 : i32
    %c0_i32_0 = arith.constant 0 : i32
    %c0_i32_1 = arith.constant 0 : i32
    return %c0_i32, %c0_i32_0 : i32, i32
  }
  func.func @transform_3(%arg0: i32) -> (i32, i32) {
    %c0_i32 = arith.constant 0 : i32
    %c0_i32_0 = arith.constant 0 : i32
    return %arg0, %c0_i32 : i32, i32
  }
  func.func @transform_4(%arg0: i32) -> (i32, i32) {
    %c0_i32 = arith.constant 0 : i32
    %c0_i32_0 = arith.constant 0 : i32
    %c0_i32_1 = arith.constant 0 : i32
    return %c0_i32, %c0_i32_0 : i32, i32
  }
}

module attributes {stable_mosaic.version = 14 : i64} {
  func.func @_convB_body(%arg0: i32, %arg1: memref<1000x128xf32, #tpu.memory_space<vmem>>, %arg2: memref<2x128xf32, #tpu.memory_space<vmem>>, %arg3: memref<1x128xf32, #tpu.memory_space<vmem>>, %arg4: memref<1x128xf32, #tpu.memory_space<vmem>>, %arg5: memref<1x128xf32, #tpu.memory_space<vmem>>, %arg6: memref<128x128xf32, #tpu.memory_space<vmem>>, %arg7: memref<1x128xf32, #tpu.memory_space<vmem>>, %arg8: memref<1000x128xf32, #tpu.memory_space<vmem>>, %arg9: memref<1000x1xf32, #tpu.memory_space<vmem>>, %arg10: memref<1000x128xf32, #tpu.memory_space<vmem>>, %arg11: memref<1000x128xf32, #tpu.memory_space<vmem>>, %arg12: memref<1x128xf32, #tpu.memory_space<vmem>>) attributes {dimension_semantics = [#tpu.dimension_semantics<arbitrary>], iteration_bounds = array<i64: 10>, scalar_prefetch = 0 : i64, scratch_operands = 0 : i64, tpu.core_type = #tpu.core_type<tc>, window_params = [{transform_indices = @transform_0, window_bounds = array<i64: 1000, 128>}, {pipeline_mode = #tpu.pipeline_mode<synchronous>, transform_indices = @transform_1, window_bounds = array<i64: 2, 128>}, {pipeline_mode = #tpu.pipeline_mode<synchronous>, transform_indices = @transform_2, window_bounds = array<i64: 1, 128>}, {pipeline_mode = #tpu.pipeline_mode<synchronous>, transform_indices = @transform_3, window_bounds = array<i64: 1, 128>}, {pipeline_mode = #tpu.pipeline_mode<synchronous>, transform_indices = @transform_4, window_bounds = array<i64: 1, 128>}, {pipeline_mode = #tpu.pipeline_mode<synchronous>, transform_indices = @transform_5, window_bounds = array<i64: 128, 128>}, {pipeline_mode = #tpu.pipeline_mode<synchronous>, transform_indices = @transform_6, window_bounds = array<i64: 1, 128>}, {transform_indices = @transform_7, window_bounds = array<i64: 1000, 128>}, {transform_indices = @transform_8, window_bounds = array<i64: 1000, 1>}, {transform_indices = @transform_9, window_bounds = array<i64: 1000, 128>}, {transform_indices = @transform_10, window_bounds = array<i64: 1000, 128>}, {pipeline_mode = #tpu.pipeline_mode<synchronous>, transform_indices = @transform_11, window_bounds = array<i64: 1, 128>}]} {
    %get3A = arith.constant 0 : index
    %get3A_0 = arith.constant 0 : index
    %get3A_1 = vector.load %arg3[%get3A, %get3A_0] : memref<1x128xf32, #tpu.memory_space<vmem>>, vector<1x128xf32>
    %get3A_2 = arith.constant 0 : index
    %get3A_3 = arith.constant 0 : index
    %get3A_4 = vector.load %arg2[%get3A_2, %get3A_3] : memref<2x128xf32, #tpu.memory_space<vmem>>, vector<1x128xf32>
    %mul3A = arith.constant 9.99999974E-5 : f32
    %mul3A_5 = vector.broadcast %mul3A : f32 to vector<1x128xf32>
    %mul3A_6 = arith.mulf %get3A_4, %mul3A_5 : vector<1x128xf32>
    %get3A_7 = arith.constant 1 : index
    %get3A_8 = arith.constant 0 : index
    %get3A_9 = vector.load %arg2[%get3A_7, %get3A_8] : memref<2x128xf32, #tpu.memory_space<vmem>>, vector<1x128xf32>
    %mul3A_10 = arith.constant 9.99999974E-5 : f32
    %mul3A_11 = vector.broadcast %mul3A_10 : f32 to vector<1x128xf32>
    %mul3A_12 = arith.mulf %get3A_9, %mul3A_11 : vector<1x128xf32>
    %mul3A_13 = arith.mulf %mul3A_6, %mul3A_6 : vector<1x128xf32>
    %mul3A_14 = arith.constant 2.000000e+00 : f32
    %mul3A_15 = vector.broadcast %mul3A_14 : f32 to vector<1x128xf32>
    %mul3A_16 = arith.mulf %mul3A_15, %get3A_1 : vector<1x128xf32>
    %mul3A_17 = arith.mulf %get3A_1, %get3A_1 : vector<1x128xf32>
    %sub3A = arith.subf %mul3A_16, %mul3A_17 : vector<1x128xf32>
    %mul3A_18 = arith.mulf %mul3A_13, %sub3A : vector<1x128xf32>
    %sub3A_19 = arith.subf %mul3A_12, %mul3A_18 : vector<1x128xf32>
    %get3A_20 = arith.constant 0 : index
    %get3A_21 = arith.constant 0 : index
    %get3A_22 = vector.load %arg4[%get3A_20, %get3A_21] : memref<1x128xf32, #tpu.memory_space<vmem>>, vector<1x128xf32>
    %add3A = arith.constant 9.99999974E-6 : f32
    %add3A_23 = vector.broadcast %add3A : f32 to vector<1x128xf32>
    %add3A_24 = arith.addf %sub3A_19, %add3A_23 : vector<1x128xf32>
    %rsqrt3A = math.rsqrt %add3A_24 : vector<1x128xf32>
    %mul3A_25 = arith.mulf %get3A_22, %rsqrt3A : vector<1x128xf32>
    %get3A_26 = arith.constant 0 : index
    %get3A_27 = arith.constant 0 : index
    %get3A_28 = vector.load %arg1[%get3A_26, %get3A_27] : memref<1000x128xf32, #tpu.memory_space<vmem>>, vector<1000x128xf32>
    %mul3A_29 = arith.mulf %get3A_1, %mul3A_6 : vector<1x128xf32>
    %sub3A_30 = vector.broadcast %mul3A_29 : vector<1x128xf32> to vector<1000x128xf32>
    %sub3A_31 = arith.subf %get3A_28, %sub3A_30 : vector<1000x128xf32>
    %mul3A_32 = vector.broadcast %mul3A_25 : vector<1x128xf32> to vector<1000x128xf32>
    %mul3A_33 = arith.mulf %sub3A_31, %mul3A_32 : vector<1000x128xf32>
    %get3A_34 = arith.constant 0 : index
    %get3A_35 = arith.constant 0 : index
    %get3A_36 = vector.load %arg5[%get3A_34, %get3A_35] : memref<1x128xf32, #tpu.memory_space<vmem>>, vector<1x128xf32>
    %add3A_37 = vector.broadcast %get3A_36 : vector<1x128xf32> to vector<1000x128xf32>
    %add3A_38 = arith.addf %mul3A_33, %add3A_37 : vector<1000x128xf32>
    %ge3A = arith.constant 0.000000e+00 : f32
    %ge3A_39 = vector.broadcast %ge3A : f32 to vector<1000x128xf32>
    %ge3A_40 = arith.cmpf oge, %add3A_38, %ge3A_39 : vector<1000x128xf32>
    %mul3A_41 = arith.constant 0.00999999977 : f32
    %mul3A_42 = vector.broadcast %mul3A_41 : f32 to vector<1000x128xf32>
    %mul3A_43 = arith.mulf %mul3A_42, %add3A_38 : vector<1000x128xf32>
    %select_n3A = arith.select %ge3A_40, %add3A_38, %mul3A_43 : vector<1000x128xi1>, vector<1000x128xf32>
    %get3A_44 = arith.constant 0 : index
    %get3A_45 = arith.constant 0 : index
    %get3A_46 = vector.load %arg8[%get3A_44, %get3A_45] : memref<1000x128xf32, #tpu.memory_space<vmem>>, vector<1000x128xf32>
    %add3A_47 = arith.addf %select_n3A, %get3A_46 : vector<1000x128xf32>
    %get3A_48 = arith.constant 0 : index
    %get3A_49 = arith.constant 0 : index
    %get3A_50 = vector.load %arg9[%get3A_48, %get3A_49] : memref<1000x1xf32, #tpu.memory_space<vmem>>, vector<1000x1xf32>
    %mul3A_51 = vector.broadcast %get3A_50 : vector<1000x1xf32> to vector<1000x128xf32>
    %mul3A_52 = arith.mulf %add3A_47, %mul3A_51 : vector<1000x128xf32>
    %get3A_53 = arith.constant 0 : index
    %get3A_54 = arith.constant 0 : index
    %get3A_55 = vector.load %arg6[%get3A_53, %get3A_54] : memref<128x128xf32, #tpu.memory_space<vmem>>, vector<128x128xf32>
    %dot_general3A = arith.constant dense<0.000000e+00> : vector<1000x128xf32>
    %dot_general3A_56 = tpu.matmul %select_n3A, %get3A_55, %dot_general3A {dimension_numbers = #tpu.dot_dimension_numbers<[1], [0], [0], [1], [0, 0, 1, 1], [], []>, transpose_lhs_hint = false} : vector<1000x128xf32>, vector<128x128xf32>, vector<1000x128xf32> -> vector<1000x128xf32>
    %get3A_57 = arith.constant 0 : index
    %get3A_58 = arith.constant 0 : index
    %get3A_59 = vector.load %arg7[%get3A_57, %get3A_58] : memref<1x128xf32, #tpu.memory_space<vmem>>, vector<1x128xf32>
    %add3A_60 = vector.broadcast %get3A_59 : vector<1x128xf32> to vector<1000x128xf32>
    %add3A_61 = arith.addf %dot_general3A_56, %add3A_60 : vector<1000x128xf32>
    %ge3A_62 = arith.constant 0.000000e+00 : f32
    %ge3A_63 = vector.broadcast %ge3A_62 : f32 to vector<1000x128xf32>
    %ge3A_64 = arith.cmpf oge, %add3A_61, %ge3A_63 : vector<1000x128xf32>
    %mul3A_65 = arith.constant 0.00999999977 : f32
    %mul3A_66 = vector.broadcast %mul3A_65 : f32 to vector<1000x128xf32>
    %mul3A_67 = arith.mulf %mul3A_66, %add3A_61 : vector<1000x128xf32>
    %select_n3A_68 = arith.select %ge3A_64, %add3A_61, %mul3A_67 : vector<1000x128xi1>, vector<1000x128xf32>
    %swap3A = arith.constant 0 : index
    %swap3A_69 = arith.constant 0 : index
    %swap3A_70 = vector.load %arg10[%swap3A, %swap3A_69] : memref<1000x128xf32, #tpu.memory_space<vmem>>, vector<1000x128xf32>
    tpu.vector_store %arg10[%swap3A, %swap3A_69], %mul3A_52 {strides = array<i32>} : memref<1000x128xf32, #tpu.memory_space<vmem>>, vector<1000x128xf32>,
    %swap3A_71 = arith.constant 0 : index
    %swap3A_72 = arith.constant 0 : index
    %swap3A_73 = vector.load %arg11[%swap3A_71, %swap3A_72] : memref<1000x128xf32, #tpu.memory_space<vmem>>, vector<1000x128xf32>
    tpu.vector_store %arg11[%swap3A_71, %swap3A_72], %select_n3A {strides = array<i32>} : memref<1000x128xf32, #tpu.memory_space<vmem>>, vector<1000x128xf32>,
    %eq3A = arith.constant 0 : i32
    %eq3A_74 = arith.cmpi eq, %arg0, %eq3A : i32
    %convert_element_type3A = arith.extui %eq3A_74 : i1 to i32
    %cond3A = arith.constant 0 : i32
    %cond3A_75 = arith.cmpi ne, %convert_element_type3A, %cond3A : i32
    scf.if %cond3A_75 {
      %broadcast_in_dim3A_84 = arith.constant 0.000000e+00 : f32
      %broadcast_in_dim3A_85 = vector.broadcast %broadcast_in_dim3A_84 : f32 to vector<1x128xf32>
      %swap3A_86 = arith.constant 0 : index
      %swap3A_87 = arith.constant 0 : index
      %swap3A_88 = vector.load %arg12[%swap3A_86, %swap3A_87] : memref<1x128xf32, #tpu.memory_space<vmem>>, vector<1x128xf32>
      tpu.vector_store %arg12[%swap3A_86, %swap3A_87], %broadcast_in_dim3A_85 {strides = array<i32>} : memref<1x128xf32, #tpu.memory_space<vmem>>, vector<1x128xf32>,
    } else {
    }
    %get3A_76 = arith.constant 0 : index
    %get3A_77 = arith.constant 0 : index
    %get3A_78 = vector.load %arg12[%get3A_76, %get3A_77] : memref<1x128xf32, #tpu.memory_space<vmem>>, vector<1x128xf32>
    %reduce_sum3A = arith.constant dense<0.000000e+00> : vector<128xf32>
    %reduce_sum3A_79 = vector.multi_reduction <add>, %select_n3A_68, %reduce_sum3A [0] : vector<1000x128xf32> to vector<128xf32>
    %broadcast_in_dim3A = vector.shape_cast %reduce_sum3A_79 : vector<128xf32> to vector<1x128xf32>
    %add3A_80 = arith.addf %get3A_78, %broadcast_in_dim3A : vector<1x128xf32>
    %swap3A_81 = arith.constant 0 : index
    %swap3A_82 = arith.constant 0 : index
    %swap3A_83 = vector.load %arg12[%swap3A_81, %swap3A_82] : memref<1x128xf32, #tpu.memory_space<vmem>>, vector<1x128xf32>
    tpu.vector_store %arg12[%swap3A_81, %swap3A_82], %add3A_80 {strides = array<i32>} : memref<1x128xf32, #tpu.memory_space<vmem>>, vector<1x128xf32>,
    return
  }
  func.func @transform_0(%arg0: i32) -> (i32, i32) {
    %c0_i32 = arith.constant 0 : i32
    %c0_i32_0 = arith.constant 0 : i32
    return %arg0, %c0_i32 : i32, i32
  }
  func.func @transform_1(%arg0: i32) -> (i32, i32) {
    %c0_i32 = arith.constant 0 : i32
    %c0_i32_0 = arith.constant 0 : i32
    %c0_i32_1 = arith.constant 0 : i32
    return %c0_i32, %c0_i32_0 : i32, i32
  }
  func.func @transform_2(%arg0: i32) -> (i32, i32) {
    %c0_i32 = arith.constant 0 : i32
    %c0_i32_0 = arith.constant 0 : i32
    %c0_i32_1 = arith.constant 0 : i32
    return %c0_i32, %c0_i32_0 : i32, i32
  }
  func.func @transform_3(%arg0: i32) -> (i32, i32) {
    %c0_i32 = arith.constant 0 : i32
    %c0_i32_0 = arith.constant 0 : i32
    %c0_i32_1 = arith.constant 0 : i32
    return %c0_i32, %c0_i32_0 : i32, i32
  }
  func.func @transform_4(%arg0: i32) -> (i32, i32) {
    %c0_i32 = arith.constant 0 : i32
    %c0_i32_0 = arith.constant 0 : i32
    %c0_i32_1 = arith.constant 0 : i32
    return %c0_i32, %c0_i32_0 : i32, i32
  }
  func.func @transform_5(%arg0: i32) -> (i32, i32) {
    %c0_i32 = arith.constant 0 : i32
    %c0_i32_0 = arith.constant 0 : i32
    %c0_i32_1 = arith.constant 0 : i32
    return %c0_i32, %c0_i32_0 : i32, i32
  }
  func.func @transform_6(%arg0: i32) -> (i32, i32) {
    %c0_i32 = arith.constant 0 : i32
    %c0_i32_0 = arith.constant 0 : i32
    %c0_i32_1 = arith.constant 0 : i32
    return %c0_i32, %c0_i32_0 : i32, i32
  }
  func.func @transform_7(%arg0: i32) -> (i32, i32) {
    %c0_i32 = arith.constant 0 : i32
    %c0_i32_0 = arith.constant 0 : i32
    return %arg0, %c0_i32 : i32, i32
  }
  func.func @transform_8(%arg0: i32) -> (i32, i32) {
    %c0_i32 = arith.constant 0 : i32
    %c0_i32_0 = arith.constant 0 : i32
    return %arg0, %c0_i32 : i32, i32
  }
  func.func @transform_9(%arg0: i32) -> (i32, i32) {
    %c0_i32 = arith.constant 0 : i32
    %c0_i32_0 = arith.constant 0 : i32
    return %arg0, %c0_i32 : i32, i32
  }
  func.func @transform_10(%arg0: i32) -> (i32, i32) {
    %c0_i32 = arith.constant 0 : i32
    %c0_i32_0 = arith.constant 0 : i32
    return %arg0, %c0_i32 : i32, i32
  }
  func.func @transform_11(%arg0: i32) -> (i32, i32) {
    %c0_i32 = arith.constant 0 : i32
    %c0_i32_0 = arith.constant 0 : i32
    %c0_i32_1 = arith.constant 0 : i32
    return %c0_i32, %c0_i32_0 : i32, i32
  }
}

module attributes {stable_mosaic.version = 14 : i64} {
  func.func @_convB_body(%arg0: i32, %arg1: memref<1000x128xf32, #tpu.memory_space<vmem>>, %arg2: memref<2x128xf32, #tpu.memory_space<vmem>>, %arg3: memref<1x128xf32, #tpu.memory_space<vmem>>, %arg4: memref<1x128xf32, #tpu.memory_space<vmem>>, %arg5: memref<1x128xf32, #tpu.memory_space<vmem>>, %arg6: memref<128x128xf32, #tpu.memory_space<vmem>>, %arg7: memref<1x128xf32, #tpu.memory_space<vmem>>, %arg8: memref<1000x128xf32, #tpu.memory_space<vmem>>, %arg9: memref<1000x1xf32, #tpu.memory_space<vmem>>, %arg10: memref<1000x128xf32, #tpu.memory_space<vmem>>, %arg11: memref<1000x128xf32, #tpu.memory_space<vmem>>, %arg12: memref<1x128xf32, #tpu.memory_space<vmem>>) attributes {dimension_semantics = [#tpu.dimension_semantics<arbitrary>], iteration_bounds = array<i64: 10>, scalar_prefetch = 0 : i64, scratch_operands = 0 : i64, tpu.core_type = #tpu.core_type<tc>, window_params = [{transform_indices = @transform_0, window_bounds = array<i64: 1000, 128>}, {pipeline_mode = #tpu.pipeline_mode<synchronous>, transform_indices = @transform_1, window_bounds = array<i64: 2, 128>}, {pipeline_mode = #tpu.pipeline_mode<synchronous>, transform_indices = @transform_2, window_bounds = array<i64: 1, 128>}, {pipeline_mode = #tpu.pipeline_mode<synchronous>, transform_indices = @transform_3, window_bounds = array<i64: 1, 128>}, {pipeline_mode = #tpu.pipeline_mode<synchronous>, transform_indices = @transform_4, window_bounds = array<i64: 1, 128>}, {pipeline_mode = #tpu.pipeline_mode<synchronous>, transform_indices = @transform_5, window_bounds = array<i64: 128, 128>}, {pipeline_mode = #tpu.pipeline_mode<synchronous>, transform_indices = @transform_6, window_bounds = array<i64: 1, 128>}, {transform_indices = @transform_7, window_bounds = array<i64: 1000, 128>}, {transform_indices = @transform_8, window_bounds = array<i64: 1000, 1>}, {transform_indices = @transform_9, window_bounds = array<i64: 1000, 128>}, {transform_indices = @transform_10, window_bounds = array<i64: 1000, 128>}, {pipeline_mode = #tpu.pipeline_mode<synchronous>, transform_indices = @transform_11, window_bounds = array<i64: 1, 128>}]} {
    %get3A = arith.constant 0 : index
    %get3A_0 = arith.constant 0 : index
    %get3A_1 = vector.load %arg3[%get3A, %get3A_0] : memref<1x128xf32, #tpu.memory_space<vmem>>, vector<1x128xf32>
    %get3A_2 = arith.constant 0 : index
    %get3A_3 = arith.constant 0 : index
    %get3A_4 = vector.load %arg2[%get3A_2, %get3A_3] : memref<2x128xf32, #tpu.memory_space<vmem>>, vector<1x128xf32>
    %mul3A = arith.constant 9.99999974E-5 : f32
    %mul3A_5 = vector.broadcast %mul3A : f32 to vector<1x128xf32>
    %mul3A_6 = arith.mulf %get3A_4, %mul3A_5 : vector<1x128xf32>
    %get3A_7 = arith.constant 1 : index
    %get3A_8 = arith.constant 0 : index
    %get3A_9 = vector.load %arg2[%get3A_7, %get3A_8] : memref<2x128xf32, #tpu.memory_space<vmem>>, vector<1x128xf32>
    %mul3A_10 = arith.constant 9.99999974E-5 : f32
    %mul3A_11 = vector.broadcast %mul3A_10 : f32 to vector<1x128xf32>
    %mul3A_12 = arith.mulf %get3A_9, %mul3A_11 : vector<1x128xf32>
    %mul3A_13 = arith.mulf %mul3A_6, %mul3A_6 : vector<1x128xf32>
    %mul3A_14 = arith.constant 2.000000e+00 : f32
    %mul3A_15 = vector.broadcast %mul3A_14 : f32 to vector<1x128xf32>
    %mul3A_16 = arith.mulf %mul3A_15, %get3A_1 : vector<1x128xf32>
    %mul3A_17 = arith.mulf %get3A_1, %get3A_1 : vector<1x128xf32>
    %sub3A = arith.subf %mul3A_16, %mul3A_17 : vector<1x128xf32>
    %mul3A_18 = arith.mulf %mul3A_13, %sub3A : vector<1x128xf32>
    %sub3A_19 = arith.subf %mul3A_12, %mul3A_18 : vector<1x128xf32>
    %get3A_20 = arith.constant 0 : index
    %get3A_21 = arith.constant 0 : index
    %get3A_22 = vector.load %arg4[%get3A_20, %get3A_21] : memref<1x128xf32, #tpu.memory_space<vmem>>, vector<1x128xf32>
    %add3A = arith.constant 9.99999974E-6 : f32
    %add3A_23 = vector.broadcast %add3A : f32 to vector<1x128xf32>
    %add3A_24 = arith.addf %sub3A_19, %add3A_23 : vector<1x128xf32>
    %rsqrt3A = math.rsqrt %add3A_24 : vector<1x128xf32>
    %mul3A_25 = arith.mulf %get3A_22, %rsqrt3A : vector<1x128xf32>
    %get3A_26 = arith.constant 0 : index
    %get3A_27 = arith.constant 0 : index
    %get3A_28 = vector.load %arg1[%get3A_26, %get3A_27] : memref<1000x128xf32, #tpu.memory_space<vmem>>, vector<1000x128xf32>
    %mul3A_29 = arith.mulf %get3A_1, %mul3A_6 : vector<1x128xf32>
    %sub3A_30 = vector.broadcast %mul3A_29 : vector<1x128xf32> to vector<1000x128xf32>
    %sub3A_31 = arith.subf %get3A_28, %sub3A_30 : vector<1000x128xf32>
    %mul3A_32 = vector.broadcast %mul3A_25 : vector<1x128xf32> to vector<1000x128xf32>
    %mul3A_33 = arith.mulf %sub3A_31, %mul3A_32 : vector<1000x128xf32>
    %get3A_34 = arith.constant 0 : index
    %get3A_35 = arith.constant 0 : index
    %get3A_36 = vector.load %arg5[%get3A_34, %get3A_35] : memref<1x128xf32, #tpu.memory_space<vmem>>, vector<1x128xf32>
    %add3A_37 = vector.broadcast %get3A_36 : vector<1x128xf32> to vector<1000x128xf32>
    %add3A_38 = arith.addf %mul3A_33, %add3A_37 : vector<1000x128xf32>
    %ge3A = arith.constant 0.000000e+00 : f32
    %ge3A_39 = vector.broadcast %ge3A : f32 to vector<1000x128xf32>
    %ge3A_40 = arith.cmpf oge, %add3A_38, %ge3A_39 : vector<1000x128xf32>
    %mul3A_41 = arith.constant 0.00999999977 : f32
    %mul3A_42 = vector.broadcast %mul3A_41 : f32 to vector<1000x128xf32>
    %mul3A_43 = arith.mulf %mul3A_42, %add3A_38 : vector<1000x128xf32>
    %select_n3A = arith.select %ge3A_40, %add3A_38, %mul3A_43 : vector<1000x128xi1>, vector<1000x128xf32>
    %get3A_44 = arith.constant 0 : index
    %get3A_45 = arith.constant 0 : index
    %get3A_46 = vector.load %arg8[%get3A_44, %get3A_45] : memref<1000x128xf32, #tpu.memory_space<vmem>>, vector<1000x128xf32>
    %add3A_47 = arith.addf %select_n3A, %get3A_46 : vector<1000x128xf32>
    %get3A_48 = arith.constant 0 : index
    %get3A_49 = arith.constant 0 : index
    %get3A_50 = vector.load %arg9[%get3A_48, %get3A_49] : memref<1000x1xf32, #tpu.memory_space<vmem>>, vector<1000x1xf32>
    %mul3A_51 = vector.broadcast %get3A_50 : vector<1000x1xf32> to vector<1000x128xf32>
    %mul3A_52 = arith.mulf %add3A_47, %mul3A_51 : vector<1000x128xf32>
    %get3A_53 = arith.constant 0 : index
    %get3A_54 = arith.constant 0 : index
    %get3A_55 = vector.load %arg6[%get3A_53, %get3A_54] : memref<128x128xf32, #tpu.memory_space<vmem>>, vector<128x128xf32>
    %dot_general3A = arith.constant dense<0.000000e+00> : vector<1000x128xf32>
    %dot_general3A_56 = tpu.matmul %add3A_47, %get3A_55, %dot_general3A {dimension_numbers = #tpu.dot_dimension_numbers<[1], [0], [0], [1], [0, 0, 1, 1], [], []>, transpose_lhs_hint = false} : vector<1000x128xf32>, vector<128x128xf32>, vector<1000x128xf32> -> vector<1000x128xf32>
    %get3A_57 = arith.constant 0 : index
    %get3A_58 = arith.constant 0 : index
    %get3A_59 = vector.load %arg7[%get3A_57, %get3A_58] : memref<1x128xf32, #tpu.memory_space<vmem>>, vector<1x128xf32>
    %add3A_60 = vector.broadcast %get3A_59 : vector<1x128xf32> to vector<1000x128xf32>
    %add3A_61 = arith.addf %dot_general3A_56, %add3A_60 : vector<1000x128xf32>
    %ge3A_62 = arith.constant 0.000000e+00 : f32
    %ge3A_63 = vector.broadcast %ge3A_62 : f32 to vector<1000x128xf32>
    %ge3A_64 = arith.cmpf oge, %add3A_61, %ge3A_63 : vector<1000x128xf32>
    %mul3A_65 = arith.constant 0.00999999977 : f32
    %mul3A_66 = vector.broadcast %mul3A_65 : f32 to vector<1000x128xf32>
    %mul3A_67 = arith.mulf %mul3A_66, %add3A_61 : vector<1000x128xf32>
    %select_n3A_68 = arith.select %ge3A_64, %add3A_61, %mul3A_67 : vector<1000x128xi1>, vector<1000x128xf32>
    %swap3A = arith.constant 0 : index
    %swap3A_69 = arith.constant 0 : index
    %swap3A_70 = vector.load %arg10[%swap3A, %swap3A_69] : memref<1000x128xf32, #tpu.memory_space<vmem>>, vector<1000x128xf32>
    tpu.vector_store %arg10[%swap3A, %swap3A_69], %mul3A_52 {strides = array<i32>} : memref<1000x128xf32, #tpu.memory_space<vmem>>, vector<1000x128xf32>,
    %swap3A_71 = arith.constant 0 : index
    %swap3A_72 = arith.constant 0 : index
    %swap3A_73 = vector.load %arg11[%swap3A_71, %swap3A_72] : memref<1000x128xf32, #tpu.memory_space<vmem>>, vector<1000x128xf32>
    tpu.vector_store %arg11[%swap3A_71, %swap3A_72], %select_n3A {strides = array<i32>} : memref<1000x128xf32, #tpu.memory_space<vmem>>, vector<1000x128xf32>,
    %eq3A = arith.constant 0 : i32
    %eq3A_74 = arith.cmpi eq, %arg0, %eq3A : i32
    %convert_element_type3A = arith.extui %eq3A_74 : i1 to i32
    %cond3A = arith.constant 0 : i32
    %cond3A_75 = arith.cmpi ne, %convert_element_type3A, %cond3A : i32
    scf.if %cond3A_75 {
      %broadcast_in_dim3A_84 = arith.constant 0.000000e+00 : f32
      %broadcast_in_dim3A_85 = vector.broadcast %broadcast_in_dim3A_84 : f32 to vector<1x128xf32>
      %swap3A_86 = arith.constant 0 : index
      %swap3A_87 = arith.constant 0 : index
      %swap3A_88 = vector.load %arg12[%swap3A_86, %swap3A_87] : memref<1x128xf32, #tpu.memory_space<vmem>>, vector<1x128xf32>
      tpu.vector_store %arg12[%swap3A_86, %swap3A_87], %broadcast_in_dim3A_85 {strides = array<i32>} : memref<1x128xf32, #tpu.memory_space<vmem>>, vector<1x128xf32>,
    } else {
    }
    %get3A_76 = arith.constant 0 : index
    %get3A_77 = arith.constant 0 : index
    %get3A_78 = vector.load %arg12[%get3A_76, %get3A_77] : memref<1x128xf32, #tpu.memory_space<vmem>>, vector<1x128xf32>
    %reduce_sum3A = arith.constant dense<0.000000e+00> : vector<128xf32>
    %reduce_sum3A_79 = vector.multi_reduction <add>, %select_n3A_68, %reduce_sum3A [0] : vector<1000x128xf32> to vector<128xf32>
    %broadcast_in_dim3A = vector.shape_cast %reduce_sum3A_79 : vector<128xf32> to vector<1x128xf32>
    %add3A_80 = arith.addf %get3A_78, %broadcast_in_dim3A : vector<1x128xf32>
    %swap3A_81 = arith.constant 0 : index
    %swap3A_82 = arith.constant 0 : index
    %swap3A_83 = vector.load %arg12[%swap3A_81, %swap3A_82] : memref<1x128xf32, #tpu.memory_space<vmem>>, vector<1x128xf32>
    tpu.vector_store %arg12[%swap3A_81, %swap3A_82], %add3A_80 {strides = array<i32>} : memref<1x128xf32, #tpu.memory_space<vmem>>, vector<1x128xf32>,
    return
  }
  func.func @transform_0(%arg0: i32) -> (i32, i32) {
    %c0_i32 = arith.constant 0 : i32
    %c0_i32_0 = arith.constant 0 : i32
    return %arg0, %c0_i32 : i32, i32
  }
  func.func @transform_1(%arg0: i32) -> (i32, i32) {
    %c0_i32 = arith.constant 0 : i32
    %c0_i32_0 = arith.constant 0 : i32
    %c0_i32_1 = arith.constant 0 : i32
    return %c0_i32, %c0_i32_0 : i32, i32
  }
  func.func @transform_2(%arg0: i32) -> (i32, i32) {
    %c0_i32 = arith.constant 0 : i32
    %c0_i32_0 = arith.constant 0 : i32
    %c0_i32_1 = arith.constant 0 : i32
    return %c0_i32, %c0_i32_0 : i32, i32
  }
  func.func @transform_3(%arg0: i32) -> (i32, i32) {
    %c0_i32 = arith.constant 0 : i32
    %c0_i32_0 = arith.constant 0 : i32
    %c0_i32_1 = arith.constant 0 : i32
    return %c0_i32, %c0_i32_0 : i32, i32
  }
  func.func @transform_4(%arg0: i32) -> (i32, i32) {
    %c0_i32 = arith.constant 0 : i32
    %c0_i32_0 = arith.constant 0 : i32
    %c0_i32_1 = arith.constant 0 : i32
    return %c0_i32, %c0_i32_0 : i32, i32
  }
  func.func @transform_5(%arg0: i32) -> (i32, i32) {
    %c0_i32 = arith.constant 0 : i32
    %c0_i32_0 = arith.constant 0 : i32
    %c0_i32_1 = arith.constant 0 : i32
    return %c0_i32, %c0_i32_0 : i32, i32
  }
  func.func @transform_6(%arg0: i32) -> (i32, i32) {
    %c0_i32 = arith.constant 0 : i32
    %c0_i32_0 = arith.constant 0 : i32
    %c0_i32_1 = arith.constant 0 : i32
    return %c0_i32, %c0_i32_0 : i32, i32
  }
  func.func @transform_7(%arg0: i32) -> (i32, i32) {
    %c0_i32 = arith.constant 0 : i32
    %c0_i32_0 = arith.constant 0 : i32
    return %arg0, %c0_i32 : i32, i32
  }
  func.func @transform_8(%arg0: i32) -> (i32, i32) {
    %c0_i32 = arith.constant 0 : i32
    %c0_i32_0 = arith.constant 0 : i32
    return %arg0, %c0_i32 : i32, i32
  }
  func.func @transform_9(%arg0: i32) -> (i32, i32) {
    %c0_i32 = arith.constant 0 : i32
    %c0_i32_0 = arith.constant 0 : i32
    return %arg0, %c0_i32 : i32, i32
  }
  func.func @transform_10(%arg0: i32) -> (i32, i32) {
    %c0_i32 = arith.constant 0 : i32
    %c0_i32_0 = arith.constant 0 : i32
    return %arg0, %c0_i32 : i32, i32
  }
  func.func @transform_11(%arg0: i32) -> (i32, i32) {
    %c0_i32 = arith.constant 0 : i32
    %c0_i32_0 = arith.constant 0 : i32
    %c0_i32_1 = arith.constant 0 : i32
    return %c0_i32, %c0_i32_0 : i32, i32
  }
}

module attributes {stable_mosaic.version = 14 : i64} {
  func.func @_convB_body(%arg0: i32, %arg1: memref<1000x128xf32, #tpu.memory_space<vmem>>, %arg2: memref<2x128xf32, #tpu.memory_space<vmem>>, %arg3: memref<1x128xf32, #tpu.memory_space<vmem>>, %arg4: memref<1x128xf32, #tpu.memory_space<vmem>>, %arg5: memref<1x128xf32, #tpu.memory_space<vmem>>, %arg6: memref<128x128xf32, #tpu.memory_space<vmem>>, %arg7: memref<1x128xf32, #tpu.memory_space<vmem>>, %arg8: memref<1000x128xf32, #tpu.memory_space<vmem>>, %arg9: memref<1000x1xf32, #tpu.memory_space<vmem>>, %arg10: memref<1x128xf32, #tpu.memory_space<vmem>>) attributes {dimension_semantics = [#tpu.dimension_semantics<arbitrary>], iteration_bounds = array<i64: 10>, scalar_prefetch = 0 : i64, scratch_operands = 0 : i64, tpu.core_type = #tpu.core_type<tc>, window_params = [{transform_indices = @transform_0, window_bounds = array<i64: 1000, 128>}, {pipeline_mode = #tpu.pipeline_mode<synchronous>, transform_indices = @transform_1, window_bounds = array<i64: 2, 128>}, {pipeline_mode = #tpu.pipeline_mode<synchronous>, transform_indices = @transform_2, window_bounds = array<i64: 1, 128>}, {pipeline_mode = #tpu.pipeline_mode<synchronous>, transform_indices = @transform_3, window_bounds = array<i64: 1, 128>}, {pipeline_mode = #tpu.pipeline_mode<synchronous>, transform_indices = @transform_4, window_bounds = array<i64: 1, 128>}, {pipeline_mode = #tpu.pipeline_mode<synchronous>, transform_indices = @transform_5, window_bounds = array<i64: 128, 128>}, {pipeline_mode = #tpu.pipeline_mode<synchronous>, transform_indices = @transform_6, window_bounds = array<i64: 1, 128>}, {transform_indices = @transform_7, window_bounds = array<i64: 1000, 128>}, {transform_indices = @transform_8, window_bounds = array<i64: 1000, 1>}, {pipeline_mode = #tpu.pipeline_mode<synchronous>, transform_indices = @transform_9, window_bounds = array<i64: 1, 128>}]} {
    %get3A = arith.constant 0 : index
    %get3A_0 = arith.constant 0 : index
    %get3A_1 = vector.load %arg3[%get3A, %get3A_0] : memref<1x128xf32, #tpu.memory_space<vmem>>, vector<1x128xf32>
    %get3A_2 = arith.constant 0 : index
    %get3A_3 = arith.constant 0 : index
    %get3A_4 = vector.load %arg2[%get3A_2, %get3A_3] : memref<2x128xf32, #tpu.memory_space<vmem>>, vector<1x128xf32>
    %mul3A = arith.constant 9.99999974E-5 : f32
    %mul3A_5 = vector.broadcast %mul3A : f32 to vector<1x128xf32>
    %mul3A_6 = arith.mulf %get3A_4, %mul3A_5 : vector<1x128xf32>
    %get3A_7 = arith.constant 1 : index
    %get3A_8 = arith.constant 0 : index
    %get3A_9 = vector.load %arg2[%get3A_7, %get3A_8] : memref<2x128xf32, #tpu.memory_space<vmem>>, vector<1x128xf32>
    %mul3A_10 = arith.constant 9.99999974E-5 : f32
    %mul3A_11 = vector.broadcast %mul3A_10 : f32 to vector<1x128xf32>
    %mul3A_12 = arith.mulf %get3A_9, %mul3A_11 : vector<1x128xf32>
    %mul3A_13 = arith.mulf %mul3A_6, %mul3A_6 : vector<1x128xf32>
    %mul3A_14 = arith.constant 2.000000e+00 : f32
    %mul3A_15 = vector.broadcast %mul3A_14 : f32 to vector<1x128xf32>
    %mul3A_16 = arith.mulf %mul3A_15, %get3A_1 : vector<1x128xf32>
    %mul3A_17 = arith.mulf %get3A_1, %get3A_1 : vector<1x128xf32>
    %sub3A = arith.subf %mul3A_16, %mul3A_17 : vector<1x128xf32>
    %mul3A_18 = arith.mulf %mul3A_13, %sub3A : vector<1x128xf32>
    %sub3A_19 = arith.subf %mul3A_12, %mul3A_18 : vector<1x128xf32>
    %get3A_20 = arith.constant 0 : index
    %get3A_21 = arith.constant 0 : index
    %get3A_22 = vector.load %arg4[%get3A_20, %get3A_21] : memref<1x128xf32, #tpu.memory_space<vmem>>, vector<1x128xf32>
    %add3A = arith.constant 9.99999974E-6 : f32
    %add3A_23 = vector.broadcast %add3A : f32 to vector<1x128xf32>
    %add3A_24 = arith.addf %sub3A_19, %add3A_23 : vector<1x128xf32>
    %rsqrt3A = math.rsqrt %add3A_24 : vector<1x128xf32>
    %mul3A_25 = arith.mulf %get3A_22, %rsqrt3A : vector<1x128xf32>
    %get3A_26 = arith.constant 0 : index
    %get3A_27 = arith.constant 0 : index
    %get3A_28 = vector.load %arg1[%get3A_26, %get3A_27] : memref<1000x128xf32, #tpu.memory_space<vmem>>, vector<1000x128xf32>
    %mul3A_29 = arith.mulf %get3A_1, %mul3A_6 : vector<1x128xf32>
    %sub3A_30 = vector.broadcast %mul3A_29 : vector<1x128xf32> to vector<1000x128xf32>
    %sub3A_31 = arith.subf %get3A_28, %sub3A_30 : vector<1000x128xf32>
    %mul3A_32 = vector.broadcast %mul3A_25 : vector<1x128xf32> to vector<1000x128xf32>
    %mul3A_33 = arith.mulf %sub3A_31, %mul3A_32 : vector<1000x128xf32>
    %get3A_34 = arith.constant 0 : index
    %get3A_35 = arith.constant 0 : index
    %get3A_36 = vector.load %arg5[%get3A_34, %get3A_35] : memref<1x128xf32, #tpu.memory_space<vmem>>, vector<1x128xf32>
    %add3A_37 = vector.broadcast %get3A_36 : vector<1x128xf32> to vector<1000x128xf32>
    %add3A_38 = arith.addf %mul3A_33, %add3A_37 : vector<1000x128xf32>
    %ge3A = arith.constant 0.000000e+00 : f32
    %ge3A_39 = vector.broadcast %ge3A : f32 to vector<1000x128xf32>
    %ge3A_40 = arith.cmpf oge, %add3A_38, %ge3A_39 : vector<1000x128xf32>
    %mul3A_41 = arith.constant 0.00999999977 : f32
    %mul3A_42 = vector.broadcast %mul3A_41 : f32 to vector<1000x128xf32>
    %mul3A_43 = arith.mulf %mul3A_42, %add3A_38 : vector<1000x128xf32>
    %select_n3A = arith.select %ge3A_40, %add3A_38, %mul3A_43 : vector<1000x128xi1>, vector<1000x128xf32>
    %get3A_44 = arith.constant 0 : index
    %get3A_45 = arith.constant 0 : index
    %get3A_46 = vector.load %arg8[%get3A_44, %get3A_45] : memref<1000x128xf32, #tpu.memory_space<vmem>>, vector<1000x128xf32>
    %add3A_47 = arith.addf %select_n3A, %get3A_46 : vector<1000x128xf32>
    %get3A_48 = arith.constant 0 : index
    %get3A_49 = arith.constant 0 : index
    %get3A_50 = vector.load %arg6[%get3A_48, %get3A_49] : memref<128x128xf32, #tpu.memory_space<vmem>>, vector<128x128xf32>
    %dot_general3A = arith.constant dense<0.000000e+00> : vector<1000x128xf32>
    %dot_general3A_51 = tpu.matmul %add3A_47, %get3A_50, %dot_general3A {dimension_numbers = #tpu.dot_dimension_numbers<[1], [0], [0], [1], [0, 0, 1, 1], [], []>, transpose_lhs_hint = false} : vector<1000x128xf32>, vector<128x128xf32>, vector<1000x128xf32> -> vector<1000x128xf32>
    %get3A_52 = arith.constant 0 : index
    %get3A_53 = arith.constant 0 : index
    %get3A_54 = vector.load %arg7[%get3A_52, %get3A_53] : memref<1x128xf32, #tpu.memory_space<vmem>>, vector<1x128xf32>
    %add3A_55 = vector.broadcast %get3A_54 : vector<1x128xf32> to vector<1000x128xf32>
    %add3A_56 = arith.addf %dot_general3A_51, %add3A_55 : vector<1000x128xf32>
    %ge3A_57 = arith.constant 0.000000e+00 : f32
    %ge3A_58 = vector.broadcast %ge3A_57 : f32 to vector<1000x128xf32>
    %ge3A_59 = arith.cmpf oge, %add3A_56, %ge3A_58 : vector<1000x128xf32>
    %mul3A_60 = arith.constant 0.00999999977 : f32
    %mul3A_61 = vector.broadcast %mul3A_60 : f32 to vector<1000x128xf32>
    %mul3A_62 = arith.mulf %mul3A_61, %add3A_56 : vector<1000x128xf32>
    %select_n3A_63 = arith.select %ge3A_59, %add3A_56, %mul3A_62 : vector<1000x128xi1>, vector<1000x128xf32>
    %eq3A = arith.constant 0 : i32
    %eq3A_64 = arith.cmpi eq, %arg0, %eq3A : i32
    %convert_element_type3A = arith.extui %eq3A_64 : i1 to i32
    %cond3A = arith.constant 0 : i32
    %cond3A_65 = arith.cmpi ne, %convert_element_type3A, %cond3A : i32
    scf.if %cond3A_65 {
      %broadcast_in_dim3A_73 = arith.constant 0.000000e+00 : f32
      %broadcast_in_dim3A_74 = vector.broadcast %broadcast_in_dim3A_73 : f32 to vector<1x128xf32>
      %swap3A_75 = arith.constant 0 : index
      %swap3A_76 = arith.constant 0 : index
      %swap3A_77 = vector.load %arg10[%swap3A_75, %swap3A_76] : memref<1x128xf32, #tpu.memory_space<vmem>>, vector<1x128xf32>
      tpu.vector_store %arg10[%swap3A_75, %swap3A_76], %broadcast_in_dim3A_74 {strides = array<i32>} : memref<1x128xf32, #tpu.memory_space<vmem>>, vector<1x128xf32>,
    } else {
    }
    %get3A_66 = arith.constant 0 : index
    %get3A_67 = arith.constant 0 : index
    %get3A_68 = vector.load %arg10[%get3A_66, %get3A_67] : memref<1x128xf32, #tpu.memory_space<vmem>>, vector<1x128xf32>
    %reduce_sum3A = arith.constant dense<0.000000e+00> : vector<128xf32>
    %reduce_sum3A_69 = vector.multi_reduction <add>, %select_n3A_63, %reduce_sum3A [0] : vector<1000x128xf32> to vector<128xf32>
    %broadcast_in_dim3A = vector.shape_cast %reduce_sum3A_69 : vector<128xf32> to vector<1x128xf32>
    %add3A_70 = arith.addf %get3A_68, %broadcast_in_dim3A : vector<1x128xf32>
    %swap3A = arith.constant 0 : index
    %swap3A_71 = arith.constant 0 : index
    %swap3A_72 = vector.load %arg10[%swap3A, %swap3A_71] : memref<1x128xf32, #tpu.memory_space<vmem>>, vector<1x128xf32>
    tpu.vector_store %arg10[%swap3A, %swap3A_71], %add3A_70 {strides = array<i32>} : memref<1x128xf32, #tpu.memory_space<vmem>>, vector<1x128xf32>,
    return
  }
  func.func @transform_0(%arg0: i32) -> (i32, i32) {
    %c0_i32 = arith.constant 0 : i32
    %c0_i32_0 = arith.constant 0 : i32
    return %arg0, %c0_i32 : i32, i32
  }
  func.func @transform_1(%arg0: i32) -> (i32, i32) {
    %c0_i32 = arith.constant 0 : i32
    %c0_i32_0 = arith.constant 0 : i32
    %c0_i32_1 = arith.constant 0 : i32
    return %c0_i32, %c0_i32_0 : i32, i32
  }
  func.func @transform_2(%arg0: i32) -> (i32, i32) {
    %c0_i32 = arith.constant 0 : i32
    %c0_i32_0 = arith.constant 0 : i32
    %c0_i32_1 = arith.constant 0 : i32
    return %c0_i32, %c0_i32_0 : i32, i32
  }
  func.func @transform_3(%arg0: i32) -> (i32, i32) {
    %c0_i32 = arith.constant 0 : i32
    %c0_i32_0 = arith.constant 0 : i32
    %c0_i32_1 = arith.constant 0 : i32
    return %c0_i32, %c0_i32_0 : i32, i32
  }
  func.func @transform_4(%arg0: i32) -> (i32, i32) {
    %c0_i32 = arith.constant 0 : i32
    %c0_i32_0 = arith.constant 0 : i32
    %c0_i32_1 = arith.constant 0 : i32
    return %c0_i32, %c0_i32_0 : i32, i32
  }
  func.func @transform_5(%arg0: i32) -> (i32, i32) {
    %c0_i32 = arith.constant 0 : i32
    %c0_i32_0 = arith.constant 0 : i32
    %c0_i32_1 = arith.constant 0 : i32
    return %c0_i32, %c0_i32_0 : i32, i32
  }
  func.func @transform_6(%arg0: i32) -> (i32, i32) {
    %c0_i32 = arith.constant 0 : i32
    %c0_i32_0 = arith.constant 0 : i32
    %c0_i32_1 = arith.constant 0 : i32
    return %c0_i32, %c0_i32_0 : i32, i32
  }
  func.func @transform_7(%arg0: i32) -> (i32, i32) {
    %c0_i32 = arith.constant 0 : i32
    %c0_i32_0 = arith.constant 0 : i32
    return %arg0, %c0_i32 : i32, i32
  }
  func.func @transform_8(%arg0: i32) -> (i32, i32) {
    %c0_i32 = arith.constant 0 : i32
    %c0_i32_0 = arith.constant 0 : i32
    return %arg0, %c0_i32 : i32, i32
  }
  func.func @transform_9(%arg0: i32) -> (i32, i32) {
    %c0_i32 = arith.constant 0 : i32
    %c0_i32_0 = arith.constant 0 : i32
    %c0_i32_1 = arith.constant 0 : i32
    return %c0_i32, %c0_i32_0 : i32, i32
  }
}

module attributes {stable_mosaic.version = 14 : i64} {
  func.func @_fin_body(%arg0: memref<3x128xf32, #tpu.memory_space<vmem>>, %arg1: memref<3x128x128xf32, #tpu.memory_space<vmem>>, %arg2: memref<3x1x128xf32, #tpu.memory_space<vmem>>, %arg3: memref<3x128xf32, #tpu.memory_space<vmem>>) attributes {dimension_semantics = [], scalar_prefetch = 0 : i64, scratch_operands = 0 : i64, tpu.core_type = #tpu.core_type<tc>} {
    %get3A = arith.constant 0 : index
    %get3A_0 = arith.constant 0 : index
    %get3A_1 = vector.load %arg0[%get3A, %get3A_0] : memref<3x128xf32, #tpu.memory_space<vmem>>, vector<1x128xf32>
    %get3A_2 = arith.constant 0 : index
    %get3A_3 = arith.constant 0 : index
    %get3A_4 = arith.constant 0 : index
    %get3A_5 = vector.load %arg1[%get3A_2, %get3A_3, %get3A_4] : memref<3x128x128xf32, #tpu.memory_space<vmem>>, vector<1x128x128xf32>
    %get3A_6 = vector.shape_cast %get3A_5 : vector<1x128x128xf32> to vector<128x128xf32>
    %dot_general3A = arith.constant dense<0.000000e+00> : vector<1x128xf32>
    %dot_general3A_7 = tpu.matmul %get3A_1, %get3A_6, %dot_general3A {dimension_numbers = #tpu.dot_dimension_numbers<[1], [0], [0], [1], [0, 0, 1, 1], [], []>, transpose_lhs_hint = false} : vector<1x128xf32>, vector<128x128xf32>, vector<1x128xf32> -> vector<1x128xf32>
    %get3A_8 = arith.constant 0 : index
    %get3A_9 = arith.constant 0 : index
    %get3A_10 = arith.constant 0 : index
    %get3A_11 = vector.load %arg2[%get3A_8, %get3A_9, %get3A_10] : memref<3x1x128xf32, #tpu.memory_space<vmem>>, vector<1x1x128xf32>
    %get3A_12 = vector.shape_cast %get3A_11 : vector<1x1x128xf32> to vector<1x128xf32>
    %add3A = arith.addf %dot_general3A_7, %get3A_12 : vector<1x128xf32>
    %ge3A = arith.constant 0.000000e+00 : f32
    %ge3A_13 = vector.broadcast %ge3A : f32 to vector<1x128xf32>
    %ge3A_14 = arith.cmpf oge, %add3A, %ge3A_13 : vector<1x128xf32>
    %mul3A = arith.constant 0.00999999977 : f32
    %mul3A_15 = vector.broadcast %mul3A : f32 to vector<1x128xf32>
    %mul3A_16 = arith.mulf %mul3A_15, %add3A : vector<1x128xf32>
    %select_n3A = arith.select %ge3A_14, %add3A, %mul3A_16 : vector<1x128xi1>, vector<1x128xf32>
    %swap3A = arith.constant 0 : index
    %swap3A_17 = arith.constant 0 : index
    %swap3A_18 = vector.load %arg3[%swap3A, %swap3A_17] : memref<3x128xf32, #tpu.memory_space<vmem>>, vector<1x128xf32>
    tpu.vector_store %arg3[%swap3A, %swap3A_17], %select_n3A {strides = array<i32>} : memref<3x128xf32, #tpu.memory_space<vmem>>, vector<1x128xf32>,
    %get3A_19 = arith.constant 1 : index
    %get3A_20 = arith.constant 0 : index
    %get3A_21 = vector.load %arg0[%get3A_19, %get3A_20] : memref<3x128xf32, #tpu.memory_space<vmem>>, vector<1x128xf32>
    %get3A_22 = arith.constant 1 : index
    %get3A_23 = arith.constant 0 : index
    %get3A_24 = arith.constant 0 : index
    %get3A_25 = vector.load %arg1[%get3A_22, %get3A_23, %get3A_24] : memref<3x128x128xf32, #tpu.memory_space<vmem>>, vector<1x128x128xf32>
    %get3A_26 = vector.shape_cast %get3A_25 : vector<1x128x128xf32> to vector<128x128xf32>
    %dot_general3A_27 = arith.constant dense<0.000000e+00> : vector<1x128xf32>
    %dot_general3A_28 = tpu.matmul %get3A_21, %get3A_26, %dot_general3A_27 {dimension_numbers = #tpu.dot_dimension_numbers<[1], [0], [0], [1], [0, 0, 1, 1], [], []>, transpose_lhs_hint = false} : vector<1x128xf32>, vector<128x128xf32>, vector<1x128xf32> -> vector<1x128xf32>
    %get3A_29 = arith.constant 1 : index
    %get3A_30 = arith.constant 0 : index
    %get3A_31 = arith.constant 0 : index
    %get3A_32 = vector.load %arg2[%get3A_29, %get3A_30, %get3A_31] : memref<3x1x128xf32, #tpu.memory_space<vmem>>, vector<1x1x128xf32>
    %get3A_33 = vector.shape_cast %get3A_32 : vector<1x1x128xf32> to vector<1x128xf32>
    %add3A_34 = arith.addf %dot_general3A_28, %get3A_33 : vector<1x128xf32>
    %ge3A_35 = arith.constant 0.000000e+00 : f32
    %ge3A_36 = vector.broadcast %ge3A_35 : f32 to vector<1x128xf32>
    %ge3A_37 = arith.cmpf oge, %add3A_34, %ge3A_36 : vector<1x128xf32>
    %mul3A_38 = arith.constant 0.00999999977 : f32
    %mul3A_39 = vector.broadcast %mul3A_38 : f32 to vector<1x128xf32>
    %mul3A_40 = arith.mulf %mul3A_39, %add3A_34 : vector<1x128xf32>
    %select_n3A_41 = arith.select %ge3A_37, %add3A_34, %mul3A_40 : vector<1x128xi1>, vector<1x128xf32>
    %swap3A_42 = arith.constant 1 : index
    %swap3A_43 = arith.constant 0 : index
    %swap3A_44 = vector.load %arg3[%swap3A_42, %swap3A_43] : memref<3x128xf32, #tpu.memory_space<vmem>>, vector<1x128xf32>
    tpu.vector_store %arg3[%swap3A_42, %swap3A_43], %select_n3A_41 {strides = array<i32>} : memref<3x128xf32, #tpu.memory_space<vmem>>, vector<1x128xf32>,
    %get3A_45 = arith.constant 2 : index
    %get3A_46 = arith.constant 0 : index
    %get3A_47 = vector.load %arg0[%get3A_45, %get3A_46] : memref<3x128xf32, #tpu.memory_space<vmem>>, vector<1x128xf32>
    %get3A_48 = arith.constant 2 : index
    %get3A_49 = arith.constant 0 : index
    %get3A_50 = arith.constant 0 : index
    %get3A_51 = vector.load %arg1[%get3A_48, %get3A_49, %get3A_50] : memref<3x128x128xf32, #tpu.memory_space<vmem>>, vector<1x128x128xf32>
    %get3A_52 = vector.shape_cast %get3A_51 : vector<1x128x128xf32> to vector<128x128xf32>
    %dot_general3A_53 = arith.constant dense<0.000000e+00> : vector<1x128xf32>
    %dot_general3A_54 = tpu.matmul %get3A_47, %get3A_52, %dot_general3A_53 {dimension_numbers = #tpu.dot_dimension_numbers<[1], [0], [0], [1], [0, 0, 1, 1], [], []>, transpose_lhs_hint = false} : vector<1x128xf32>, vector<128x128xf32>, vector<1x128xf32> -> vector<1x128xf32>
    %get3A_55 = arith.constant 2 : index
    %get3A_56 = arith.constant 0 : index
    %get3A_57 = arith.constant 0 : index
    %get3A_58 = vector.load %arg2[%get3A_55, %get3A_56, %get3A_57] : memref<3x1x128xf32, #tpu.memory_space<vmem>>, vector<1x1x128xf32>
    %get3A_59 = vector.shape_cast %get3A_58 : vector<1x1x128xf32> to vector<1x128xf32>
    %add3A_60 = arith.addf %dot_general3A_54, %get3A_59 : vector<1x128xf32>
    %ge3A_61 = arith.constant 0.000000e+00 : f32
    %ge3A_62 = vector.broadcast %ge3A_61 : f32 to vector<1x128xf32>
    %ge3A_63 = arith.cmpf oge, %add3A_60, %ge3A_62 : vector<1x128xf32>
    %mul3A_64 = arith.constant 0.00999999977 : f32
    %mul3A_65 = vector.broadcast %mul3A_64 : f32 to vector<1x128xf32>
    %mul3A_66 = arith.mulf %mul3A_65, %add3A_60 : vector<1x128xf32>
    %select_n3A_67 = arith.select %ge3A_63, %add3A_60, %mul3A_66 : vector<1x128xi1>, vector<1x128xf32>
    %swap3A_68 = arith.constant 2 : index
    %swap3A_69 = arith.constant 0 : index
    %swap3A_70 = vector.load %arg3[%swap3A_68, %swap3A_69] : memref<3x128xf32, #tpu.memory_space<vmem>>, vector<1x128xf32>
    tpu.vector_store %arg3[%swap3A_68, %swap3A_69], %select_n3A_67 {strides = array<i32>} : memref<3x128xf32, #tpu.memory_space<vmem>>, vector<1x128xf32>,
    return
  }
}

</mosaic_0001>

<sc_bundles>
// kernel: kernel.14.cloned.1.call-start
scs
__scs_entry_jumppad:
0x0: {  	(pc) =	sbr.rel $0x88, $3  }
0x1: {  	(tag) =	ssettag $0x0;
	lr =	simm.s32 $0x1  }
0x2: {  	[smem:$0x3F97] =	sst lr;
	_ =	strace $0xD0000000  }
0x3: {  	_ = 	snop  }
0x4: {  	_ = 	snop  }
0x5: {  	_ = 	snop  }
0x6: {  	_ = 	snop  }
0x7: {  	_ = 	snop  }
__scs_overlays_trampoline_lowered:
0x8: {  	[smem:$0x3FA6] =	sst s0  }
0x9: {  	[smem:$0x3FA7] =	sst s1  }
0xa: {  	[smem:$0x3FA8] =	sst s2  }
0xb: {  	[smem:$0x3FA9] =	sst s3  }
0xc: {  	[smem:$0x3FAA] =	sst s4  }
0xd: {  	[smem:$0x3FAB] =	sst s5  }
0xe: {  	[smem:$0x3FAC] =	sst s6  }
0xf: {  	[smem:$0x3FAD] =	sst s7  }
0x10: {  	[smem:$0x3FAE] =	sst s8  }
0x11: {  	[smem:$0x3FAF] =	sst s9;
	s0 =	simm.s32 @!p0 $0x0  }
0x12: {  	s1 =	sld [smem:$0x3F95];
	s0 =	simm.s32 @p0 $0x1  }
0x13: {  	[smem:$0x3FB0] =	sst s0;
	s0 =	simm.s32 @!p1 $0x0  }
0x14: {  	s2 =	sld [smem:$0x3F94];
	s0 =	simm.s32 @p1 $0x1  }
0x15: {  	[smem:$0x3FB1] =	sst s0;
	s0 =	simm.s32 @!p2 $0x0  }
0x16: {  	s3 =	sld [smem:$0x3FDB];
	s0 =	simm.s32 @p2 $0x1  }
0x17: {  	s4 =	simm.s32 $0x1BF5;
	[smem:$0x3FB3] =	sst s0  }
0x18: {  	s0 =	sld [smem:$0x3F96];
	_ =	swait.ge [sflag:s4], $0x0  }
0x19: {  	s7 =	sld [smem:$0x3F97]  }
0x1a: {  	s8 =	sadd.s32 $0xFFFFE003, lr  }
0x1b: {  	s9 =	sadd.s32 $0xFFFFFEF7, lr;
	s5 =	simm.s32 $0xFFFFFFFF;
	p2 =	slt.u32 s8, $0xFFFFF086  }
0x1c: {  	p1 =	slt.u32 s9, $0xF7A;
	s5 =	simm.s32 @!p2 $0x0  }
0x1d: {  	s5 =	simm.s32 @p1 $0x1;
	p0 =	seq.s32 s7, s2  }
0x1e: {  	s7 =	smul.u32 @!p0 $0xF7A, s2;
	p2 =	seq.s32 @!p0 s5, $0x0  }
0x1f: {  	s9 =	smul.u32 $0xF7A, s1;
	s8 =	simm.s32 @!p0 $0x1BF5;
	p2 =	por !p2, p0  }
0x20: {  	[sflag:s8] =	ssyncset.s32 @!p0 $0xFFFFF086;
	s6 =	sadd.s32 @!p0 s3, s7;
	s7 =	simm.s32 @!p0 $0x108  }
0x21: {  	s3 =	sadd.s32 s3, s9;
	s6 =	sadd.s32 @!p0 $0x88, s6;
	s7 =	simm.s32 @p2 $0x1082  }
0x22: {  	[simem:s7], [sflag:s8] =	dma.local @!p0 [hbm:s6], $0xF7A  }
0x23: {  	s9 =	sor.u32 $0xD0000000, s2;
	s6 =	simm.s32 $0x108;
	_ =	swait.ge @!p0 [sflag:s8], $0x0  }
0x24: {  	s3 =	sadd.s32 $0x88, s3;
	s6 =	simm.s32 @!p1 $0x1082;
	[sflag:s4] =	ssyncset.s32 $0xFFFFF086  }
0x25: {  	[simem:s6], [sflag:s4] =	dma.local [hbm:s3], $0xF7A  }
0x26: {  	[smem:$0x3F97] =	sst s1;
	(tag) =	ssettag s2;
	_ =	strace s9  }
0x27: {  	s1 =	sld [smem:$0x3FA7]  }
0x28: {  	s2 =	sld [smem:$0x3FA8]  }
0x29: {  	s4 =	sld [smem:$0x3FAA]  }
0x2a: {  	p0 =	seq.s32 s5, $0x0;
	s5 =	sld [smem:$0x3FAB]  }
0x2b: {  	s6 =	sld [smem:$0x3FAC]  }
0x2c: {  	s7 =	sld [smem:$0x3FAD]  }
0x2d: {  	s3 =	simm.s32 $0x108;
	s8 =	sld [smem:$0x3FAE]  }
0x2e: {  	s3 =	simm.s32 @!p0 $0x1082;
	s9 =	sld [smem:$0x3FAF]  }
0x2f: {  	lr =	sadd.s32 s0, s3;
	s0 =	sld [smem:$0x3FA6]  }
0x30: {  	s3 =	sld [smem:$0x3FA9]  }
0x31: {  	[smem:$0x3FB2] =	sst s10  }
0x32: {  	s10 =	sld [smem:$0x3FB0];
	_ =	sdelay $0x3  }
0x33: {  	p0 =	seq.s32 s10, $0x1;
	s10 =	sld [smem:$0x3FB2];
	_ =	sdelay $0x3  }
0x34: {  	[smem:$0x3FB2] =	sst s10  }
0x35: {  	s10 =	sld [smem:$0x3FB1];
	_ =	sdelay $0x3  }
0x36: {  	p1 =	seq.s32 s10, $0x1;
	s10 =	sld [smem:$0x3FB2];
	_ =	sdelay $0x3  }
0x37: {  	[smem:$0x3FB2] =	sst s10  }
0x38: {  	s10 =	sld [smem:$0x3FB3]  }
0x39: {  	_ = 	snop;
	(pc) =	sbr.ind lr, $3  }
0x3a: {  	_ = 	snop  }
0x3b: {  	_ = 	snop  }
0x3c: {  	p2 =	seq.s32 s10, $0x1;
	s10 =	sld [smem:$0x3FB2]  }
0x3d: {  	_ =	shalt  }
0x3e: {  	_ =	shalt  }
0x3f: {  	_ =	shalt  }
0x40: {  	_ =	shalt  }
0x41: {  	_ =	shalt  }
0x42: {  	_ =	shalt  }
0x43: {  	_ =	shalt  }
0x44: {  	_ =	shalt  }
0x45: {  	_ =	shalt  }
0x46: {  	_ =	shalt  }
0x47: {  	_ =	shalt  }
0x48: {  	_ =	shalt  }
0x49: {  	_ =	shalt  }
0x4a: {  	_ =	shalt  }
0x4b: {  	_ =	shalt  }
0x4c: {  	_ =	shalt  }
0x4d: {  	_ =	shalt  }
0x4e: {  	_ =	shalt  }
0x4f: {  	_ =	shalt  }
0x50: {  	_ =	shalt  }
0x51: {  	_ =	shalt  }
0x52: {  	_ =	shalt  }
0x53: {  	_ =	shalt  }
0x54: {  	_ =	shalt  }
0x55: {  	_ =	shalt  }
0x56: {  	_ =	shalt  }
0x57: {  	_ =	shalt  }
0x58: {  	_ =	shalt  }
0x59: {  	_ =	shalt  }
0x5a: {  	_ =	shalt  }
0x5b: {  	_ =	shalt  }
0x5c: {  	_ =	shalt  }
0x5d: {  	_ =	shalt  }
0x5e: {  	_ =	shalt  }
0x5f: {  	_ =	shalt  }
0x60: {  	_ =	shalt  }
0x61: {  	_ =	shalt  }
0x62: {  	_ =	shalt  }
0x63: {  	_ =	shalt  }
0x64: {  	_ =	shalt  }
0x65: {  	_ =	shalt  }
0x66: {  	_ =	shalt  }
0x67: {  	_ =	shalt  }
0x68: {  	_ =	shalt  }
0x69: {  	_ =	shalt  }
0x6a: {  	_ =	shalt  }
0x6b: {  	_ =	shalt  }
0x6c: {  	_ =	shalt  }
0x6d: {  	_ =	shalt  }
0x6e: {  	_ =	shalt  }
0x6f: {  	_ =	shalt  }
0x70: {  	_ =	shalt  }
0x71: {  	_ =	shalt  }
0x72: {  	_ =	shalt  }
0x73: {  	_ =	shalt  }
0x74: {  	_ =	shalt  }
0x75: {  	_ =	shalt  }
0x76: {  	_ =	shalt  }
0x77: {  	_ =	shalt  }
0x78: {  	_ =	shalt  }
0x79: {  	_ =	shalt  }
0x7a: {  	_ =	shalt  }
0x7b: {  	_ =	shalt  }
0x7c: {  	_ =	shalt  }
0x7d: {  	_ =	shalt  }
0x7e: {  	_ =	shalt  }
0x7f: {  	_ =	shalt  }
0x80: {  	_ =	shalt  }
0x81: {  	_ =	shalt  }
0x82: {  	_ =	shalt  }
0x83: {  	_ =	shalt  }
0x84: {  	_ =	shalt  }
0x85: {  	_ =	shalt  }
0x86: {  	_ =	shalt  }
0x87: {  	_ =	shalt  }
.Lfunc_end0:
.L_simem_size_0:
called_computation_lowered:
.L_overlay_start_0:
0x88: {  	s2 =	sld [smem:$0x3FD9]  }
0x89: {  	s3 =	sld [smem:$0x3FFE];
	_ =	sdelay $0x1  }
0x8a: {  	s1 =	srdreg.scid  }
0x8b: {  	s0 =	sand.u32 $0x1, s1  }
0x8c: {  	s16 =	sshll.u32 s0, $0xA;
	s2 =	sadd.s32 s3, s2  }
0x8d: {  	s2 =	sadd.s32 s2, s16  }
0x8e: {  	[smem:$0x3FBE] =	sst s2  }
0x8f: {  	_ = 	snop  }
0x90: {  	(tm) =	ssettm $0x1  }
0x91: {  	s17 =	sld [smem:$0x3FFB];
	_ =	sdelay $0x3  }
0x92: {  	_ =	strace s17  }
0x93: {  	s2 =	sld [smem:$0x3FFC];
	_ =	sdelay $0x3  }
0x94: {  	_ =	strace s2  }
0x95: {  	s2 =	sld [smem:$0x3FFD];
	_ =	sdelay $0x3  }
0x96: {  	_ =	strace s2  }
0x97: {  	_ =	strace $0x8FFFFFFF  }
0x98: {  	s18 =	sld [smem:$0x3FDB];
	_ =	sdelay $0x1  }
0x99: {  	s19 =	simm.s32 $_scs_section_size  }
0x9a: {  	s4 =	simm.s32 $_size__tile_overlayer_lowered;
	s5 =	simm.s32 $_tile_overlayer_lowered  }
0x9b: {  	s22 =	simm.s32 $0x1BFF;
	s21 =	sshll.u32 s5, $0x1;
	s2 =	sadd.s32 s19, s18  }
0x9c: {  	s6 =	simm.s32 $0x0;
	s20 =	sshll.u32 s4, $0x1;
	s4 =	sadd.s32 s21, s2  }
0x9d: {  	[timem:s6], [sflag:s22] =	dma.local [hbm:s4], s20  }
0x9e: {  	_ =	swait.ge [sflag:s22], s20  }
0x9f: {  	s3 =	ssub.s32 $0x0, s20;
	[sflag:s22] =	ssyncset.done $0x0  }
0xa0: {  	[sflag:s22] =	ssyncadd.s32 s3;
	_ =	sdelay $0x1  }
0xa1: {  	s23 =	simm.s32 $0x1B8B  }
0xa2: {  	_ =	swait.ge [sflag:s23], $0x1  }
0xa3: {  	[sflag:s23] =	ssyncset.done $0x0  }
0xa4: {  	s25 =	simm.s32 $0x1B8E;
	s24 =	sld [smem:$0x3FFE];
	[sflag:s23] =	ssyncadd.s32 $0xFFFFFFFF  }
0xa5: {  	s26 =	simm.s32 $execute0_lowered;
	[smem:$0x3FD2] =	sst s25  }
0xa6: {  	s4 =	sshll.u32 s26, $0x1;
	_ =	strace $0x80000046;
	[dreg:$0x1] =	wrdreg $0xFFFFFFFF  }
0xa7: {  	s28 =	simm.s32 $_size_execute0_lowered;
	s2 =	sadd.s32 s2, s4;
	[dreg:$0x0] =	wrdreg $0x0  }
0xa8: {  	s4 =	sshll.u32 s28, $0x1;
	[dreg:$0x2] =	wrdreg s2  }
0xa9: {  	[dreg:$0x3] =	wrdreg s4  }
0xaa: {  	[dreg:$0x4] =	wrdreg $0xC0  }
0xab: {  	_ =	task [dreg:s6], $0x5FFFF  }
0xac: {  	[dreg:$0x1] =	wrdreg $0xFFFFFFFF  }
0xad: {  	[dreg:$0x0] =	wrdreg $0x60  }
0xae: {  	[dreg:$0x2] =	wrdreg s24  }
0xaf: {  	[dreg:$0x3] =	wrdreg $0x1A800  }
0xb0: {  	[dreg:$0x4] =	wrdreg $0x1D000  }
0xb1: {  	[dreg:$0x5] =	wrdreg $0x9  }
0xb2: {  	_ =	task.clear_ibuf [dreg:s6], $0x6FFFF;
	_ =	strace $0x90000046  }
0xb3: {  	s29 =	simm.s32 $0x9;
	_ =	strace $0x80000048  }
0xb4: {  	_ =	swait.ge [sflag:s29], $0x1  }
0xb5: {  	[sflag:s29] =	ssyncadd.s32 $0xFFFFFFFF  }
0xb6: {  	_ =	strace $0x90000048  }
0xb7: {  	_ =	sfence  }
0xb8: {  	s30 =	sld [smem:$0x0];
	_ =	sdelay $0x2  }
0xb9: {  	s31 =	sshll.u32 s1, $0xD;
	s1 =	sshrl.u32 s1, $0x2  }
0xba: {  	s3 =	sand.u32 $0x4000, s31;
	s1 =	sadd.s32 s1, s30  }
0xbb: {  	s0 =	sor.u32 s3, s0;
	s1 =	sshll.u32 s1, $0x11  }
0xbc: {  	s0 =	sor.u32 s1, s0  }
0xbd: {  	s0 =	sadd.s32 $0x8F2B, s0  }
0xbe: {  	[sflag:s0] =	ssyncadd.remote.s32 $0x1  }
0xbf: {  	_ =	sfence.sel $0xFFFF  }
0xc0: {  	[dreg:$0x0] =	wrdreg $0xFFFFFFFF;
	(pc) =	sbr.abs _section_cstart, $3  }
0xc1: {  	[dreg:$0x1] =	wrdreg $0xFFFFFFFF  }
0xc2: {  	_ =	task.clear_ibuf [dreg:s6], $0x2FFFF;
	_ =	strace $0x9FFFFFFF  }
0xc3: {  	(tm) =	ssettm $0x7FFFFFFF  }
tec
execute0_lowered:
.L_overlay_start_1:
0x0: {  	(tag) =	ssettag $0x1  }
0x1: {  	s7 =	rddreg [dreg:$0x0]  }
0x2: {  	s1 =	rddreg [dreg:$0x1]  }
0x3: {  	s2 =	rddreg [dreg:$0x2]  }
0x4: {  	s3 =	srdreg.scid;
	s0 =	rddreg [dreg:$0x3];
	s4 =	simm.s32 $0x0  }
0x5: {  	s14 =	simm.s32 $0x1;
	s15 =	simm.s32 $0x800;
	s16 =	simm.s32 $0x40  }
0x6: {  	s17 =	simm.s32 $0x1000;
	s20 =	simm.s32 $0x20;
	s8 =	sand.u32 $0x1, s3  }
0x7: {  	s21 =	simm.s32 $0x10;
	s3 =	stileid.u32;
	s9 =	smul.u32 $0x5000, s8  }
0x8: {  	[smem:$0x7FF] =	sst s4;
	s5 =	sadd.s32 $0x5C00, s7;
	s10 =	smul.u32 $0x500, s3  }
0x9: {  	s6 =	sadd.s32 $0x2DC00, s7;
	_ =	strace $0x80000047;
	s29 =	ssub.s32 $0x2, s8  }
0xa: {  	s11 =	smul.u32 $0x280, s3;
	s31 =	sshll.u32 s3, $0x1;
	s9 =	sadd.s32 s10, s9  }
0xb: {  	s18 =	sshll.u32 s3, $0x6;
	s30 =	sshrl.u32 s29, $0x1;
	s9 =	sshrl.u32 s9, $0x3  }
0xc: {  	s18 =	sor.u32 $0x1C01, s18;
	s13 =	ssub.s32 s29, s30;
	s12 =	sadd.s32 s9, s7  }
0xd: {  	s9 =	sor.u32 s8, s31;
	s7 =	sadd.s32 s11, s1;
	s8 =	sadd.s32 s11, s2  }
0xe: {  	s9 =	smul.u32 $0x5000, s9;
	s10 =	sadd.s32 $0x41C00, s12;
	s11 =	sadd.s32 $0x41C10, s12  }
0xf: {  	v0 =	vimm.f32 $1.000000000e+00;
	v1 =	vimm.f32 $0.0e+00;
	s12 =	smax.u32 s13, $0x1;
	s13 =	simm.s32 $0x1800;
	s19 =	sshrl.u32 s7, $0x3  }
.LBB2_1:
0x10: {  	[tilespmem:$0x1000] =	vst v0  }
0x11: {  	[tilespmem:$0x1010] =	vst v0  }
0x12: {  	[tilespmem:$0x1020] =	vst v0  }
0x13: {  	[tilespmem:$0x1030] =	vst v0  }
0x14: {  	[tilespmem:$0x1080] =	vst v0  }
0x15: {  	[tilespmem:$0x1090] =	vst v0  }
0x16: {  	[tilespmem:$0x10A0] =	vst v0  }
0x17: {  	[tilespmem:$0x10B0] =	vst v0  }
0x18: {  	[tilespmem:$0x1100] =	vst v0  }
0x19: {  	[tilespmem:$0x1110] =	vst v0  }
0x1a: {  	[tilespmem:$0x1120] =	vst v0  }
0x1b: {  	[tilespmem:$0x1130] =	vst v0  }
0x1c: {  	[tilespmem:$0x1180] =	vst v0  }
0x1d: {  	[tilespmem:$0x1190] =	vst v0  }
0x1e: {  	[tilespmem:$0x11A0] =	vst v0  }
0x1f: {  	[tilespmem:$0x11B0] =	vst v0  }
0x20: {  	[tilespmem:$0x1200] =	vst v0  }
0x21: {  	[tilespmem:$0x1210] =	vst v0  }
0x22: {  	[tilespmem:$0x1220] =	vst v0  }
0x23: {  	[tilespmem:$0x1230] =	vst v0  }
0x24: {  	[tilespmem:$0x1280] =	vst v0  }
0x25: {  	[tilespmem:$0x1290] =	vst v0  }
0x26: {  	[tilespmem:$0x12A0] =	vst v0  }
0x27: {  	[tilespmem:$0x12B0] =	vst v0  }
0x28: {  	[tilespmem:$0x1300] =	vst v0  }
0x29: {  	[tilespmem:$0x1310] =	vst v0  }
0x2a: {  	[tilespmem:$0x1320] =	vst v0  }
0x2b: {  	[tilespmem:$0x1330] =	vst v0  }
0x2c: {  	[tilespmem:$0x1380] =	vst v0  }
0x2d: {  	[tilespmem:$0x1390] =	vst v0  }
0x2e: {  	[tilespmem:$0x13A0] =	vst v0  }
0x2f: {  	[tilespmem:$0x13B0] =	vst v0  }
0x30: {  	[tilespmem:$0x1400] =	vst v0  }
0x31: {  	[tilespmem:$0x1410] =	vst v0  }
0x32: {  	[tilespmem:$0x1420] =	vst v0  }
0x33: {  	[tilespmem:$0x1430] =	vst v0  }
0x34: {  	[tilespmem:$0x1480] =	vst v0  }
0x35: {  	[tilespmem:$0x1490] =	vst v0  }
0x36: {  	[tilespmem:$0x14A0] =	vst v0  }
0x37: {  	[tilespmem:$0x14B0] =	vst v0  }
0x38: {  	[tilespmem:$0x1500] =	vst v0  }
0x39: {  	[tilespmem:$0x1510] =	vst v0  }
0x3a: {  	[tilespmem:$0x1520] =	vst v0  }
0x3b: {  	[tilespmem:$0x1530] =	vst v0  }
0x3c: {  	[tilespmem:$0x1580] =	vst v0  }
0x3d: {  	[tilespmem:$0x1590] =	vst v0  }
0x3e: {  	[tilespmem:$0x15A0] =	vst v0  }
0x3f: {  	[tilespmem:$0x15B0] =	vst v0  }
0x40: {  	[tilespmem:$0x1600] =	vst v0  }
0x41: {  	[tilespmem:$0x1610] =	vst v0  }
0x42: {  	[tilespmem:$0x1620] =	vst v0  }
0x43: {  	[tilespmem:$0x1630] =	vst v0  }
0x44: {  	[tilespmem:$0x1680] =	vst v0  }
0x45: {  	[tilespmem:$0x1690] =	vst v0  }
0x46: {  	[tilespmem:$0x16A0] =	vst v0  }
0x47: {  	[tilespmem:$0x16B0] =	vst v0  }
0x48: {  	[tilespmem:$0x1700] =	vst v0  }
0x49: {  	[tilespmem:$0x1710] =	vst v0  }
0x4a: {  	[tilespmem:$0x1720] =	vst v0  }
0x4b: {  	[tilespmem:$0x1730] =	vst v0  }
0x4c: {  	[tilespmem:$0x1780] =	vst v0  }
0x4d: {  	[tilespmem:$0x1790] =	vst v0  }
0x4e: {  	[tilespmem:$0x17A0] =	vst v0  }
0x4f: {  	[tilespmem:$0x17B0] =	vst v0  }
0x50: {  	[tilespmem:$0x1800] =	vst v1  }
0x51: {  	[tilespmem:$0x1810] =	vst v1  }
0x52: {  	[tilespmem:$0x1820] =	vst v1  }
0x53: {  	[tilespmem:$0x1830] =	vst v1  }
0x54: {  	[tilespmem:$0x1840] =	vst v1  }
0x55: {  	[tilespmem:$0x1850] =	vst v1  }
0x56: {  	[tilespmem:$0x1860] =	vst v1  }
0x57: {  	[tilespmem:$0x1870] =	vst v1  }
0x58: {  	[tilespmem:$0x1880] =	vst v1  }
0x59: {  	[tilespmem:$0x1890] =	vst v1  }
0x5a: {  	[tilespmem:$0x18A0] =	vst v1  }
0x5b: {  	[tilespmem:$0x18B0] =	vst v1  }
0x5c: {  	[tilespmem:$0x18C0] =	vst v1  }
0x5d: {  	[tilespmem:$0x18D0] =	vst v1  }
0x5e: {  	[tilespmem:$0x18E0] =	vst v1  }
0x5f: {  	[tilespmem:$0x18F0] =	vst v1  }
0x60: {  	[tilespmem:$0x1900] =	vst v1  }
0x61: {  	[tilespmem:$0x1910] =	vst v1  }
0x62: {  	[tilespmem:$0x1920] =	vst v1  }
0x63: {  	[tilespmem:$0x1930] =	vst v1  }
0x64: {  	[tilespmem:$0x1940] =	vst v1  }
0x65: {  	[tilespmem:$0x1950] =	vst v1  }
0x66: {  	[tilespmem:$0x1960] =	vst v1  }
0x67: {  	[tilespmem:$0x1970] =	vst v1  }
0x68: {  	[tilespmem:$0x1980] =	vst v1  }
0x69: {  	[tilespmem:$0x1990] =	vst v1  }
0x6a: {  	[tilespmem:$0x19A0] =	vst v1  }
0x6b: {  	[tilespmem:$0x19B0] =	vst v1  }
0x6c: {  	[tilespmem:$0x19C0] =	vst v1  }
0x6d: {  	[tilespmem:$0x19D0] =	vst v1  }
0x6e: {  	[tilespmem:$0x19E0] =	vst v1  }
0x6f: {  	[tilespmem:$0x19F0] =	vst v1  }
0x70: {  	[tilespmem:$0x1A00] =	vst v1  }
0x71: {  	[tilespmem:$0x1A10] =	vst v1  }
0x72: {  	[tilespmem:$0x1A20] =	vst v1  }
0x73: {  	[tilespmem:$0x1A30] =	vst v1  }
0x74: {  	[tilespmem:$0x1A40] =	vst v1  }
0x75: {  	[tilespmem:$0x1A50] =	vst v1  }
0x76: {  	[tilespmem:$0x1A60] =	vst v1  }
0x77: {  	[tilespmem:$0x1A70] =	vst v1  }
0x78: {  	[spmem:s7] =	stream.linear.scatter [tilespmem:s13], [sflag:$0x1], $0x280, $0x38;
	[tilespmem:$0x1F80] =	vst v63  }
0x79: {  	_ =	swait.ge [sflag:s14], $0x280  }
0x7a: {  	[sflag:s14] =	ssyncset.done $0x0  }
0x7b: {  	[sflag:s14] =	ssyncadd.s32 $0xFFFFFD80  }
0x7c: {  	[spmem:s8] =	stream.linear.scatter [tilespmem:s13], [sflag:$0x1], $0x280, $0x38;
	[tilespmem:$0x1F80] =	vst v63  }
0x7d: {  	_ =	swait.ge [sflag:s14], $0x280  }
0x7e: {  	[sflag:s14] =	ssyncset.done $0x0  }
0x7f: {  	[sflag:s14] =	ssyncadd.s32 $0xFFFFFD80  }
0x80: {  	s22 =	simm.s32 $0x0;
	[bflag:$0x0] =	sbarrier.arrive $0xFFFF  }
.LBB2_2:
0x81: {  	s23 =	sshll.u32 s22, $0xB  }
0x82: {  	s23 =	sadd.s32 s9, s23  }
0x83: {  	s23 =	sshrl.u32 s23, $0x3  }
0x84: {  	s25 =	simm.s32 $0x0;
	s24 =	sadd.s32 s5, s23  }
0x85: {  	[tilespmem:s25], [sflag:$0x1] =	stream.linear.gather [hbm4b:s24+s25], $0x800, $0x38;
	[tilespmem:$0x1F80] =	vst v63  }
0x86: {  	_ =	swait.ge [sflag:s14], $0x800  }
0x87: {  	[sflag:s14] =	ssyncset.done $0x0  }
0x88: {  	s23 =	sadd.s32 s6, s23;
	[sflag:s14] =	ssyncadd.s32 $0xFFFFF800  }
0x89: {  	[tilespmem:s15], [sflag:$0x1] =	stream.linear.gather [hbm4b:s23+s25], $0x800, $0x38;
	[tilespmem:$0x1F80] =	vst v63  }
0x8a: {  	_ =	swait.ge [sflag:s14], $0x800  }
0x8b: {  	[sflag:s14] =	ssyncset.done $0x0  }
0x8c: {  	s30 =	simm.s32 $0x0;
	[sflag:s14] =	ssyncadd.s32 $0xFFFFF800  }
0x8d: {  	[spmem:s1] =	stream.indirect.scatter.add.f32 [tilespmem:s17], [sflag:$0x1], $0x1, s30, s16, $0xb8;
	[tilespmem:$0x1F80] =	vst v63  }
0x8e: {  	_ =	swait.ge [sflag:s14], $0x40  }
0x8f: {  	[sflag:s14] =	ssyncset.done $0x0  }
0x90: {  	s31 =	simm.s32 $0x800;
	[sflag:s14] =	ssyncadd.s32 $0xFFFFFFC0  }
0x91: {  	[spmem:s2] =	stream.indirect.scatter.add.f32 [tilespmem:s17], [sflag:$0x1], $0x1, s31, s16, $0xb8;
	[tilespmem:$0x1F80] =	vst v63  }
0x92: {  	_ =	swait.ge [sflag:s14], $0x40  }
0x93: {  	s24 =	simm.s32 $0x400;
	s23 =	simm.s32 $0x200;
	[sflag:s14] =	ssyncset.done $0x0  }
.LBB2_3:
0x94: {  	s25 =	sshra.s32 s23, $0x2  }
0x95: {  	[sflag:s14] =	ssyncadd.s32 $0xFFFFFFC0;
	s23 =	smov.u32 s24;
	s26 =	sadd.s32 $0x200, s24  }
0x96: {  	[spmem:s1] =	stream.indirect.scatter.add.f32 [tilespmem:s17], [sflag:$0x1], $0x1, s25, s16, $0xb8;
	[tilespmem:$0x1F80] =	vst v63  }
0x97: {  	p0 =	sne.s32 s24, $0x1E00;
	_ =	swait.ge [sflag:s14], $0x40  }
.Ltmp0:
0x98: {  	[sflag:s14] =	ssyncset.done $0x0;
	(pc) =	sbr.rel @p0 .LBB2_3-.Ltmp0, $4  }
0x99: {  	s24 =	sadd.s32 $0x800, s25;
	[sflag:s14] =	ssyncadd.s32 $0xFFFFFFC0  }
0x9a: {  	[spmem:s2] =	stream.indirect.scatter.add.f32 [tilespmem:s17], [sflag:$0x1], $0x1, s24, s16, $0xb8;
	[tilespmem:$0x1F80] =	vst v63  }
0x9b: {  	_ =	swait.ge [sflag:s14], $0x40  }
0x9c: {  	s24 =	smov.u32 s26;
	[sflag:s14] =	ssyncset.done $0x0  }
0x9d: {  	s23 =	sshra.s32 s23, $0x2;
	[sflag:s14] =	ssyncadd.s32 $0xFFFFFFC0  }
0x9e: {  	[spmem:s1] =	stream.indirect.scatter.add.f32 [tilespmem:s17], [sflag:$0x1], $0x1, s23, s16, $0xb8;
	[tilespmem:$0x1F80] =	vst v63  }
0x9f: {  	s22 =	sadd.s32 $0x1, s22;
	_ =	swait.ge [sflag:s14], $0x40  }
0xa0: {  	p0 =	sne.s32 s22, $0xA;
	[sflag:s14] =	ssyncset.done $0x0  }
.Ltmp1:
0xa1: {  	s23 =	sadd.s32 $0x800, s23;
	[sflag:s14] =	ssyncadd.s32 $0xFFFFFFC0;
	(pc) =	sbr.rel @p0 .LBB2_2-.Ltmp1, $4  }
0xa2: {  	[spmem:s2] =	stream.indirect.scatter.add.f32 [tilespmem:s17], [sflag:$0x1], $0x1, s23, s16, $0xb8;
	[tilespmem:$0x1F80] =	vst v63  }
0xa3: {  	_ =	swait.ge [sflag:s14], $0x40  }
0xa4: {  	[sflag:s14] =	ssyncset.done $0x0  }
0xa5: {  	[sflag:s14] =	ssyncadd.s32 $0xFFFFFFC0  }
0xa6: {  	[bflag:$0x0] =	sbarrier.arrive $0xFFFF  }
0xa7: {  	[hbm:s10@s20], [sflag:s18] =	dma.strided [spmem:s19@s21], $0x50, s14, $0x10   }
0xa8: {  	s4 =	sadd.s32 $0x1, s4;
	_ =	swait.ge [sflag:s14], $0x50  }
0xa9: {  	p0 =	sne.s32 s4, s12;
	[sflag:s14] =	ssyncset.done $0x0  }
.Ltmp2:
0xaa: {  	s22 =	sshrl.u32 s8, $0x3;
	[sflag:s14] =	ssyncadd.s32 $0xFFFFFFB0;
	(pc) =	sbr.rel @p0 .LBB2_1-.Ltmp2, $4  }
0xab: {  	[hbm:s11@s20], [sflag:s18] =	dma.strided [spmem:s22@s21], $0x50, s14, $0x10   }
0xac: {  	_ =	swait.ge [sflag:s14], $0x50  }
0xad: {  	[sflag:s14] =	ssyncset.done $0x0  }
0xae: {  	[sflag:s14] =	ssyncadd.s32 $0xFFFFFFB0  }
0xaf: {  	_ =	sfence.sel $0x180000  }
0xb0: {  	[bflag:$0x0] =	sbarrier.arrive $0xFFFF  }
0xb1: {  	p0 =	sne.s32 s3, $0x0;
	_ =	strace $0x90000047  }
0xb2: {  	s0 =	sadd.s32 @!p0 $0x100000, s0;
	[bflag:$0x2] =	sbarrier.arrive $0xFFFF  }
0xb3: {  	[sflag:s0] =	ssyncadd.tile.s32 @!p0 $0x1;
	_ =	shalt  }
.Lfunc_end2:
_tile_overlayer_lowered:
.L_overlay_start_2:
0xb4: {  	(tag) =	ssettag $0x2  }
0xb5: {  	s0 =	rddreg [dreg:$0x0];
	s2 =	stileid.u32  }
0xb6: {  	s1 =	rddreg [dreg:$0x1];
	p0 =	sne.s32 s2, $0x0  }
0xb7: {  	s3 =	rddreg [dreg:$0x2];
	[bflag:$0x3] =	sbarrier.arrive $0xFFFF;
	s2 =	simm.s32 @!p0 $0x1C01  }
0xb8: {  	[timem:s3], [sflag:s2] =	dma.local @!p0 [hbm:s0], s1  }
0xb9: {  	s0 =	simm.s32 @!p0 $0x1  }
0xba: {  	_ =	swait.ge @!p0 [sflag:s0], s1  }
0xbb: {  	s1 =	ssub.s32 @!p0 $0x0, s1;
	[sflag:s0] =	ssyncset.done @!p0 $0x0  }
0xbc: {  	[sflag:s0] =	ssyncadd.s32 @!p0 s1  }
0xbd: {  	[bflag:$0x3] =	sbarrier.arrive $0xFFFF  }
0xbe: {  	_ =	shalt  }

// kernel: kernel.17.cloned.1.call-start
scs
__scs_entry_jumppad:
0x0: {  	(pc) =	sbr.rel $0x88, $3  }
0x1: {  	(tag) =	ssettag $0x0;
	lr =	simm.s32 $0x1  }
0x2: {  	[smem:$0x3F97] =	sst lr;
	_ =	strace $0xD0000000  }
0x3: {  	_ = 	snop  }
0x4: {  	_ = 	snop  }
0x5: {  	_ = 	snop  }
0x6: {  	_ = 	snop  }
0x7: {  	_ = 	snop  }
__scs_overlays_trampoline_lowered:
0x8: {  	[smem:$0x3FA6] =	sst s0  }
0x9: {  	[smem:$0x3FA7] =	sst s1  }
0xa: {  	[smem:$0x3FA8] =	sst s2  }
0xb: {  	[smem:$0x3FA9] =	sst s3  }
0xc: {  	[smem:$0x3FAA] =	sst s4  }
0xd: {  	[smem:$0x3FAB] =	sst s5  }
0xe: {  	[smem:$0x3FAC] =	sst s6  }
0xf: {  	[smem:$0x3FAD] =	sst s7  }
0x10: {  	[smem:$0x3FAE] =	sst s8  }
0x11: {  	[smem:$0x3FAF] =	sst s9;
	s0 =	simm.s32 @!p0 $0x0  }
0x12: {  	s1 =	sld [smem:$0x3F95];
	s0 =	simm.s32 @p0 $0x1  }
0x13: {  	[smem:$0x3FB0] =	sst s0;
	s0 =	simm.s32 @!p1 $0x0  }
0x14: {  	s2 =	sld [smem:$0x3F94];
	s0 =	simm.s32 @p1 $0x1  }
0x15: {  	[smem:$0x3FB1] =	sst s0;
	s0 =	simm.s32 @!p2 $0x0  }
0x16: {  	s3 =	sld [smem:$0x3FDB];
	s0 =	simm.s32 @p2 $0x1  }
0x17: {  	s4 =	simm.s32 $0x1BF5;
	[smem:$0x3FB3] =	sst s0  }
0x18: {  	s0 =	sld [smem:$0x3F96];
	_ =	swait.ge [sflag:s4], $0x0  }
0x19: {  	s7 =	sld [smem:$0x3F97]  }
0x1a: {  	s8 =	sadd.s32 $0xFFFFE003, lr  }
0x1b: {  	s9 =	sadd.s32 $0xFFFFFEF7, lr;
	s5 =	simm.s32 $0xFFFFFFFF;
	p2 =	slt.u32 s8, $0xFFFFF086  }
0x1c: {  	p1 =	slt.u32 s9, $0xF7A;
	s5 =	simm.s32 @!p2 $0x0  }
0x1d: {  	s5 =	simm.s32 @p1 $0x1;
	p0 =	seq.s32 s7, s2  }
0x1e: {  	s7 =	smul.u32 @!p0 $0xF7A, s2;
	p2 =	seq.s32 @!p0 s5, $0x0  }
0x1f: {  	s9 =	smul.u32 $0xF7A, s1;
	s8 =	simm.s32 @!p0 $0x1BF5;
	p2 =	por !p2, p0  }
0x20: {  	[sflag:s8] =	ssyncset.s32 @!p0 $0xFFFFF086;
	s6 =	sadd.s32 @!p0 s3, s7;
	s7 =	simm.s32 @!p0 $0x108  }
0x21: {  	s3 =	sadd.s32 s3, s9;
	s6 =	sadd.s32 @!p0 $0x88, s6;
	s7 =	simm.s32 @p2 $0x1082  }
0x22: {  	[simem:s7], [sflag:s8] =	dma.local @!p0 [hbm:s6], $0xF7A  }
0x23: {  	s9 =	sor.u32 $0xD0000000, s2;
	s6 =	simm.s32 $0x108;
	_ =	swait.ge @!p0 [sflag:s8], $0x0  }
0x24: {  	s3 =	sadd.s32 $0x88, s3;
	s6 =	simm.s32 @!p1 $0x1082;
	[sflag:s4] =	ssyncset.s32 $0xFFFFF086  }
0x25: {  	[simem:s6], [sflag:s4] =	dma.local [hbm:s3], $0xF7A  }
0x26: {  	[smem:$0x3F97] =	sst s1;
	(tag) =	ssettag s2;
	_ =	strace s9  }
0x27: {  	s1 =	sld [smem:$0x3FA7]  }
0x28: {  	s2 =	sld [smem:$0x3FA8]  }
0x29: {  	s4 =	sld [smem:$0x3FAA]  }
0x2a: {  	p0 =	seq.s32 s5, $0x0;
	s5 =	sld [smem:$0x3FAB]  }
0x2b: {  	s6 =	sld [smem:$0x3FAC]  }
0x2c: {  	s7 =	sld [smem:$0x3FAD]  }
0x2d: {  	s3 =	simm.s32 $0x108;
	s8 =	sld [smem:$0x3FAE]  }
0x2e: {  	s3 =	simm.s32 @!p0 $0x1082;
	s9 =	sld [smem:$0x3FAF]  }
0x2f: {  	lr =	sadd.s32 s0, s3;
	s0 =	sld [smem:$0x3FA6]  }
0x30: {  	s3 =	sld [smem:$0x3FA9]  }
0x31: {  	[smem:$0x3FB2] =	sst s10  }
0x32: {  	s10 =	sld [smem:$0x3FB0];
	_ =	sdelay $0x3  }
0x33: {  	p0 =	seq.s32 s10, $0x1;
	s10 =	sld [smem:$0x3FB2];
	_ =	sdelay $0x3  }
0x34: {  	[smem:$0x3FB2] =	sst s10  }
0x35: {  	s10 =	sld [smem:$0x3FB1];
	_ =	sdelay $0x3  }
0x36: {  	p1 =	seq.s32 s10, $0x1;
	s10 =	sld [smem:$0x3FB2];
	_ =	sdelay $0x3  }
0x37: {  	[smem:$0x3FB2] =	sst s10  }
0x38: {  	s10 =	sld [smem:$0x3FB3]  }
0x39: {  	_ = 	snop;
	(pc) =	sbr.ind lr, $3  }
0x3a: {  	_ = 	snop  }
0x3b: {  	_ = 	snop  }
0x3c: {  	p2 =	seq.s32 s10, $0x1;
	s10 =	sld [smem:$0x3FB2]  }
0x3d: {  	_ =	shalt  }
0x3e: {  	_ =	shalt  }
0x3f: {  	_ =	shalt  }
0x40: {  	_ =	shalt  }
0x41: {  	_ =	shalt  }
0x42: {  	_ =	shalt  }
0x43: {  	_ =	shalt  }
0x44: {  	_ =	shalt  }
0x45: {  	_ =	shalt  }
0x46: {  	_ =	shalt  }
0x47: {  	_ =	shalt  }
0x48: {  	_ =	shalt  }
0x49: {  	_ =	shalt  }
0x4a: {  	_ =	shalt  }
0x4b: {  	_ =	shalt  }
0x4c: {  	_ =	shalt  }
0x4d: {  	_ =	shalt  }
0x4e: {  	_ =	shalt  }
0x4f: {  	_ =	shalt  }
0x50: {  	_ =	shalt  }
0x51: {  	_ =	shalt  }
0x52: {  	_ =	shalt  }
0x53: {  	_ =	shalt  }
0x54: {  	_ =	shalt  }
0x55: {  	_ =	shalt  }
0x56: {  	_ =	shalt  }
0x57: {  	_ =	shalt  }
0x58: {  	_ =	shalt  }
0x59: {  	_ =	shalt  }
0x5a: {  	_ =	shalt  }
0x5b: {  	_ =	shalt  }
0x5c: {  	_ =	shalt  }
0x5d: {  	_ =	shalt  }
0x5e: {  	_ =	shalt  }
0x5f: {  	_ =	shalt  }
0x60: {  	_ =	shalt  }
0x61: {  	_ =	shalt  }
0x62: {  	_ =	shalt  }
0x63: {  	_ =	shalt  }
0x64: {  	_ =	shalt  }
0x65: {  	_ =	shalt  }
0x66: {  	_ =	shalt  }
0x67: {  	_ =	shalt  }
0x68: {  	_ =	shalt  }
0x69: {  	_ =	shalt  }
0x6a: {  	_ =	shalt  }
0x6b: {  	_ =	shalt  }
0x6c: {  	_ =	shalt  }
0x6d: {  	_ =	shalt  }
0x6e: {  	_ =	shalt  }
0x6f: {  	_ =	shalt  }
0x70: {  	_ =	shalt  }
0x71: {  	_ =	shalt  }
0x72: {  	_ =	shalt  }
0x73: {  	_ =	shalt  }
0x74: {  	_ =	shalt  }
0x75: {  	_ =	shalt  }
0x76: {  	_ =	shalt  }
0x77: {  	_ =	shalt  }
0x78: {  	_ =	shalt  }
0x79: {  	_ =	shalt  }
0x7a: {  	_ =	shalt  }
0x7b: {  	_ =	shalt  }
0x7c: {  	_ =	shalt  }
0x7d: {  	_ =	shalt  }
0x7e: {  	_ =	shalt  }
0x7f: {  	_ =	shalt  }
0x80: {  	_ =	shalt  }
0x81: {  	_ =	shalt  }
0x82: {  	_ =	shalt  }
0x83: {  	_ =	shalt  }
0x84: {  	_ =	shalt  }
0x85: {  	_ =	shalt  }
0x86: {  	_ =	shalt  }
0x87: {  	_ =	shalt  }
.Lfunc_end0:
.L_simem_size_0:
called_computation.1_lowered:
.L_overlay_start_0:
0x88: {  	s2 =	sld [smem:$0x3FD9]  }
0x89: {  	s3 =	sld [smem:$0x3FFE];
	_ =	sdelay $0x1  }
0x8a: {  	s1 =	srdreg.scid  }
0x8b: {  	s0 =	sand.u32 $0x1, s1  }
0x8c: {  	s16 =	sshll.u32 s0, $0xA;
	s2 =	sadd.s32 s3, s2  }
0x8d: {  	s2 =	sadd.s32 s2, s16  }
0x8e: {  	[smem:$0x3FBE] =	sst s2  }
0x8f: {  	_ = 	snop  }
0x90: {  	(tm) =	ssettm $0x1  }
0x91: {  	s17 =	sld [smem:$0x3FFB];
	_ =	sdelay $0x3  }
0x92: {  	_ =	strace s17  }
0x93: {  	s2 =	sld [smem:$0x3FFC];
	_ =	sdelay $0x3  }
0x94: {  	_ =	strace s2  }
0x95: {  	s2 =	sld [smem:$0x3FFD];
	_ =	sdelay $0x3  }
0x96: {  	_ =	strace s2  }
0x97: {  	_ =	strace $0x8FFFFFFF  }
0x98: {  	s18 =	sld [smem:$0x3FDB];
	_ =	sdelay $0x1  }
0x99: {  	s19 =	simm.s32 $_scs_section_size  }
0x9a: {  	s4 =	simm.s32 $_size__tile_overlayer_lowered;
	s5 =	simm.s32 $_tile_overlayer_lowered  }
0x9b: {  	s22 =	simm.s32 $0x1BFF;
	s21 =	sshll.u32 s5, $0x1;
	s2 =	sadd.s32 s19, s18  }
0x9c: {  	s6 =	simm.s32 $0x0;
	s20 =	sshll.u32 s4, $0x1;
	s4 =	sadd.s32 s21, s2  }
0x9d: {  	[timem:s6], [sflag:s22] =	dma.local [hbm:s4], s20  }
0x9e: {  	_ =	swait.ge [sflag:s22], s20  }
0x9f: {  	s3 =	ssub.s32 $0x0, s20;
	[sflag:s22] =	ssyncset.done $0x0  }
0xa0: {  	[sflag:s22] =	ssyncadd.s32 s3;
	_ =	sdelay $0x1  }
0xa1: {  	s23 =	simm.s32 $0x1B8B  }
0xa2: {  	_ =	swait.ge [sflag:s23], $0x1  }
0xa3: {  	[sflag:s23] =	ssyncset.done $0x0  }
0xa4: {  	s25 =	simm.s32 $0x1B8E;
	s24 =	sld [smem:$0x3FFE];
	[sflag:s23] =	ssyncadd.s32 $0xFFFFFFFF  }
0xa5: {  	s26 =	simm.s32 $execute0_lowered;
	[smem:$0x3FD2] =	sst s25  }
0xa6: {  	s4 =	sshll.u32 s26, $0x1;
	_ =	strace $0x80000049;
	[dreg:$0x1] =	wrdreg $0xFFFFFFFF  }
0xa7: {  	s28 =	simm.s32 $_size_execute0_lowered;
	s2 =	sadd.s32 s2, s4;
	[dreg:$0x0] =	wrdreg $0x0  }
0xa8: {  	s4 =	sshll.u32 s28, $0x1;
	[dreg:$0x2] =	wrdreg s2  }
0xa9: {  	[dreg:$0x3] =	wrdreg s4  }
0xaa: {  	[dreg:$0x4] =	wrdreg $0xC0  }
0xab: {  	_ =	task [dreg:s6], $0x5FFFF  }
0xac: {  	[dreg:$0x1] =	wrdreg $0xFFFFFFFF  }
0xad: {  	[dreg:$0x0] =	wrdreg $0x60  }
0xae: {  	[dreg:$0x2] =	wrdreg s24  }
0xaf: {  	[dreg:$0x3] =	wrdreg $0xB0000  }
0xb0: {  	[dreg:$0x4] =	wrdreg $0x9  }
0xb1: {  	_ =	task.clear_ibuf [dreg:s6], $0x5FFFF;
	_ =	strace $0x90000049  }
0xb2: {  	s29 =	simm.s32 $0x9;
	_ =	strace $0x8000004B  }
0xb3: {  	_ =	swait.ge [sflag:s29], $0x1  }
0xb4: {  	[sflag:s29] =	ssyncadd.s32 $0xFFFFFFFF  }
0xb5: {  	_ =	strace $0x9000004B  }
0xb6: {  	_ =	sfence  }
0xb7: {  	s30 =	sld [smem:$0x0];
	_ =	sdelay $0x2  }
0xb8: {  	s31 =	sshll.u32 s1, $0xD;
	s1 =	sshrl.u32 s1, $0x2  }
0xb9: {  	s3 =	sand.u32 $0x4000, s31;
	s1 =	sadd.s32 s1, s30  }
0xba: {  	s0 =	sor.u32 s3, s0;
	s1 =	sshll.u32 s1, $0x11  }
0xbb: {  	s0 =	sor.u32 s1, s0  }
0xbc: {  	s0 =	sadd.s32 $0x8F2B, s0  }
0xbd: {  	[sflag:s0] =	ssyncadd.remote.s32 $0x1  }
0xbe: {  	_ =	sfence.sel $0xFFFF  }
0xbf: {  	[dreg:$0x0] =	wrdreg $0xFFFFFFFF;
	(pc) =	sbr.abs _section_cstart, $3  }
0xc0: {  	[dreg:$0x1] =	wrdreg $0xFFFFFFFF  }
0xc1: {  	_ =	task.clear_ibuf [dreg:s6], $0x2FFFF;
	_ =	strace $0x9FFFFFFF  }
0xc2: {  	(tm) =	ssettm $0x7FFFFFFF  }
0xc3: {  	_ =	shalt  }
tec
execute0_lowered:
.L_overlay_start_1:
0x0: {  	(tag) =	ssettag $0x1  }
0x1: {  	s0 =	rddreg [dreg:$0x0]  }
0x2: {  	s1 =	rddreg [dreg:$0x1]  }
0x3: {  	s19 =	simm.s32 $0x0;
	s2 =	srdreg.scid;
	s3 =	stileid.u32  }
0x4: {  	s15 =	simm.s32 $0x4000;
	[smem:$0x7FF] =	sst s19;
	s4 =	sadd.s32 $0x41C00, s0  }
0x5: {  	s2 =	sand.u32 $0x1, s2;
	s7 =	smul.u32 $0x50000, s3;
	s5 =	sadd.s32 $0x19C00, s0  }
0x6: {  	s6 =	sadd.s32 $0x2DC00, s0;
	s0 =	sadd.s32 $0x90000, s0;
	s10 =	sshll.u32 s3, $0x1  }
0x7: {  	s11 =	smul.u32 $0x14000, s3;
	_ =	strace $0x8000004A;
	s8 =	ssub.s32 $0x2, s2  }
0x8: {  	s18 =	sor.u32 s2, s10;
	s2 =	smul.u32 $0x140000, s2;
	s7 =	sshrl.u32 s7, $0x2  }
0x9: {  	[dreg:$0x6] =	wrdreg s15;
	s23 =	sadd.s32 $0x4000, s11;
	s7 =	sadd.s32 s7, s1  }
0xa: {  	s9 =	sshrl.u32 s8, $0x1;
	s3 =	sadd.s32 s23, s1;
	[dreg:$0x8] =	wrdreg s7  }
0xb: {  	s26 =	sadd.s32 $0x8000, s11;
	s20 =	sadd.s32 $0x1000, s7;
	[dreg:$0xc] =	wrdreg s3  }
0xc: {  	s13 =	sadd.s32 $0xC000, s11;
	s21 =	sadd.s32 $0x2000, s7;
	[dreg:$0x9] =	wrdreg s20  }
0xd: {  	s8 =	ssub.s32 s8, s9;
	s22 =	sadd.s32 $0x3000, s7;
	[dreg:$0xa] =	wrdreg s21  }
0xe: {  	s14 =	sadd.s32 s11, s2;
	s12 =	sadd.s32 $0x5000, s7;
	[dreg:$0xb] =	wrdreg s22  }
0xf: {  	s10 =	sadd.s32 s2, s23;
	s24 =	sadd.s32 $0x6000, s7;
	[dreg:$0xd] =	wrdreg s12  }
0x10: {  	s11 =	sadd.s32 $0x10000, s11;
	s25 =	sadd.s32 $0x7000, s7;
	[dreg:$0xe] =	wrdreg s24  }
0x11: {  	s29 =	sadd.s32 s2, s26;
	s16 =	sadd.s32 $0x9000, s7;
	[dreg:$0xf] =	wrdreg s25  }
0x12: {  	s30 =	sadd.s32 s2, s13;
	s17 =	smax.u32 s8, $0x1;
	[dreg:$0x16] =	wrdreg s16  }
0x13: {  	s14 =	sshrl.u32 s14, $0x3;
	s23 =	sadd.s32 $0xD000, s7;
	[dreg:$0x19] =	wrdreg s17  }
0x14: {  	s31 =	sshrl.u32 s30, $0x3;
	s30 =	sadd.s32 $0x12000, s7;
	[dreg:$0x1c] =	wrdreg s23  }
0x15: {  	s2 =	sadd.s32 s2, s11;
	s11 =	sadd.s32 s11, s1;
	[smem:$0x7FC] =	sst s30  }
0x16: {  	s10 =	sshrl.u32 s10, $0x3;
	s14 =	sadd.s32 s0, s14;
	[dreg:$0x18] =	wrdreg s11  }
0x17: {  	s10 =	sadd.s32 s0, s10;
	[dreg:$0x10] =	wrdreg s14  }
0x18: {  	s24 =	smul.u32 $0xA0, s18;
	s18 =	sadd.s32 $0xA000, s7;
	[dreg:$0x11] =	wrdreg s10  }
0x19: {  	s22 =	sadd.s32 $0xB000, s7;
	[dreg:$0x1a] =	wrdreg s18  }
0x1a: {  	s28 =	simm.s32 $0x0;
	s25 =	sadd.s32 $0xE000, s7;
	[dreg:$0x1b] =	wrdreg s22  }
0x1b: {  	s20 =	sadd.s32 s26, s1;
	s26 =	sadd.s32 $0xF000, s7;
	[dreg:$0x1d] =	wrdreg s25  }
0x1c: {  	s15 =	simm.s32 $0x8000;
	s9 =	simm.s32 $0xA000;
	[dreg:$0x1e] =	wrdreg s26  }
0x1d: {  	s2 =	sshrl.u32 s2, $0x3;
	s21 =	sadd.s32 s13, s1;
	[dreg:$0x15] =	wrdreg s20  }
0x1e: {  	s12 =	simm.s32 $0x1;
	s14 =	simm.s32 $0x2000;
	[dreg:$0x17] =	wrdreg s21  }
0x1f: {  	s10 =	sshrl.u32 s29, $0x3;
	s29 =	sadd.s32 $0x11000, s7;
	[dreg:$0x5] =	wrdreg s14  }
0x20: {  	s13 =	simm.s32 $0x40;
	s10 =	sadd.s32 s0, s10;
	[dreg:$0x1f] =	wrdreg s29  }
0x21: {  	s16 =	simm.s32 $0x2;
	[dreg:$0x12] =	wrdreg s10;
	s10 =	sadd.s32 s0, s31  }
0x22: {  	s17 =	simm.s32 $0x3;
	s0 =	sadd.s32 s0, s2;
	[dreg:$0x13] =	wrdreg s10  }
0x23: {  	s18 =	simm.s32 $0x4;
	s31 =	sadd.s32 $0x13000, s7;
	[dreg:$0x14] =	wrdreg s0  }
0x24: {  	v0 =	vimm.f32 $0.0e+00;
	s14 =	simm.s32 $0x6000;
	[smem:$0x7FD] =	sst s31;
	s10 =	simm.s32 $0x9  }
.LBB2_1:
0x25: {  	[dreg:$0x7] =	wrdreg s19;
	s0 =	simm.s32 $0x0;
	s2 =	simm.s32 $0x200  }
.LBB2_2:
0x26: {  	p0 =	sne.s32 s2, $0x3E00;
	[tilespmem:s0+$0xA070] =	vst v0  }
0x27: {  	[tilespmem:s0+$0xA000] =	vst v0  }
0x28: {  	[tilespmem:s0+$0xA010] =	vst v0  }
.Ltmp0:
0x29: {  	[tilespmem:s0+$0xA020] =	vst v0;
	(pc) =	sbr.rel @p0 .LBB2_2-.Ltmp0, $4  }
0x2a: {  	[tilespmem:s0+$0xA030] =	vst v0  }
0x2b: {  	[tilespmem:s0+$0xA040] =	vst v0  }
0x2c: {  	[tilespmem:s0+$0xA050] =	vst v0  }
0x2d: {  	[tilespmem:s0+$0xA060] =	vst v0;
	s0 =	sshra.s32 s2, $0x2;
	s2 =	sadd.s32 $0x200, s2  }
0x2e: {  	[tilespmem:s0+$0xA070] =	vst v0  }
0x2f: {  	[tilespmem:s0+$0xA000] =	vst v0  }
0x30: {  	[tilespmem:s0+$0xA010] =	vst v0  }
0x31: {  	[tilespmem:s0+$0xA020] =	vst v0  }
0x32: {  	[tilespmem:s0+$0xA030] =	vst v0  }
0x33: {  	[tilespmem:s0+$0xA040] =	vst v0  }
0x34: {  	[tilespmem:s0+$0xA050] =	vst v0  }
0x35: {  	[tilespmem:s0+$0xA060] =	vst v0  }
0x36: {  	[spmem:s7] =	stream.linear.scatter [tilespmem:s9], [sflag:$0x9], $0x1000, $0x38;
	[tilespmem:$0x1F000] =	vst v63  }
0x37: {  	_ =	swait.ge [sflag:s10], $0x1000  }
0x38: {  	[sflag:s10] =	ssyncset.done $0x0  }
0x39: {  	s25 =	rddreg [dreg:$0x9];
	[sflag:s10] =	ssyncadd.s32 $0xFFFFF000  }
0x3a: {  	[spmem:s25] =	stream.linear.scatter [tilespmem:s9], [sflag:$0x9], $0x1000, $0x38;
	[tilespmem:$0x1F000] =	vst v63  }
0x3b: {  	_ =	swait.ge [sflag:s10], $0x1000  }
0x3c: {  	[sflag:s10] =	ssyncset.done $0x0  }
0x3d: {  	s26 =	rddreg [dreg:$0xa];
	[sflag:s10] =	ssyncadd.s32 $0xFFFFF000  }
0x3e: {  	[spmem:s26] =	stream.linear.scatter [tilespmem:s9], [sflag:$0x9], $0x1000, $0x38;
	[tilespmem:$0x1F000] =	vst v63  }
0x3f: {  	_ =	swait.ge [sflag:s10], $0x1000  }
0x40: {  	[sflag:s10] =	ssyncset.done $0x0  }
0x41: {  	s31 =	rddreg [dreg:$0xb];
	[sflag:s10] =	ssyncadd.s32 $0xFFFFF000  }
0x42: {  	[spmem:s31] =	stream.linear.scatter [tilespmem:s9], [sflag:$0x9], $0x1000, $0x38;
	[tilespmem:$0x1F000] =	vst v63  }
0x43: {  	_ =	swait.ge [sflag:s10], $0x1000  }
0x44: {  	[sflag:s10] =	ssyncset.done $0x0  }
0x45: {  	[sflag:s10] =	ssyncadd.s32 $0xFFFFF000  }
0x46: {  	[spmem:s3] =	stream.linear.scatter [tilespmem:s9], [sflag:$0x9], $0x1000, $0x38;
	[tilespmem:$0x1F000] =	vst v63  }
0x47: {  	_ =	swait.ge [sflag:s10], $0x1000  }
0x48: {  	[sflag:s10] =	ssyncset.done $0x0  }
0x49: {  	s2 =	rddreg [dreg:$0xd];
	[sflag:s10] =	ssyncadd.s32 $0xFFFFF000  }
0x4a: {  	[spmem:s2] =	stream.linear.scatter [tilespmem:s9], [sflag:$0x9], $0x1000, $0x38;
	[tilespmem:$0x1F000] =	vst v63  }
0x4b: {  	_ =	swait.ge [sflag:s10], $0x1000  }
0x4c: {  	[sflag:s10] =	ssyncset.done $0x0  }
0x4d: {  	s3 =	rddreg [dreg:$0xe];
	[sflag:s10] =	ssyncadd.s32 $0xFFFFF000  }
0x4e: {  	[spmem:s3] =	stream.linear.scatter [tilespmem:s9], [sflag:$0x9], $0x1000, $0x38;
	[tilespmem:$0x1F000] =	vst v63  }
0x4f: {  	_ =	swait.ge [sflag:s10], $0x1000  }
0x50: {  	[sflag:s10] =	ssyncset.done $0x0  }
0x51: {  	s7 =	rddreg [dreg:$0xf];
	[sflag:s10] =	ssyncadd.s32 $0xFFFFF000  }
0x52: {  	[spmem:s7] =	stream.linear.scatter [tilespmem:s9], [sflag:$0x9], $0x1000, $0x38;
	[tilespmem:$0x1F000] =	vst v63  }
0x53: {  	_ =	swait.ge [sflag:s10], $0x1000  }
0x54: {  	[sflag:s10] =	ssyncset.done $0x0  }
0x55: {  	[sflag:s10] =	ssyncadd.s32 $0xFFFFF000  }
0x56: {  	[spmem:s20] =	stream.linear.scatter [tilespmem:s9], [sflag:$0x9], $0x1000, $0x38;
	[tilespmem:$0x1F000] =	vst v63  }
0x57: {  	_ =	swait.ge [sflag:s10], $0x1000  }
0x58: {  	[sflag:s10] =	ssyncset.done $0x0  }
0x59: {  	s8 =	rddreg [dreg:$0x16];
	[sflag:s10] =	ssyncadd.s32 $0xFFFFF000  }
0x5a: {  	[spmem:s8] =	stream.linear.scatter [tilespmem:s9], [sflag:$0x9], $0x1000, $0x38;
	[tilespmem:$0x1F000] =	vst v63  }
0x5b: {  	_ =	swait.ge [sflag:s10], $0x1000  }
0x5c: {  	[sflag:s10] =	ssyncset.done $0x0  }
0x5d: {  	s19 =	rddreg [dreg:$0x1a];
	[sflag:s10] =	ssyncadd.s32 $0xFFFFF000  }
0x5e: {  	[spmem:s19] =	stream.linear.scatter [tilespmem:s9], [sflag:$0x9], $0x1000, $0x38;
	[tilespmem:$0x1F000] =	vst v63  }
0x5f: {  	_ =	swait.ge [sflag:s10], $0x1000  }
0x60: {  	[sflag:s10] =	ssyncset.done $0x0  }
0x61: {  	s20 =	rddreg [dreg:$0x1b];
	[sflag:s10] =	ssyncadd.s32 $0xFFFFF000  }
0x62: {  	[spmem:s20] =	stream.linear.scatter [tilespmem:s9], [sflag:$0x9], $0x1000, $0x38;
	[tilespmem:$0x1F000] =	vst v63  }
0x63: {  	_ =	swait.ge [sflag:s10], $0x1000  }
0x64: {  	[sflag:s10] =	ssyncset.done $0x0  }
0x65: {  	[sflag:s10] =	ssyncadd.s32 $0xFFFFF000  }
0x66: {  	[spmem:s21] =	stream.linear.scatter [tilespmem:s9], [sflag:$0x9], $0x1000, $0x38;
	[tilespmem:$0x1F000] =	vst v63  }
0x67: {  	_ =	swait.ge [sflag:s10], $0x1000  }
0x68: {  	[sflag:s10] =	ssyncset.done $0x0  }
0x69: {  	s21 =	rddreg [dreg:$0x1c];
	[sflag:s10] =	ssyncadd.s32 $0xFFFFF000  }
0x6a: {  	[spmem:s21] =	stream.linear.scatter [tilespmem:s9], [sflag:$0x9], $0x1000, $0x38;
	[tilespmem:$0x1F000] =	vst v63  }
0x6b: {  	_ =	swait.ge [sflag:s10], $0x1000  }
0x6c: {  	[sflag:s10] =	ssyncset.done $0x0  }
0x6d: {  	s22 =	rddreg [dreg:$0x1d];
	[sflag:s10] =	ssyncadd.s32 $0xFFFFF000  }
0x6e: {  	[spmem:s22] =	stream.linear.scatter [tilespmem:s9], [sflag:$0x9], $0x1000, $0x38;
	[tilespmem:$0x1F000] =	vst v63  }
0x6f: {  	_ =	swait.ge [sflag:s10], $0x1000  }
0x70: {  	[sflag:s10] =	ssyncset.done $0x0  }
0x71: {  	s23 =	rddreg [dreg:$0x1e];
	[sflag:s10] =	ssyncadd.s32 $0xFFFFF000  }
0x72: {  	[spmem:s23] =	stream.linear.scatter [tilespmem:s9], [sflag:$0x9], $0x1000, $0x38;
	[tilespmem:$0x1F000] =	vst v63  }
0x73: {  	_ =	swait.ge [sflag:s10], $0x1000  }
0x74: {  	[sflag:s10] =	ssyncset.done $0x0  }
0x75: {  	[sflag:s10] =	ssyncadd.s32 $0xFFFFF000  }
0x76: {  	[spmem:s11] =	stream.linear.scatter [tilespmem:s9], [sflag:$0x9], $0x1000, $0x38;
	[tilespmem:$0x1F000] =	vst v63  }
0x77: {  	_ =	swait.ge [sflag:s10], $0x1000  }
0x78: {  	[sflag:s10] =	ssyncset.done $0x0  }
0x79: {  	s25 =	rddreg [dreg:$0x1f];
	[sflag:s10] =	ssyncadd.s32 $0xFFFFF000  }
0x7a: {  	[spmem:s25] =	stream.linear.scatter [tilespmem:s9], [sflag:$0x9], $0x1000, $0x38;
	[tilespmem:$0x1F000] =	vst v63  }
0x7b: {  	_ =	swait.ge [sflag:s10], $0x1000  }
0x7c: {  	s26 =	sld [smem:$0x7FC]  }
0x7d: {  	[sflag:s10] =	ssyncset.done $0x0  }
0x7e: {  	[sflag:s10] =	ssyncadd.s32 $0xFFFFF000  }
0x7f: {  	[spmem:s26] =	stream.linear.scatter [tilespmem:s9], [sflag:$0x9], $0x1000, $0x38;
	[tilespmem:$0x1F000] =	vst v63  }
0x80: {  	_ =	swait.ge [sflag:s10], $0x1000  }
0x81: {  	s31 =	sld [smem:$0x7FD]  }
0x82: {  	[sflag:s10] =	ssyncset.done $0x0  }
0x83: {  	[sflag:s10] =	ssyncadd.s32 $0xFFFFF000  }
0x84: {  	[spmem:s31] =	stream.linear.scatter [tilespmem:s9], [sflag:$0x9], $0x1000, $0x38;
	[tilespmem:$0x1F000] =	vst v63  }
0x85: {  	_ =	swait.ge [sflag:s10], $0x1000  }
0x86: {  	[sflag:s10] =	ssyncset.done $0x0  }
0x87: {  	p0 =	por $0x0, $0x0;
	[sflag:s10] =	ssyncadd.s32 $0xFFFFF000  }
0x88: {  	s29 =	simm.s32 $0x0;
	s30 =	simm.s32 $0x0;
	[bflag:$0x0] =	sbarrier.arrive $0xFFFF  }
.LBB2_4:
0x89: {  	s0 =	simm.s32 $0x1  }
0x8a: {  	s2 =	sshll.u32 s30, $0x4;
	s0 =	simm.s32 @!p0 $0x0  }
0x8b: {  	s2 =	sadd.s32 s24, s2;
	s31 =	sshll.u32 s0, $0xB  }
0x8c: {  	s8 =	sshll.u32 s30, $0xB;
	s11 =	sshll.u32 s2, $0x4;
	s3 =	sor.u32 $0x1180, s31  }
0x8d: {  	s0 =	sand.u32 $0x800, s8;
	s7 =	sadd.s32 s5, s11;
	[dreg:$0x3] =	wrdreg s3  }
0x8e: {  	[tilespmem:s0], [sflag:$0x9] =	stream.linear.gather [hbm4b:s7+s28], $0x800, $0x38;
	[tilespmem:$0x1F000] =	vst v63  }
0x8f: {  	_ =	swait.ge [sflag:s10], $0x800  }
0x90: {  	[sflag:s10] =	ssyncset.done $0x0  }
0x91: {  	s8 =	sor.u32 $0x1000, s0;
	s19 =	sadd.s32 s6, s11;
	[sflag:s10] =	ssyncadd.s32 $0xFFFFF800  }
0x92: {  	[tilespmem:s8], [sflag:$0x9] =	stream.linear.gather [hbm4b:s19+s28], $0x800, $0x38;
	[tilespmem:$0x1F000] =	vst v63  }
0x93: {  	s20 =	sor.u32 s30, s28;
	_ =	swait.ge [sflag:s10], $0x800  }
0x94: {  	p1 =	sne.s32 s20, $0x0;
	s21 =	sor.u32 $0x100, s0;
	[sflag:s10] =	ssyncset.done $0x0  }
0x95: {  	s2 =	simm.s32 @p1 $0x5;
	[dreg:$0x4] =	wrdreg s21;
	[sflag:s10] =	ssyncadd.s32 $0xFFFFF800  }
0x96: {  	_ =	swait.ge @p1 [sflag:s2], $0x2000  }
0x97: {  	s11 =	simm.s32 @p1 $0x6;
	s8 =	sadd.s32 @p1 $0x0, s31;
	[sflag:s2] =	ssyncset.done @p1 $0x0  }
0x98: {  	s19 =	simm.s32 @p1 $0x2000;
	[sflag:s2] =	ssyncadd.s32 @p1 $0xFFFFE000;
	s2 =	simm.s32 @p1 $0x40  }
0x99: {  	[tilespmem:s19], [sflag:$0x1] =	stream.indirect.gather @p1 [hbm4b:s4+s2], $0x80, s8, s2, $0xb8;
	[tilespmem:$0x1F000] =	vst v63  }
0x9a: {  	_ =	swait.ge @p1 [sflag:s11], $0x2000  }
0x9b: {  	s8 =	sadd.s32 @p1 $0x80, s8;
	[sflag:s11] =	ssyncset.done @p1 $0x0  }
0x9c: {  	s19 =	simm.s32 @p1 $0x7;
	[sflag:s11] =	ssyncadd.s32 @p1 $0xFFFFE000;
	s11 =	simm.s32 @p1 $0x4000  }
0x9d: {  	[tilespmem:s11], [sflag:$0x2] =	stream.indirect.gather @p1 [hbm4b:s4+s2], $0x80, s8, s2, $0xb8;
	[tilespmem:$0x1F000] =	vst v63  }
0x9e: {  	_ =	swait.ge @p1 [sflag:s19], $0x2000  }
0x9f: {  	p2 =	seq.s32 s29, $0x0;
	s20 =	simm.s32 @!p1 $0x4000;
	[sflag:s19] =	ssyncset.done @p1 $0x0  }
0xa0: {  	s2 =	simm.s32 @!p1 $0x2000;
	s11 =	simm.s32 @!p1 $0x40;
	[sflag:s19] =	ssyncadd.s32 @p1 $0xFFFFE000  }
0xa1: {  	[tilespmem:s2], [sflag:$0x1] =	stream.indirect.gather @!p1 [hbm4b:s4+s11], $0x80, s0, s11, $0xb8;
	[tilespmem:$0x1F000] =	vst v63  }
0xa2: {  	s8 =	sor.u32 $0x100, s31;
	s19 =	rddreg [dreg:$0x4];
	s2 =	sor.u32 $0x80, s0  }
0xa3: {  	[tilespmem:s20], [sflag:$0x2] =	stream.indirect.gather @!p1 [hbm4b:s4+s11], $0x80, s2, s11, $0xb8;
	[tilespmem:$0x1F000] =	vst v63  }
0xa4: {  	s19 =	smov.u32 @p1 s8;
	s11 =	simm.s32 @!p2 $0x8  }
0xa5: {  	[tilespmem:s14], [sflag:$0x3] =	stream.indirect.gather [hbm4b:s4+s13], $0x80, s19, s13, $0xb8;
	[tilespmem:$0x1F000] =	vst v63  }
0xa6: {  	_ =	swait.ge @!p2 [sflag:s11], $0x2000  }
0xa7: {  	s22 =	sadd.s32 $0x0, s31;
	[sflag:s11] =	ssyncset.done @!p2 $0x0  }
0xa8: {  	s23 =	sadd.s32 $0x180, s22;
	[sflag:s11] =	ssyncadd.s32 @!p2 $0xFFFFE000  }
0xa9: {  	[tilespmem:s15], [sflag:$0x4] =	stream.indirect.gather [hbm4b:s4+s13], $0x80, s23, s13, $0xb8;
	[tilespmem:$0x1F000] =	vst v63  }
0xaa: {  	s20 =	smov.u32 s0;
	s11 =	sadd.s32 @p1 $0xFFFFFF00, s8;
	_ =	swait.ge [sflag:s12], $0x2000  }
0xab: {  	s20 =	smov.u32 @p1 s11;
	[sflag:s12] =	ssyncset.done $0x0  }
0xac: {  	s11 =	sadd.s32 $0x1000, s20;
	s21 =	rddreg [dreg:$0x5];
	[sflag:s12] =	ssyncadd.s32 $0xFFFFE000  }
0xad: {  	[spmem:s1] =	stream.indirect.scatter.add.f32 [tilespmem:s21], [sflag:$0x5], $0x80, s11, s13, $0xb8;
	[tilespmem:$0x1F000] =	vst v63  }
0xae: {  	s20 =	smov.u32 s2;
	s11 =	sadd.s32 @p1 $0xFFFFFF80, s8;
	_ =	swait.ge [sflag:s16], $0x2000  }
0xaf: {  	s20 =	smov.u32 @p1 s11;
	[sflag:s16] =	ssyncset.done $0x0  }
0xb0: {  	s25 =	rddreg [dreg:$0x6];
	s11 =	sadd.s32 $0x1000, s20;
	[sflag:s16] =	ssyncadd.s32 $0xFFFFE000  }
0xb1: {  	[spmem:s1] =	stream.indirect.scatter.add.f32 [tilespmem:s25], [sflag:$0x6], $0x80, s11, s13, $0xb8;
	[tilespmem:$0x1F000] =	vst v63  }
0xb2: {  	_ =	swait.ge [sflag:s17], $0x2000  }
0xb3: {  	[sflag:s17] =	ssyncset.done $0x0  }
0xb4: {  	s26 =	sadd.s32 $0x1000, s19;
	[sflag:s17] =	ssyncadd.s32 $0xFFFFE000  }
0xb5: {  	[spmem:s1] =	stream.indirect.scatter.add.f32 [tilespmem:s14], [sflag:$0x7], $0x80, s26, s13, $0xb8;
	[tilespmem:$0x1F000] =	vst v63  }
0xb6: {  	s19 =	simm.s32 $0x800;
	s25 =	simm.s32 $0x1;
	_ =	swait.ge [sflag:s18], $0x2000  }
0xb7: {  	s21 =	simm.s32 $0x1000;
	s11 =	sor.u32 s30, s25;
	[sflag:s18] =	ssyncset.done $0x0  }
0xb8: {  	s26 =	simm.s32 $0x0;
	s20 =	rddreg [dreg:$0x3];
	[sflag:s18] =	ssyncadd.s32 $0xFFFFE000  }
.LBB2_5:
0xb9: {  	p2 =	sne.s32 s11, $0x0  }
0xba: {  	s8 =	sadd.s32 $0x200, s8;
	s20 =	sadd.s32 s26, s20;
	s22 =	simm.s32 @p2 $0x5  }
0xbb: {  	[spmem:s1] =	stream.indirect.scatter.add.f32 [tilespmem:s15], [sflag:$0x8], $0x80, s20, s13, $0xb8;
	[tilespmem:$0x1F000] =	vst v63  }
0xbc: {  	s23 =	sshra.s32 @p2 s19, $0x2;
	s20 =	sadd.s32 @p2 $0xFFFFFF00, s8;
	_ =	swait.ge @p2 [sflag:s22], $0x2000  }
0xbd: {  	s26 =	simm.s32 @p2 $0x6;
	s3 =	simm.s32 @p2 $0x2000;
	[sflag:s22] =	ssyncset.done @p2 $0x0  }
0xbe: {  	s23 =	sadd.s32 @p2 s23, s31;
	[sflag:s22] =	ssyncadd.s32 @p2 $0xFFFFE000;
	s22 =	simm.s32 @p2 $0x40  }
0xbf: {  	[tilespmem:s3], [sflag:$0x1] =	stream.indirect.gather @p2 [hbm4b:s4+s22], $0x80, s23, s22, $0xb8;
	[tilespmem:$0x1F000] =	vst v63  }
0xc0: {  	s7 =	sadd.s32 @p2 $0x80, s23;
	s3 =	sadd.s32 @p2 $0xFFFFFF80, s8;
	s23 =	smov.u32 s0  }
0xc1: {  	_ =	swait.ge @p2 [sflag:s26], $0x2000;
	s23 =	smov.u32 @p2 s20;
	s20 =	smov.u32 s2  }
0xc2: {  	[sflag:s26] =	ssyncset.done @p2 $0x0;
	s20 =	smov.u32 @p2 s3  }
0xc3: {  	s3 =	simm.s32 @p2 $0x4000;
	[sflag:s26] =	ssyncadd.s32 @p2 $0xFFFFE000;
	s26 =	simm.s32 @p2 $0x7  }
0xc4: {  	[tilespmem:s3], [sflag:$0x2] =	stream.indirect.gather @p2 [hbm4b:s4+s22], $0x80, s7, s22, $0xb8;
	[tilespmem:$0x1F000] =	vst v63  }
0xc5: {  	_ =	swait.ge @p2 [sflag:s26], $0x2000  }
0xc6: {  	[sflag:s26] =	ssyncset.done @p2 $0x0  }
0xc7: {  	s3 =	simm.s32 @!p2 $0x2000;
	s7 =	simm.s32 @!p2 $0x40;
	[sflag:s26] =	ssyncadd.s32 @p2 $0xFFFFE000  }
0xc8: {  	[tilespmem:s3], [sflag:$0x1] =	stream.indirect.gather @!p2 [hbm4b:s4+s7], $0x80, s0, s7, $0xb8;
	[tilespmem:$0x1F000] =	vst v63  }
0xc9: {  	s22 =	rddreg [dreg:$0x4];
	s3 =	simm.s32 @!p2 $0x4000  }
0xca: {  	[tilespmem:s3], [sflag:$0x2] =	stream.indirect.gather @!p2 [hbm4b:s4+s7], $0x80, s2, s7, $0xb8;
	[tilespmem:$0x1F000] =	vst v63  }
0xcb: {  	s22 =	smov.u32 @p2 s8;
	p2 =	seq.s32 s29, s19  }
0xcc: {  	s3 =	simm.s32 @!p2 $0x8  }
0xcd: {  	[tilespmem:s14], [sflag:$0x3] =	stream.indirect.gather [hbm4b:s4+s13], $0x80, s22, s13, $0xb8;
	[tilespmem:$0x1F000] =	vst v63  }
0xce: {  	s11 =	smov.u32 s21;
	s26 =	sshra.s32 s19, $0x2;
	_ =	swait.ge @!p2 [sflag:s3], $0x2000  }
0xcf: {  	s19 =	smov.u32 s11;
	s11 =	sadd.s32 s26, s31;
	[sflag:s3] =	ssyncset.done @!p2 $0x0  }
0xd0: {  	s7 =	sadd.s32 $0x180, s11;
	[sflag:s3] =	ssyncadd.s32 @!p2 $0xFFFFE000  }
0xd1: {  	[tilespmem:s15], [sflag:$0x4] =	stream.indirect.gather [hbm4b:s4+s13], $0x80, s7, s13, $0xb8;
	[tilespmem:$0x1F000] =	vst v63  }
0xd2: {  	_ =	swait.ge [sflag:s12], $0x2000  }
0xd3: {  	[sflag:s12] =	ssyncset.done $0x0  }
0xd4: {  	s23 =	sadd.s32 $0x1000, s23;
	s11 =	rddreg [dreg:$0x5];
	[sflag:s12] =	ssyncadd.s32 $0xFFFFE000  }
0xd5: {  	[spmem:s1] =	stream.indirect.scatter.add.f32 [tilespmem:s11], [sflag:$0x5], $0x80, s23, s13, $0xb8;
	[tilespmem:$0x1F000] =	vst v63  }
0xd6: {  	_ =	swait.ge [sflag:s16], $0x2000  }
0xd7: {  	[sflag:s16] =	ssyncset.done $0x0  }
0xd8: {  	s20 =	sadd.s32 $0x1000, s20;
	s11 =	rddreg [dreg:$0x6];
	[sflag:s16] =	ssyncadd.s32 $0xFFFFE000  }
0xd9: {  	[spmem:s1] =	stream.indirect.scatter.add.f32 [tilespmem:s11], [sflag:$0x6], $0x80, s20, s13, $0xb8;
	[tilespmem:$0x1F000] =	vst v63  }
0xda: {  	s21 =	sadd.s32 $0x800, s21;
	_ =	swait.ge [sflag:s17], $0x2000  }
0xdb: {  	p1 =	sne.s32 s21, $0x2000;
	[sflag:s17] =	ssyncset.done $0x0  }
.Ltmp1:
0xdc: {  	s23 =	sadd.s32 $0x1000, s22;
	[sflag:s17] =	ssyncadd.s32 $0xFFFFE000;
	(pc) =	sbr.rel @p1 .LBB2_5-.Ltmp1, $4  }
0xdd: {  	[spmem:s1] =	stream.indirect.scatter.add.f32 [tilespmem:s14], [sflag:$0x7], $0x80, s23, s13, $0xb8;
	[tilespmem:$0x1F000] =	vst v63  }
0xde: {  	_ =	swait.ge [sflag:s18], $0x2000  }
0xdf: {  	s25 =	sadd.s32 $0x1, s25;
	[sflag:s18] =	ssyncset.done $0x0  }
0xe0: {  	s11 =	sor.u32 s30, s25;
	s20 =	rddreg [dreg:$0x3];
	[sflag:s18] =	ssyncadd.s32 $0xFFFFE000  }
0xe1: {  	p1 =	sne.s32 s11, $0x0  }
0xe2: {  	s7 =	sadd.s32 s26, s20;
	s3 =	simm.s32 @p1 $0x5  }
0xe3: {  	[spmem:s1] =	stream.indirect.scatter.add.f32 [tilespmem:s15], [sflag:$0x8], $0x80, s7, s13, $0xb8;
	[tilespmem:$0x1F000] =	vst v63  }
0xe4: {  	s7 =	sshra.s32 @p1 s19, $0x2;
	_ =	swait.ge @p1 [sflag:s3], $0x2000  }
0xe5: {  	s11 =	simm.s32 @p1 $0x6;
	s20 =	simm.s32 @p1 $0x2000;
	[sflag:s3] =	ssyncset.done @p1 $0x0  }
0xe6: {  	s7 =	sadd.s32 @p1 s7, s31;
	[sflag:s3] =	ssyncadd.s32 @p1 $0xFFFFE000;
	s3 =	simm.s32 @p1 $0x40  }
0xe7: {  	[tilespmem:s20], [sflag:$0x1] =	stream.indirect.gather @p1 [hbm4b:s4+s3], $0x80, s7, s3, $0xb8;
	[tilespmem:$0x1F000] =	vst v63  }
0xe8: {  	_ =	swait.ge @p1 [sflag:s11], $0x2000  }
0xe9: {  	s7 =	sadd.s32 @p1 $0x80, s7;
	[sflag:s11] =	ssyncset.done @p1 $0x0  }
0xea: {  	s20 =	simm.s32 @p1 $0x7;
	[sflag:s11] =	ssyncadd.s32 @p1 $0xFFFFE000;
	s11 =	simm.s32 @p1 $0x4000  }
0xeb: {  	[tilespmem:s11], [sflag:$0x2] =	stream.indirect.gather @p1 [hbm4b:s4+s3], $0x80, s7, s3, $0xb8;
	[tilespmem:$0x1F000] =	vst v63  }
0xec: {  	_ =	swait.ge @p1 [sflag:s20], $0x2000  }
0xed: {  	p2 =	seq.s32 s29, s19;
	[sflag:s20] =	ssyncset.done @p1 $0x0  }
0xee: {  	s3 =	simm.s32 @!p1 $0x2000;
	s7 =	simm.s32 @!p1 $0x40;
	[sflag:s20] =	ssyncadd.s32 @p1 $0xFFFFE000  }
0xef: {  	[tilespmem:s3], [sflag:$0x1] =	stream.indirect.gather @!p1 [hbm4b:s4+s7], $0x80, s0, s7, $0xb8;
	[tilespmem:$0x1F000] =	vst v63  }
0xf0: {  	s11 =	rddreg [dreg:$0x4];
	s3 =	sadd.s32 $0x200, s8;
	s8 =	simm.s32 @!p1 $0x4000  }
0xf1: {  	[tilespmem:s8], [sflag:$0x2] =	stream.indirect.gather @!p1 [hbm4b:s4+s7], $0x80, s2, s7, $0xb8;
	[tilespmem:$0x1F000] =	vst v63  }
0xf2: {  	s11 =	smov.u32 @p1 s3;
	s7 =	simm.s32 @!p2 $0x8  }
0xf3: {  	[tilespmem:s14], [sflag:$0x3] =	stream.indirect.gather [hbm4b:s4+s13], $0x80, s11, s13, $0xb8;
	[tilespmem:$0x1F000] =	vst v63  }
0xf4: {  	s21 =	sshra.s32 s19, $0x2;
	_ =	swait.ge @!p2 [sflag:s7], $0x2000  }
0xf5: {  	s19 =	sadd.s32 s21, s31;
	[sflag:s7] =	ssyncset.done @!p2 $0x0  }
0xf6: {  	s22 =	sadd.s32 $0x180, s19;
	[sflag:s7] =	ssyncadd.s32 @!p2 $0xFFFFE000  }
0xf7: {  	[tilespmem:s15], [sflag:$0x4] =	stream.indirect.gather [hbm4b:s4+s13], $0x80, s22, s13, $0xb8;
	[tilespmem:$0x1F000] =	vst v63  }
0xf8: {  	s7 =	sadd.s32 @p1 $0xFFFFFF00, s3;
	_ =	swait.ge [sflag:s12], $0x2000  }
0xf9: {  	s0 =	smov.u32 @p1 s7;
	[sflag:s12] =	ssyncset.done $0x0  }
0xfa: {  	s0 =	sadd.s32 $0x1000, s0;
	s23 =	rddreg [dreg:$0x5];
	[sflag:s12] =	ssyncadd.s32 $0xFFFFE000  }
0xfb: {  	[spmem:s1] =	stream.indirect.scatter.add.f32 [tilespmem:s23], [sflag:$0x5], $0x80, s0, s13, $0xb8;
	[tilespmem:$0x1F000] =	vst v63  }
0xfc: {  	s0 =	sadd.s32 @p1 $0xFFFFFF80, s3;
	_ =	swait.ge [sflag:s16], $0x2000  }
0xfd: {  	s2 =	smov.u32 @p1 s0;
	[sflag:s16] =	ssyncset.done $0x0  }
0xfe: {  	s25 =	rddreg [dreg:$0x6];
	s0 =	sadd.s32 $0x1000, s2;
	[sflag:s16] =	ssyncadd.s32 $0xFFFFE000  }
0xff: {  	[spmem:s1] =	stream.indirect.scatter.add.f32 [tilespmem:s25], [sflag:$0x6], $0x80, s0, s13, $0xb8;
	[tilespmem:$0x1F000] =	vst v63  }
0x100: {  	_ =	swait.ge [sflag:s17], $0x2000  }
0x101: {  	s30 =	sadd.s32 $0x1, s30;
	[sflag:s17] =	ssyncset.done $0x0  }
0x102: {  	s26 =	sadd.s32 $0x1000, s11;
	p1 =	sne.s32 s30, $0xA;
	[sflag:s17] =	ssyncadd.s32 $0xFFFFE000  }
0x103: {  	[spmem:s1] =	stream.indirect.scatter.add.f32 [tilespmem:s14], [sflag:$0x7], $0x80, s26, s13, $0xb8;
	[tilespmem:$0x1F000] =	vst v63  }
.Ltmp2:
0x104: {  	_ = 	snop;
	(pc) =	sbr.rel @p1 .LBB2_4-.Ltmp2, $4  }
0x105: {  	_ =	swait.ge [sflag:s18], $0x2000  }
0x106: {  	p0 =	por !p0, !p0;
	s31 =	rddreg [dreg:$0x3];
	[sflag:s18] =	ssyncset.done $0x0  }
0x107: {  	s29 =	sadd.s32 $0xFFFFE000, s29;
	[sflag:s18] =	ssyncadd.s32 $0xFFFFE000;
	s0 =	sadd.s32 s21, s31  }
0x108: {  	[spmem:s1] =	stream.indirect.scatter.add.f32 [tilespmem:s15], [sflag:$0x8], $0x80, s0, s13, $0xb8;
	[tilespmem:$0x1F000] =	vst v63  }
0x109: {  	s0 =	simm.s32 $0x5  }
0x10a: {  	_ =	swait.ge [sflag:s0], $0x2000  }
0x10b: {  	[sflag:s0] =	ssyncset.done $0x0  }
0x10c: {  	s8 =	simm.s32 $0x6;
	[sflag:s0] =	ssyncadd.s32 $0xFFFFE000  }
0x10d: {  	_ =	swait.ge [sflag:s8], $0x2000  }
0x10e: {  	[sflag:s8] =	ssyncset.done $0x0  }
0x10f: {  	s11 =	simm.s32 $0x7;
	[sflag:s8] =	ssyncadd.s32 $0xFFFFE000  }
0x110: {  	_ =	swait.ge [sflag:s11], $0x2000  }
0x111: {  	[sflag:s11] =	ssyncset.done $0x0  }
0x112: {  	s19 =	simm.s32 $0x8;
	[sflag:s11] =	ssyncadd.s32 $0xFFFFE000  }
0x113: {  	_ =	swait.ge [sflag:s19], $0x2000  }
0x114: {  	[sflag:s19] =	ssyncset.done $0x0  }
0x115: {  	[sflag:s19] =	ssyncadd.s32 $0xFFFFE000  }
0x116: {  	s20 =	stileid.u32;
	[bflag:$0x0] =	sbarrier.arrive $0xFFFF  }
0x117: {  	s0 =	sshll.u32 s20, $0x6;
	s7 =	rddreg [dreg:$0x8]  }
0x118: {  	s0 =	sor.u32 $0x1C09, s0;
	s3 =	rddreg [dreg:$0x10];
	s2 =	sshrl.u32 s7, $0x3  }
0x119: {  	[hbm:s3], [sflag:s0] =	dma.local [spmem:s2], $0x800  }
0x11a: {  	_ =	swait.ge [sflag:s10], $0x800  }
0x11b: {  	[sflag:s10] =	ssyncset.done $0x0;
	s3 =	rddreg [dreg:$0xc]  }
0x11c: {  	s8 =	rddreg [dreg:$0x11];
	[sflag:s10] =	ssyncadd.s32 $0xFFFFF800;
	s21 =	sshrl.u32 s3, $0x3  }
0x11d: {  	[hbm:s8], [sflag:s0] =	dma.local [spmem:s21], $0x800  }
0x11e: {  	_ =	swait.ge [sflag:s10], $0x800  }
0x11f: {  	[sflag:s10] =	ssyncset.done $0x0;
	s20 =	rddreg [dreg:$0x15]  }
0x120: {  	s23 =	rddreg [dreg:$0x12];
	[sflag:s10] =	ssyncadd.s32 $0xFFFFF800;
	s22 =	sshrl.u32 s20, $0x3  }
0x121: {  	[hbm:s23], [sflag:s0] =	dma.local [spmem:s22], $0x800  }
0x122: {  	_ =	swait.ge [sflag:s10], $0x800  }
0x123: {  	[sflag:s10] =	ssyncset.done $0x0;
	s21 =	rddreg [dreg:$0x17]  }
0x124: {  	s26 =	rddreg [dreg:$0x13];
	[sflag:s10] =	ssyncadd.s32 $0xFFFFF800;
	s25 =	sshrl.u32 s21, $0x3  }
0x125: {  	[hbm:s26], [sflag:s0] =	dma.local [spmem:s25], $0x800  }
0x126: {  	_ =	swait.ge [sflag:s10], $0x800  }
0x127: {  	[sflag:s10] =	ssyncset.done $0x0;
	s11 =	rddreg [dreg:$0x18]  }
0x128: {  	s30 =	rddreg [dreg:$0x14];
	[sflag:s10] =	ssyncadd.s32 $0xFFFFF800;
	s29 =	sshrl.u32 s11, $0x3  }
0x129: {  	[hbm:s30], [sflag:s0] =	dma.local [spmem:s29], $0x800  }
0x12a: {  	_ =	swait.ge [sflag:s10], $0x800  }
0x12b: {  	s19 =	rddreg [dreg:$0x7]  }
0x12c: {  	s31 =	rddreg [dreg:$0x19];
	s19 =	sadd.s32 $0x1, s19  }
0x12d: {  	p0 =	sne.s32 s19, s31  }
.Ltmp3:
0x12e: {  	_ = 	snop;
	(pc) =	sbr.rel @p0 .LBB2_1-.Ltmp3, $3  }
0x12f: {  	_ =	sdelay $0x1  }
0x130: {  	[sflag:s10] =	ssyncset.done $0x0  }
0x131: {  	[sflag:s10] =	ssyncadd.s32 $0xFFFFF800  }
0x132: {  	_ =	sfence.sel $0x180000  }
0x133: {  	[bflag:$0x0] =	sbarrier.arrive $0xFFFF  }
0x134: {  	_ =	strace $0x9000004A  }
0x135: {  	s0 =	stileid.u32;
	[bflag:$0x2] =	sbarrier.arrive $0xFFFF  }
0x136: {  	p0 =	sne.s32 s0, $0x0;
	s0 =	rddreg [dreg:$0x2]  }
0x137: {  	s0 =	sadd.s32 @!p0 $0x100000, s0  }
0x138: {  	[sflag:s0] =	ssyncadd.tile.s32 @!p0 $0x1;
	_ =	shalt  }
.Lfunc_end2:
_tile_overlayer_lowered:
.L_overlay_start_2:
0x139: {  	(tag) =	ssettag $0x2  }
0x13a: {  	s0 =	rddreg [dreg:$0x0];
	s2 =	stileid.u32  }
0x13b: {  	s1 =	rddreg [dreg:$0x1];
	p0 =	sne.s32 s2, $0x0  }
0x13c: {  	s3 =	rddreg [dreg:$0x2];
	[bflag:$0x3] =	sbarrier.arrive $0xFFFF;
	s2 =	simm.s32 @!p0 $0x1C09  }
0x13d: {  	[timem:s3], [sflag:s2] =	dma.local @!p0 [hbm:s0], s1  }
0x13e: {  	s0 =	simm.s32 @!p0 $0x9  }
0x13f: {  	_ =	swait.ge @!p0 [sflag:s0], s1  }
0x140: {  	s1 =	ssub.s32 @!p0 $0x0, s1;
	[sflag:s0] =	ssyncset.done @!p0 $0x0  }
0x141: {  	[sflag:s0] =	ssyncadd.s32 @!p0 s1  }
0x142: {  	[bflag:$0x3] =	sbarrier.arrive $0xFFFF  }
0x143: {  	_ =	shalt  }

// kernel: kernel.20.cloned.1.call-start
scs
__scs_entry_jumppad:
0x0: {  	(pc) =	sbr.rel $0x88, $3  }
0x1: {  	(tag) =	ssettag $0x0;
	lr =	simm.s32 $0x1  }
0x2: {  	[smem:$0x3F97] =	sst lr;
	_ =	strace $0xD0000000  }
0x3: {  	_ = 	snop  }
0x4: {  	_ = 	snop  }
0x5: {  	_ = 	snop  }
0x6: {  	_ = 	snop  }
0x7: {  	_ = 	snop  }
__scs_overlays_trampoline_lowered:
0x8: {  	[smem:$0x3FA6] =	sst s0  }
0x9: {  	[smem:$0x3FA7] =	sst s1  }
0xa: {  	[smem:$0x3FA8] =	sst s2  }
0xb: {  	[smem:$0x3FA9] =	sst s3  }
0xc: {  	[smem:$0x3FAA] =	sst s4  }
0xd: {  	[smem:$0x3FAB] =	sst s5  }
0xe: {  	[smem:$0x3FAC] =	sst s6  }
0xf: {  	[smem:$0x3FAD] =	sst s7  }
0x10: {  	[smem:$0x3FAE] =	sst s8  }
0x11: {  	[smem:$0x3FAF] =	sst s9;
	s0 =	simm.s32 @!p0 $0x0  }
0x12: {  	s1 =	sld [smem:$0x3F95];
	s0 =	simm.s32 @p0 $0x1  }
0x13: {  	[smem:$0x3FB0] =	sst s0;
	s0 =	simm.s32 @!p1 $0x0  }
0x14: {  	s2 =	sld [smem:$0x3F94];
	s0 =	simm.s32 @p1 $0x1  }
0x15: {  	[smem:$0x3FB1] =	sst s0;
	s0 =	simm.s32 @!p2 $0x0  }
0x16: {  	s3 =	sld [smem:$0x3FDB];
	s0 =	simm.s32 @p2 $0x1  }
0x17: {  	s4 =	simm.s32 $0x1BF5;
	[smem:$0x3FB3] =	sst s0  }
0x18: {  	s0 =	sld [smem:$0x3F96];
	_ =	swait.ge [sflag:s4], $0x0  }
0x19: {  	s7 =	sld [smem:$0x3F97]  }
0x1a: {  	s8 =	sadd.s32 $0xFFFFE003, lr  }
0x1b: {  	s9 =	sadd.s32 $0xFFFFFEF7, lr;
	s5 =	simm.s32 $0xFFFFFFFF;
	p2 =	slt.u32 s8, $0xFFFFF086  }
0x1c: {  	p1 =	slt.u32 s9, $0xF7A;
	s5 =	simm.s32 @!p2 $0x0  }
0x1d: {  	s5 =	simm.s32 @p1 $0x1;
	p0 =	seq.s32 s7, s2  }
0x1e: {  	s7 =	smul.u32 @!p0 $0xF7A, s2;
	p2 =	seq.s32 @!p0 s5, $0x0  }
0x1f: {  	s9 =	smul.u32 $0xF7A, s1;
	s8 =	simm.s32 @!p0 $0x1BF5;
	p2 =	por !p2, p0  }
0x20: {  	[sflag:s8] =	ssyncset.s32 @!p0 $0xFFFFF086;
	s6 =	sadd.s32 @!p0 s3, s7;
	s7 =	simm.s32 @!p0 $0x108  }
0x21: {  	s3 =	sadd.s32 s3, s9;
	s6 =	sadd.s32 @!p0 $0x88, s6;
	s7 =	simm.s32 @p2 $0x1082  }
0x22: {  	[simem:s7], [sflag:s8] =	dma.local @!p0 [hbm:s6], $0xF7A  }
0x23: {  	s9 =	sor.u32 $0xD0000000, s2;
	s6 =	simm.s32 $0x108;
	_ =	swait.ge @!p0 [sflag:s8], $0x0  }
0x24: {  	s3 =	sadd.s32 $0x88, s3;
	s6 =	simm.s32 @!p1 $0x1082;
	[sflag:s4] =	ssyncset.s32 $0xFFFFF086  }
0x25: {  	[simem:s6], [sflag:s4] =	dma.local [hbm:s3], $0xF7A  }
0x26: {  	[smem:$0x3F97] =	sst s1;
	(tag) =	ssettag s2;
	_ =	strace s9  }
0x27: {  	s1 =	sld [smem:$0x3FA7]  }
0x28: {  	s2 =	sld [smem:$0x3FA8]  }
0x29: {  	s4 =	sld [smem:$0x3FAA]  }
0x2a: {  	p0 =	seq.s32 s5, $0x0;
	s5 =	sld [smem:$0x3FAB]  }
0x2b: {  	s6 =	sld [smem:$0x3FAC]  }
0x2c: {  	s7 =	sld [smem:$0x3FAD]  }
0x2d: {  	s3 =	simm.s32 $0x108;
	s8 =	sld [smem:$0x3FAE]  }
0x2e: {  	s3 =	simm.s32 @!p0 $0x1082;
	s9 =	sld [smem:$0x3FAF]  }
0x2f: {  	lr =	sadd.s32 s0, s3;
	s0 =	sld [smem:$0x3FA6]  }
0x30: {  	s3 =	sld [smem:$0x3FA9]  }
0x31: {  	[smem:$0x3FB2] =	sst s10  }
0x32: {  	s10 =	sld [smem:$0x3FB0];
	_ =	sdelay $0x3  }
0x33: {  	p0 =	seq.s32 s10, $0x1;
	s10 =	sld [smem:$0x3FB2];
	_ =	sdelay $0x3  }
0x34: {  	[smem:$0x3FB2] =	sst s10  }
0x35: {  	s10 =	sld [smem:$0x3FB1];
	_ =	sdelay $0x3  }
0x36: {  	p1 =	seq.s32 s10, $0x1;
	s10 =	sld [smem:$0x3FB2];
	_ =	sdelay $0x3  }
0x37: {  	[smem:$0x3FB2] =	sst s10  }
0x38: {  	s10 =	sld [smem:$0x3FB3]  }
0x39: {  	_ = 	snop;
	(pc) =	sbr.ind lr, $3  }
0x3a: {  	_ = 	snop  }
0x3b: {  	_ = 	snop  }
0x3c: {  	p2 =	seq.s32 s10, $0x1;
	s10 =	sld [smem:$0x3FB2]  }
0x3d: {  	_ =	shalt  }
0x3e: {  	_ =	shalt  }
0x3f: {  	_ =	shalt  }
0x40: {  	_ =	shalt  }
0x41: {  	_ =	shalt  }
0x42: {  	_ =	shalt  }
0x43: {  	_ =	shalt  }
0x44: {  	_ =	shalt  }
0x45: {  	_ =	shalt  }
0x46: {  	_ =	shalt  }
0x47: {  	_ =	shalt  }
0x48: {  	_ =	shalt  }
0x49: {  	_ =	shalt  }
0x4a: {  	_ =	shalt  }
0x4b: {  	_ =	shalt  }
0x4c: {  	_ =	shalt  }
0x4d: {  	_ =	shalt  }
0x4e: {  	_ =	shalt  }
0x4f: {  	_ =	shalt  }
0x50: {  	_ =	shalt  }
0x51: {  	_ =	shalt  }
0x52: {  	_ =	shalt  }
0x53: {  	_ =	shalt  }
0x54: {  	_ =	shalt  }
0x55: {  	_ =	shalt  }
0x56: {  	_ =	shalt  }
0x57: {  	_ =	shalt  }
0x58: {  	_ =	shalt  }
0x59: {  	_ =	shalt  }
0x5a: {  	_ =	shalt  }
0x5b: {  	_ =	shalt  }
0x5c: {  	_ =	shalt  }
0x5d: {  	_ =	shalt  }
0x5e: {  	_ =	shalt  }
0x5f: {  	_ =	shalt  }
0x60: {  	_ =	shalt  }
0x61: {  	_ =	shalt  }
0x62: {  	_ =	shalt  }
0x63: {  	_ =	shalt  }
0x64: {  	_ =	shalt  }
0x65: {  	_ =	shalt  }
0x66: {  	_ =	shalt  }
0x67: {  	_ =	shalt  }
0x68: {  	_ =	shalt  }
0x69: {  	_ =	shalt  }
0x6a: {  	_ =	shalt  }
0x6b: {  	_ =	shalt  }
0x6c: {  	_ =	shalt  }
0x6d: {  	_ =	shalt  }
0x6e: {  	_ =	shalt  }
0x6f: {  	_ =	shalt  }
0x70: {  	_ =	shalt  }
0x71: {  	_ =	shalt  }
0x72: {  	_ =	shalt  }
0x73: {  	_ =	shalt  }
0x74: {  	_ =	shalt  }
0x75: {  	_ =	shalt  }
0x76: {  	_ =	shalt  }
0x77: {  	_ =	shalt  }
0x78: {  	_ =	shalt  }
0x79: {  	_ =	shalt  }
0x7a: {  	_ =	shalt  }
0x7b: {  	_ =	shalt  }
0x7c: {  	_ =	shalt  }
0x7d: {  	_ =	shalt  }
0x7e: {  	_ =	shalt  }
0x7f: {  	_ =	shalt  }
0x80: {  	_ =	shalt  }
0x81: {  	_ =	shalt  }
0x82: {  	_ =	shalt  }
0x83: {  	_ =	shalt  }
0x84: {  	_ =	shalt  }
0x85: {  	_ =	shalt  }
0x86: {  	_ =	shalt  }
0x87: {  	_ =	shalt  }
.Lfunc_end0:
.L_simem_size_0:
called_computation.2_lowered:
.L_overlay_start_0:
0x88: {  	s2 =	sld [smem:$0x3FD9]  }
0x89: {  	s3 =	sld [smem:$0x3FFE];
	_ =	sdelay $0x1  }
0x8a: {  	s1 =	srdreg.scid  }
0x8b: {  	s0 =	sand.u32 $0x1, s1  }
0x8c: {  	s16 =	sshll.u32 s0, $0xA;
	s2 =	sadd.s32 s3, s2  }
0x8d: {  	s2 =	sadd.s32 s2, s16  }
0x8e: {  	[smem:$0x3FBE] =	sst s2  }
0x8f: {  	_ = 	snop  }
0x90: {  	(tm) =	ssettm $0x1  }
0x91: {  	s17 =	sld [smem:$0x3FFB];
	_ =	sdelay $0x3  }
0x92: {  	_ =	strace s17  }
0x93: {  	s2 =	sld [smem:$0x3FFC];
	_ =	sdelay $0x3  }
0x94: {  	_ =	strace s2  }
0x95: {  	s2 =	sld [smem:$0x3FFD];
	_ =	sdelay $0x3  }
0x96: {  	_ =	strace s2  }
0x97: {  	_ =	strace $0x8FFFFFFF  }
0x98: {  	s18 =	sld [smem:$0x3FDB];
	_ =	sdelay $0x1  }
0x99: {  	s19 =	simm.s32 $_scs_section_size  }
0x9a: {  	s4 =	simm.s32 $_size__tile_overlayer_lowered;
	s5 =	simm.s32 $_tile_overlayer_lowered  }
0x9b: {  	s22 =	simm.s32 $0x1BFF;
	s21 =	sshll.u32 s5, $0x1;
	s2 =	sadd.s32 s19, s18  }
0x9c: {  	s6 =	simm.s32 $0x0;
	s20 =	sshll.u32 s4, $0x1;
	s4 =	sadd.s32 s21, s2  }
0x9d: {  	[timem:s6], [sflag:s22] =	dma.local [hbm:s4], s20  }
0x9e: {  	_ =	swait.ge [sflag:s22], s20  }
0x9f: {  	s3 =	ssub.s32 $0x0, s20;
	[sflag:s22] =	ssyncset.done $0x0  }
0xa0: {  	[sflag:s22] =	ssyncadd.s32 s3;
	_ =	sdelay $0x1  }
0xa1: {  	s23 =	simm.s32 $0x1B8B  }
0xa2: {  	_ =	swait.ge [sflag:s23], $0x1  }
0xa3: {  	[sflag:s23] =	ssyncset.done $0x0  }
0xa4: {  	s25 =	simm.s32 $0x1B8E;
	s24 =	sld [smem:$0x3FFE];
	[sflag:s23] =	ssyncadd.s32 $0xFFFFFFFF  }
0xa5: {  	s26 =	simm.s32 $execute0_lowered;
	[smem:$0x3FD2] =	sst s25  }
0xa6: {  	s4 =	sshll.u32 s26, $0x1;
	_ =	strace $0x8000004C;
	[dreg:$0x1] =	wrdreg $0xFFFFFFFF  }
0xa7: {  	s28 =	simm.s32 $_size_execute0_lowered;
	s2 =	sadd.s32 s2, s4;
	[dreg:$0x0] =	wrdreg $0x0  }
0xa8: {  	s4 =	sshll.u32 s28, $0x1;
	[dreg:$0x2] =	wrdreg s2  }
0xa9: {  	[dreg:$0x3] =	wrdreg s4  }
0xaa: {  	[dreg:$0x4] =	wrdreg $0xC0  }
0xab: {  	_ =	task [dreg:s6], $0x5FFFF  }
0xac: {  	[dreg:$0x1] =	wrdreg $0xFFFFFFFF  }
0xad: {  	[dreg:$0x0] =	wrdreg $0x60  }
0xae: {  	[dreg:$0x2] =	wrdreg s24  }
0xaf: {  	[dreg:$0x3] =	wrdreg $0xB0000  }
0xb0: {  	[dreg:$0x4] =	wrdreg $0x9  }
0xb1: {  	_ =	task.clear_ibuf [dreg:s6], $0x5FFFF;
	_ =	strace $0x9000004C  }
0xb2: {  	s29 =	simm.s32 $0x9;
	_ =	strace $0x8000004E  }
0xb3: {  	_ =	swait.ge [sflag:s29], $0x1  }
0xb4: {  	[sflag:s29] =	ssyncadd.s32 $0xFFFFFFFF  }
0xb5: {  	_ =	strace $0x9000004E  }
0xb6: {  	_ =	sfence  }
0xb7: {  	s30 =	sld [smem:$0x0];
	_ =	sdelay $0x2  }
0xb8: {  	s31 =	sshll.u32 s1, $0xD;
	s1 =	sshrl.u32 s1, $0x2  }
0xb9: {  	s3 =	sand.u32 $0x4000, s31;
	s1 =	sadd.s32 s1, s30  }
0xba: {  	s0 =	sor.u32 s3, s0;
	s1 =	sshll.u32 s1, $0x11  }
0xbb: {  	s0 =	sor.u32 s1, s0  }
0xbc: {  	s0 =	sadd.s32 $0x8F2B, s0  }
0xbd: {  	[sflag:s0] =	ssyncadd.remote.s32 $0x1  }
0xbe: {  	_ =	sfence.sel $0xFFFF  }
0xbf: {  	[dreg:$0x0] =	wrdreg $0xFFFFFFFF;
	(pc) =	sbr.abs _section_cstart, $3  }
0xc0: {  	[dreg:$0x1] =	wrdreg $0xFFFFFFFF  }
0xc1: {  	_ =	task.clear_ibuf [dreg:s6], $0x2FFFF;
	_ =	strace $0x9FFFFFFF  }
0xc2: {  	(tm) =	ssettm $0x7FFFFFFF  }
0xc3: {  	_ =	shalt  }
tec
execute0_lowered:
.L_overlay_start_1:
0x0: {  	(tag) =	ssettag $0x1  }
0x1: {  	s0 =	rddreg [dreg:$0x0]  }
0x2: {  	s1 =	rddreg [dreg:$0x1]  }
0x3: {  	s19 =	simm.s32 $0x0;
	s2 =	srdreg.scid;
	s3 =	stileid.u32  }
0x4: {  	s15 =	simm.s32 $0x4000;
	[smem:$0x7FF] =	sst s19;
	s4 =	sadd.s32 $0x41C00, s0  }
0x5: {  	s2 =	sand.u32 $0x1, s2;
	s7 =	smul.u32 $0x50000, s3;
	s5 =	sadd.s32 $0x19C00, s0  }
0x6: {  	s6 =	sadd.s32 $0x2DC00, s0;
	s0 =	sadd.s32 $0xB7200, s0;
	s10 =	sshll.u32 s3, $0x1  }
0x7: {  	s11 =	smul.u32 $0x14000, s3;
	_ =	strace $0x8000004D;
	s8 =	ssub.s32 $0x2, s2  }
0x8: {  	s18 =	sor.u32 s2, s10;
	s2 =	smul.u32 $0x140000, s2;
	s7 =	sshrl.u32 s7, $0x2  }
0x9: {  	[dreg:$0x6] =	wrdreg s15;
	s23 =	sadd.s32 $0x4000, s11;
	s7 =	sadd.s32 s7, s1  }
0xa: {  	s9 =	sshrl.u32 s8, $0x1;
	s3 =	sadd.s32 s23, s1;
	[dreg:$0x8] =	wrdreg s7  }
0xb: {  	s26 =	sadd.s32 $0x8000, s11;
	s20 =	sadd.s32 $0x1000, s7;
	[dreg:$0xc] =	wrdreg s3  }
0xc: {  	s13 =	sadd.s32 $0xC000, s11;
	s21 =	sadd.s32 $0x2000, s7;
	[dreg:$0x9] =	wrdreg s20  }
0xd: {  	s8 =	ssub.s32 s8, s9;
	s22 =	sadd.s32 $0x3000, s7;
	[dreg:$0xa] =	wrdreg s21  }
0xe: {  	s14 =	sadd.s32 s11, s2;
	s12 =	sadd.s32 $0x5000, s7;
	[dreg:$0xb] =	wrdreg s22  }
0xf: {  	s10 =	sadd.s32 s2, s23;
	s24 =	sadd.s32 $0x6000, s7;
	[dreg:$0xd] =	wrdreg s12  }
0x10: {  	s11 =	sadd.s32 $0x10000, s11;
	s25 =	sadd.s32 $0x7000, s7;
	[dreg:$0xe] =	wrdreg s24  }
0x11: {  	s29 =	sadd.s32 s2, s26;
	s16 =	sadd.s32 $0x9000, s7;
	[dreg:$0xf] =	wrdreg s25  }
0x12: {  	s30 =	sadd.s32 s2, s13;
	s17 =	smax.u32 s8, $0x1;
	[dreg:$0x16] =	wrdreg s16  }
0x13: {  	s14 =	sshrl.u32 s14, $0x3;
	s23 =	sadd.s32 $0xD000, s7;
	[dreg:$0x19] =	wrdreg s17  }
0x14: {  	s31 =	sshrl.u32 s30, $0x3;
	s30 =	sadd.s32 $0x12000, s7;
	[dreg:$0x1c] =	wrdreg s23  }
0x15: {  	s2 =	sadd.s32 s2, s11;
	s11 =	sadd.s32 s11, s1;
	[smem:$0x7FC] =	sst s30  }
0x16: {  	s10 =	sshrl.u32 s10, $0x3;
	s14 =	sadd.s32 s0, s14;
	[dreg:$0x18] =	wrdreg s11  }
0x17: {  	s10 =	sadd.s32 s0, s10;
	[dreg:$0x10] =	wrdreg s14  }
0x18: {  	s24 =	smul.u32 $0xA0, s18;
	s18 =	sadd.s32 $0xA000, s7;
	[dreg:$0x11] =	wrdreg s10  }
0x19: {  	s22 =	sadd.s32 $0xB000, s7;
	[dreg:$0x1a] =	wrdreg s18  }
0x1a: {  	s28 =	simm.s32 $0x0;
	s25 =	sadd.s32 $0xE000, s7;
	[dreg:$0x1b] =	wrdreg s22  }
0x1b: {  	s20 =	sadd.s32 s26, s1;
	s26 =	sadd.s32 $0xF000, s7;
	[dreg:$0x1d] =	wrdreg s25  }
0x1c: {  	s15 =	simm.s32 $0x8000;
	s9 =	simm.s32 $0xA000;
	[dreg:$0x1e] =	wrdreg s26  }
0x1d: {  	s2 =	sshrl.u32 s2, $0x3;
	s21 =	sadd.s32 s13, s1;
	[dreg:$0x15] =	wrdreg s20  }
0x1e: {  	s12 =	simm.s32 $0x1;
	s14 =	simm.s32 $0x2000;
	[dreg:$0x17] =	wrdreg s21  }
0x1f: {  	s10 =	sshrl.u32 s29, $0x3;
	s29 =	sadd.s32 $0x11000, s7;
	[dreg:$0x5] =	wrdreg s14  }
0x20: {  	s13 =	simm.s32 $0x40;
	s10 =	sadd.s32 s0, s10;
	[dreg:$0x1f] =	wrdreg s29  }
0x21: {  	s16 =	simm.s32 $0x2;
	[dreg:$0x12] =	wrdreg s10;
	s10 =	sadd.s32 s0, s31  }
0x22: {  	s17 =	simm.s32 $0x3;
	s0 =	sadd.s32 s0, s2;
	[dreg:$0x13] =	wrdreg s10  }
0x23: {  	s18 =	simm.s32 $0x4;
	s31 =	sadd.s32 $0x13000, s7;
	[dreg:$0x14] =	wrdreg s0  }
0x24: {  	v0 =	vimm.f32 $0.0e+00;
	s14 =	simm.s32 $0x6000;
	[smem:$0x7FD] =	sst s31;
	s10 =	simm.s32 $0x9  }
.LBB2_1:
0x25: {  	[dreg:$0x7] =	wrdreg s19;
	s0 =	simm.s32 $0x0;
	s2 =	simm.s32 $0x200  }
.LBB2_2:
0x26: {  	p0 =	sne.s32 s2, $0x3E00;
	[tilespmem:s0+$0xA070] =	vst v0  }
0x27: {  	[tilespmem:s0+$0xA000] =	vst v0  }
0x28: {  	[tilespmem:s0+$0xA010] =	vst v0  }
.Ltmp0:
0x29: {  	[tilespmem:s0+$0xA020] =	vst v0;
	(pc) =	sbr.rel @p0 .LBB2_2-.Ltmp0, $4  }
0x2a: {  	[tilespmem:s0+$0xA030] =	vst v0  }
0x2b: {  	[tilespmem:s0+$0xA040] =	vst v0  }
0x2c: {  	[tilespmem:s0+$0xA050] =	vst v0  }
0x2d: {  	[tilespmem:s0+$0xA060] =	vst v0;
	s0 =	sshra.s32 s2, $0x2;
	s2 =	sadd.s32 $0x200, s2  }
0x2e: {  	[tilespmem:s0+$0xA070] =	vst v0  }
0x2f: {  	[tilespmem:s0+$0xA000] =	vst v0  }
0x30: {  	[tilespmem:s0+$0xA010] =	vst v0  }
0x31: {  	[tilespmem:s0+$0xA020] =	vst v0  }
0x32: {  	[tilespmem:s0+$0xA030] =	vst v0  }
0x33: {  	[tilespmem:s0+$0xA040] =	vst v0  }
0x34: {  	[tilespmem:s0+$0xA050] =	vst v0  }
0x35: {  	[tilespmem:s0+$0xA060] =	vst v0  }
0x36: {  	[spmem:s7] =	stream.linear.scatter [tilespmem:s9], [sflag:$0x9], $0x1000, $0x38;
	[tilespmem:$0x1F000] =	vst v63  }
0x37: {  	_ =	swait.ge [sflag:s10], $0x1000  }
0x38: {  	[sflag:s10] =	ssyncset.done $0x0  }
0x39: {  	s25 =	rddreg [dreg:$0x9];
	[sflag:s10] =	ssyncadd.s32 $0xFFFFF000  }
0x3a: {  	[spmem:s25] =	stream.linear.scatter [tilespmem:s9], [sflag:$0x9], $0x1000, $0x38;
	[tilespmem:$0x1F000] =	vst v63  }
0x3b: {  	_ =	swait.ge [sflag:s10], $0x1000  }
0x3c: {  	[sflag:s10] =	ssyncset.done $0x0  }
0x3d: {  	s26 =	rddreg [dreg:$0xa];
	[sflag:s10] =	ssyncadd.s32 $0xFFFFF000  }
0x3e: {  	[spmem:s26] =	stream.linear.scatter [tilespmem:s9], [sflag:$0x9], $0x1000, $0x38;
	[tilespmem:$0x1F000] =	vst v63  }
0x3f: {  	_ =	swait.ge [sflag:s10], $0x1000  }
0x40: {  	[sflag:s10] =	ssyncset.done $0x0  }
0x41: {  	s31 =	rddreg [dreg:$0xb];
	[sflag:s10] =	ssyncadd.s32 $0xFFFFF000  }
0x42: {  	[spmem:s31] =	stream.linear.scatter [tilespmem:s9], [sflag:$0x9], $0x1000, $0x38;
	[tilespmem:$0x1F000] =	vst v63  }
0x43: {  	_ =	swait.ge [sflag:s10], $0x1000  }
0x44: {  	[sflag:s10] =	ssyncset.done $0x0  }
0x45: {  	[sflag:s10] =	ssyncadd.s32 $0xFFFFF000  }
0x46: {  	[spmem:s3] =	stream.linear.scatter [tilespmem:s9], [sflag:$0x9], $0x1000, $0x38;
	[tilespmem:$0x1F000] =	vst v63  }
0x47: {  	_ =	swait.ge [sflag:s10], $0x1000  }
0x48: {  	[sflag:s10] =	ssyncset.done $0x0  }
0x49: {  	s2 =	rddreg [dreg:$0xd];
	[sflag:s10] =	ssyncadd.s32 $0xFFFFF000  }
0x4a: {  	[spmem:s2] =	stream.linear.scatter [tilespmem:s9], [sflag:$0x9], $0x1000, $0x38;
	[tilespmem:$0x1F000] =	vst v63  }
0x4b: {  	_ =	swait.ge [sflag:s10], $0x1000  }
0x4c: {  	[sflag:s10] =	ssyncset.done $0x0  }
0x4d: {  	s3 =	rddreg [dreg:$0xe];
	[sflag:s10] =	ssyncadd.s32 $0xFFFFF000  }
0x4e: {  	[spmem:s3] =	stream.linear.scatter [tilespmem:s9], [sflag:$0x9], $0x1000, $0x38;
	[tilespmem:$0x1F000] =	vst v63  }
0x4f: {  	_ =	swait.ge [sflag:s10], $0x1000  }
0x50: {  	[sflag:s10] =	ssyncset.done $0x0  }
0x51: {  	s7 =	rddreg [dreg:$0xf];
	[sflag:s10] =	ssyncadd.s32 $0xFFFFF000  }
0x52: {  	[spmem:s7] =	stream.linear.scatter [tilespmem:s9], [sflag:$0x9], $0x1000, $0x38;
	[tilespmem:$0x1F000] =	vst v63  }
0x53: {  	_ =	swait.ge [sflag:s10], $0x1000  }
0x54: {  	[sflag:s10] =	ssyncset.done $0x0  }
0x55: {  	[sflag:s10] =	ssyncadd.s32 $0xFFFFF000  }
0x56: {  	[spmem:s20] =	stream.linear.scatter [tilespmem:s9], [sflag:$0x9], $0x1000, $0x38;
	[tilespmem:$0x1F000] =	vst v63  }
0x57: {  	_ =	swait.ge [sflag:s10], $0x1000  }
0x58: {  	[sflag:s10] =	ssyncset.done $0x0  }
0x59: {  	s8 =	rddreg [dreg:$0x16];
	[sflag:s10] =	ssyncadd.s32 $0xFFFFF000  }
0x5a: {  	[spmem:s8] =	stream.linear.scatter [tilespmem:s9], [sflag:$0x9], $0x1000, $0x38;
	[tilespmem:$0x1F000] =	vst v63  }
0x5b: {  	_ =	swait.ge [sflag:s10], $0x1000  }
0x5c: {  	[sflag:s10] =	ssyncset.done $0x0  }
0x5d: {  	s19 =	rddreg [dreg:$0x1a];
	[sflag:s10] =	ssyncadd.s32 $0xFFFFF000  }
0x5e: {  	[spmem:s19] =	stream.linear.scatter [tilespmem:s9], [sflag:$0x9], $0x1000, $0x38;
	[tilespmem:$0x1F000] =	vst v63  }
0x5f: {  	_ =	swait.ge [sflag:s10], $0x1000  }
0x60: {  	[sflag:s10] =	ssyncset.done $0x0  }
0x61: {  	s20 =	rddreg [dreg:$0x1b];
	[sflag:s10] =	ssyncadd.s32 $0xFFFFF000  }
0x62: {  	[spmem:s20] =	stream.linear.scatter [tilespmem:s9], [sflag:$0x9], $0x1000, $0x38;
	[tilespmem:$0x1F000] =	vst v63  }
0x63: {  	_ =	swait.ge [sflag:s10], $0x1000  }
0x64: {  	[sflag:s10] =	ssyncset.done $0x0  }
0x65: {  	[sflag:s10] =	ssyncadd.s32 $0xFFFFF000  }
0x66: {  	[spmem:s21] =	stream.linear.scatter [tilespmem:s9], [sflag:$0x9], $0x1000, $0x38;
	[tilespmem:$0x1F000] =	vst v63  }
0x67: {  	_ =	swait.ge [sflag:s10], $0x1000  }
0x68: {  	[sflag:s10] =	ssyncset.done $0x0  }
0x69: {  	s21 =	rddreg [dreg:$0x1c];
	[sflag:s10] =	ssyncadd.s32 $0xFFFFF000  }
0x6a: {  	[spmem:s21] =	stream.linear.scatter [tilespmem:s9], [sflag:$0x9], $0x1000, $0x38;
	[tilespmem:$0x1F000] =	vst v63  }
0x6b: {  	_ =	swait.ge [sflag:s10], $0x1000  }
0x6c: {  	[sflag:s10] =	ssyncset.done $0x0  }
0x6d: {  	s22 =	rddreg [dreg:$0x1d];
	[sflag:s10] =	ssyncadd.s32 $0xFFFFF000  }
0x6e: {  	[spmem:s22] =	stream.linear.scatter [tilespmem:s9], [sflag:$0x9], $0x1000, $0x38;
	[tilespmem:$0x1F000] =	vst v63  }
0x6f: {  	_ =	swait.ge [sflag:s10], $0x1000  }
0x70: {  	[sflag:s10] =	ssyncset.done $0x0  }
0x71: {  	s23 =	rddreg [dreg:$0x1e];
	[sflag:s10] =	ssyncadd.s32 $0xFFFFF000  }
0x72: {  	[spmem:s23] =	stream.linear.scatter [tilespmem:s9], [sflag:$0x9], $0x1000, $0x38;
	[tilespmem:$0x1F000] =	vst v63  }
0x73: {  	_ =	swait.ge [sflag:s10], $0x1000  }
0x74: {  	[sflag:s10] =	ssyncset.done $0x0  }
0x75: {  	[sflag:s10] =	ssyncadd.s32 $0xFFFFF000  }
0x76: {  	[spmem:s11] =	stream.linear.scatter [tilespmem:s9], [sflag:$0x9], $0x1000, $0x38;
	[tilespmem:$0x1F000] =	vst v63  }
0x77: {  	_ =	swait.ge [sflag:s10], $0x1000  }
0x78: {  	[sflag:s10] =	ssyncset.done $0x0  }
0x79: {  	s25 =	rddreg [dreg:$0x1f];
	[sflag:s10] =	ssyncadd.s32 $0xFFFFF000  }
0x7a: {  	[spmem:s25] =	stream.linear.scatter [tilespmem:s9], [sflag:$0x9], $0x1000, $0x38;
	[tilespmem:$0x1F000] =	vst v63  }
0x7b: {  	_ =	swait.ge [sflag:s10], $0x1000  }
0x7c: {  	s26 =	sld [smem:$0x7FC]  }
0x7d: {  	[sflag:s10] =	ssyncset.done $0x0  }
0x7e: {  	[sflag:s10] =	ssyncadd.s32 $0xFFFFF000  }
0x7f: {  	[spmem:s26] =	stream.linear.scatter [tilespmem:s9], [sflag:$0x9], $0x1000, $0x38;
	[tilespmem:$0x1F000] =	vst v63  }
0x80: {  	_ =	swait.ge [sflag:s10], $0x1000  }
0x81: {  	s31 =	sld [smem:$0x7FD]  }
0x82: {  	[sflag:s10] =	ssyncset.done $0x0  }
0x83: {  	[sflag:s10] =	ssyncadd.s32 $0xFFFFF000  }
0x84: {  	[spmem:s31] =	stream.linear.scatter [tilespmem:s9], [sflag:$0x9], $0x1000, $0x38;
	[tilespmem:$0x1F000] =	vst v63  }
0x85: {  	_ =	swait.ge [sflag:s10], $0x1000  }
0x86: {  	[sflag:s10] =	ssyncset.done $0x0  }
0x87: {  	p0 =	por $0x0, $0x0;
	[sflag:s10] =	ssyncadd.s32 $0xFFFFF000  }
0x88: {  	s29 =	simm.s32 $0x0;
	s30 =	simm.s32 $0x0;
	[bflag:$0x0] =	sbarrier.arrive $0xFFFF  }
.LBB2_4:
0x89: {  	s0 =	simm.s32 $0x1  }
0x8a: {  	s2 =	sshll.u32 s30, $0x4;
	s0 =	simm.s32 @!p0 $0x0  }
0x8b: {  	s2 =	sadd.s32 s24, s2;
	s31 =	sshll.u32 s0, $0xB  }
0x8c: {  	s8 =	sshll.u32 s30, $0xB;
	s11 =	sshll.u32 s2, $0x4;
	s3 =	sor.u32 $0x1180, s31  }
0x8d: {  	s0 =	sand.u32 $0x800, s8;
	s7 =	sadd.s32 s5, s11;
	[dreg:$0x3] =	wrdreg s3  }
0x8e: {  	[tilespmem:s0], [sflag:$0x9] =	stream.linear.gather [hbm4b:s7+s28], $0x800, $0x38;
	[tilespmem:$0x1F000] =	vst v63  }
0x8f: {  	_ =	swait.ge [sflag:s10], $0x800  }
0x90: {  	[sflag:s10] =	ssyncset.done $0x0  }
0x91: {  	s8 =	sor.u32 $0x1000, s0;
	s19 =	sadd.s32 s6, s11;
	[sflag:s10] =	ssyncadd.s32 $0xFFFFF800  }
0x92: {  	[tilespmem:s8], [sflag:$0x9] =	stream.linear.gather [hbm4b:s19+s28], $0x800, $0x38;
	[tilespmem:$0x1F000] =	vst v63  }
0x93: {  	s20 =	sor.u32 s30, s28;
	_ =	swait.ge [sflag:s10], $0x800  }
0x94: {  	p1 =	sne.s32 s20, $0x0;
	s21 =	sor.u32 $0x100, s0;
	[sflag:s10] =	ssyncset.done $0x0  }
0x95: {  	s2 =	simm.s32 @p1 $0x5;
	[dreg:$0x4] =	wrdreg s21;
	[sflag:s10] =	ssyncadd.s32 $0xFFFFF800  }
0x96: {  	_ =	swait.ge @p1 [sflag:s2], $0x2000  }
0x97: {  	s11 =	simm.s32 @p1 $0x6;
	s8 =	sadd.s32 @p1 $0x0, s31;
	[sflag:s2] =	ssyncset.done @p1 $0x0  }
0x98: {  	s19 =	simm.s32 @p1 $0x2000;
	[sflag:s2] =	ssyncadd.s32 @p1 $0xFFFFE000;
	s2 =	simm.s32 @p1 $0x40  }
0x99: {  	[tilespmem:s19], [sflag:$0x1] =	stream.indirect.gather @p1 [hbm4b:s4+s2], $0x80, s8, s2, $0xb8;
	[tilespmem:$0x1F000] =	vst v63  }
0x9a: {  	_ =	swait.ge @p1 [sflag:s11], $0x2000  }
0x9b: {  	s8 =	sadd.s32 @p1 $0x80, s8;
	[sflag:s11] =	ssyncset.done @p1 $0x0  }
0x9c: {  	s19 =	simm.s32 @p1 $0x7;
	[sflag:s11] =	ssyncadd.s32 @p1 $0xFFFFE000;
	s11 =	simm.s32 @p1 $0x4000  }
0x9d: {  	[tilespmem:s11], [sflag:$0x2] =	stream.indirect.gather @p1 [hbm4b:s4+s2], $0x80, s8, s2, $0xb8;
	[tilespmem:$0x1F000] =	vst v63  }
0x9e: {  	_ =	swait.ge @p1 [sflag:s19], $0x2000  }
0x9f: {  	p2 =	seq.s32 s29, $0x0;
	s20 =	simm.s32 @!p1 $0x4000;
	[sflag:s19] =	ssyncset.done @p1 $0x0  }
0xa0: {  	s2 =	simm.s32 @!p1 $0x2000;
	s11 =	simm.s32 @!p1 $0x40;
	[sflag:s19] =	ssyncadd.s32 @p1 $0xFFFFE000  }
0xa1: {  	[tilespmem:s2], [sflag:$0x1] =	stream.indirect.gather @!p1 [hbm4b:s4+s11], $0x80, s0, s11, $0xb8;
	[tilespmem:$0x1F000] =	vst v63  }
0xa2: {  	s8 =	sor.u32 $0x100, s31;
	s19 =	rddreg [dreg:$0x4];
	s2 =	sor.u32 $0x80, s0  }
0xa3: {  	[tilespmem:s20], [sflag:$0x2] =	stream.indirect.gather @!p1 [hbm4b:s4+s11], $0x80, s2, s11, $0xb8;
	[tilespmem:$0x1F000] =	vst v63  }
0xa4: {  	s19 =	smov.u32 @p1 s8;
	s11 =	simm.s32 @!p2 $0x8  }
0xa5: {  	[tilespmem:s14], [sflag:$0x3] =	stream.indirect.gather [hbm4b:s4+s13], $0x80, s19, s13, $0xb8;
	[tilespmem:$0x1F000] =	vst v63  }
0xa6: {  	_ =	swait.ge @!p2 [sflag:s11], $0x2000  }
0xa7: {  	s22 =	sadd.s32 $0x0, s31;
	[sflag:s11] =	ssyncset.done @!p2 $0x0  }
0xa8: {  	s23 =	sadd.s32 $0x180, s22;
	[sflag:s11] =	ssyncadd.s32 @!p2 $0xFFFFE000  }
0xa9: {  	[tilespmem:s15], [sflag:$0x4] =	stream.indirect.gather [hbm4b:s4+s13], $0x80, s23, s13, $0xb8;
	[tilespmem:$0x1F000] =	vst v63  }
0xaa: {  	s20 =	smov.u32 s0;
	s11 =	sadd.s32 @p1 $0xFFFFFF00, s8;
	_ =	swait.ge [sflag:s12], $0x2000  }
0xab: {  	s20 =	smov.u32 @p1 s11;
	[sflag:s12] =	ssyncset.done $0x0  }
0xac: {  	s11 =	sadd.s32 $0x1000, s20;
	s21 =	rddreg [dreg:$0x5];
	[sflag:s12] =	ssyncadd.s32 $0xFFFFE000  }
0xad: {  	[spmem:s1] =	stream.indirect.scatter.add.f32 [tilespmem:s21], [sflag:$0x5], $0x80, s11, s13, $0xb8;
	[tilespmem:$0x1F000] =	vst v63  }
0xae: {  	s20 =	smov.u32 s2;
	s11 =	sadd.s32 @p1 $0xFFFFFF80, s8;
	_ =	swait.ge [sflag:s16], $0x2000  }
0xaf: {  	s20 =	smov.u32 @p1 s11;
	[sflag:s16] =	ssyncset.done $0x0  }
0xb0: {  	s25 =	rddreg [dreg:$0x6];
	s11 =	sadd.s32 $0x1000, s20;
	[sflag:s16] =	ssyncadd.s32 $0xFFFFE000  }
0xb1: {  	[spmem:s1] =	stream.indirect.scatter.add.f32 [tilespmem:s25], [sflag:$0x6], $0x80, s11, s13, $0xb8;
	[tilespmem:$0x1F000] =	vst v63  }
0xb2: {  	_ =	swait.ge [sflag:s17], $0x2000  }
0xb3: {  	[sflag:s17] =	ssyncset.done $0x0  }
0xb4: {  	s26 =	sadd.s32 $0x1000, s19;
	[sflag:s17] =	ssyncadd.s32 $0xFFFFE000  }
0xb5: {  	[spmem:s1] =	stream.indirect.scatter.add.f32 [tilespmem:s14], [sflag:$0x7], $0x80, s26, s13, $0xb8;
	[tilespmem:$0x1F000] =	vst v63  }
0xb6: {  	s19 =	simm.s32 $0x800;
	s25 =	simm.s32 $0x1;
	_ =	swait.ge [sflag:s18], $0x2000  }
0xb7: {  	s21 =	simm.s32 $0x1000;
	s11 =	sor.u32 s30, s25;
	[sflag:s18] =	ssyncset.done $0x0  }
0xb8: {  	s26 =	simm.s32 $0x0;
	s20 =	rddreg [dreg:$0x3];
	[sflag:s18] =	ssyncadd.s32 $0xFFFFE000  }
.LBB2_5:
0xb9: {  	p2 =	sne.s32 s11, $0x0  }
0xba: {  	s8 =	sadd.s32 $0x200, s8;
	s20 =	sadd.s32 s26, s20;
	s22 =	simm.s32 @p2 $0x5  }
0xbb: {  	[spmem:s1] =	stream.indirect.scatter.add.f32 [tilespmem:s15], [sflag:$0x8], $0x80, s20, s13, $0xb8;
	[tilespmem:$0x1F000] =	vst v63  }
0xbc: {  	s23 =	sshra.s32 @p2 s19, $0x2;
	s20 =	sadd.s32 @p2 $0xFFFFFF00, s8;
	_ =	swait.ge @p2 [sflag:s22], $0x2000  }
0xbd: {  	s26 =	simm.s32 @p2 $0x6;
	s3 =	simm.s32 @p2 $0x2000;
	[sflag:s22] =	ssyncset.done @p2 $0x0  }
0xbe: {  	s23 =	sadd.s32 @p2 s23, s31;
	[sflag:s22] =	ssyncadd.s32 @p2 $0xFFFFE000;
	s22 =	simm.s32 @p2 $0x40  }
0xbf: {  	[tilespmem:s3], [sflag:$0x1] =	stream.indirect.gather @p2 [hbm4b:s4+s22], $0x80, s23, s22, $0xb8;
	[tilespmem:$0x1F000] =	vst v63  }
0xc0: {  	s7 =	sadd.s32 @p2 $0x80, s23;
	s3 =	sadd.s32 @p2 $0xFFFFFF80, s8;
	s23 =	smov.u32 s0  }
0xc1: {  	_ =	swait.ge @p2 [sflag:s26], $0x2000;
	s23 =	smov.u32 @p2 s20;
	s20 =	smov.u32 s2  }
0xc2: {  	[sflag:s26] =	ssyncset.done @p2 $0x0;
	s20 =	smov.u32 @p2 s3  }
0xc3: {  	s3 =	simm.s32 @p2 $0x4000;
	[sflag:s26] =	ssyncadd.s32 @p2 $0xFFFFE000;
	s26 =	simm.s32 @p2 $0x7  }
0xc4: {  	[tilespmem:s3], [sflag:$0x2] =	stream.indirect.gather @p2 [hbm4b:s4+s22], $0x80, s7, s22, $0xb8;
	[tilespmem:$0x1F000] =	vst v63  }
0xc5: {  	_ =	swait.ge @p2 [sflag:s26], $0x2000  }
0xc6: {  	[sflag:s26] =	ssyncset.done @p2 $0x0  }
0xc7: {  	s3 =	simm.s32 @!p2 $0x2000;
	s7 =	simm.s32 @!p2 $0x40;
	[sflag:s26] =	ssyncadd.s32 @p2 $0xFFFFE000  }
0xc8: {  	[tilespmem:s3], [sflag:$0x1] =	stream.indirect.gather @!p2 [hbm4b:s4+s7], $0x80, s0, s7, $0xb8;
	[tilespmem:$0x1F000] =	vst v63  }
0xc9: {  	s22 =	rddreg [dreg:$0x4];
	s3 =	simm.s32 @!p2 $0x4000  }
0xca: {  	[tilespmem:s3], [sflag:$0x2] =	stream.indirect.gather @!p2 [hbm4b:s4+s7], $0x80, s2, s7, $0xb8;
	[tilespmem:$0x1F000] =	vst v63  }
0xcb: {  	s22 =	smov.u32 @p2 s8;
	p2 =	seq.s32 s29, s19  }
0xcc: {  	s3 =	simm.s32 @!p2 $0x8  }
0xcd: {  	[tilespmem:s14], [sflag:$0x3] =	stream.indirect.gather [hbm4b:s4+s13], $0x80, s22, s13, $0xb8;
	[tilespmem:$0x1F000] =	vst v63  }
0xce: {  	s11 =	smov.u32 s21;
	s26 =	sshra.s32 s19, $0x2;
	_ =	swait.ge @!p2 [sflag:s3], $0x2000  }
0xcf: {  	s19 =	smov.u32 s11;
	s11 =	sadd.s32 s26, s31;
	[sflag:s3] =	ssyncset.done @!p2 $0x0  }
0xd0: {  	s7 =	sadd.s32 $0x180, s11;
	[sflag:s3] =	ssyncadd.s32 @!p2 $0xFFFFE000  }
0xd1: {  	[tilespmem:s15], [sflag:$0x4] =	stream.indirect.gather [hbm4b:s4+s13], $0x80, s7, s13, $0xb8;
	[tilespmem:$0x1F000] =	vst v63  }
0xd2: {  	_ =	swait.ge [sflag:s12], $0x2000  }
0xd3: {  	[sflag:s12] =	ssyncset.done $0x0  }
0xd4: {  	s23 =	sadd.s32 $0x1000, s23;
	s11 =	rddreg [dreg:$0x5];
	[sflag:s12] =	ssyncadd.s32 $0xFFFFE000  }
0xd5: {  	[spmem:s1] =	stream.indirect.scatter.add.f32 [tilespmem:s11], [sflag:$0x5], $0x80, s23, s13, $0xb8;
	[tilespmem:$0x1F000] =	vst v63  }
0xd6: {  	_ =	swait.ge [sflag:s16], $0x2000  }
0xd7: {  	[sflag:s16] =	ssyncset.done $0x0  }
0xd8: {  	s20 =	sadd.s32 $0x1000, s20;
	s11 =	rddreg [dreg:$0x6];
	[sflag:s16] =	ssyncadd.s32 $0xFFFFE000  }
0xd9: {  	[spmem:s1] =	stream.indirect.scatter.add.f32 [tilespmem:s11], [sflag:$0x6], $0x80, s20, s13, $0xb8;
	[tilespmem:$0x1F000] =	vst v63  }
0xda: {  	s21 =	sadd.s32 $0x800, s21;
	_ =	swait.ge [sflag:s17], $0x2000  }
0xdb: {  	p1 =	sne.s32 s21, $0x2000;
	[sflag:s17] =	ssyncset.done $0x0  }
.Ltmp1:
0xdc: {  	s23 =	sadd.s32 $0x1000, s22;
	[sflag:s17] =	ssyncadd.s32 $0xFFFFE000;
	(pc) =	sbr.rel @p1 .LBB2_5-.Ltmp1, $4  }
0xdd: {  	[spmem:s1] =	stream.indirect.scatter.add.f32 [tilespmem:s14], [sflag:$0x7], $0x80, s23, s13, $0xb8;
	[tilespmem:$0x1F000] =	vst v63  }
0xde: {  	_ =	swait.ge [sflag:s18], $0x2000  }
0xdf: {  	s25 =	sadd.s32 $0x1, s25;
	[sflag:s18] =	ssyncset.done $0x0  }
0xe0: {  	s11 =	sor.u32 s30, s25;
	s20 =	rddreg [dreg:$0x3];
	[sflag:s18] =	ssyncadd.s32 $0xFFFFE000  }
0xe1: {  	p1 =	sne.s32 s11, $0x0  }
0xe2: {  	s7 =	sadd.s32 s26, s20;
	s3 =	simm.s32 @p1 $0x5  }
0xe3: {  	[spmem:s1] =	stream.indirect.scatter.add.f32 [tilespmem:s15], [sflag:$0x8], $0x80, s7, s13, $0xb8;
	[tilespmem:$0x1F000] =	vst v63  }
0xe4: {  	s7 =	sshra.s32 @p1 s19, $0x2;
	_ =	swait.ge @p1 [sflag:s3], $0x2000  }
0xe5: {  	s11 =	simm.s32 @p1 $0x6;
	s20 =	simm.s32 @p1 $0x2000;
	[sflag:s3] =	ssyncset.done @p1 $0x0  }
0xe6: {  	s7 =	sadd.s32 @p1 s7, s31;
	[sflag:s3] =	ssyncadd.s32 @p1 $0xFFFFE000;
	s3 =	simm.s32 @p1 $0x40  }
0xe7: {  	[tilespmem:s20], [sflag:$0x1] =	stream.indirect.gather @p1 [hbm4b:s4+s3], $0x80, s7, s3, $0xb8;
	[tilespmem:$0x1F000] =	vst v63  }
0xe8: {  	_ =	swait.ge @p1 [sflag:s11], $0x2000  }
0xe9: {  	s7 =	sadd.s32 @p1 $0x80, s7;
	[sflag:s11] =	ssyncset.done @p1 $0x0  }
0xea: {  	s20 =	simm.s32 @p1 $0x7;
	[sflag:s11] =	ssyncadd.s32 @p1 $0xFFFFE000;
	s11 =	simm.s32 @p1 $0x4000  }
0xeb: {  	[tilespmem:s11], [sflag:$0x2] =	stream.indirect.gather @p1 [hbm4b:s4+s3], $0x80, s7, s3, $0xb8;
	[tilespmem:$0x1F000] =	vst v63  }
0xec: {  	_ =	swait.ge @p1 [sflag:s20], $0x2000  }
0xed: {  	p2 =	seq.s32 s29, s19;
	[sflag:s20] =	ssyncset.done @p1 $0x0  }
0xee: {  	s3 =	simm.s32 @!p1 $0x2000;
	s7 =	simm.s32 @!p1 $0x40;
	[sflag:s20] =	ssyncadd.s32 @p1 $0xFFFFE000  }
0xef: {  	[tilespmem:s3], [sflag:$0x1] =	stream.indirect.gather @!p1 [hbm4b:s4+s7], $0x80, s0, s7, $0xb8;
	[tilespmem:$0x1F000] =	vst v63  }
0xf0: {  	s11 =	rddreg [dreg:$0x4];
	s3 =	sadd.s32 $0x200, s8;
	s8 =	simm.s32 @!p1 $0x4000  }
0xf1: {  	[tilespmem:s8], [sflag:$0x2] =	stream.indirect.gather @!p1 [hbm4b:s4+s7], $0x80, s2, s7, $0xb8;
	[tilespmem:$0x1F000] =	vst v63  }
0xf2: {  	s11 =	smov.u32 @p1 s3;
	s7 =	simm.s32 @!p2 $0x8  }
0xf3: {  	[tilespmem:s14], [sflag:$0x3] =	stream.indirect.gather [hbm4b:s4+s13], $0x80, s11, s13, $0xb8;
	[tilespmem:$0x1F000] =	vst v63  }
0xf4: {  	s21 =	sshra.s32 s19, $0x2;
	_ =	swait.ge @!p2 [sflag:s7], $0x2000  }
0xf5: {  	s19 =	sadd.s32 s21, s31;
	[sflag:s7] =	ssyncset.done @!p2 $0x0  }
0xf6: {  	s22 =	sadd.s32 $0x180, s19;
	[sflag:s7] =	ssyncadd.s32 @!p2 $0xFFFFE000  }
0xf7: {  	[tilespmem:s15], [sflag:$0x4] =	stream.indirect.gather [hbm4b:s4+s13], $0x80, s22, s13, $0xb8;
	[tilespmem:$0x1F000] =	vst v63  }
0xf8: {  	s7 =	sadd.s32 @p1 $0xFFFFFF00, s3;
	_ =	swait.ge [sflag:s12], $0x2000  }
0xf9: {  	s0 =	smov.u32 @p1 s7;
	[sflag:s12] =	ssyncset.done $0x0  }
0xfa: {  	s0 =	sadd.s32 $0x1000, s0;
	s23 =	rddreg [dreg:$0x5];
	[sflag:s12] =	ssyncadd.s32 $0xFFFFE000  }
0xfb: {  	[spmem:s1] =	stream.indirect.scatter.add.f32 [tilespmem:s23], [sflag:$0x5], $0x80, s0, s13, $0xb8;
	[tilespmem:$0x1F000] =	vst v63  }
0xfc: {  	s0 =	sadd.s32 @p1 $0xFFFFFF80, s3;
	_ =	swait.ge [sflag:s16], $0x2000  }
0xfd: {  	s2 =	smov.u32 @p1 s0;
	[sflag:s16] =	ssyncset.done $0x0  }
0xfe: {  	s25 =	rddreg [dreg:$0x6];
	s0 =	sadd.s32 $0x1000, s2;
	[sflag:s16] =	ssyncadd.s32 $0xFFFFE000  }
0xff: {  	[spmem:s1] =	stream.indirect.scatter.add.f32 [tilespmem:s25], [sflag:$0x6], $0x80, s0, s13, $0xb8;
	[tilespmem:$0x1F000] =	vst v63  }
0x100: {  	_ =	swait.ge [sflag:s17], $0x2000  }
0x101: {  	s30 =	sadd.s32 $0x1, s30;
	[sflag:s17] =	ssyncset.done $0x0  }
0x102: {  	s26 =	sadd.s32 $0x1000, s11;
	p1 =	sne.s32 s30, $0xA;
	[sflag:s17] =	ssyncadd.s32 $0xFFFFE000  }
0x103: {  	[spmem:s1] =	stream.indirect.scatter.add.f32 [tilespmem:s14], [sflag:$0x7], $0x80, s26, s13, $0xb8;
	[tilespmem:$0x1F000] =	vst v63  }
.Ltmp2:
0x104: {  	_ = 	snop;
	(pc) =	sbr.rel @p1 .LBB2_4-.Ltmp2, $4  }
0x105: {  	_ =	swait.ge [sflag:s18], $0x2000  }
0x106: {  	p0 =	por !p0, !p0;
	s31 =	rddreg [dreg:$0x3];
	[sflag:s18] =	ssyncset.done $0x0  }
0x107: {  	s29 =	sadd.s32 $0xFFFFE000, s29;
	[sflag:s18] =	ssyncadd.s32 $0xFFFFE000;
	s0 =	sadd.s32 s21, s31  }
0x108: {  	[spmem:s1] =	stream.indirect.scatter.add.f32 [tilespmem:s15], [sflag:$0x8], $0x80, s0, s13, $0xb8;
	[tilespmem:$0x1F000] =	vst v63  }
0x109: {  	s0 =	simm.s32 $0x5  }
0x10a: {  	_ =	swait.ge [sflag:s0], $0x2000  }
0x10b: {  	[sflag:s0] =	ssyncset.done $0x0  }
0x10c: {  	s8 =	simm.s32 $0x6;
	[sflag:s0] =	ssyncadd.s32 $0xFFFFE000  }
0x10d: {  	_ =	swait.ge [sflag:s8], $0x2000  }
0x10e: {  	[sflag:s8] =	ssyncset.done $0x0  }
0x10f: {  	s11 =	simm.s32 $0x7;
	[sflag:s8] =	ssyncadd.s32 $0xFFFFE000  }
0x110: {  	_ =	swait.ge [sflag:s11], $0x2000  }
0x111: {  	[sflag:s11] =	ssyncset.done $0x0  }
0x112: {  	s19 =	simm.s32 $0x8;
	[sflag:s11] =	ssyncadd.s32 $0xFFFFE000  }
0x113: {  	_ =	swait.ge [sflag:s19], $0x2000  }
0x114: {  	[sflag:s19] =	ssyncset.done $0x0  }
0x115: {  	[sflag:s19] =	ssyncadd.s32 $0xFFFFE000  }
0x116: {  	s20 =	stileid.u32;
	[bflag:$0x0] =	sbarrier.arrive $0xFFFF  }
0x117: {  	s0 =	sshll.u32 s20, $0x6;
	s7 =	rddreg [dreg:$0x8]  }
0x118: {  	s0 =	sor.u32 $0x1C09, s0;
	s3 =	rddreg [dreg:$0x10];
	s2 =	sshrl.u32 s7, $0x3  }
0x119: {  	[hbm:s3], [sflag:s0] =	dma.local [spmem:s2], $0x800  }
0x11a: {  	_ =	swait.ge [sflag:s10], $0x800  }
0x11b: {  	[sflag:s10] =	ssyncset.done $0x0;
	s3 =	rddreg [dreg:$0xc]  }
0x11c: {  	s8 =	rddreg [dreg:$0x11];
	[sflag:s10] =	ssyncadd.s32 $0xFFFFF800;
	s21 =	sshrl.u32 s3, $0x3  }
0x11d: {  	[hbm:s8], [sflag:s0] =	dma.local [spmem:s21], $0x800  }
0x11e: {  	_ =	swait.ge [sflag:s10], $0x800  }
0x11f: {  	[sflag:s10] =	ssyncset.done $0x0;
	s20 =	rddreg [dreg:$0x15]  }
0x120: {  	s23 =	rddreg [dreg:$0x12];
	[sflag:s10] =	ssyncadd.s32 $0xFFFFF800;
	s22 =	sshrl.u32 s20, $0x3  }
0x121: {  	[hbm:s23], [sflag:s0] =	dma.local [spmem:s22], $0x800  }
0x122: {  	_ =	swait.ge [sflag:s10], $0x800  }
0x123: {  	[sflag:s10] =	ssyncset.done $0x0;
	s21 =	rddreg [dreg:$0x17]  }
0x124: {  	s26 =	rddreg [dreg:$0x13];
	[sflag:s10] =	ssyncadd.s32 $0xFFFFF800;
	s25 =	sshrl.u32 s21, $0x3  }
0x125: {  	[hbm:s26], [sflag:s0] =	dma.local [spmem:s25], $0x800  }
0x126: {  	_ =	swait.ge [sflag:s10], $0x800  }
0x127: {  	[sflag:s10] =	ssyncset.done $0x0;
	s11 =	rddreg [dreg:$0x18]  }
0x128: {  	s30 =	rddreg [dreg:$0x14];
	[sflag:s10] =	ssyncadd.s32 $0xFFFFF800;
	s29 =	sshrl.u32 s11, $0x3  }
0x129: {  	[hbm:s30], [sflag:s0] =	dma.local [spmem:s29], $0x800  }
0x12a: {  	_ =	swait.ge [sflag:s10], $0x800  }
0x12b: {  	s19 =	rddreg [dreg:$0x7]  }
0x12c: {  	s31 =	rddreg [dreg:$0x19];
	s19 =	sadd.s32 $0x1, s19  }
0x12d: {  	p0 =	sne.s32 s19, s31  }
.Ltmp3:
0x12e: {  	_ = 	snop;
	(pc) =	sbr.rel @p0 .LBB2_1-.Ltmp3, $3  }
0x12f: {  	_ =	sdelay $0x1  }
0x130: {  	[sflag:s10] =	ssyncset.done $0x0  }
0x131: {  	[sflag:s10] =	ssyncadd.s32 $0xFFFFF800  }
0x132: {  	_ =	sfence.sel $0x180000  }
0x133: {  	[bflag:$0x0] =	sbarrier.arrive $0xFFFF  }
0x134: {  	_ =	strace $0x9000004D  }
0x135: {  	s0 =	stileid.u32;
	[bflag:$0x2] =	sbarrier.arrive $0xFFFF  }
0x136: {  	p0 =	sne.s32 s0, $0x0;
	s0 =	rddreg [dreg:$0x2]  }
0x137: {  	s0 =	sadd.s32 @!p0 $0x100000, s0  }
0x138: {  	[sflag:s0] =	ssyncadd.tile.s32 @!p0 $0x1;
	_ =	shalt  }
.Lfunc_end2:
_tile_overlayer_lowered:
.L_overlay_start_2:
0x139: {  	(tag) =	ssettag $0x2  }
0x13a: {  	s0 =	rddreg [dreg:$0x0];
	s2 =	stileid.u32  }
0x13b: {  	s1 =	rddreg [dreg:$0x1];
	p0 =	sne.s32 s2, $0x0  }
0x13c: {  	s3 =	rddreg [dreg:$0x2];
	[bflag:$0x3] =	sbarrier.arrive $0xFFFF;
	s2 =	simm.s32 @!p0 $0x1C09  }
0x13d: {  	[timem:s3], [sflag:s2] =	dma.local @!p0 [hbm:s0], s1  }
0x13e: {  	s0 =	simm.s32 @!p0 $0x9  }
0x13f: {  	_ =	swait.ge @!p0 [sflag:s0], s1  }
0x140: {  	s1 =	ssub.s32 @!p0 $0x0, s1;
	[sflag:s0] =	ssyncset.done @!p0 $0x0  }
0x141: {  	[sflag:s0] =	ssyncadd.s32 @!p0 s1  }
0x142: {  	[bflag:$0x3] =	sbarrier.arrive $0xFFFF  }
0x143: {  	_ =	shalt  }

// kernel: kernel.23.cloned.1.call-start
scs
__scs_entry_jumppad:
0x0: {  	(pc) =	sbr.rel $0x88, $3  }
0x1: {  	(tag) =	ssettag $0x0;
	lr =	simm.s32 $0x1  }
0x2: {  	[smem:$0x3F97] =	sst lr;
	_ =	strace $0xD0000000  }
0x3: {  	_ = 	snop  }
0x4: {  	_ = 	snop  }
0x5: {  	_ = 	snop  }
0x6: {  	_ = 	snop  }
0x7: {  	_ = 	snop  }
__scs_overlays_trampoline_lowered:
0x8: {  	[smem:$0x3FA6] =	sst s0  }
0x9: {  	[smem:$0x3FA7] =	sst s1  }
0xa: {  	[smem:$0x3FA8] =	sst s2  }
0xb: {  	[smem:$0x3FA9] =	sst s3  }
0xc: {  	[smem:$0x3FAA] =	sst s4  }
0xd: {  	[smem:$0x3FAB] =	sst s5  }
0xe: {  	[smem:$0x3FAC] =	sst s6  }
0xf: {  	[smem:$0x3FAD] =	sst s7  }
0x10: {  	[smem:$0x3FAE] =	sst s8  }
0x11: {  	[smem:$0x3FAF] =	sst s9;
	s0 =	simm.s32 @!p0 $0x0  }
0x12: {  	s1 =	sld [smem:$0x3F95];
	s0 =	simm.s32 @p0 $0x1  }
0x13: {  	[smem:$0x3FB0] =	sst s0;
	s0 =	simm.s32 @!p1 $0x0  }
0x14: {  	s2 =	sld [smem:$0x3F94];
	s0 =	simm.s32 @p1 $0x1  }
0x15: {  	[smem:$0x3FB1] =	sst s0;
	s0 =	simm.s32 @!p2 $0x0  }
0x16: {  	s3 =	sld [smem:$0x3FDB];
	s0 =	simm.s32 @p2 $0x1  }
0x17: {  	s4 =	simm.s32 $0x1BF5;
	[smem:$0x3FB3] =	sst s0  }
0x18: {  	s0 =	sld [smem:$0x3F96];
	_ =	swait.ge [sflag:s4], $0x0  }
0x19: {  	s7 =	sld [smem:$0x3F97]  }
0x1a: {  	s8 =	sadd.s32 $0xFFFFE003, lr  }
0x1b: {  	s9 =	sadd.s32 $0xFFFFFEF7, lr;
	s5 =	simm.s32 $0xFFFFFFFF;
	p2 =	slt.u32 s8, $0xFFFFF086  }
0x1c: {  	p1 =	slt.u32 s9, $0xF7A;
	s5 =	simm.s32 @!p2 $0x0  }
0x1d: {  	s5 =	simm.s32 @p1 $0x1;
	p0 =	seq.s32 s7, s2  }
0x1e: {  	s7 =	smul.u32 @!p0 $0xF7A, s2;
	p2 =	seq.s32 @!p0 s5, $0x0  }
0x1f: {  	s9 =	smul.u32 $0xF7A, s1;
	s8 =	simm.s32 @!p0 $0x1BF5;
	p2 =	por !p2, p0  }
0x20: {  	[sflag:s8] =	ssyncset.s32 @!p0 $0xFFFFF086;
	s6 =	sadd.s32 @!p0 s3, s7;
	s7 =	simm.s32 @!p0 $0x108  }
0x21: {  	s3 =	sadd.s32 s3, s9;
	s6 =	sadd.s32 @!p0 $0x88, s6;
	s7 =	simm.s32 @p2 $0x1082  }
0x22: {  	[simem:s7], [sflag:s8] =	dma.local @!p0 [hbm:s6], $0xF7A  }
0x23: {  	s9 =	sor.u32 $0xD0000000, s2;
	s6 =	simm.s32 $0x108;
	_ =	swait.ge @!p0 [sflag:s8], $0x0  }
0x24: {  	s3 =	sadd.s32 $0x88, s3;
	s6 =	simm.s32 @!p1 $0x1082;
	[sflag:s4] =	ssyncset.s32 $0xFFFFF086  }
0x25: {  	[simem:s6], [sflag:s4] =	dma.local [hbm:s3], $0xF7A  }
0x26: {  	[smem:$0x3F97] =	sst s1;
	(tag) =	ssettag s2;
	_ =	strace s9  }
0x27: {  	s1 =	sld [smem:$0x3FA7]  }
0x28: {  	s2 =	sld [smem:$0x3FA8]  }
0x29: {  	s4 =	sld [smem:$0x3FAA]  }
0x2a: {  	p0 =	seq.s32 s5, $0x0;
	s5 =	sld [smem:$0x3FAB]  }
0x2b: {  	s6 =	sld [smem:$0x3FAC]  }
0x2c: {  	s7 =	sld [smem:$0x3FAD]  }
0x2d: {  	s3 =	simm.s32 $0x108;
	s8 =	sld [smem:$0x3FAE]  }
0x2e: {  	s3 =	simm.s32 @!p0 $0x1082;
	s9 =	sld [smem:$0x3FAF]  }
0x2f: {  	lr =	sadd.s32 s0, s3;
	s0 =	sld [smem:$0x3FA6]  }
0x30: {  	s3 =	sld [smem:$0x3FA9]  }
0x31: {  	[smem:$0x3FB2] =	sst s10  }
0x32: {  	s10 =	sld [smem:$0x3FB0];
	_ =	sdelay $0x3  }
0x33: {  	p0 =	seq.s32 s10, $0x1;
	s10 =	sld [smem:$0x3FB2];
	_ =	sdelay $0x3  }
0x34: {  	[smem:$0x3FB2] =	sst s10  }
0x35: {  	s10 =	sld [smem:$0x3FB1];
	_ =	sdelay $0x3  }
0x36: {  	p1 =	seq.s32 s10, $0x1;
	s10 =	sld [smem:$0x3FB2];
	_ =	sdelay $0x3  }
0x37: {  	[smem:$0x3FB2] =	sst s10  }
0x38: {  	s10 =	sld [smem:$0x3FB3]  }
0x39: {  	_ = 	snop;
	(pc) =	sbr.ind lr, $3  }
0x3a: {  	_ = 	snop  }
0x3b: {  	_ = 	snop  }
0x3c: {  	p2 =	seq.s32 s10, $0x1;
	s10 =	sld [smem:$0x3FB2]  }
0x3d: {  	_ =	shalt  }
0x3e: {  	_ =	shalt  }
0x3f: {  	_ =	shalt  }
0x40: {  	_ =	shalt  }
0x41: {  	_ =	shalt  }
0x42: {  	_ =	shalt  }
0x43: {  	_ =	shalt  }
0x44: {  	_ =	shalt  }
0x45: {  	_ =	shalt  }
0x46: {  	_ =	shalt  }
0x47: {  	_ =	shalt  }
0x48: {  	_ =	shalt  }
0x49: {  	_ =	shalt  }
0x4a: {  	_ =	shalt  }
0x4b: {  	_ =	shalt  }
0x4c: {  	_ =	shalt  }
0x4d: {  	_ =	shalt  }
0x4e: {  	_ =	shalt  }
0x4f: {  	_ =	shalt  }
0x50: {  	_ =	shalt  }
0x51: {  	_ =	shalt  }
0x52: {  	_ =	shalt  }
0x53: {  	_ =	shalt  }
0x54: {  	_ =	shalt  }
0x55: {  	_ =	shalt  }
0x56: {  	_ =	shalt  }
0x57: {  	_ =	shalt  }
0x58: {  	_ =	shalt  }
0x59: {  	_ =	shalt  }
0x5a: {  	_ =	shalt  }
0x5b: {  	_ =	shalt  }
0x5c: {  	_ =	shalt  }
0x5d: {  	_ =	shalt  }
0x5e: {  	_ =	shalt  }
0x5f: {  	_ =	shalt  }
0x60: {  	_ =	shalt  }
0x61: {  	_ =	shalt  }
0x62: {  	_ =	shalt  }
0x63: {  	_ =	shalt  }
0x64: {  	_ =	shalt  }
0x65: {  	_ =	shalt  }
0x66: {  	_ =	shalt  }
0x67: {  	_ =	shalt  }
0x68: {  	_ =	shalt  }
0x69: {  	_ =	shalt  }
0x6a: {  	_ =	shalt  }
0x6b: {  	_ =	shalt  }
0x6c: {  	_ =	shalt  }
0x6d: {  	_ =	shalt  }
0x6e: {  	_ =	shalt  }
0x6f: {  	_ =	shalt  }
0x70: {  	_ =	shalt  }
0x71: {  	_ =	shalt  }
0x72: {  	_ =	shalt  }
0x73: {  	_ =	shalt  }
0x74: {  	_ =	shalt  }
0x75: {  	_ =	shalt  }
0x76: {  	_ =	shalt  }
0x77: {  	_ =	shalt  }
0x78: {  	_ =	shalt  }
0x79: {  	_ =	shalt  }
0x7a: {  	_ =	shalt  }
0x7b: {  	_ =	shalt  }
0x7c: {  	_ =	shalt  }
0x7d: {  	_ =	shalt  }
0x7e: {  	_ =	shalt  }
0x7f: {  	_ =	shalt  }
0x80: {  	_ =	shalt  }
0x81: {  	_ =	shalt  }
0x82: {  	_ =	shalt  }
0x83: {  	_ =	shalt  }
0x84: {  	_ =	shalt  }
0x85: {  	_ =	shalt  }
0x86: {  	_ =	shalt  }
0x87: {  	_ =	shalt  }
.Lfunc_end0:
.L_simem_size_0:
called_computation.3_lowered:
.L_overlay_start_0:
0x88: {  	s2 =	sld [smem:$0x3FD9]  }
0x89: {  	s3 =	sld [smem:$0x3FFE];
	_ =	sdelay $0x1  }
0x8a: {  	s1 =	srdreg.scid  }
0x8b: {  	s0 =	sand.u32 $0x1, s1  }
0x8c: {  	s16 =	sshll.u32 s0, $0xA;
	s2 =	sadd.s32 s3, s2  }
0x8d: {  	s2 =	sadd.s32 s2, s16  }
0x8e: {  	[smem:$0x3FBE] =	sst s2  }
0x8f: {  	_ = 	snop  }
0x90: {  	(tm) =	ssettm $0x1  }
0x91: {  	s17 =	sld [smem:$0x3FFB];
	_ =	sdelay $0x3  }
0x92: {  	_ =	strace s17  }
0x93: {  	s2 =	sld [smem:$0x3FFC];
	_ =	sdelay $0x3  }
0x94: {  	_ =	strace s2  }
0x95: {  	s2 =	sld [smem:$0x3FFD];
	_ =	sdelay $0x3  }
0x96: {  	_ =	strace s2  }
0x97: {  	_ =	strace $0x8FFFFFFF  }
0x98: {  	s18 =	sld [smem:$0x3FDB];
	_ =	sdelay $0x1  }
0x99: {  	s19 =	simm.s32 $_scs_section_size  }
0x9a: {  	s4 =	simm.s32 $_size__tile_overlayer_lowered;
	s5 =	simm.s32 $_tile_overlayer_lowered  }
0x9b: {  	s22 =	simm.s32 $0x1BFF;
	s21 =	sshll.u32 s5, $0x1;
	s2 =	sadd.s32 s19, s18  }
0x9c: {  	s6 =	simm.s32 $0x0;
	s20 =	sshll.u32 s4, $0x1;
	s4 =	sadd.s32 s21, s2  }
0x9d: {  	[timem:s6], [sflag:s22] =	dma.local [hbm:s4], s20  }
0x9e: {  	_ =	swait.ge [sflag:s22], s20  }
0x9f: {  	s3 =	ssub.s32 $0x0, s20;
	[sflag:s22] =	ssyncset.done $0x0  }
0xa0: {  	[sflag:s22] =	ssyncadd.s32 s3;
	_ =	sdelay $0x1  }
0xa1: {  	s23 =	simm.s32 $0x1B8B  }
0xa2: {  	_ =	swait.ge [sflag:s23], $0x1  }
0xa3: {  	[sflag:s23] =	ssyncset.done $0x0  }
0xa4: {  	s25 =	simm.s32 $0x1B8E;
	s24 =	sld [smem:$0x3FFE];
	[sflag:s23] =	ssyncadd.s32 $0xFFFFFFFF  }
0xa5: {  	s26 =	simm.s32 $execute0_lowered;
	[smem:$0x3FD2] =	sst s25  }
0xa6: {  	s4 =	sshll.u32 s26, $0x1;
	_ =	strace $0x8000004F;
	[dreg:$0x1] =	wrdreg $0xFFFFFFFF  }
0xa7: {  	s28 =	simm.s32 $_size_execute0_lowered;
	s2 =	sadd.s32 s2, s4;
	[dreg:$0x0] =	wrdreg $0x0  }
0xa8: {  	s4 =	sshll.u32 s28, $0x1;
	[dreg:$0x2] =	wrdreg s2  }
0xa9: {  	[dreg:$0x3] =	wrdreg s4  }
0xaa: {  	[dreg:$0x4] =	wrdreg $0xC0  }
0xab: {  	_ =	task [dreg:s6], $0x5FFFF  }
0xac: {  	[dreg:$0x1] =	wrdreg $0xFFFFFFFF  }
0xad: {  	[dreg:$0x0] =	wrdreg $0x60  }
0xae: {  	[dreg:$0x2] =	wrdreg s24  }
0xaf: {  	[dreg:$0x3] =	wrdreg $0xB0000  }
0xb0: {  	[dreg:$0x4] =	wrdreg $0x9  }
0xb1: {  	_ =	task.clear_ibuf [dreg:s6], $0x5FFFF;
	_ =	strace $0x9000004F  }
0xb2: {  	s29 =	simm.s32 $0x9;
	_ =	strace $0x80000051  }
0xb3: {  	_ =	swait.ge [sflag:s29], $0x1  }
0xb4: {  	[sflag:s29] =	ssyncadd.s32 $0xFFFFFFFF  }
0xb5: {  	_ =	strace $0x90000051  }
0xb6: {  	_ =	sfence  }
0xb7: {  	s30 =	sld [smem:$0x0];
	_ =	sdelay $0x2  }
0xb8: {  	s31 =	sshll.u32 s1, $0xD;
	s1 =	sshrl.u32 s1, $0x2  }
0xb9: {  	s3 =	sand.u32 $0x4000, s31;
	s1 =	sadd.s32 s1, s30  }
0xba: {  	s0 =	sor.u32 s3, s0;
	s1 =	sshll.u32 s1, $0x11  }
0xbb: {  	s0 =	sor.u32 s1, s0  }
0xbc: {  	s0 =	sadd.s32 $0x8F2B, s0  }
0xbd: {  	[sflag:s0] =	ssyncadd.remote.s32 $0x1  }
0xbe: {  	_ =	sfence.sel $0xFFFF  }
0xbf: {  	[dreg:$0x0] =	wrdreg $0xFFFFFFFF;
	(pc) =	sbr.abs _section_cstart, $3  }
0xc0: {  	[dreg:$0x1] =	wrdreg $0xFFFFFFFF  }
0xc1: {  	_ =	task.clear_ibuf [dreg:s6], $0x2FFFF;
	_ =	strace $0x9FFFFFFF  }
0xc2: {  	(tm) =	ssettm $0x7FFFFFFF  }
0xc3: {  	_ =	shalt  }
tec
execute0_lowered:
.L_overlay_start_1:
0x0: {  	(tag) =	ssettag $0x1  }
0x1: {  	s0 =	rddreg [dreg:$0x0]  }
0x2: {  	s1 =	rddreg [dreg:$0x1]  }
0x3: {  	s19 =	simm.s32 $0x0;
	s2 =	srdreg.scid;
	s3 =	stileid.u32  }
0x4: {  	s15 =	simm.s32 $0x4000;
	[smem:$0x7FF] =	sst s19;
	s4 =	sadd.s32 $0x41C00, s0  }
0x5: {  	s2 =	sand.u32 $0x1, s2;
	s7 =	smul.u32 $0x50000, s3;
	s5 =	sadd.s32 $0x19C00, s0  }
0x6: {  	s6 =	sadd.s32 $0x2DC00, s0;
	s0 =	sadd.s32 $0xB7200, s0;
	s10 =	sshll.u32 s3, $0x1  }
0x7: {  	s11 =	smul.u32 $0x14000, s3;
	_ =	strace $0x80000050;
	s8 =	ssub.s32 $0x2, s2  }
0x8: {  	s18 =	sor.u32 s2, s10;
	s2 =	smul.u32 $0x140000, s2;
	s7 =	sshrl.u32 s7, $0x2  }
0x9: {  	[dreg:$0x6] =	wrdreg s15;
	s23 =	sadd.s32 $0x4000, s11;
	s7 =	sadd.s32 s7, s1  }
0xa: {  	s9 =	sshrl.u32 s8, $0x1;
	s3 =	sadd.s32 s23, s1;
	[dreg:$0x8] =	wrdreg s7  }
0xb: {  	s26 =	sadd.s32 $0x8000, s11;
	s20 =	sadd.s32 $0x1000, s7;
	[dreg:$0xc] =	wrdreg s3  }
0xc: {  	s13 =	sadd.s32 $0xC000, s11;
	s21 =	sadd.s32 $0x2000, s7;
	[dreg:$0x9] =	wrdreg s20  }
0xd: {  	s8 =	ssub.s32 s8, s9;
	s22 =	sadd.s32 $0x3000, s7;
	[dreg:$0xa] =	wrdreg s21  }
0xe: {  	s14 =	sadd.s32 s11, s2;
	s12 =	sadd.s32 $0x5000, s7;
	[dreg:$0xb] =	wrdreg s22  }
0xf: {  	s10 =	sadd.s32 s2, s23;
	s24 =	sadd.s32 $0x6000, s7;
	[dreg:$0xd] =	wrdreg s12  }
0x10: {  	s11 =	sadd.s32 $0x10000, s11;
	s25 =	sadd.s32 $0x7000, s7;
	[dreg:$0xe] =	wrdreg s24  }
0x11: {  	s29 =	sadd.s32 s2, s26;
	s16 =	sadd.s32 $0x9000, s7;
	[dreg:$0xf] =	wrdreg s25  }
0x12: {  	s30 =	sadd.s32 s2, s13;
	s17 =	smax.u32 s8, $0x1;
	[dreg:$0x16] =	wrdreg s16  }
0x13: {  	s14 =	sshrl.u32 s14, $0x3;
	s23 =	sadd.s32 $0xD000, s7;
	[dreg:$0x19] =	wrdreg s17  }
0x14: {  	s31 =	sshrl.u32 s30, $0x3;
	s30 =	sadd.s32 $0x12000, s7;
	[dreg:$0x1c] =	wrdreg s23  }
0x15: {  	s2 =	sadd.s32 s2, s11;
	s11 =	sadd.s32 s11, s1;
	[smem:$0x7FC] =	sst s30  }
0x16: {  	s10 =	sshrl.u32 s10, $0x3;
	s14 =	sadd.s32 s0, s14;
	[dreg:$0x18] =	wrdreg s11  }
0x17: {  	s10 =	sadd.s32 s0, s10;
	[dreg:$0x10] =	wrdreg s14  }
0x18: {  	s24 =	smul.u32 $0xA0, s18;
	s18 =	sadd.s32 $0xA000, s7;
	[dreg:$0x11] =	wrdreg s10  }
0x19: {  	s22 =	sadd.s32 $0xB000, s7;
	[dreg:$0x1a] =	wrdreg s18  }
0x1a: {  	s28 =	simm.s32 $0x0;
	s25 =	sadd.s32 $0xE000, s7;
	[dreg:$0x1b] =	wrdreg s22  }
0x1b: {  	s20 =	sadd.s32 s26, s1;
	s26 =	sadd.s32 $0xF000, s7;
	[dreg:$0x1d] =	wrdreg s25  }
0x1c: {  	s15 =	simm.s32 $0x8000;
	s9 =	simm.s32 $0xA000;
	[dreg:$0x1e] =	wrdreg s26  }
0x1d: {  	s2 =	sshrl.u32 s2, $0x3;
	s21 =	sadd.s32 s13, s1;
	[dreg:$0x15] =	wrdreg s20  }
0x1e: {  	s12 =	simm.s32 $0x1;
	s14 =	simm.s32 $0x2000;
	[dreg:$0x17] =	wrdreg s21  }
0x1f: {  	s10 =	sshrl.u32 s29, $0x3;
	s29 =	sadd.s32 $0x11000, s7;
	[dreg:$0x5] =	wrdreg s14  }
0x20: {  	s13 =	simm.s32 $0x40;
	s10 =	sadd.s32 s0, s10;
	[dreg:$0x1f] =	wrdreg s29  }
0x21: {  	s16 =	simm.s32 $0x2;
	[dreg:$0x12] =	wrdreg s10;
	s10 =	sadd.s32 s0, s31  }
0x22: {  	s17 =	simm.s32 $0x3;
	s0 =	sadd.s32 s0, s2;
	[dreg:$0x13] =	wrdreg s10  }
0x23: {  	s18 =	simm.s32 $0x4;
	s31 =	sadd.s32 $0x13000, s7;
	[dreg:$0x14] =	wrdreg s0  }
0x24: {  	v0 =	vimm.f32 $0.0e+00;
	s14 =	simm.s32 $0x6000;
	[smem:$0x7FD] =	sst s31;
	s10 =	simm.s32 $0x9  }
.LBB2_1:
0x25: {  	[dreg:$0x7] =	wrdreg s19;
	s0 =	simm.s32 $0x0;
	s2 =	simm.s32 $0x200  }
.LBB2_2:
0x26: {  	p0 =	sne.s32 s2, $0x3E00;
	[tilespmem:s0+$0xA070] =	vst v0  }
0x27: {  	[tilespmem:s0+$0xA000] =	vst v0  }
0x28: {  	[tilespmem:s0+$0xA010] =	vst v0  }
.Ltmp0:
0x29: {  	[tilespmem:s0+$0xA020] =	vst v0;
	(pc) =	sbr.rel @p0 .LBB2_2-.Ltmp0, $4  }
0x2a: {  	[tilespmem:s0+$0xA030] =	vst v0  }
0x2b: {  	[tilespmem:s0+$0xA040] =	vst v0  }
0x2c: {  	[tilespmem:s0+$0xA050] =	vst v0  }
0x2d: {  	[tilespmem:s0+$0xA060] =	vst v0;
	s0 =	sshra.s32 s2, $0x2;
	s2 =	sadd.s32 $0x200, s2  }
0x2e: {  	[tilespmem:s0+$0xA070] =	vst v0  }
0x2f: {  	[tilespmem:s0+$0xA000] =	vst v0  }
0x30: {  	[tilespmem:s0+$0xA010] =	vst v0  }
0x31: {  	[tilespmem:s0+$0xA020] =	vst v0  }
0x32: {  	[tilespmem:s0+$0xA030] =	vst v0  }
0x33: {  	[tilespmem:s0+$0xA040] =	vst v0  }
0x34: {  	[tilespmem:s0+$0xA050] =	vst v0  }
0x35: {  	[tilespmem:s0+$0xA060] =	vst v0  }
0x36: {  	[spmem:s7] =	stream.linear.scatter [tilespmem:s9], [sflag:$0x9], $0x1000, $0x38;
	[tilespmem:$0x1F000] =	vst v63  }
0x37: {  	_ =	swait.ge [sflag:s10], $0x1000  }
0x38: {  	[sflag:s10] =	ssyncset.done $0x0  }
0x39: {  	s25 =	rddreg [dreg:$0x9];
	[sflag:s10] =	ssyncadd.s32 $0xFFFFF000  }
0x3a: {  	[spmem:s25] =	stream.linear.scatter [tilespmem:s9], [sflag:$0x9], $0x1000, $0x38;
	[tilespmem:$0x1F000] =	vst v63  }
0x3b: {  	_ =	swait.ge [sflag:s10], $0x1000  }
0x3c: {  	[sflag:s10] =	ssyncset.done $0x0  }
0x3d: {  	s26 =	rddreg [dreg:$0xa];
	[sflag:s10] =	ssyncadd.s32 $0xFFFFF000  }
0x3e: {  	[spmem:s26] =	stream.linear.scatter [tilespmem:s9], [sflag:$0x9], $0x1000, $0x38;
	[tilespmem:$0x1F000] =	vst v63  }
0x3f: {  	_ =	swait.ge [sflag:s10], $0x1000  }
0x40: {  	[sflag:s10] =	ssyncset.done $0x0  }
0x41: {  	s31 =	rddreg [dreg:$0xb];
	[sflag:s10] =	ssyncadd.s32 $0xFFFFF000  }
0x42: {  	[spmem:s31] =	stream.linear.scatter [tilespmem:s9], [sflag:$0x9], $0x1000, $0x38;
	[tilespmem:$0x1F000] =	vst v63  }
0x43: {  	_ =	swait.ge [sflag:s10], $0x1000  }
0x44: {  	[sflag:s10] =	ssyncset.done $0x0  }
0x45: {  	[sflag:s10] =	ssyncadd.s32 $0xFFFFF000  }
0x46: {  	[spmem:s3] =	stream.linear.scatter [tilespmem:s9], [sflag:$0x9], $0x1000, $0x38;
	[tilespmem:$0x1F000] =	vst v63  }
0x47: {  	_ =	swait.ge [sflag:s10], $0x1000  }
0x48: {  	[sflag:s10] =	ssyncset.done $0x0  }
0x49: {  	s2 =	rddreg [dreg:$0xd];
	[sflag:s10] =	ssyncadd.s32 $0xFFFFF000  }
0x4a: {  	[spmem:s2] =	stream.linear.scatter [tilespmem:s9], [sflag:$0x9], $0x1000, $0x38;
	[tilespmem:$0x1F000] =	vst v63  }
0x4b: {  	_ =	swait.ge [sflag:s10], $0x1000  }
0x4c: {  	[sflag:s10] =	ssyncset.done $0x0  }
0x4d: {  	s3 =	rddreg [dreg:$0xe];
	[sflag:s10] =	ssyncadd.s32 $0xFFFFF000  }
0x4e: {  	[spmem:s3] =	stream.linear.scatter [tilespmem:s9], [sflag:$0x9], $0x1000, $0x38;
	[tilespmem:$0x1F000] =	vst v63  }
0x4f: {  	_ =	swait.ge [sflag:s10], $0x1000  }
0x50: {  	[sflag:s10] =	ssyncset.done $0x0  }
0x51: {  	s7 =	rddreg [dreg:$0xf];
	[sflag:s10] =	ssyncadd.s32 $0xFFFFF000  }
0x52: {  	[spmem:s7] =	stream.linear.scatter [tilespmem:s9], [sflag:$0x9], $0x1000, $0x38;
	[tilespmem:$0x1F000] =	vst v63  }
0x53: {  	_ =	swait.ge [sflag:s10], $0x1000  }
0x54: {  	[sflag:s10] =	ssyncset.done $0x0  }
0x55: {  	[sflag:s10] =	ssyncadd.s32 $0xFFFFF000  }
0x56: {  	[spmem:s20] =	stream.linear.scatter [tilespmem:s9], [sflag:$0x9], $0x1000, $0x38;
	[tilespmem:$0x1F000] =	vst v63  }
0x57: {  	_ =	swait.ge [sflag:s10], $0x1000  }
0x58: {  	[sflag:s10] =	ssyncset.done $0x0  }
0x59: {  	s8 =	rddreg [dreg:$0x16];
	[sflag:s10] =	ssyncadd.s32 $0xFFFFF000  }
0x5a: {  	[spmem:s8] =	stream.linear.scatter [tilespmem:s9], [sflag:$0x9], $0x1000, $0x38;
	[tilespmem:$0x1F000] =	vst v63  }
0x5b: {  	_ =	swait.ge [sflag:s10], $0x1000  }
0x5c: {  	[sflag:s10] =	ssyncset.done $0x0  }
0x5d: {  	s19 =	rddreg [dreg:$0x1a];
	[sflag:s10] =	ssyncadd.s32 $0xFFFFF000  }
0x5e: {  	[spmem:s19] =	stream.linear.scatter [tilespmem:s9], [sflag:$0x9], $0x1000, $0x38;
	[tilespmem:$0x1F000] =	vst v63  }
0x5f: {  	_ =	swait.ge [sflag:s10], $0x1000  }
0x60: {  	[sflag:s10] =	ssyncset.done $0x0  }
0x61: {  	s20 =	rddreg [dreg:$0x1b];
	[sflag:s10] =	ssyncadd.s32 $0xFFFFF000  }
0x62: {  	[spmem:s20] =	stream.linear.scatter [tilespmem:s9], [sflag:$0x9], $0x1000, $0x38;
	[tilespmem:$0x1F000] =	vst v63  }
0x63: {  	_ =	swait.ge [sflag:s10], $0x1000  }
0x64: {  	[sflag:s10] =	ssyncset.done $0x0  }
0x65: {  	[sflag:s10] =	ssyncadd.s32 $0xFFFFF000  }
0x66: {  	[spmem:s21] =	stream.linear.scatter [tilespmem:s9], [sflag:$0x9], $0x1000, $0x38;
	[tilespmem:$0x1F000] =	vst v63  }
0x67: {  	_ =	swait.ge [sflag:s10], $0x1000  }
0x68: {  	[sflag:s10] =	ssyncset.done $0x0  }
0x69: {  	s21 =	rddreg [dreg:$0x1c];
	[sflag:s10] =	ssyncadd.s32 $0xFFFFF000  }
0x6a: {  	[spmem:s21] =	stream.linear.scatter [tilespmem:s9], [sflag:$0x9], $0x1000, $0x38;
	[tilespmem:$0x1F000] =	vst v63  }
0x6b: {  	_ =	swait.ge [sflag:s10], $0x1000  }
0x6c: {  	[sflag:s10] =	ssyncset.done $0x0  }
0x6d: {  	s22 =	rddreg [dreg:$0x1d];
	[sflag:s10] =	ssyncadd.s32 $0xFFFFF000  }
0x6e: {  	[spmem:s22] =	stream.linear.scatter [tilespmem:s9], [sflag:$0x9], $0x1000, $0x38;
	[tilespmem:$0x1F000] =	vst v63  }
0x6f: {  	_ =	swait.ge [sflag:s10], $0x1000  }
0x70: {  	[sflag:s10] =	ssyncset.done $0x0  }
0x71: {  	s23 =	rddreg [dreg:$0x1e];
	[sflag:s10] =	ssyncadd.s32 $0xFFFFF000  }
0x72: {  	[spmem:s23] =	stream.linear.scatter [tilespmem:s9], [sflag:$0x9], $0x1000, $0x38;
	[tilespmem:$0x1F000] =	vst v63  }
0x73: {  	_ =	swait.ge [sflag:s10], $0x1000  }
0x74: {  	[sflag:s10] =	ssyncset.done $0x0  }
0x75: {  	[sflag:s10] =	ssyncadd.s32 $0xFFFFF000  }
0x76: {  	[spmem:s11] =	stream.linear.scatter [tilespmem:s9], [sflag:$0x9], $0x1000, $0x38;
	[tilespmem:$0x1F000] =	vst v63  }
0x77: {  	_ =	swait.ge [sflag:s10], $0x1000  }
0x78: {  	[sflag:s10] =	ssyncset.done $0x0  }
0x79: {  	s25 =	rddreg [dreg:$0x1f];
	[sflag:s10] =	ssyncadd.s32 $0xFFFFF000  }
0x7a: {  	[spmem:s25] =	stream.linear.scatter [tilespmem:s9], [sflag:$0x9], $0x1000, $0x38;
	[tilespmem:$0x1F000] =	vst v63  }
0x7b: {  	_ =	swait.ge [sflag:s10], $0x1000  }
0x7c: {  	s26 =	sld [smem:$0x7FC]  }
0x7d: {  	[sflag:s10] =	ssyncset.done $0x0  }
0x7e: {  	[sflag:s10] =	ssyncadd.s32 $0xFFFFF000  }
0x7f: {  	[spmem:s26] =	stream.linear.scatter [tilespmem:s9], [sflag:$0x9], $0x1000, $0x38;
	[tilespmem:$0x1F000] =	vst v63  }
0x80: {  	_ =	swait.ge [sflag:s10], $0x1000  }
0x81: {  	s31 =	sld [smem:$0x7FD]  }
0x82: {  	[sflag:s10] =	ssyncset.done $0x0  }
0x83: {  	[sflag:s10] =	ssyncadd.s32 $0xFFFFF000  }
0x84: {  	[spmem:s31] =	stream.linear.scatter [tilespmem:s9], [sflag:$0x9], $0x1000, $0x38;
	[tilespmem:$0x1F000] =	vst v63  }
0x85: {  	_ =	swait.ge [sflag:s10], $0x1000  }
0x86: {  	[sflag:s10] =	ssyncset.done $0x0  }
0x87: {  	p0 =	por $0x0, $0x0;
	[sflag:s10] =	ssyncadd.s32 $0xFFFFF000  }
0x88: {  	s29 =	simm.s32 $0x0;
	s30 =	simm.s32 $0x0;
	[bflag:$0x0] =	sbarrier.arrive $0xFFFF  }
.LBB2_4:
0x89: {  	s0 =	simm.s32 $0x1  }
0x8a: {  	s2 =	sshll.u32 s30, $0x4;
	s0 =	simm.s32 @!p0 $0x0  }
0x8b: {  	s2 =	sadd.s32 s24, s2;
	s31 =	sshll.u32 s0, $0xB  }
0x8c: {  	s8 =	sshll.u32 s30, $0xB;
	s11 =	sshll.u32 s2, $0x4;
	s3 =	sor.u32 $0x1180, s31  }
0x8d: {  	s0 =	sand.u32 $0x800, s8;
	s7 =	sadd.s32 s5, s11;
	[dreg:$0x3] =	wrdreg s3  }
0x8e: {  	[tilespmem:s0], [sflag:$0x9] =	stream.linear.gather [hbm4b:s7+s28], $0x800, $0x38;
	[tilespmem:$0x1F000] =	vst v63  }
0x8f: {  	_ =	swait.ge [sflag:s10], $0x800  }
0x90: {  	[sflag:s10] =	ssyncset.done $0x0  }
0x91: {  	s8 =	sor.u32 $0x1000, s0;
	s19 =	sadd.s32 s6, s11;
	[sflag:s10] =	ssyncadd.s32 $0xFFFFF800  }
0x92: {  	[tilespmem:s8], [sflag:$0x9] =	stream.linear.gather [hbm4b:s19+s28], $0x800, $0x38;
	[tilespmem:$0x1F000] =	vst v63  }
0x93: {  	s20 =	sor.u32 s30, s28;
	_ =	swait.ge [sflag:s10], $0x800  }
0x94: {  	p1 =	sne.s32 s20, $0x0;
	s21 =	sor.u32 $0x100, s0;
	[sflag:s10] =	ssyncset.done $0x0  }
0x95: {  	s2 =	simm.s32 @p1 $0x5;
	[dreg:$0x4] =	wrdreg s21;
	[sflag:s10] =	ssyncadd.s32 $0xFFFFF800  }
0x96: {  	_ =	swait.ge @p1 [sflag:s2], $0x2000  }
0x97: {  	s11 =	simm.s32 @p1 $0x6;
	s8 =	sadd.s32 @p1 $0x0, s31;
	[sflag:s2] =	ssyncset.done @p1 $0x0  }
0x98: {  	s19 =	simm.s32 @p1 $0x2000;
	[sflag:s2] =	ssyncadd.s32 @p1 $0xFFFFE000;
	s2 =	simm.s32 @p1 $0x40  }
0x99: {  	[tilespmem:s19], [sflag:$0x1] =	stream.indirect.gather @p1 [hbm4b:s4+s2], $0x80, s8, s2, $0xb8;
	[tilespmem:$0x1F000] =	vst v63  }
0x9a: {  	_ =	swait.ge @p1 [sflag:s11], $0x2000  }
0x9b: {  	s8 =	sadd.s32 @p1 $0x80, s8;
	[sflag:s11] =	ssyncset.done @p1 $0x0  }
0x9c: {  	s19 =	simm.s32 @p1 $0x7;
	[sflag:s11] =	ssyncadd.s32 @p1 $0xFFFFE000;
	s11 =	simm.s32 @p1 $0x4000  }
0x9d: {  	[tilespmem:s11], [sflag:$0x2] =	stream.indirect.gather @p1 [hbm4b:s4+s2], $0x80, s8, s2, $0xb8;
	[tilespmem:$0x1F000] =	vst v63  }
0x9e: {  	_ =	swait.ge @p1 [sflag:s19], $0x2000  }
0x9f: {  	p2 =	seq.s32 s29, $0x0;
	s20 =	simm.s32 @!p1 $0x4000;
	[sflag:s19] =	ssyncset.done @p1 $0x0  }
0xa0: {  	s2 =	simm.s32 @!p1 $0x2000;
	s11 =	simm.s32 @!p1 $0x40;
	[sflag:s19] =	ssyncadd.s32 @p1 $0xFFFFE000  }
0xa1: {  	[tilespmem:s2], [sflag:$0x1] =	stream.indirect.gather @!p1 [hbm4b:s4+s11], $0x80, s0, s11, $0xb8;
	[tilespmem:$0x1F000] =	vst v63  }
0xa2: {  	s8 =	sor.u32 $0x100, s31;
	s19 =	rddreg [dreg:$0x4];
	s2 =	sor.u32 $0x80, s0  }
0xa3: {  	[tilespmem:s20], [sflag:$0x2] =	stream.indirect.gather @!p1 [hbm4b:s4+s11], $0x80, s2, s11, $0xb8;
	[tilespmem:$0x1F000] =	vst v63  }
0xa4: {  	s19 =	smov.u32 @p1 s8;
	s11 =	simm.s32 @!p2 $0x8  }
0xa5: {  	[tilespmem:s14], [sflag:$0x3] =	stream.indirect.gather [hbm4b:s4+s13], $0x80, s19, s13, $0xb8;
	[tilespmem:$0x1F000] =	vst v63  }
0xa6: {  	_ =	swait.ge @!p2 [sflag:s11], $0x2000  }
0xa7: {  	s22 =	sadd.s32 $0x0, s31;
	[sflag:s11] =	ssyncset.done @!p2 $0x0  }
0xa8: {  	s23 =	sadd.s32 $0x180, s22;
	[sflag:s11] =	ssyncadd.s32 @!p2 $0xFFFFE000  }
0xa9: {  	[tilespmem:s15], [sflag:$0x4] =	stream.indirect.gather [hbm4b:s4+s13], $0x80, s23, s13, $0xb8;
	[tilespmem:$0x1F000] =	vst v63  }
0xaa: {  	s20 =	smov.u32 s0;
	s11 =	sadd.s32 @p1 $0xFFFFFF00, s8;
	_ =	swait.ge [sflag:s12], $0x2000  }
0xab: {  	s20 =	smov.u32 @p1 s11;
	[sflag:s12] =	ssyncset.done $0x0  }
0xac: {  	s11 =	sadd.s32 $0x1000, s20;
	s21 =	rddreg [dreg:$0x5];
	[sflag:s12] =	ssyncadd.s32 $0xFFFFE000  }
0xad: {  	[spmem:s1] =	stream.indirect.scatter.add.f32 [tilespmem:s21], [sflag:$0x5], $0x80, s11, s13, $0xb8;
	[tilespmem:$0x1F000] =	vst v63  }
0xae: {  	s20 =	smov.u32 s2;
	s11 =	sadd.s32 @p1 $0xFFFFFF80, s8;
	_ =	swait.ge [sflag:s16], $0x2000  }
0xaf: {  	s20 =	smov.u32 @p1 s11;
	[sflag:s16] =	ssyncset.done $0x0  }
0xb0: {  	s25 =	rddreg [dreg:$0x6];
	s11 =	sadd.s32 $0x1000, s20;
	[sflag:s16] =	ssyncadd.s32 $0xFFFFE000  }
0xb1: {  	[spmem:s1] =	stream.indirect.scatter.add.f32 [tilespmem:s25], [sflag:$0x6], $0x80, s11, s13, $0xb8;
	[tilespmem:$0x1F000] =	vst v63  }
0xb2: {  	_ =	swait.ge [sflag:s17], $0x2000  }
0xb3: {  	[sflag:s17] =	ssyncset.done $0x0  }
0xb4: {  	s26 =	sadd.s32 $0x1000, s19;
	[sflag:s17] =	ssyncadd.s32 $0xFFFFE000  }
0xb5: {  	[spmem:s1] =	stream.indirect.scatter.add.f32 [tilespmem:s14], [sflag:$0x7], $0x80, s26, s13, $0xb8;
	[tilespmem:$0x1F000] =	vst v63  }
0xb6: {  	s19 =	simm.s32 $0x800;
	s25 =	simm.s32 $0x1;
	_ =	swait.ge [sflag:s18], $0x2000  }
0xb7: {  	s21 =	simm.s32 $0x1000;
	s11 =	sor.u32 s30, s25;
	[sflag:s18] =	ssyncset.done $0x0  }
0xb8: {  	s26 =	simm.s32 $0x0;
	s20 =	rddreg [dreg:$0x3];
	[sflag:s18] =	ssyncadd.s32 $0xFFFFE000  }
.LBB2_5:
0xb9: {  	p2 =	sne.s32 s11, $0x0  }
0xba: {  	s8 =	sadd.s32 $0x200, s8;
	s20 =	sadd.s32 s26, s20;
	s22 =	simm.s32 @p2 $0x5  }
0xbb: {  	[spmem:s1] =	stream.indirect.scatter.add.f32 [tilespmem:s15], [sflag:$0x8], $0x80, s20, s13, $0xb8;
	[tilespmem:$0x1F000] =	vst v63  }
0xbc: {  	s23 =	sshra.s32 @p2 s19, $0x2;
	s20 =	sadd.s32 @p2 $0xFFFFFF00, s8;
	_ =	swait.ge @p2 [sflag:s22], $0x2000  }
0xbd: {  	s26 =	simm.s32 @p2 $0x6;
	s3 =	simm.s32 @p2 $0x2000;
	[sflag:s22] =	ssyncset.done @p2 $0x0  }
0xbe: {  	s23 =	sadd.s32 @p2 s23, s31;
	[sflag:s22] =	ssyncadd.s32 @p2 $0xFFFFE000;
	s22 =	simm.s32 @p2 $0x40  }
0xbf: {  	[tilespmem:s3], [sflag:$0x1] =	stream.indirect.gather @p2 [hbm4b:s4+s22], $0x80, s23, s22, $0xb8;
	[tilespmem:$0x1F000] =	vst v63  }
0xc0: {  	s7 =	sadd.s32 @p2 $0x80, s23;
	s3 =	sadd.s32 @p2 $0xFFFFFF80, s8;
	s23 =	smov.u32 s0  }
0xc1: {  	_ =	swait.ge @p2 [sflag:s26], $0x2000;
	s23 =	smov.u32 @p2 s20;
	s20 =	smov.u32 s2  }
0xc2: {  	[sflag:s26] =	ssyncset.done @p2 $0x0;
	s20 =	smov.u32 @p2 s3  }
0xc3: {  	s3 =	simm.s32 @p2 $0x4000;
	[sflag:s26] =	ssyncadd.s32 @p2 $0xFFFFE000;
	s26 =	simm.s32 @p2 $0x7  }
0xc4: {  	[tilespmem:s3], [sflag:$0x2] =	stream.indirect.gather @p2 [hbm4b:s4+s22], $0x80, s7, s22, $0xb8;
	[tilespmem:$0x1F000] =	vst v63  }
0xc5: {  	_ =	swait.ge @p2 [sflag:s26], $0x2000  }
0xc6: {  	[sflag:s26] =	ssyncset.done @p2 $0x0  }
0xc7: {  	s3 =	simm.s32 @!p2 $0x2000;
	s7 =	simm.s32 @!p2 $0x40;
	[sflag:s26] =	ssyncadd.s32 @p2 $0xFFFFE000  }
0xc8: {  	[tilespmem:s3], [sflag:$0x1] =	stream.indirect.gather @!p2 [hbm4b:s4+s7], $0x80, s0, s7, $0xb8;
	[tilespmem:$0x1F000] =	vst v63  }
0xc9: {  	s22 =	rddreg [dreg:$0x4];
	s3 =	simm.s32 @!p2 $0x4000  }
0xca: {  	[tilespmem:s3], [sflag:$0x2] =	stream.indirect.gather @!p2 [hbm4b:s4+s7], $0x80, s2, s7, $0xb8;
	[tilespmem:$0x1F000] =	vst v63  }
0xcb: {  	s22 =	smov.u32 @p2 s8;
	p2 =	seq.s32 s29, s19  }
0xcc: {  	s3 =	simm.s32 @!p2 $0x8  }
0xcd: {  	[tilespmem:s14], [sflag:$0x3] =	stream.indirect.gather [hbm4b:s4+s13], $0x80, s22, s13, $0xb8;
	[tilespmem:$0x1F000] =	vst v63  }
0xce: {  	s11 =	smov.u32 s21;
	s26 =	sshra.s32 s19, $0x2;
	_ =	swait.ge @!p2 [sflag:s3], $0x2000  }
0xcf: {  	s19 =	smov.u32 s11;
	s11 =	sadd.s32 s26, s31;
	[sflag:s3] =	ssyncset.done @!p2 $0x0  }
0xd0: {  	s7 =	sadd.s32 $0x180, s11;
	[sflag:s3] =	ssyncadd.s32 @!p2 $0xFFFFE000  }
0xd1: {  	[tilespmem:s15], [sflag:$0x4] =	stream.indirect.gather [hbm4b:s4+s13], $0x80, s7, s13, $0xb8;
	[tilespmem:$0x1F000] =	vst v63  }
0xd2: {  	_ =	swait.ge [sflag:s12], $0x2000  }
0xd3: {  	[sflag:s12] =	ssyncset.done $0x0  }
0xd4: {  	s23 =	sadd.s32 $0x1000, s23;
	s11 =	rddreg [dreg:$0x5];
	[sflag:s12] =	ssyncadd.s32 $0xFFFFE000  }
0xd5: {  	[spmem:s1] =	stream.indirect.scatter.add.f32 [tilespmem:s11], [sflag:$0x5], $0x80, s23, s13, $0xb8;
	[tilespmem:$0x1F000] =	vst v63  }
0xd6: {  	_ =	swait.ge [sflag:s16], $0x2000  }
0xd7: {  	[sflag:s16] =	ssyncset.done $0x0  }
0xd8: {  	s20 =	sadd.s32 $0x1000, s20;
	s11 =	rddreg [dreg:$0x6];
	[sflag:s16] =	ssyncadd.s32 $0xFFFFE000  }
0xd9: {  	[spmem:s1] =	stream.indirect.scatter.add.f32 [tilespmem:s11], [sflag:$0x6], $0x80, s20, s13, $0xb8;
	[tilespmem:$0x1F000] =	vst v63  }
0xda: {  	s21 =	sadd.s32 $0x800, s21;
	_ =	swait.ge [sflag:s17], $0x2000  }
0xdb: {  	p1 =	sne.s32 s21, $0x2000;
	[sflag:s17] =	ssyncset.done $0x0  }
.Ltmp1:
0xdc: {  	s23 =	sadd.s32 $0x1000, s22;
	[sflag:s17] =	ssyncadd.s32 $0xFFFFE000;
	(pc) =	sbr.rel @p1 .LBB2_5-.Ltmp1, $4  }
0xdd: {  	[spmem:s1] =	stream.indirect.scatter.add.f32 [tilespmem:s14], [sflag:$0x7], $0x80, s23, s13, $0xb8;
	[tilespmem:$0x1F000] =	vst v63  }
0xde: {  	_ =	swait.ge [sflag:s18], $0x2000  }
0xdf: {  	s25 =	sadd.s32 $0x1, s25;
	[sflag:s18] =	ssyncset.done $0x0  }
0xe0: {  	s11 =	sor.u32 s30, s25;
	s20 =	rddreg [dreg:$0x3];
	[sflag:s18] =	ssyncadd.s32 $0xFFFFE000  }
0xe1: {  	p1 =	sne.s32 s11, $0x0  }
0xe2: {  	s7 =	sadd.s32 s26, s20;
	s3 =	simm.s32 @p1 $0x5  }
0xe3: {  	[spmem:s1] =	stream.indirect.scatter.add.f32 [tilespmem:s15], [sflag:$0x8], $0x80, s7, s13, $0xb8;
	[tilespmem:$0x1F000] =	vst v63  }
0xe4: {  	s7 =	sshra.s32 @p1 s19, $0x2;
	_ =	swait.ge @p1 [sflag:s3], $0x2000  }
0xe5: {  	s11 =	simm.s32 @p1 $0x6;
	s20 =	simm.s32 @p1 $0x2000;
	[sflag:s3] =	ssyncset.done @p1 $0x0  }
0xe6: {  	s7 =	sadd.s32 @p1 s7, s31;
	[sflag:s3] =	ssyncadd.s32 @p1 $0xFFFFE000;
	s3 =	simm.s32 @p1 $0x40  }
0xe7: {  	[tilespmem:s20], [sflag:$0x1] =	stream.indirect.gather @p1 [hbm4b:s4+s3], $0x80, s7, s3, $0xb8;
	[tilespmem:$0x1F000] =	vst v63  }
0xe8: {  	_ =	swait.ge @p1 [sflag:s11], $0x2000  }
0xe9: {  	s7 =	sadd.s32 @p1 $0x80, s7;
	[sflag:s11] =	ssyncset.done @p1 $0x0  }
0xea: {  	s20 =	simm.s32 @p1 $0x7;
	[sflag:s11] =	ssyncadd.s32 @p1 $0xFFFFE000;
	s11 =	simm.s32 @p1 $0x4000  }
0xeb: {  	[tilespmem:s11], [sflag:$0x2] =	stream.indirect.gather @p1 [hbm4b:s4+s3], $0x80, s7, s3, $0xb8;
	[tilespmem:$0x1F000] =	vst v63  }
0xec: {  	_ =	swait.ge @p1 [sflag:s20], $0x2000  }
0xed: {  	p2 =	seq.s32 s29, s19;
	[sflag:s20] =	ssyncset.done @p1 $0x0  }
0xee: {  	s3 =	simm.s32 @!p1 $0x2000;
	s7 =	simm.s32 @!p1 $0x40;
	[sflag:s20] =	ssyncadd.s32 @p1 $0xFFFFE000  }
0xef: {  	[tilespmem:s3], [sflag:$0x1] =	stream.indirect.gather @!p1 [hbm4b:s4+s7], $0x80, s0, s7, $0xb8;
	[tilespmem:$0x1F000] =	vst v63  }
0xf0: {  	s11 =	rddreg [dreg:$0x4];
	s3 =	sadd.s32 $0x200, s8;
	s8 =	simm.s32 @!p1 $0x4000  }
0xf1: {  	[tilespmem:s8], [sflag:$0x2] =	stream.indirect.gather @!p1 [hbm4b:s4+s7], $0x80, s2, s7, $0xb8;
	[tilespmem:$0x1F000] =	vst v63  }
0xf2: {  	s11 =	smov.u32 @p1 s3;
	s7 =	simm.s32 @!p2 $0x8  }
0xf3: {  	[tilespmem:s14], [sflag:$0x3] =	stream.indirect.gather [hbm4b:s4+s13], $0x80, s11, s13, $0xb8;
	[tilespmem:$0x1F000] =	vst v63  }
0xf4: {  	s21 =	sshra.s32 s19, $0x2;
	_ =	swait.ge @!p2 [sflag:s7], $0x2000  }
0xf5: {  	s19 =	sadd.s32 s21, s31;
	[sflag:s7] =	ssyncset.done @!p2 $0x0  }
0xf6: {  	s22 =	sadd.s32 $0x180, s19;
	[sflag:s7] =	ssyncadd.s32 @!p2 $0xFFFFE000  }
0xf7: {  	[tilespmem:s15], [sflag:$0x4] =	stream.indirect.gather [hbm4b:s4+s13], $0x80, s22, s13, $0xb8;
	[tilespmem:$0x1F000] =	vst v63  }
0xf8: {  	s7 =	sadd.s32 @p1 $0xFFFFFF00, s3;
	_ =	swait.ge [sflag:s12], $0x2000  }
0xf9: {  	s0 =	smov.u32 @p1 s7;
	[sflag:s12] =	ssyncset.done $0x0  }
0xfa: {  	s0 =	sadd.s32 $0x1000, s0;
	s23 =	rddreg [dreg:$0x5];
	[sflag:s12] =	ssyncadd.s32 $0xFFFFE000  }
0xfb: {  	[spmem:s1] =	stream.indirect.scatter.add.f32 [tilespmem:s23], [sflag:$0x5], $0x80, s0, s13, $0xb8;
	[tilespmem:$0x1F000] =	vst v63  }
0xfc: {  	s0 =	sadd.s32 @p1 $0xFFFFFF80, s3;
	_ =	swait.ge [sflag:s16], $0x2000  }
0xfd: {  	s2 =	smov.u32 @p1 s0;
	[sflag:s16] =	ssyncset.done $0x0  }
0xfe: {  	s25 =	rddreg [dreg:$0x6];
	s0 =	sadd.s32 $0x1000, s2;
	[sflag:s16] =	ssyncadd.s32 $0xFFFFE000  }
0xff: {  	[spmem:s1] =	stream.indirect.scatter.add.f32 [tilespmem:s25], [sflag:$0x6], $0x80, s0, s13, $0xb8;
	[tilespmem:$0x1F000] =	vst v63  }
0x100: {  	_ =	swait.ge [sflag:s17], $0x2000  }
0x101: {  	s30 =	sadd.s32 $0x1, s30;
	[sflag:s17] =	ssyncset.done $0x0  }
0x102: {  	s26 =	sadd.s32 $0x1000, s11;
	p1 =	sne.s32 s30, $0xA;
	[sflag:s17] =	ssyncadd.s32 $0xFFFFE000  }
0x103: {  	[spmem:s1] =	stream.indirect.scatter.add.f32 [tilespmem:s14], [sflag:$0x7], $0x80, s26, s13, $0xb8;
	[tilespmem:$0x1F000] =	vst v63  }
.Ltmp2:
0x104: {  	_ = 	snop;
	(pc) =	sbr.rel @p1 .LBB2_4-.Ltmp2, $4  }
0x105: {  	_ =	swait.ge [sflag:s18], $0x2000  }
0x106: {  	p0 =	por !p0, !p0;
	s31 =	rddreg [dreg:$0x3];
	[sflag:s18] =	ssyncset.done $0x0  }
0x107: {  	s29 =	sadd.s32 $0xFFFFE000, s29;
	[sflag:s18] =	ssyncadd.s32 $0xFFFFE000;
	s0 =	sadd.s32 s21, s31  }
0x108: {  	[spmem:s1] =	stream.indirect.scatter.add.f32 [tilespmem:s15], [sflag:$0x8], $0x80, s0, s13, $0xb8;
	[tilespmem:$0x1F000] =	vst v63  }
0x109: {  	s0 =	simm.s32 $0x5  }
0x10a: {  	_ =	swait.ge [sflag:s0], $0x2000  }
0x10b: {  	[sflag:s0] =	ssyncset.done $0x0  }
0x10c: {  	s8 =	simm.s32 $0x6;
	[sflag:s0] =	ssyncadd.s32 $0xFFFFE000  }
0x10d: {  	_ =	swait.ge [sflag:s8], $0x2000  }
0x10e: {  	[sflag:s8] =	ssyncset.done $0x0  }
0x10f: {  	s11 =	simm.s32 $0x7;
	[sflag:s8] =	ssyncadd.s32 $0xFFFFE000  }
0x110: {  	_ =	swait.ge [sflag:s11], $0x2000  }
0x111: {  	[sflag:s11] =	ssyncset.done $0x0  }
0x112: {  	s19 =	simm.s32 $0x8;
	[sflag:s11] =	ssyncadd.s32 $0xFFFFE000  }
0x113: {  	_ =	swait.ge [sflag:s19], $0x2000  }
0x114: {  	[sflag:s19] =	ssyncset.done $0x0  }
0x115: {  	[sflag:s19] =	ssyncadd.s32 $0xFFFFE000  }
0x116: {  	s20 =	stileid.u32;
	[bflag:$0x0] =	sbarrier.arrive $0xFFFF  }
0x117: {  	s0 =	sshll.u32 s20, $0x6;
	s7 =	rddreg [dreg:$0x8]  }
0x118: {  	s0 =	sor.u32 $0x1C09, s0;
	s3 =	rddreg [dreg:$0x10];
	s2 =	sshrl.u32 s7, $0x3  }
0x119: {  	[hbm:s3], [sflag:s0] =	dma.local [spmem:s2], $0x800  }
0x11a: {  	_ =	swait.ge [sflag:s10], $0x800  }
0x11b: {  	[sflag:s10] =	ssyncset.done $0x0;
	s3 =	rddreg [dreg:$0xc]  }
0x11c: {  	s8 =	rddreg [dreg:$0x11];
	[sflag:s10] =	ssyncadd.s32 $0xFFFFF800;
	s21 =	sshrl.u32 s3, $0x3  }
0x11d: {  	[hbm:s8], [sflag:s0] =	dma.local [spmem:s21], $0x800  }
0x11e: {  	_ =	swait.ge [sflag:s10], $0x800  }
0x11f: {  	[sflag:s10] =	ssyncset.done $0x0;
	s20 =	rddreg [dreg:$0x15]  }
0x120: {  	s23 =	rddreg [dreg:$0x12];
	[sflag:s10] =	ssyncadd.s32 $0xFFFFF800;
	s22 =	sshrl.u32 s20, $0x3  }
0x121: {  	[hbm:s23], [sflag:s0] =	dma.local [spmem:s22], $0x800  }
0x122: {  	_ =	swait.ge [sflag:s10], $0x800  }
0x123: {  	[sflag:s10] =	ssyncset.done $0x0;
	s21 =	rddreg [dreg:$0x17]  }
0x124: {  	s26 =	rddreg [dreg:$0x13];
	[sflag:s10] =	ssyncadd.s32 $0xFFFFF800;
	s25 =	sshrl.u32 s21, $0x3  }
0x125: {  	[hbm:s26], [sflag:s0] =	dma.local [spmem:s25], $0x800  }
0x126: {  	_ =	swait.ge [sflag:s10], $0x800  }
0x127: {  	[sflag:s10] =	ssyncset.done $0x0;
	s11 =	rddreg [dreg:$0x18]  }
0x128: {  	s30 =	rddreg [dreg:$0x14];
	[sflag:s10] =	ssyncadd.s32 $0xFFFFF800;
	s29 =	sshrl.u32 s11, $0x3  }
0x129: {  	[hbm:s30], [sflag:s0] =	dma.local [spmem:s29], $0x800  }
0x12a: {  	_ =	swait.ge [sflag:s10], $0x800  }
0x12b: {  	s19 =	rddreg [dreg:$0x7]  }
0x12c: {  	s31 =	rddreg [dreg:$0x19];
	s19 =	sadd.s32 $0x1, s19  }
0x12d: {  	p0 =	sne.s32 s19, s31  }
.Ltmp3:
0x12e: {  	_ = 	snop;
	(pc) =	sbr.rel @p0 .LBB2_1-.Ltmp3, $3  }
0x12f: {  	_ =	sdelay $0x1  }
0x130: {  	[sflag:s10] =	ssyncset.done $0x0  }
0x131: {  	[sflag:s10] =	ssyncadd.s32 $0xFFFFF800  }
0x132: {  	_ =	sfence.sel $0x180000  }
0x133: {  	[bflag:$0x0] =	sbarrier.arrive $0xFFFF  }
0x134: {  	_ =	strace $0x90000050  }
0x135: {  	s0 =	stileid.u32;
	[bflag:$0x2] =	sbarrier.arrive $0xFFFF  }
0x136: {  	p0 =	sne.s32 s0, $0x0;
	s0 =	rddreg [dreg:$0x2]  }
0x137: {  	s0 =	sadd.s32 @!p0 $0x100000, s0  }
0x138: {  	[sflag:s0] =	ssyncadd.tile.s32 @!p0 $0x1;
	_ =	shalt  }
.Lfunc_end2:
_tile_overlayer_lowered:
.L_overlay_start_2:
0x139: {  	(tag) =	ssettag $0x2  }
0x13a: {  	s0 =	rddreg [dreg:$0x0];
	s2 =	stileid.u32  }
0x13b: {  	s1 =	rddreg [dreg:$0x1];
	p0 =	sne.s32 s2, $0x0  }
0x13c: {  	s3 =	rddreg [dreg:$0x2];
	[bflag:$0x3] =	sbarrier.arrive $0xFFFF;
	s2 =	simm.s32 @!p0 $0x1C09  }
0x13d: {  	[timem:s3], [sflag:s2] =	dma.local @!p0 [hbm:s0], s1  }
0x13e: {  	s0 =	simm.s32 @!p0 $0x9  }
0x13f: {  	_ =	swait.ge @!p0 [sflag:s0], s1  }
0x140: {  	s1 =	ssub.s32 @!p0 $0x0, s1;
	[sflag:s0] =	ssyncset.done @!p0 $0x0  }
0x141: {  	[sflag:s0] =	ssyncadd.s32 @!p0 s1  }
0x142: {  	[bflag:$0x3] =	sbarrier.arrive $0xFFFF  }
0x143: {  	_ =	shalt  }

</sc_bundles>
